<compile_context>
chip_gen: v7x
topology: tpu7x:2x2x1
jax: 0.10.2.dev20260603
libtpu: 0.0.44.dev20260713+nightly
codegen_flags: <defaults>
</compile_context>

<pallas_src>
import functools

import jax
import jax.numpy as jnp
from jax import lax
from jax.experimental import pallas as pl
from jax.experimental.pallas import tpu as pltpu
from jax.experimental.pallas import tpu_sc as plsc

_C = 21
_LANES = 128
_ROWS_PER_CHUNK = 112
_A_PAD = _ROWS_PER_CHUNK * _LANES * 7
_N_SUBCORES = 16
_PER_TILE = _A_PAD // _N_SUBCORES
_VREGS_PER_TILE = _PER_TILE // 16
_NBINS = 256


def _tc_body(cls_ref, tgt_ref, lp_ref, lt_ref, v_ref, part_ref,
             acc_loc, acc_pos, acc_pcls):
    g = pl.program_id(0)

    @pl.when(g == 0)
    def _init():
        z = jnp.zeros((_ROWS_PER_CHUNK, _LANES), jnp.float32)
        acc_loc[...] = z
        acc_pos[...] = z
        acc_pcls[...] = z

    x = cls_ref[...]
    t = tgt_ref[...]
    m = jnp.max(x, axis=0)
    e = jnp.exp(x - m[None, :, :])
    s = jnp.sum(e, axis=0)
    lse = m + jnp.log(s)
    ci = lax.broadcasted_iota(jnp.int32, x.shape, 0)
    xt = jnp.sum(jnp.where(ci == t[None, :, :], x, 0.0), axis=0)
    valid = t >= 0
    pos = t > 0
    ce = jnp.where(valid, lse - xt, 0.0)
    posf = pos.astype(jnp.float32)
    v = jnp.where(valid & jnp.logical_not(pos), jnp.maximum(ce, 0.0), 0.0)

    d = lp_ref[...] - lt_ref[...]
    ad = jnp.abs(d)
    sl1 = jnp.where(ad < 1.0, 0.5 * d * d, ad - 0.5)

    acc_loc[...] += jnp.sum(sl1, axis=0) * posf
    acc_pos[...] += posf
    acc_pcls[...] += ce * posf
    v_ref[...] = v

    @pl.when(g == pl.num_programs(0) - 1)
    def _final():
        part_ref[0, 0] = jnp.sum(acc_loc[...])
        part_ref[0, 1] = jnp.sum(acc_pcls[...])
        part_ref[0, 2] = jnp.sum(acc_pos[...])


_HIMASKS = (0, -16777216, -65536, -256)


def _sc_body(v_hbm, scal_hbm, out_hbm, vloc, cvals, hist_c, hist_s,
             merged_c, merged_s, idx16, scal_v, out_v,
             shared_c, shared_s):
    sid = lax.axis_index("s")
    pltpu.sync_copy(v_hbm.at[pl.ds(sid * _PER_TILE, _PER_TILE)], vloc)
    pltpu.sync_copy(scal_hbm, scal_v)
    idx16[...] = lax.iota(jnp.int32, 16)
    lane = lax.iota(jnp.int32, 16)
    ones = jnp.ones((16,), jnp.int32)

    sv = scal_v[...]
    np_f = sv[2]
    np_i = np_f.astype(jnp.int32)
    k_neg = jnp.where(np_i > 0, 3 * np_i, 10)
    k_c = jnp.minimum(k_neg, jnp.int32(_A_PAD))

    prefix = jnp.int32(0)
    rem_k = k_c
    acc_cnt = jnp.int32(0)
    acc_sum = jnp.float32(0.0)
    kept = jnp.int32(0)
    nv1 = jnp.int32(0)

    def _zero(j, _):
        for l in range(_N_SUBCORES):
            hist_c[l, pl.ds(j * 16, 16)] = jnp.zeros((16,), jnp.int32)
            hist_s[l, pl.ds(j * 16, 16)] = jnp.zeros((16,), jnp.float32)
        return 0
    lax.fori_loop(0, _NBINS // 16, _zero, 0)

    for lvl in range(4):
        shift = 24 - 8 * lvl

        @pl.when(sid == 0)
        def _zero_shared():
            pltpu.sync_copy(hist_c, shared_c)
            pltpu.sync_copy(hist_s, shared_s)
        plsc.subcore_barrier()

        if lvl == 0:
            def _scan0(i, _):
                x = vloc[pl.ds(i * 16, 16)]
                u = lax.bitcast_convert_type(x, jnp.int32)
                b = lax.shift_right_logical(u, 24) & 255
                plsc.addupdate_scatter(hist_c, [lane, b], ones)
                plsc.addupdate_scatter(hist_s, [lane, b], x)
                return 0
            lax.fori_loop(0, _VREGS_PER_TILE, _scan0, 0)
        elif lvl == 1:
            hm = jnp.int32(_HIMASKS[1])

            def _scan1(i, off, prefix=prefix):
                x = vloc[pl.ds(i * 16, 16)]
                u = lax.bitcast_convert_type(x, jnp.int32)
                msk = (u & hm) == prefix
                mi = msk.astype(jnp.int32)
                dst = off + plsc.cumsum(mi) - 1
                plsc.store_scatter(cvals, [dst], x, mask=msk)
                b = lax.shift_right_logical(u, 16) & 255
                plsc.addupdate_scatter(hist_c, [lane, b], ones, mask=msk)
                plsc.addupdate_scatter(hist_s, [lane, b], x, mask=msk)
                return off + jnp.sum(mi)
            kept = lax.fori_loop(0, _VREGS_PER_TILE, _scan1, jnp.int32(0))
            nv1 = lax.div(kept + 15, jnp.int32(16))
        else:
            hm = jnp.int32(_HIMASKS[lvl])

            def _scanl(i, _, hm=hm, shift=shift, prefix=prefix, kept=kept):
                x = cvals[pl.ds(i * 16, 16)]
                u = lax.bitcast_convert_type(x, jnp.int32)
                gl = i * 16 + lane
                msk = jnp.logical_and((u & hm) == prefix, gl < kept)
                b = lax.shift_right_logical(u, shift) & 255
                plsc.addupdate_scatter(hist_c, [lane, b], ones, mask=msk)
                plsc.addupdate_scatter(hist_s, [lane, b], x, mask=msk)
                return 0
            lax.fori_loop(0, nv1, _scanl, 0)

        pltpu.sync_copy(hist_c, shared_c.at[idx16], add=True)
        pltpu.sync_copy(hist_s, shared_s.at[idx16], add=True)

        if lvl == 0:
            lax.fori_loop(0, _NBINS // 16, _zero, 0)
        elif lvl < 3:
            def _unscan(i, _, shift=shift):
                x = cvals[pl.ds(i * 16, 16)]
                u = lax.bitcast_convert_type(x, jnp.int32)
                b = lax.shift_right_logical(u, shift) & 255
                plsc.store_scatter(hist_c, [lane, b], jnp.zeros((16,), jnp.int32))
                plsc.store_scatter(hist_s, [lane, b], jnp.zeros((16,), jnp.float32))
                return 0
            lax.fori_loop(0, nv1, _unscan, 0)
        plsc.subcore_barrier()
        pltpu.sync_copy(shared_c, merged_c)
        pltpu.sync_copy(shared_s, merged_s)
        plsc.subcore_barrier()

        def _walk(g, car, rem_k=rem_k):
            found, bstar, cum, cums, cnt_ab, sum_ab = car
            j = (_NBINS // 16 - 1) - g
            acc_c = jnp.zeros((16,), jnp.int32)
            acc_s = jnp.zeros((16,), jnp.float32)
            for l in range(_N_SUBCORES):
                acc_c = acc_c + merged_c[l, pl.ds(j * 16, 16)]
                acc_s = acc_s + merged_s[l, pl.ds(j * 16, 16)]
            r_c = lax.rev(acc_c, (0,))
            r_s = lax.rev(acc_s, (0,))
            cr_c = plsc.cumsum(r_c)
            cr_s = plsc.cumsum(r_s)
            m = (cum + cr_c) >= rem_k
            cm = plsc.cumsum(m.astype(jnp.int32))
            sel = jnp.logical_and(m, cm == 1)
            pos_d = jnp.sum(jnp.where(sel, lane, 0))
            e_c = jnp.sum(jnp.where(sel, cr_c - r_c, 0))
            e_s = jnp.sum(jnp.where(sel, cr_s - r_s, 0.0))
            hit = jnp.logical_and(jnp.logical_not(found), jnp.any(m))
            bstar = jnp.where(hit, j * 16 + 15 - pos_d, bstar)
            cnt_ab = jnp.where(hit, cum + e_c, cnt_ab)
            sum_ab = jnp.where(hit, cums + e_s, sum_ab)
            found = jnp.logical_or(found, hit)
            return (found, bstar, cum + jnp.sum(acc_c),
                    cums + jnp.sum(acc_s), cnt_ab, sum_ab)

        res = lax.fori_loop(0, _NBINS // 16, _walk,
                            (jnp.bool_(False), jnp.int32(0), jnp.int32(0),
                             jnp.float32(0.0), jnp.int32(0), jnp.float32(0.0)))
        bstar, cnt_ab, sum_ab = res[1], res[4], res[5]
        prefix = prefix | lax.shift_left(bstar, shift)
        rem_k = rem_k - cnt_ab
        acc_cnt = acc_cnt + cnt_ab
        acc_sum = acc_sum + sum_ab

    pv = jnp.full((16,), prefix, jnp.int32)
    t_f = lax.bitcast_convert_type(pv, jnp.float32)
    extra = acc_sum + (k_c - acc_cnt).astype(jnp.float32) * t_f
    loc_sum = sv[0]
    pce = sv[1]
    alpha = sv[3]
    num = alpha * loc_sum + pce + extra
    den = np_f + k_neg.astype(jnp.float32)

    @pl.when(sid == 0)
    def _write():
        out_v[...] = num / den
        pltpu.sync_copy(out_v, out_hbm)


def _rrd_loss(loc_preds, loc_targets, cls_preds, cls_targets, alpha):
    n, a, c = cls_preds.shape
    total_rows = _A_PAD // _LANES
    grid = total_rows // _ROWS_PER_CHUNK

    cls_t = jnp.pad(cls_preds.reshape(a, c).T, ((0, 0), (0, _A_PAD - a)))
    cls3 = cls_t.reshape(c, total_rows, _LANES)
    tgt = jnp.pad(cls_targets.reshape(a).astype(jnp.int32), (0, _A_PAD - a),
                  constant_values=-1).reshape(total_rows, _LANES)
    lp3 = jnp.pad(loc_preds.reshape(a, 8).T, ((0, 0), (0, _A_PAD - a))
                  ).reshape(8, total_rows, _LANES)
    lt3 = jnp.pad(loc_targets.reshape(a, 8).T, ((0, 0), (0, _A_PAD - a))
                  ).reshape(8, total_rows, _LANES)

    v2d, parts = pl.pallas_call(
        _tc_body,
        grid=(grid,),
        in_specs=[
            pl.BlockSpec((c, _ROWS_PER_CHUNK, _LANES), lambda g: (0, g, 0)),
            pl.BlockSpec((_ROWS_PER_CHUNK, _LANES), lambda g: (g, 0)),
            pl.BlockSpec((8, _ROWS_PER_CHUNK, _LANES), lambda g: (0, g, 0)),
            pl.BlockSpec((8, _ROWS_PER_CHUNK, _LANES), lambda g: (0, g, 0)),
        ],
        out_specs=[
            pl.BlockSpec((_ROWS_PER_CHUNK, _LANES), lambda g: (g, 0)),
            pl.BlockSpec(memory_space=pltpu.SMEM),
        ],
        out_shape=[
            jax.ShapeDtypeStruct((total_rows, _LANES), jnp.float32),
            jax.ShapeDtypeStruct((1, 8), jnp.float32),
        ],
        scratch_shapes=[
            pltpu.VMEM((_ROWS_PER_CHUNK, _LANES), jnp.float32),
            pltpu.VMEM((_ROWS_PER_CHUNK, _LANES), jnp.float32),
            pltpu.VMEM((_ROWS_PER_CHUNK, _LANES), jnp.float32),
        ],
        compiler_params=pltpu.CompilerParams(
            dimension_semantics=("arbitrary",),
        ),
    )(cls3, tgt, lp3, lt3)

    scal16 = jnp.concatenate([
        parts[0, :3],
        jnp.asarray(alpha, jnp.float32).reshape(1),
        jnp.zeros((12,), jnp.float32),
    ])

    mesh = plsc.VectorSubcoreMesh(core_axis_name="c", subcore_axis_name="s",
                                  num_cores=1)
    sc_fn = pl.kernel(
        _sc_body,
        mesh=mesh,
        out_type=jax.ShapeDtypeStruct((16,), jnp.float32),
        scratch_types=[
            pltpu.VMEM((_PER_TILE,), jnp.float32),
            pltpu.VMEM((_PER_TILE,), jnp.float32),
            pltpu.VMEM((_N_SUBCORES, _NBINS), jnp.int32),
            pltpu.VMEM((_N_SUBCORES, _NBINS), jnp.float32),
            pltpu.VMEM((_N_SUBCORES, _NBINS), jnp.int32),
            pltpu.VMEM((_N_SUBCORES, _NBINS), jnp.float32),
            pltpu.VMEM((16,), jnp.int32),
            pltpu.VMEM((16,), jnp.float32),
            pltpu.VMEM((16,), jnp.float32),
            pltpu.VMEM_SHARED((_N_SUBCORES, _NBINS), jnp.int32),
            pltpu.VMEM_SHARED((_N_SUBCORES, _NBINS), jnp.float32),
        ],
        compiler_params=pltpu.CompilerParams(use_tc_tiling_on_sc=False,
                                             needs_layout_passes=False),
    )
    out16 = sc_fn(v2d.reshape(_A_PAD), scal16)
    return out16[:1]


def kernel(loc_preds, loc_targets, cls_preds, cls_targets, alpha):
    return _rrd_loss(loc_preds, loc_targets, cls_preds, cls_targets, alpha)

# --- scband reference (transcript-rebuilt; emitter-appended) ---
"""Pipeline reference for scband-rrdloss-15401752723806 (READ-ONLY COPY).

The authoritative reference and input builder live on the scoring server;
editing this copy changes nothing except your own understanding.
"""

import jax, jax.numpy as jnp
import numpy as np

NUM_CLASSES = 21
N, A = 1, 100000

def setup_inputs(seed: int = 0):
    key = jax.random.key(seed)
    k1, k2, k3, k4 = jax.random.split(key, 4)
    loc_preds = jax.random.normal(k1, (N, A, 8), dtype=jnp.float32)
    loc_targets = jax.random.normal(k2, (N, A, 8), dtype=jnp.float32)
    cls_preds = jax.random.normal(k3, (N, A, NUM_CLASSES), dtype=jnp.float32)
    cls_targets = jax.random.randint(k4, (N, A), 0, NUM_CLASSES)
    return {"loc_preds": loc_preds, "loc_targets": loc_targets, "cls_preds": cls_preds, "cls_targets": cls_targets, "alpha": 0.2}

def _smooth_l1(x):
    ax = jnp.abs(x)
    return jnp.where(ax < 1.0, 0.5 * x * x, ax - 0.5)

def reference(loc_preds, loc_targets, cls_preds, cls_targets, alpha=0.2):
    batch, anchors, C = cls_preds.shape
    pos = cls_targets > 0
    num_pos = jnp.sum(pos)
    # loc loss: SmoothL1 summed over positive anchors (mask-multiply == boolean gather + sum)
    mask = pos[:, :, None].astype(loc_preds.dtype)
    loc_loss = jnp.sum(_smooth_l1(loc_preds - loc_targets) * mask)
    # per-anchor cross entropy (reduce=False)
    logits = cls_preds.reshape(-1, C)
    tgt = cls_targets.reshape(-1)
    logp = jax.nn.log_softmax(logits, axis=-1)
    cls_loss = -jnp.take_along_axis(logp, tgt[:, None], axis=1)[:, 0]
    cls_loss = cls_loss.reshape(batch, anchors)
    cls_loss = jnp.where(cls_targets < 0, 0.0, cls_loss)
    # hard negative mining: rank = argsort(argsort(cls_loss * (pos-1)))
    mined = cls_loss * (pos.astype(cls_loss.dtype) - 1.0)
    idx = jnp.argsort(mined, axis=1)
    rank = jnp.argsort(idx, axis=1)
    s = 3 * jnp.sum(pos, axis=1)
    # torch `s or 10` (valid only for single-element tensors): use s if nonzero else 10
    num_neg = jnp.where(s > 0, s, 10)
    neg = rank < num_neg[:, None]
    cls_loss_sum = jnp.sum(jnp.where(pos | neg, cls_loss, 0.0))
    loss = (alpha * loc_loss + cls_loss_sum) / (num_pos + num_neg)
    return loss

if __name__ == "__main__":
    import jax
    _d = setup_inputs()
    print(jax.jit(kernel)(*tuple(_d.values())))

</pallas_src>

<mosaic_0001>
#map = affine_map<(d0, d1) -> (0)>
module attributes {stable_mosaic.version = 14 : i64} {
  func.func @_sc_body(%arg0: i32, %arg1: i32, %arg2: memref<100352xf32, #tpu.memory_space<hbm>>, %arg3: memref<16xf32, #tpu.memory_space<hbm>>, %arg4: memref<16xf32, #tpu.memory_space<hbm>>, %arg5: memref<6272xf32, #tpu.memory_space<vmem>>, %arg6: memref<6272xf32, #tpu.memory_space<vmem>>, %arg7: memref<16x256xi32, #tpu.memory_space<vmem>>, %arg8: memref<16x256xf32, #tpu.memory_space<vmem>>, %arg9: memref<16x256xi32, #tpu.memory_space<vmem>>, %arg10: memref<16x256xf32, #tpu.memory_space<vmem>>, %arg11: memref<16xi32, #tpu.memory_space<vmem>>, %arg12: memref<16xf32, #tpu.memory_space<vmem>>, %arg13: memref<16xf32, #tpu.memory_space<vmem>>, %arg14: memref<16x256xi32, #tpu.memory_space<vmem_shared>>, %arg15: memref<16x256xf32, #tpu.memory_space<vmem_shared>>) attributes {dimension_semantics = [#tpu.dimension_semantics<core_parallel>, #tpu.dimension_semantics<subcore_parallel>], iteration_bounds = array<i64: 1, 16>, scalar_prefetch = 0 : i64, scratch_operands = 11 : i64, tpu.core_type = #tpu.core_type<sc_vector_subcore>, window_params = [{transform_indices = #map}, {transform_indices = #map}, {transform_indices = #map}]} {
    %mul3A = arith.constant 6272 : i32
    %mul3A_0 = arith.muli %arg1, %mul3A : i32
    "tpu.region"() ({
      %run_scoped3A = tpu.sem_alloc : memref<!tpu.dma_semaphore, #tpu.memory_space<semaphore_mem>>
      %dma_start3A = tpu.memref_slice %arg2[%mul3A_0] : memref<100352xf32, #tpu.memory_space<hbm>> -> memref<6272xf32, #tpu.memory_space<hbm>>
      %dma_start3A_213 = tpu.memref_slice %arg2[%mul3A_0] : memref<100352xf32, #tpu.memory_space<hbm>> -> memref<6272xf32, #tpu.memory_space<hbm>>
      tpu.enqueue_dma source(%dma_start3A_213 : memref<6272xf32, #tpu.memory_space<hbm>>) target(%arg5 : memref<6272xf32, #tpu.memory_space<vmem>>) target_semaphore(%run_scoped3A : memref<!tpu.dma_semaphore, #tpu.memory_space<semaphore_mem>>)
      %dma_wait3A = tpu.memref_slice %arg2[%mul3A_0] : memref<100352xf32, #tpu.memory_space<hbm>> -> memref<6272xf32, #tpu.memory_space<hbm>>
      %dma_wait3A_214 = tpu.memref_slice %arg2[%mul3A_0] : memref<100352xf32, #tpu.memory_space<hbm>> -> memref<6272xf32, #tpu.memory_space<hbm>>
      tpu.wait_dma2 semaphore(%run_scoped3A : memref<!tpu.dma_semaphore, #tpu.memory_space<semaphore_mem>>) src(%dma_wait3A_214 : memref<6272xf32, #tpu.memory_space<hbm>>) dst(%arg5 : memref<6272xf32, #tpu.memory_space<vmem>>)
      tpu.yield
    }) : () -> ()
    "tpu.region"() ({
      %run_scoped3A = tpu.sem_alloc : memref<!tpu.dma_semaphore, #tpu.memory_space<semaphore_mem>>
      tpu.enqueue_dma source(%arg3 : memref<16xf32, #tpu.memory_space<hbm>>) target(%arg12 : memref<16xf32, #tpu.memory_space<vmem>>) target_semaphore(%run_scoped3A : memref<!tpu.dma_semaphore, #tpu.memory_space<semaphore_mem>>)
      tpu.wait_dma2 semaphore(%run_scoped3A : memref<!tpu.dma_semaphore, #tpu.memory_space<semaphore_mem>>) src(%arg3 : memref<16xf32, #tpu.memory_space<hbm>>) dst(%arg12 : memref<16xf32, #tpu.memory_space<vmem>>)
      tpu.yield
    }) : () -> ()
    %iota3A = tpu.iota {dimensions = array<i32: 0>} : vector<16xi32>
    %swap3A = arith.constant 0 : index
    %swap3A_1 = tpu.vector_load %arg11[%swap3A] {strides = array<i32>} : memref<16xi32, #tpu.memory_space<vmem>>, vector<16xi32>,
    tpu.vector_store %arg11[%swap3A], %iota3A {strides = array<i32>} : memref<16xi32, #tpu.memory_space<vmem>>, vector<16xi32>,
    %iota3A_2 = tpu.iota {dimensions = array<i32: 0>} : vector<16xi32>
    %broadcast_in_dim3A = arith.constant 1 : i32
    %broadcast_in_dim3A_3 = vector.broadcast %broadcast_in_dim3A : i32 to vector<16xi32>
    %get3A = arith.constant 0 : index
    %get3A_4 = tpu.vector_load %arg12[%get3A] {strides = array<i32>} : memref<16xf32, #tpu.memory_space<vmem>>, vector<16xf32>,
    %slice3A = vector.extract_strided_slice %get3A_4 {offsets = [2], sizes = [1], strides = [1]} : vector<16xf32> to vector<1xf32>
    %squeeze3A = vector.extract %slice3A[0] : f32 from vector<1xf32>
    %convert_element_type3A = arith.fptosi %squeeze3A : f32 to i32
    %gt3A = arith.constant 0 : i32
    %gt3A_5 = arith.cmpi sgt, %convert_element_type3A, %gt3A : i32
    %mul3A_6 = arith.constant 3 : i32
    %mul3A_7 = arith.muli %mul3A_6, %convert_element_type3A : i32
    %jit3A = arith.constant 10 : i32
    %select_n3A = arith.select %gt3A_5, %mul3A_7, %jit3A : i32
    %min3A = arith.constant 100352 : i32
    %min3A_8 = arith.minsi %select_n3A, %min3A : i32
    %scan3A = arith.constant 0 : i32
    %scan3A_9 = arith.constant 0 : i32
    %scan3A_10 = arith.constant 16 : i32
    %scan3A_11 = arith.addi %scan3A_9, %scan3A_10 : i32
    %scan3A_12 = arith.constant 1 : i32
    %scan3A_13 = scf.for %scan3A_213 = %scan3A_9 to %scan3A_11 step %scan3A_12 iter_args(%scan3A_214 = %scan3A) -> (i32)  : i32 {
      %broadcast_in_dim3A_215 = arith.constant 0 : i32
      %broadcast_in_dim3A_216 = vector.broadcast %broadcast_in_dim3A_215 : i32 to vector<16xi32>
      %mul3A_217 = arith.constant 16 : i32
      %mul3A_218 = arith.muli %scan3A_213, %mul3A_217 : i32
      %swap3A_219 = arith.constant 0 : i32
      %swap3A_220 = arith.index_cast %swap3A_219 : i32 to index
      %swap3A_221 = arith.index_cast %mul3A_218 : i32 to index
      %swap3A_222 = tpu.vector_load %arg7[%swap3A_220, %swap3A_221] {strides = array<i32>} : memref<16x256xi32, #tpu.memory_space<vmem>>, vector<16xi32>,
      tpu.vector_store %arg7[%swap3A_220, %swap3A_221], %broadcast_in_dim3A_216 {strides = array<i32>} : memref<16x256xi32, #tpu.memory_space<vmem>>, vector<16xi32>,
      %broadcast_in_dim3A_223 = arith.constant 0.000000e+00 : f32
      %broadcast_in_dim3A_224 = vector.broadcast %broadcast_in_dim3A_223 : f32 to vector<16xf32>
      %mul3A_225 = arith.constant 16 : i32
      %mul3A_226 = arith.muli %scan3A_213, %mul3A_225 : i32
      %swap3A_227 = arith.constant 0 : i32
      %swap3A_228 = arith.index_cast %swap3A_227 : i32 to index
      %swap3A_229 = arith.index_cast %mul3A_226 : i32 to index
      %swap3A_230 = tpu.vector_load %arg8[%swap3A_228, %swap3A_229] {strides = array<i32>} : memref<16x256xf32, #tpu.memory_space<vmem>>, vector<16xf32>,
      tpu.vector_store %arg8[%swap3A_228, %swap3A_229], %broadcast_in_dim3A_224 {strides = array<i32>} : memref<16x256xf32, #tpu.memory_space<vmem>>, vector<16xf32>,
      %broadcast_in_dim3A_231 = arith.constant 0 : i32
      %broadcast_in_dim3A_232 = vector.broadcast %broadcast_in_dim3A_231 : i32 to vector<16xi32>
      %mul3A_233 = arith.constant 16 : i32
      %mul3A_234 = arith.muli %scan3A_213, %mul3A_233 : i32
      %swap3A_235 = arith.constant 1 : i32
      %swap3A_236 = arith.index_cast %swap3A_235 : i32 to index
      %swap3A_237 = arith.index_cast %mul3A_234 : i32 to index
      %swap3A_238 = tpu.vector_load %arg7[%swap3A_236, %swap3A_237] {strides = array<i32>} : memref<16x256xi32, #tpu.memory_space<vmem>>, vector<16xi32>,
      tpu.vector_store %arg7[%swap3A_236, %swap3A_237], %broadcast_in_dim3A_232 {strides = array<i32>} : memref<16x256xi32, #tpu.memory_space<vmem>>, vector<16xi32>,
      %broadcast_in_dim3A_239 = arith.constant 0.000000e+00 : f32
      %broadcast_in_dim3A_240 = vector.broadcast %broadcast_in_dim3A_239 : f32 to vector<16xf32>
      %mul3A_241 = arith.constant 16 : i32
      %mul3A_242 = arith.muli %scan3A_213, %mul3A_241 : i32
      %swap3A_243 = arith.constant 1 : i32
      %swap3A_244 = arith.index_cast %swap3A_243 : i32 to index
      %swap3A_245 = arith.index_cast %mul3A_242 : i32 to index
      %swap3A_246 = tpu.vector_load %arg8[%swap3A_244, %swap3A_245] {strides = array<i32>} : memref<16x256xf32, #tpu.memory_space<vmem>>, vector<16xf32>,
      tpu.vector_store %arg8[%swap3A_244, %swap3A_245], %broadcast_in_dim3A_240 {strides = array<i32>} : memref<16x256xf32, #tpu.memory_space<vmem>>, vector<16xf32>,
      %broadcast_in_dim3A_247 = arith.constant 0 : i32
      %broadcast_in_dim3A_248 = vector.broadcast %broadcast_in_dim3A_247 : i32 to vector<16xi32>
      %mul3A_249 = arith.constant 16 : i32
      %mul3A_250 = arith.muli %scan3A_213, %mul3A_249 : i32
      %swap3A_251 = arith.constant 2 : i32
      %swap3A_252 = arith.index_cast %swap3A_251 : i32 to index
      %swap3A_253 = arith.index_cast %mul3A_250 : i32 to index
      %swap3A_254 = tpu.vector_load %arg7[%swap3A_252, %swap3A_253] {strides = array<i32>} : memref<16x256xi32, #tpu.memory_space<vmem>>, vector<16xi32>,
      tpu.vector_store %arg7[%swap3A_252, %swap3A_253], %broadcast_in_dim3A_248 {strides = array<i32>} : memref<16x256xi32, #tpu.memory_space<vmem>>, vector<16xi32>,
      %broadcast_in_dim3A_255 = arith.constant 0.000000e+00 : f32
      %broadcast_in_dim3A_256 = vector.broadcast %broadcast_in_dim3A_255 : f32 to vector<16xf32>
      %mul3A_257 = arith.constant 16 : i32
      %mul3A_258 = arith.muli %scan3A_213, %mul3A_257 : i32
      %swap3A_259 = arith.constant 2 : i32
      %swap3A_260 = arith.index_cast %swap3A_259 : i32 to index
      %swap3A_261 = arith.index_cast %mul3A_258 : i32 to index
      %swap3A_262 = tpu.vector_load %arg8[%swap3A_260, %swap3A_261] {strides = array<i32>} : memref<16x256xf32, #tpu.memory_space<vmem>>, vector<16xf32>,
      tpu.vector_store %arg8[%swap3A_260, %swap3A_261], %broadcast_in_dim3A_256 {strides = array<i32>} : memref<16x256xf32, #tpu.memory_space<vmem>>, vector<16xf32>,
      %broadcast_in_dim3A_263 = arith.constant 0 : i32
      %broadcast_in_dim3A_264 = vector.broadcast %broadcast_in_dim3A_263 : i32 to vector<16xi32>
      %mul3A_265 = arith.constant 16 : i32
      %mul3A_266 = arith.muli %scan3A_213, %mul3A_265 : i32
      %swap3A_267 = arith.constant 3 : i32
      %swap3A_268 = arith.index_cast %swap3A_267 : i32 to index
      %swap3A_269 = arith.index_cast %mul3A_266 : i32 to index
      %swap3A_270 = tpu.vector_load %arg7[%swap3A_268, %swap3A_269] {strides = array<i32>} : memref<16x256xi32, #tpu.memory_space<vmem>>, vector<16xi32>,
      tpu.vector_store %arg7[%swap3A_268, %swap3A_269], %broadcast_in_dim3A_264 {strides = array<i32>} : memref<16x256xi32, #tpu.memory_space<vmem>>, vector<16xi32>,
      %broadcast_in_dim3A_271 = arith.constant 0.000000e+00 : f32
      %broadcast_in_dim3A_272 = vector.broadcast %broadcast_in_dim3A_271 : f32 to vector<16xf32>
      %mul3A_273 = arith.constant 16 : i32
      %mul3A_274 = arith.muli %scan3A_213, %mul3A_273 : i32
      %swap3A_275 = arith.constant 3 : i32
      %swap3A_276 = arith.index_cast %swap3A_275 : i32 to index
      %swap3A_277 = arith.index_cast %mul3A_274 : i32 to index
      %swap3A_278 = tpu.vector_load %arg8[%swap3A_276, %swap3A_277] {strides = array<i32>} : memref<16x256xf32, #tpu.memory_space<vmem>>, vector<16xf32>,
      tpu.vector_store %arg8[%swap3A_276, %swap3A_277], %broadcast_in_dim3A_272 {strides = array<i32>} : memref<16x256xf32, #tpu.memory_space<vmem>>, vector<16xf32>,
      %broadcast_in_dim3A_279 = arith.constant 0 : i32
      %broadcast_in_dim3A_280 = vector.broadcast %broadcast_in_dim3A_279 : i32 to vector<16xi32>
      %mul3A_281 = arith.constant 16 : i32
      %mul3A_282 = arith.muli %scan3A_213, %mul3A_281 : i32
      %swap3A_283 = arith.constant 4 : i32
      %swap3A_284 = arith.index_cast %swap3A_283 : i32 to index
      %swap3A_285 = arith.index_cast %mul3A_282 : i32 to index
      %swap3A_286 = tpu.vector_load %arg7[%swap3A_284, %swap3A_285] {strides = array<i32>} : memref<16x256xi32, #tpu.memory_space<vmem>>, vector<16xi32>,
      tpu.vector_store %arg7[%swap3A_284, %swap3A_285], %broadcast_in_dim3A_280 {strides = array<i32>} : memref<16x256xi32, #tpu.memory_space<vmem>>, vector<16xi32>,
      %broadcast_in_dim3A_287 = arith.constant 0.000000e+00 : f32
      %broadcast_in_dim3A_288 = vector.broadcast %broadcast_in_dim3A_287 : f32 to vector<16xf32>
      %mul3A_289 = arith.constant 16 : i32
      %mul3A_290 = arith.muli %scan3A_213, %mul3A_289 : i32
      %swap3A_291 = arith.constant 4 : i32
      %swap3A_292 = arith.index_cast %swap3A_291 : i32 to index
      %swap3A_293 = arith.index_cast %mul3A_290 : i32 to index
      %swap3A_294 = tpu.vector_load %arg8[%swap3A_292, %swap3A_293] {strides = array<i32>} : memref<16x256xf32, #tpu.memory_space<vmem>>, vector<16xf32>,
      tpu.vector_store %arg8[%swap3A_292, %swap3A_293], %broadcast_in_dim3A_288 {strides = array<i32>} : memref<16x256xf32, #tpu.memory_space<vmem>>, vector<16xf32>,
      %broadcast_in_dim3A_295 = arith.constant 0 : i32
      %broadcast_in_dim3A_296 = vector.broadcast %broadcast_in_dim3A_295 : i32 to vector<16xi32>
      %mul3A_297 = arith.constant 16 : i32
      %mul3A_298 = arith.muli %scan3A_213, %mul3A_297 : i32
      %swap3A_299 = arith.constant 5 : i32
      %swap3A_300 = arith.index_cast %swap3A_299 : i32 to index
      %swap3A_301 = arith.index_cast %mul3A_298 : i32 to index
      %swap3A_302 = tpu.vector_load %arg7[%swap3A_300, %swap3A_301] {strides = array<i32>} : memref<16x256xi32, #tpu.memory_space<vmem>>, vector<16xi32>,
      tpu.vector_store %arg7[%swap3A_300, %swap3A_301], %broadcast_in_dim3A_296 {strides = array<i32>} : memref<16x256xi32, #tpu.memory_space<vmem>>, vector<16xi32>,
      %broadcast_in_dim3A_303 = arith.constant 0.000000e+00 : f32
      %broadcast_in_dim3A_304 = vector.broadcast %broadcast_in_dim3A_303 : f32 to vector<16xf32>
      %mul3A_305 = arith.constant 16 : i32
      %mul3A_306 = arith.muli %scan3A_213, %mul3A_305 : i32
      %swap3A_307 = arith.constant 5 : i32
      %swap3A_308 = arith.index_cast %swap3A_307 : i32 to index
      %swap3A_309 = arith.index_cast %mul3A_306 : i32 to index
      %swap3A_310 = tpu.vector_load %arg8[%swap3A_308, %swap3A_309] {strides = array<i32>} : memref<16x256xf32, #tpu.memory_space<vmem>>, vector<16xf32>,
      tpu.vector_store %arg8[%swap3A_308, %swap3A_309], %broadcast_in_dim3A_304 {strides = array<i32>} : memref<16x256xf32, #tpu.memory_space<vmem>>, vector<16xf32>,
      %broadcast_in_dim3A_311 = arith.constant 0 : i32
      %broadcast_in_dim3A_312 = vector.broadcast %broadcast_in_dim3A_311 : i32 to vector<16xi32>
      %mul3A_313 = arith.constant 16 : i32
      %mul3A_314 = arith.muli %scan3A_213, %mul3A_313 : i32
      %swap3A_315 = arith.constant 6 : i32
      %swap3A_316 = arith.index_cast %swap3A_315 : i32 to index
      %swap3A_317 = arith.index_cast %mul3A_314 : i32 to index
      %swap3A_318 = tpu.vector_load %arg7[%swap3A_316, %swap3A_317] {strides = array<i32>} : memref<16x256xi32, #tpu.memory_space<vmem>>, vector<16xi32>,
      tpu.vector_store %arg7[%swap3A_316, %swap3A_317], %broadcast_in_dim3A_312 {strides = array<i32>} : memref<16x256xi32, #tpu.memory_space<vmem>>, vector<16xi32>,
      %broadcast_in_dim3A_319 = arith.constant 0.000000e+00 : f32
      %broadcast_in_dim3A_320 = vector.broadcast %broadcast_in_dim3A_319 : f32 to vector<16xf32>
      %mul3A_321 = arith.constant 16 : i32
      %mul3A_322 = arith.muli %scan3A_213, %mul3A_321 : i32
      %swap3A_323 = arith.constant 6 : i32
      %swap3A_324 = arith.index_cast %swap3A_323 : i32 to index
      %swap3A_325 = arith.index_cast %mul3A_322 : i32 to index
      %swap3A_326 = tpu.vector_load %arg8[%swap3A_324, %swap3A_325] {strides = array<i32>} : memref<16x256xf32, #tpu.memory_space<vmem>>, vector<16xf32>,
      tpu.vector_store %arg8[%swap3A_324, %swap3A_325], %broadcast_in_dim3A_320 {strides = array<i32>} : memref<16x256xf32, #tpu.memory_space<vmem>>, vector<16xf32>,
      %broadcast_in_dim3A_327 = arith.constant 0 : i32
      %broadcast_in_dim3A_328 = vector.broadcast %broadcast_in_dim3A_327 : i32 to vector<16xi32>
      %mul3A_329 = arith.constant 16 : i32
      %mul3A_330 = arith.muli %scan3A_213, %mul3A_329 : i32
      %swap3A_331 = arith.constant 7 : i32
      %swap3A_332 = arith.index_cast %swap3A_331 : i32 to index
      %swap3A_333 = arith.index_cast %mul3A_330 : i32 to index
      %swap3A_334 = tpu.vector_load %arg7[%swap3A_332, %swap3A_333] {strides = array<i32>} : memref<16x256xi32, #tpu.memory_space<vmem>>, vector<16xi32>,
      tpu.vector_store %arg7[%swap3A_332, %swap3A_333], %broadcast_in_dim3A_328 {strides = array<i32>} : memref<16x256xi32, #tpu.memory_space<vmem>>, vector<16xi32>,
      %broadcast_in_dim3A_335 = arith.constant 0.000000e+00 : f32
      %broadcast_in_dim3A_336 = vector.broadcast %broadcast_in_dim3A_335 : f32 to vector<16xf32>
      %mul3A_337 = arith.constant 16 : i32
      %mul3A_338 = arith.muli %scan3A_213, %mul3A_337 : i32
      %swap3A_339 = arith.constant 7 : i32
      %swap3A_340 = arith.index_cast %swap3A_339 : i32 to index
      %swap3A_341 = arith.index_cast %mul3A_338 : i32 to index
      %swap3A_342 = tpu.vector_load %arg8[%swap3A_340, %swap3A_341] {strides = array<i32>} : memref<16x256xf32, #tpu.memory_space<vmem>>, vector<16xf32>,
      tpu.vector_store %arg8[%swap3A_340, %swap3A_341], %broadcast_in_dim3A_336 {strides = array<i32>} : memref<16x256xf32, #tpu.memory_space<vmem>>, vector<16xf32>,
      %broadcast_in_dim3A_343 = arith.constant 0 : i32
      %broadcast_in_dim3A_344 = vector.broadcast %broadcast_in_dim3A_343 : i32 to vector<16xi32>
      %mul3A_345 = arith.constant 16 : i32
      %mul3A_346 = arith.muli %scan3A_213, %mul3A_345 : i32
      %swap3A_347 = arith.constant 8 : i32
      %swap3A_348 = arith.index_cast %swap3A_347 : i32 to index
      %swap3A_349 = arith.index_cast %mul3A_346 : i32 to index
      %swap3A_350 = tpu.vector_load %arg7[%swap3A_348, %swap3A_349] {strides = array<i32>} : memref<16x256xi32, #tpu.memory_space<vmem>>, vector<16xi32>,
      tpu.vector_store %arg7[%swap3A_348, %swap3A_349], %broadcast_in_dim3A_344 {strides = array<i32>} : memref<16x256xi32, #tpu.memory_space<vmem>>, vector<16xi32>,
      %broadcast_in_dim3A_351 = arith.constant 0.000000e+00 : f32
      %broadcast_in_dim3A_352 = vector.broadcast %broadcast_in_dim3A_351 : f32 to vector<16xf32>
      %mul3A_353 = arith.constant 16 : i32
      %mul3A_354 = arith.muli %scan3A_213, %mul3A_353 : i32
      %swap3A_355 = arith.constant 8 : i32
      %swap3A_356 = arith.index_cast %swap3A_355 : i32 to index
      %swap3A_357 = arith.index_cast %mul3A_354 : i32 to index
      %swap3A_358 = tpu.vector_load %arg8[%swap3A_356, %swap3A_357] {strides = array<i32>} : memref<16x256xf32, #tpu.memory_space<vmem>>, vector<16xf32>,
      tpu.vector_store %arg8[%swap3A_356, %swap3A_357], %broadcast_in_dim3A_352 {strides = array<i32>} : memref<16x256xf32, #tpu.memory_space<vmem>>, vector<16xf32>,
      %broadcast_in_dim3A_359 = arith.constant 0 : i32
      %broadcast_in_dim3A_360 = vector.broadcast %broadcast_in_dim3A_359 : i32 to vector<16xi32>
      %mul3A_361 = arith.constant 16 : i32
      %mul3A_362 = arith.muli %scan3A_213, %mul3A_361 : i32
      %swap3A_363 = arith.constant 9 : i32
      %swap3A_364 = arith.index_cast %swap3A_363 : i32 to index
      %swap3A_365 = arith.index_cast %mul3A_362 : i32 to index
      %swap3A_366 = tpu.vector_load %arg7[%swap3A_364, %swap3A_365] {strides = array<i32>} : memref<16x256xi32, #tpu.memory_space<vmem>>, vector<16xi32>,
      tpu.vector_store %arg7[%swap3A_364, %swap3A_365], %broadcast_in_dim3A_360 {strides = array<i32>} : memref<16x256xi32, #tpu.memory_space<vmem>>, vector<16xi32>,
      %broadcast_in_dim3A_367 = arith.constant 0.000000e+00 : f32
      %broadcast_in_dim3A_368 = vector.broadcast %broadcast_in_dim3A_367 : f32 to vector<16xf32>
      %mul3A_369 = arith.constant 16 : i32
      %mul3A_370 = arith.muli %scan3A_213, %mul3A_369 : i32
      %swap3A_371 = arith.constant 9 : i32
      %swap3A_372 = arith.index_cast %swap3A_371 : i32 to index
      %swap3A_373 = arith.index_cast %mul3A_370 : i32 to index
      %swap3A_374 = tpu.vector_load %arg8[%swap3A_372, %swap3A_373] {strides = array<i32>} : memref<16x256xf32, #tpu.memory_space<vmem>>, vector<16xf32>,
      tpu.vector_store %arg8[%swap3A_372, %swap3A_373], %broadcast_in_dim3A_368 {strides = array<i32>} : memref<16x256xf32, #tpu.memory_space<vmem>>, vector<16xf32>,
      %broadcast_in_dim3A_375 = arith.constant 0 : i32
      %broadcast_in_dim3A_376 = vector.broadcast %broadcast_in_dim3A_375 : i32 to vector<16xi32>
      %mul3A_377 = arith.constant 16 : i32
      %mul3A_378 = arith.muli %scan3A_213, %mul3A_377 : i32
      %swap3A_379 = arith.constant 10 : i32
      %swap3A_380 = arith.index_cast %swap3A_379 : i32 to index
      %swap3A_381 = arith.index_cast %mul3A_378 : i32 to index
      %swap3A_382 = tpu.vector_load %arg7[%swap3A_380, %swap3A_381] {strides = array<i32>} : memref<16x256xi32, #tpu.memory_space<vmem>>, vector<16xi32>,
      tpu.vector_store %arg7[%swap3A_380, %swap3A_381], %broadcast_in_dim3A_376 {strides = array<i32>} : memref<16x256xi32, #tpu.memory_space<vmem>>, vector<16xi32>,
      %broadcast_in_dim3A_383 = arith.constant 0.000000e+00 : f32
      %broadcast_in_dim3A_384 = vector.broadcast %broadcast_in_dim3A_383 : f32 to vector<16xf32>
      %mul3A_385 = arith.constant 16 : i32
      %mul3A_386 = arith.muli %scan3A_213, %mul3A_385 : i32
      %swap3A_387 = arith.constant 10 : i32
      %swap3A_388 = arith.index_cast %swap3A_387 : i32 to index
      %swap3A_389 = arith.index_cast %mul3A_386 : i32 to index
      %swap3A_390 = tpu.vector_load %arg8[%swap3A_388, %swap3A_389] {strides = array<i32>} : memref<16x256xf32, #tpu.memory_space<vmem>>, vector<16xf32>,
      tpu.vector_store %arg8[%swap3A_388, %swap3A_389], %broadcast_in_dim3A_384 {strides = array<i32>} : memref<16x256xf32, #tpu.memory_space<vmem>>, vector<16xf32>,
      %broadcast_in_dim3A_391 = arith.constant 0 : i32
      %broadcast_in_dim3A_392 = vector.broadcast %broadcast_in_dim3A_391 : i32 to vector<16xi32>
      %mul3A_393 = arith.constant 16 : i32
      %mul3A_394 = arith.muli %scan3A_213, %mul3A_393 : i32
      %swap3A_395 = arith.constant 11 : i32
      %swap3A_396 = arith.index_cast %swap3A_395 : i32 to index
      %swap3A_397 = arith.index_cast %mul3A_394 : i32 to index
      %swap3A_398 = tpu.vector_load %arg7[%swap3A_396, %swap3A_397] {strides = array<i32>} : memref<16x256xi32, #tpu.memory_space<vmem>>, vector<16xi32>,
      tpu.vector_store %arg7[%swap3A_396, %swap3A_397], %broadcast_in_dim3A_392 {strides = array<i32>} : memref<16x256xi32, #tpu.memory_space<vmem>>, vector<16xi32>,
      %broadcast_in_dim3A_399 = arith.constant 0.000000e+00 : f32
      %broadcast_in_dim3A_400 = vector.broadcast %broadcast_in_dim3A_399 : f32 to vector<16xf32>
      %mul3A_401 = arith.constant 16 : i32
      %mul3A_402 = arith.muli %scan3A_213, %mul3A_401 : i32
      %swap3A_403 = arith.constant 11 : i32
      %swap3A_404 = arith.index_cast %swap3A_403 : i32 to index
      %swap3A_405 = arith.index_cast %mul3A_402 : i32 to index
      %swap3A_406 = tpu.vector_load %arg8[%swap3A_404, %swap3A_405] {strides = array<i32>} : memref<16x256xf32, #tpu.memory_space<vmem>>, vector<16xf32>,
      tpu.vector_store %arg8[%swap3A_404, %swap3A_405], %broadcast_in_dim3A_400 {strides = array<i32>} : memref<16x256xf32, #tpu.memory_space<vmem>>, vector<16xf32>,
      %broadcast_in_dim3A_407 = arith.constant 0 : i32
      %broadcast_in_dim3A_408 = vector.broadcast %broadcast_in_dim3A_407 : i32 to vector<16xi32>
      %mul3A_409 = arith.constant 16 : i32
      %mul3A_410 = arith.muli %scan3A_213, %mul3A_409 : i32
      %swap3A_411 = arith.constant 12 : i32
      %swap3A_412 = arith.index_cast %swap3A_411 : i32 to index
      %swap3A_413 = arith.index_cast %mul3A_410 : i32 to index
      %swap3A_414 = tpu.vector_load %arg7[%swap3A_412, %swap3A_413] {strides = array<i32>} : memref<16x256xi32, #tpu.memory_space<vmem>>, vector<16xi32>,
      tpu.vector_store %arg7[%swap3A_412, %swap3A_413], %broadcast_in_dim3A_408 {strides = array<i32>} : memref<16x256xi32, #tpu.memory_space<vmem>>, vector<16xi32>,
      %broadcast_in_dim3A_415 = arith.constant 0.000000e+00 : f32
      %broadcast_in_dim3A_416 = vector.broadcast %broadcast_in_dim3A_415 : f32 to vector<16xf32>
      %mul3A_417 = arith.constant 16 : i32
      %mul3A_418 = arith.muli %scan3A_213, %mul3A_417 : i32
      %swap3A_419 = arith.constant 12 : i32
      %swap3A_420 = arith.index_cast %swap3A_419 : i32 to index
      %swap3A_421 = arith.index_cast %mul3A_418 : i32 to index
      %swap3A_422 = tpu.vector_load %arg8[%swap3A_420, %swap3A_421] {strides = array<i32>} : memref<16x256xf32, #tpu.memory_space<vmem>>, vector<16xf32>,
      tpu.vector_store %arg8[%swap3A_420, %swap3A_421], %broadcast_in_dim3A_416 {strides = array<i32>} : memref<16x256xf32, #tpu.memory_space<vmem>>, vector<16xf32>,
      %broadcast_in_dim3A_423 = arith.constant 0 : i32
      %broadcast_in_dim3A_424 = vector.broadcast %broadcast_in_dim3A_423 : i32 to vector<16xi32>
      %mul3A_425 = arith.constant 16 : i32
      %mul3A_426 = arith.muli %scan3A_213, %mul3A_425 : i32
      %swap3A_427 = arith.constant 13 : i32
      %swap3A_428 = arith.index_cast %swap3A_427 : i32 to index
      %swap3A_429 = arith.index_cast %mul3A_426 : i32 to index
      %swap3A_430 = tpu.vector_load %arg7[%swap3A_428, %swap3A_429] {strides = array<i32>} : memref<16x256xi32, #tpu.memory_space<vmem>>, vector<16xi32>,
      tpu.vector_store %arg7[%swap3A_428, %swap3A_429], %broadcast_in_dim3A_424 {strides = array<i32>} : memref<16x256xi32, #tpu.memory_space<vmem>>, vector<16xi32>,
      %broadcast_in_dim3A_431 = arith.constant 0.000000e+00 : f32
      %broadcast_in_dim3A_432 = vector.broadcast %broadcast_in_dim3A_431 : f32 to vector<16xf32>
      %mul3A_433 = arith.constant 16 : i32
      %mul3A_434 = arith.muli %scan3A_213, %mul3A_433 : i32
      %swap3A_435 = arith.constant 13 : i32
      %swap3A_436 = arith.index_cast %swap3A_435 : i32 to index
      %swap3A_437 = arith.index_cast %mul3A_434 : i32 to index
      %swap3A_438 = tpu.vector_load %arg8[%swap3A_436, %swap3A_437] {strides = array<i32>} : memref<16x256xf32, #tpu.memory_space<vmem>>, vector<16xf32>,
      tpu.vector_store %arg8[%swap3A_436, %swap3A_437], %broadcast_in_dim3A_432 {strides = array<i32>} : memref<16x256xf32, #tpu.memory_space<vmem>>, vector<16xf32>,
      %broadcast_in_dim3A_439 = arith.constant 0 : i32
      %broadcast_in_dim3A_440 = vector.broadcast %broadcast_in_dim3A_439 : i32 to vector<16xi32>
      %mul3A_441 = arith.constant 16 : i32
      %mul3A_442 = arith.muli %scan3A_213, %mul3A_441 : i32
      %swap3A_443 = arith.constant 14 : i32
      %swap3A_444 = arith.index_cast %swap3A_443 : i32 to index
      %swap3A_445 = arith.index_cast %mul3A_442 : i32 to index
      %swap3A_446 = tpu.vector_load %arg7[%swap3A_444, %swap3A_445] {strides = array<i32>} : memref<16x256xi32, #tpu.memory_space<vmem>>, vector<16xi32>,
      tpu.vector_store %arg7[%swap3A_444, %swap3A_445], %broadcast_in_dim3A_440 {strides = array<i32>} : memref<16x256xi32, #tpu.memory_space<vmem>>, vector<16xi32>,
      %broadcast_in_dim3A_447 = arith.constant 0.000000e+00 : f32
      %broadcast_in_dim3A_448 = vector.broadcast %broadcast_in_dim3A_447 : f32 to vector<16xf32>
      %mul3A_449 = arith.constant 16 : i32
      %mul3A_450 = arith.muli %scan3A_213, %mul3A_449 : i32
      %swap3A_451 = arith.constant 14 : i32
      %swap3A_452 = arith.index_cast %swap3A_451 : i32 to index
      %swap3A_453 = arith.index_cast %mul3A_450 : i32 to index
      %swap3A_454 = tpu.vector_load %arg8[%swap3A_452, %swap3A_453] {strides = array<i32>} : memref<16x256xf32, #tpu.memory_space<vmem>>, vector<16xf32>,
      tpu.vector_store %arg8[%swap3A_452, %swap3A_453], %broadcast_in_dim3A_448 {strides = array<i32>} : memref<16x256xf32, #tpu.memory_space<vmem>>, vector<16xf32>,
      %broadcast_in_dim3A_455 = arith.constant 0 : i32
      %broadcast_in_dim3A_456 = vector.broadcast %broadcast_in_dim3A_455 : i32 to vector<16xi32>
      %mul3A_457 = arith.constant 16 : i32
      %mul3A_458 = arith.muli %scan3A_213, %mul3A_457 : i32
      %swap3A_459 = arith.constant 15 : i32
      %swap3A_460 = arith.index_cast %swap3A_459 : i32 to index
      %swap3A_461 = arith.index_cast %mul3A_458 : i32 to index
      %swap3A_462 = tpu.vector_load %arg7[%swap3A_460, %swap3A_461] {strides = array<i32>} : memref<16x256xi32, #tpu.memory_space<vmem>>, vector<16xi32>,
      tpu.vector_store %arg7[%swap3A_460, %swap3A_461], %broadcast_in_dim3A_456 {strides = array<i32>} : memref<16x256xi32, #tpu.memory_space<vmem>>, vector<16xi32>,
      %broadcast_in_dim3A_463 = arith.constant 0.000000e+00 : f32
      %broadcast_in_dim3A_464 = vector.broadcast %broadcast_in_dim3A_463 : f32 to vector<16xf32>
      %mul3A_465 = arith.constant 16 : i32
      %mul3A_466 = arith.muli %scan3A_213, %mul3A_465 : i32
      %swap3A_467 = arith.constant 15 : i32
      %swap3A_468 = arith.index_cast %swap3A_467 : i32 to index
      %swap3A_469 = arith.index_cast %mul3A_466 : i32 to index
      %swap3A_470 = tpu.vector_load %arg8[%swap3A_468, %swap3A_469] {strides = array<i32>} : memref<16x256xf32, #tpu.memory_space<vmem>>, vector<16xf32>,
      tpu.vector_store %arg8[%swap3A_468, %swap3A_469], %broadcast_in_dim3A_464 {strides = array<i32>} : memref<16x256xf32, #tpu.memory_space<vmem>>, vector<16xf32>,
      %scan3A_471 = arith.constant 0 : i32
      scf.yield %scan3A_471 : i32
    }
    %scan3A_14 = arith.constant 16 : i32
    %eq3A = arith.constant 0 : i32
    %eq3A_15 = arith.cmpi eq, %arg1, %eq3A : i32
    %convert_element_type3A_16 = arith.extui %eq3A_15 : i1 to i32
    %cond3A = arith.constant 0 : i32
    %cond3A_17 = arith.cmpi ne, %convert_element_type3A_16, %cond3A : i32
    scf.if %cond3A_17 {
      "tpu.region"() ({
        %run_scoped3A = tpu.sem_alloc : memref<!tpu.dma_semaphore, #tpu.memory_space<semaphore_mem>>
        tpu.enqueue_dma source(%arg7 : memref<16x256xi32, #tpu.memory_space<vmem>>) target(%arg14 : memref<16x256xi32, #tpu.memory_space<vmem_shared>>) target_semaphore(%run_scoped3A : memref<!tpu.dma_semaphore, #tpu.memory_space<semaphore_mem>>)
        tpu.wait_dma2 semaphore(%run_scoped3A : memref<!tpu.dma_semaphore, #tpu.memory_space<semaphore_mem>>) src(%arg7 : memref<16x256xi32, #tpu.memory_space<vmem>>) dst(%arg14 : memref<16x256xi32, #tpu.memory_space<vmem_shared>>)
        tpu.yield
      }) : () -> ()
      "tpu.region"() ({
        %run_scoped3A = tpu.sem_alloc : memref<!tpu.dma_semaphore, #tpu.memory_space<semaphore_mem>>
        tpu.enqueue_dma source(%arg8 : memref<16x256xf32, #tpu.memory_space<vmem>>) target(%arg15 : memref<16x256xf32, #tpu.memory_space<vmem_shared>>) target_semaphore(%run_scoped3A : memref<!tpu.dma_semaphore, #tpu.memory_space<semaphore_mem>>)
        tpu.wait_dma2 semaphore(%run_scoped3A : memref<!tpu.dma_semaphore, #tpu.memory_space<semaphore_mem>>) src(%arg8 : memref<16x256xf32, #tpu.memory_space<vmem>>) dst(%arg15 : memref<16x256xf32, #tpu.memory_space<vmem_shared>>)
        tpu.yield
      }) : () -> ()
    } else {
    }
    %barrier3A = arith.constant 0 : index
    tpu.barrier barrier_id(%barrier3A)
    %scan3A_18 = arith.constant 0 : i32
    %scan3A_19 = arith.constant 0 : i32
    %scan3A_20 = arith.constant 392 : i32
    %scan3A_21 = arith.addi %scan3A_19, %scan3A_20 : i32
    %scan3A_22 = arith.constant 1 : i32
    %scan3A_23 = scf.for %scan3A_213 = %scan3A_19 to %scan3A_21 step %scan3A_22 iter_args(%scan3A_214 = %scan3A_18) -> (i32)  : i32 {
      %mul3A_215 = arith.constant 16 : i32
      %mul3A_216 = arith.muli %scan3A_213, %mul3A_215 : i32
      %get3A_217 = arith.index_cast %mul3A_216 : i32 to index
      %get3A_218 = tpu.vector_load %arg5[%get3A_217] {strides = array<i32>} : memref<6272xf32, #tpu.memory_space<vmem>>, vector<16xf32>,
      %bitcast_convert_type3A_219 = tpu.bitcast %get3A_218 : vector<16xf32> -> vector<16xi32>
      %shift_right_logical3A = arith.constant 24 : i32
      %shift_right_logical3A_220 = vector.broadcast %shift_right_logical3A : i32 to vector<16xi32>
      %shift_right_logical3A_221 = arith.shrui %bitcast_convert_type3A_219, %shift_right_logical3A_220 : vector<16xi32>
      %and3A = arith.constant 255 : i32
      %and3A_222 = vector.broadcast %and3A : i32 to vector<16xi32>
      %and3A_223 = arith.andi %shift_right_logical3A_221, %and3A_222 : vector<16xi32>
      tpu.vector_store_idx %arg7[%iota3A_2, %and3A_223], %broadcast_in_dim3A_3 {add = true} : memref<16x256xi32, #tpu.memory_space<vmem>>[vector<16xi32>, vector<16xi32>], vector<16xi32>,
      tpu.vector_store_idx %arg8[%iota3A_2, %and3A_223], %get3A_218 {add = true} : memref<16x256xf32, #tpu.memory_space<vmem>>[vector<16xi32>, vector<16xi32>], vector<16xf32>,
      %scan3A_224 = arith.constant 0 : i32
      scf.yield %scan3A_224 : i32
    }
    %scan3A_24 = arith.constant 392 : i32
    "tpu.region"() ({
      %run_scoped3A = tpu.sem_alloc : memref<!tpu.dma_semaphore, #tpu.memory_space<semaphore_mem>>
      %dma_start3A = arith.constant 0 : i32
      %dma_start3A_213 = arith.constant 0 : i32
      %dma_start3A_214 = tpu.memref_slice %arg14[%dma_start3A, %dma_start3A_213] : memref<16x256xi32, #tpu.memory_space<vmem_shared>> -> memref<16x256xi32, #tpu.memory_space<vmem_shared>>
      tpu.enqueue_indirect_dma source(%arg7 : memref<16x256xi32, #tpu.memory_space<vmem>>) target(%dma_start3A_214 : memref<16x256xi32, #tpu.memory_space<vmem_shared>>) offsets(%arg11 : memref<16xi32, #tpu.memory_space<vmem>>) semaphore(%run_scoped3A : memref<!tpu.dma_semaphore, #tpu.memory_space<semaphore_mem>>) {add = true}
      %dma_wait3A = arith.constant 0 : i32
      %dma_wait3A_215 = arith.constant 0 : i32
      %dma_wait3A_216 = tpu.memref_slice %arg14[%dma_wait3A, %dma_wait3A_215] : memref<16x256xi32, #tpu.memory_space<vmem_shared>> -> memref<16x256xi32, #tpu.memory_space<vmem_shared>>
      tpu.wait_indirect_dma semaphore(%run_scoped3A : memref<!tpu.dma_semaphore, #tpu.memory_space<semaphore_mem>>) src(%arg7 : memref<16x256xi32, #tpu.memory_space<vmem>>) dst(%dma_wait3A_216 : memref<16x256xi32, #tpu.memory_space<vmem_shared>>)
      tpu.yield
    }) : () -> ()
    "tpu.region"() ({
      %run_scoped3A = tpu.sem_alloc : memref<!tpu.dma_semaphore, #tpu.memory_space<semaphore_mem>>
      %dma_start3A = arith.constant 0 : i32
      %dma_start3A_213 = arith.constant 0 : i32
      %dma_start3A_214 = tpu.memref_slice %arg15[%dma_start3A, %dma_start3A_213] : memref<16x256xf32, #tpu.memory_space<vmem_shared>> -> memref<16x256xf32, #tpu.memory_space<vmem_shared>>
      tpu.enqueue_indirect_dma source(%arg8 : memref<16x256xf32, #tpu.memory_space<vmem>>) target(%dma_start3A_214 : memref<16x256xf32, #tpu.memory_space<vmem_shared>>) offsets(%arg11 : memref<16xi32, #tpu.memory_space<vmem>>) semaphore(%run_scoped3A : memref<!tpu.dma_semaphore, #tpu.memory_space<semaphore_mem>>) {add = true}
      %dma_wait3A = arith.constant 0 : i32
      %dma_wait3A_215 = arith.constant 0 : i32
      %dma_wait3A_216 = tpu.memref_slice %arg15[%dma_wait3A, %dma_wait3A_215] : memref<16x256xf32, #tpu.memory_space<vmem_shared>> -> memref<16x256xf32, #tpu.memory_space<vmem_shared>>
      tpu.wait_indirect_dma semaphore(%run_scoped3A : memref<!tpu.dma_semaphore, #tpu.memory_space<semaphore_mem>>) src(%arg8 : memref<16x256xf32, #tpu.memory_space<vmem>>) dst(%dma_wait3A_216 : memref<16x256xf32, #tpu.memory_space<vmem_shared>>)
      tpu.yield
    }) : () -> ()
    %scan3A_25 = arith.constant 0 : i32
    %scan3A_26 = arith.constant 0 : i32
    %scan3A_27 = arith.constant 16 : i32
    %scan3A_28 = arith.addi %scan3A_26, %scan3A_27 : i32
    %scan3A_29 = arith.constant 1 : i32
    %scan3A_30 = scf.for %scan3A_213 = %scan3A_26 to %scan3A_28 step %scan3A_29 iter_args(%scan3A_214 = %scan3A_25) -> (i32)  : i32 {
      %broadcast_in_dim3A_215 = arith.constant 0 : i32
      %broadcast_in_dim3A_216 = vector.broadcast %broadcast_in_dim3A_215 : i32 to vector<16xi32>
      %mul3A_217 = arith.constant 16 : i32
      %mul3A_218 = arith.muli %scan3A_213, %mul3A_217 : i32
      %swap3A_219 = arith.constant 0 : i32
      %swap3A_220 = arith.index_cast %swap3A_219 : i32 to index
      %swap3A_221 = arith.index_cast %mul3A_218 : i32 to index
      %swap3A_222 = tpu.vector_load %arg7[%swap3A_220, %swap3A_221] {strides = array<i32>} : memref<16x256xi32, #tpu.memory_space<vmem>>, vector<16xi32>,
      tpu.vector_store %arg7[%swap3A_220, %swap3A_221], %broadcast_in_dim3A_216 {strides = array<i32>} : memref<16x256xi32, #tpu.memory_space<vmem>>, vector<16xi32>,
      %broadcast_in_dim3A_223 = arith.constant 0.000000e+00 : f32
      %broadcast_in_dim3A_224 = vector.broadcast %broadcast_in_dim3A_223 : f32 to vector<16xf32>
      %mul3A_225 = arith.constant 16 : i32
      %mul3A_226 = arith.muli %scan3A_213, %mul3A_225 : i32
      %swap3A_227 = arith.constant 0 : i32
      %swap3A_228 = arith.index_cast %swap3A_227 : i32 to index
      %swap3A_229 = arith.index_cast %mul3A_226 : i32 to index
      %swap3A_230 = tpu.vector_load %arg8[%swap3A_228, %swap3A_229] {strides = array<i32>} : memref<16x256xf32, #tpu.memory_space<vmem>>, vector<16xf32>,
      tpu.vector_store %arg8[%swap3A_228, %swap3A_229], %broadcast_in_dim3A_224 {strides = array<i32>} : memref<16x256xf32, #tpu.memory_space<vmem>>, vector<16xf32>,
      %broadcast_in_dim3A_231 = arith.constant 0 : i32
      %broadcast_in_dim3A_232 = vector.broadcast %broadcast_in_dim3A_231 : i32 to vector<16xi32>
      %mul3A_233 = arith.constant 16 : i32
      %mul3A_234 = arith.muli %scan3A_213, %mul3A_233 : i32
      %swap3A_235 = arith.constant 1 : i32
      %swap3A_236 = arith.index_cast %swap3A_235 : i32 to index
      %swap3A_237 = arith.index_cast %mul3A_234 : i32 to index
      %swap3A_238 = tpu.vector_load %arg7[%swap3A_236, %swap3A_237] {strides = array<i32>} : memref<16x256xi32, #tpu.memory_space<vmem>>, vector<16xi32>,
      tpu.vector_store %arg7[%swap3A_236, %swap3A_237], %broadcast_in_dim3A_232 {strides = array<i32>} : memref<16x256xi32, #tpu.memory_space<vmem>>, vector<16xi32>,
      %broadcast_in_dim3A_239 = arith.constant 0.000000e+00 : f32
      %broadcast_in_dim3A_240 = vector.broadcast %broadcast_in_dim3A_239 : f32 to vector<16xf32>
      %mul3A_241 = arith.constant 16 : i32
      %mul3A_242 = arith.muli %scan3A_213, %mul3A_241 : i32
      %swap3A_243 = arith.constant 1 : i32
      %swap3A_244 = arith.index_cast %swap3A_243 : i32 to index
      %swap3A_245 = arith.index_cast %mul3A_242 : i32 to index
      %swap3A_246 = tpu.vector_load %arg8[%swap3A_244, %swap3A_245] {strides = array<i32>} : memref<16x256xf32, #tpu.memory_space<vmem>>, vector<16xf32>,
      tpu.vector_store %arg8[%swap3A_244, %swap3A_245], %broadcast_in_dim3A_240 {strides = array<i32>} : memref<16x256xf32, #tpu.memory_space<vmem>>, vector<16xf32>,
      %broadcast_in_dim3A_247 = arith.constant 0 : i32
      %broadcast_in_dim3A_248 = vector.broadcast %broadcast_in_dim3A_247 : i32 to vector<16xi32>
      %mul3A_249 = arith.constant 16 : i32
      %mul3A_250 = arith.muli %scan3A_213, %mul3A_249 : i32
      %swap3A_251 = arith.constant 2 : i32
      %swap3A_252 = arith.index_cast %swap3A_251 : i32 to index
      %swap3A_253 = arith.index_cast %mul3A_250 : i32 to index
      %swap3A_254 = tpu.vector_load %arg7[%swap3A_252, %swap3A_253] {strides = array<i32>} : memref<16x256xi32, #tpu.memory_space<vmem>>, vector<16xi32>,
      tpu.vector_store %arg7[%swap3A_252, %swap3A_253], %broadcast_in_dim3A_248 {strides = array<i32>} : memref<16x256xi32, #tpu.memory_space<vmem>>, vector<16xi32>,
      %broadcast_in_dim3A_255 = arith.constant 0.000000e+00 : f32
      %broadcast_in_dim3A_256 = vector.broadcast %broadcast_in_dim3A_255 : f32 to vector<16xf32>
      %mul3A_257 = arith.constant 16 : i32
      %mul3A_258 = arith.muli %scan3A_213, %mul3A_257 : i32
      %swap3A_259 = arith.constant 2 : i32
      %swap3A_260 = arith.index_cast %swap3A_259 : i32 to index
      %swap3A_261 = arith.index_cast %mul3A_258 : i32 to index
      %swap3A_262 = tpu.vector_load %arg8[%swap3A_260, %swap3A_261] {strides = array<i32>} : memref<16x256xf32, #tpu.memory_space<vmem>>, vector<16xf32>,
      tpu.vector_store %arg8[%swap3A_260, %swap3A_261], %broadcast_in_dim3A_256 {strides = array<i32>} : memref<16x256xf32, #tpu.memory_space<vmem>>, vector<16xf32>,
      %broadcast_in_dim3A_263 = arith.constant 0 : i32
      %broadcast_in_dim3A_264 = vector.broadcast %broadcast_in_dim3A_263 : i32 to vector<16xi32>
      %mul3A_265 = arith.constant 16 : i32
      %mul3A_266 = arith.muli %scan3A_213, %mul3A_265 : i32
      %swap3A_267 = arith.constant 3 : i32
      %swap3A_268 = arith.index_cast %swap3A_267 : i32 to index
      %swap3A_269 = arith.index_cast %mul3A_266 : i32 to index
      %swap3A_270 = tpu.vector_load %arg7[%swap3A_268, %swap3A_269] {strides = array<i32>} : memref<16x256xi32, #tpu.memory_space<vmem>>, vector<16xi32>,
      tpu.vector_store %arg7[%swap3A_268, %swap3A_269], %broadcast_in_dim3A_264 {strides = array<i32>} : memref<16x256xi32, #tpu.memory_space<vmem>>, vector<16xi32>,
      %broadcast_in_dim3A_271 = arith.constant 0.000000e+00 : f32
      %broadcast_in_dim3A_272 = vector.broadcast %broadcast_in_dim3A_271 : f32 to vector<16xf32>
      %mul3A_273 = arith.constant 16 : i32
      %mul3A_274 = arith.muli %scan3A_213, %mul3A_273 : i32
      %swap3A_275 = arith.constant 3 : i32
      %swap3A_276 = arith.index_cast %swap3A_275 : i32 to index
      %swap3A_277 = arith.index_cast %mul3A_274 : i32 to index
      %swap3A_278 = tpu.vector_load %arg8[%swap3A_276, %swap3A_277] {strides = array<i32>} : memref<16x256xf32, #tpu.memory_space<vmem>>, vector<16xf32>,
      tpu.vector_store %arg8[%swap3A_276, %swap3A_277], %broadcast_in_dim3A_272 {strides = array<i32>} : memref<16x256xf32, #tpu.memory_space<vmem>>, vector<16xf32>,
      %broadcast_in_dim3A_279 = arith.constant 0 : i32
      %broadcast_in_dim3A_280 = vector.broadcast %broadcast_in_dim3A_279 : i32 to vector<16xi32>
      %mul3A_281 = arith.constant 16 : i32
      %mul3A_282 = arith.muli %scan3A_213, %mul3A_281 : i32
      %swap3A_283 = arith.constant 4 : i32
      %swap3A_284 = arith.index_cast %swap3A_283 : i32 to index
      %swap3A_285 = arith.index_cast %mul3A_282 : i32 to index
      %swap3A_286 = tpu.vector_load %arg7[%swap3A_284, %swap3A_285] {strides = array<i32>} : memref<16x256xi32, #tpu.memory_space<vmem>>, vector<16xi32>,
      tpu.vector_store %arg7[%swap3A_284, %swap3A_285], %broadcast_in_dim3A_280 {strides = array<i32>} : memref<16x256xi32, #tpu.memory_space<vmem>>, vector<16xi32>,
      %broadcast_in_dim3A_287 = arith.constant 0.000000e+00 : f32
      %broadcast_in_dim3A_288 = vector.broadcast %broadcast_in_dim3A_287 : f32 to vector<16xf32>
      %mul3A_289 = arith.constant 16 : i32
      %mul3A_290 = arith.muli %scan3A_213, %mul3A_289 : i32
      %swap3A_291 = arith.constant 4 : i32
      %swap3A_292 = arith.index_cast %swap3A_291 : i32 to index
      %swap3A_293 = arith.index_cast %mul3A_290 : i32 to index
      %swap3A_294 = tpu.vector_load %arg8[%swap3A_292, %swap3A_293] {strides = array<i32>} : memref<16x256xf32, #tpu.memory_space<vmem>>, vector<16xf32>,
      tpu.vector_store %arg8[%swap3A_292, %swap3A_293], %broadcast_in_dim3A_288 {strides = array<i32>} : memref<16x256xf32, #tpu.memory_space<vmem>>, vector<16xf32>,
      %broadcast_in_dim3A_295 = arith.constant 0 : i32
      %broadcast_in_dim3A_296 = vector.broadcast %broadcast_in_dim3A_295 : i32 to vector<16xi32>
      %mul3A_297 = arith.constant 16 : i32
      %mul3A_298 = arith.muli %scan3A_213, %mul3A_297 : i32
      %swap3A_299 = arith.constant 5 : i32
      %swap3A_300 = arith.index_cast %swap3A_299 : i32 to index
      %swap3A_301 = arith.index_cast %mul3A_298 : i32 to index
      %swap3A_302 = tpu.vector_load %arg7[%swap3A_300, %swap3A_301] {strides = array<i32>} : memref<16x256xi32, #tpu.memory_space<vmem>>, vector<16xi32>,
      tpu.vector_store %arg7[%swap3A_300, %swap3A_301], %broadcast_in_dim3A_296 {strides = array<i32>} : memref<16x256xi32, #tpu.memory_space<vmem>>, vector<16xi32>,
      %broadcast_in_dim3A_303 = arith.constant 0.000000e+00 : f32
      %broadcast_in_dim3A_304 = vector.broadcast %broadcast_in_dim3A_303 : f32 to vector<16xf32>
      %mul3A_305 = arith.constant 16 : i32
      %mul3A_306 = arith.muli %scan3A_213, %mul3A_305 : i32
      %swap3A_307 = arith.constant 5 : i32
      %swap3A_308 = arith.index_cast %swap3A_307 : i32 to index
      %swap3A_309 = arith.index_cast %mul3A_306 : i32 to index
      %swap3A_310 = tpu.vector_load %arg8[%swap3A_308, %swap3A_309] {strides = array<i32>} : memref<16x256xf32, #tpu.memory_space<vmem>>, vector<16xf32>,
      tpu.vector_store %arg8[%swap3A_308, %swap3A_309], %broadcast_in_dim3A_304 {strides = array<i32>} : memref<16x256xf32, #tpu.memory_space<vmem>>, vector<16xf32>,
      %broadcast_in_dim3A_311 = arith.constant 0 : i32
      %broadcast_in_dim3A_312 = vector.broadcast %broadcast_in_dim3A_311 : i32 to vector<16xi32>
      %mul3A_313 = arith.constant 16 : i32
      %mul3A_314 = arith.muli %scan3A_213, %mul3A_313 : i32
      %swap3A_315 = arith.constant 6 : i32
      %swap3A_316 = arith.index_cast %swap3A_315 : i32 to index
      %swap3A_317 = arith.index_cast %mul3A_314 : i32 to index
      %swap3A_318 = tpu.vector_load %arg7[%swap3A_316, %swap3A_317] {strides = array<i32>} : memref<16x256xi32, #tpu.memory_space<vmem>>, vector<16xi32>,
      tpu.vector_store %arg7[%swap3A_316, %swap3A_317], %broadcast_in_dim3A_312 {strides = array<i32>} : memref<16x256xi32, #tpu.memory_space<vmem>>, vector<16xi32>,
      %broadcast_in_dim3A_319 = arith.constant 0.000000e+00 : f32
      %broadcast_in_dim3A_320 = vector.broadcast %broadcast_in_dim3A_319 : f32 to vector<16xf32>
      %mul3A_321 = arith.constant 16 : i32
      %mul3A_322 = arith.muli %scan3A_213, %mul3A_321 : i32
      %swap3A_323 = arith.constant 6 : i32
      %swap3A_324 = arith.index_cast %swap3A_323 : i32 to index
      %swap3A_325 = arith.index_cast %mul3A_322 : i32 to index
      %swap3A_326 = tpu.vector_load %arg8[%swap3A_324, %swap3A_325] {strides = array<i32>} : memref<16x256xf32, #tpu.memory_space<vmem>>, vector<16xf32>,
      tpu.vector_store %arg8[%swap3A_324, %swap3A_325], %broadcast_in_dim3A_320 {strides = array<i32>} : memref<16x256xf32, #tpu.memory_space<vmem>>, vector<16xf32>,
      %broadcast_in_dim3A_327 = arith.constant 0 : i32
      %broadcast_in_dim3A_328 = vector.broadcast %broadcast_in_dim3A_327 : i32 to vector<16xi32>
      %mul3A_329 = arith.constant 16 : i32
      %mul3A_330 = arith.muli %scan3A_213, %mul3A_329 : i32
      %swap3A_331 = arith.constant 7 : i32
      %swap3A_332 = arith.index_cast %swap3A_331 : i32 to index
      %swap3A_333 = arith.index_cast %mul3A_330 : i32 to index
      %swap3A_334 = tpu.vector_load %arg7[%swap3A_332, %swap3A_333] {strides = array<i32>} : memref<16x256xi32, #tpu.memory_space<vmem>>, vector<16xi32>,
      tpu.vector_store %arg7[%swap3A_332, %swap3A_333], %broadcast_in_dim3A_328 {strides = array<i32>} : memref<16x256xi32, #tpu.memory_space<vmem>>, vector<16xi32>,
      %broadcast_in_dim3A_335 = arith.constant 0.000000e+00 : f32
      %broadcast_in_dim3A_336 = vector.broadcast %broadcast_in_dim3A_335 : f32 to vector<16xf32>
      %mul3A_337 = arith.constant 16 : i32
      %mul3A_338 = arith.muli %scan3A_213, %mul3A_337 : i32
      %swap3A_339 = arith.constant 7 : i32
      %swap3A_340 = arith.index_cast %swap3A_339 : i32 to index
      %swap3A_341 = arith.index_cast %mul3A_338 : i32 to index
      %swap3A_342 = tpu.vector_load %arg8[%swap3A_340, %swap3A_341] {strides = array<i32>} : memref<16x256xf32, #tpu.memory_space<vmem>>, vector<16xf32>,
      tpu.vector_store %arg8[%swap3A_340, %swap3A_341], %broadcast_in_dim3A_336 {strides = array<i32>} : memref<16x256xf32, #tpu.memory_space<vmem>>, vector<16xf32>,
      %broadcast_in_dim3A_343 = arith.constant 0 : i32
      %broadcast_in_dim3A_344 = vector.broadcast %broadcast_in_dim3A_343 : i32 to vector<16xi32>
      %mul3A_345 = arith.constant 16 : i32
      %mul3A_346 = arith.muli %scan3A_213, %mul3A_345 : i32
      %swap3A_347 = arith.constant 8 : i32
      %swap3A_348 = arith.index_cast %swap3A_347 : i32 to index
      %swap3A_349 = arith.index_cast %mul3A_346 : i32 to index
      %swap3A_350 = tpu.vector_load %arg7[%swap3A_348, %swap3A_349] {strides = array<i32>} : memref<16x256xi32, #tpu.memory_space<vmem>>, vector<16xi32>,
      tpu.vector_store %arg7[%swap3A_348, %swap3A_349], %broadcast_in_dim3A_344 {strides = array<i32>} : memref<16x256xi32, #tpu.memory_space<vmem>>, vector<16xi32>,
      %broadcast_in_dim3A_351 = arith.constant 0.000000e+00 : f32
      %broadcast_in_dim3A_352 = vector.broadcast %broadcast_in_dim3A_351 : f32 to vector<16xf32>
      %mul3A_353 = arith.constant 16 : i32
      %mul3A_354 = arith.muli %scan3A_213, %mul3A_353 : i32
      %swap3A_355 = arith.constant 8 : i32
      %swap3A_356 = arith.index_cast %swap3A_355 : i32 to index
      %swap3A_357 = arith.index_cast %mul3A_354 : i32 to index
      %swap3A_358 = tpu.vector_load %arg8[%swap3A_356, %swap3A_357] {strides = array<i32>} : memref<16x256xf32, #tpu.memory_space<vmem>>, vector<16xf32>,
      tpu.vector_store %arg8[%swap3A_356, %swap3A_357], %broadcast_in_dim3A_352 {strides = array<i32>} : memref<16x256xf32, #tpu.memory_space<vmem>>, vector<16xf32>,
      %broadcast_in_dim3A_359 = arith.constant 0 : i32
      %broadcast_in_dim3A_360 = vector.broadcast %broadcast_in_dim3A_359 : i32 to vector<16xi32>
      %mul3A_361 = arith.constant 16 : i32
      %mul3A_362 = arith.muli %scan3A_213, %mul3A_361 : i32
      %swap3A_363 = arith.constant 9 : i32
      %swap3A_364 = arith.index_cast %swap3A_363 : i32 to index
      %swap3A_365 = arith.index_cast %mul3A_362 : i32 to index
      %swap3A_366 = tpu.vector_load %arg7[%swap3A_364, %swap3A_365] {strides = array<i32>} : memref<16x256xi32, #tpu.memory_space<vmem>>, vector<16xi32>,
      tpu.vector_store %arg7[%swap3A_364, %swap3A_365], %broadcast_in_dim3A_360 {strides = array<i32>} : memref<16x256xi32, #tpu.memory_space<vmem>>, vector<16xi32>,
      %broadcast_in_dim3A_367 = arith.constant 0.000000e+00 : f32
      %broadcast_in_dim3A_368 = vector.broadcast %broadcast_in_dim3A_367 : f32 to vector<16xf32>
      %mul3A_369 = arith.constant 16 : i32
      %mul3A_370 = arith.muli %scan3A_213, %mul3A_369 : i32
      %swap3A_371 = arith.constant 9 : i32
      %swap3A_372 = arith.index_cast %swap3A_371 : i32 to index
      %swap3A_373 = arith.index_cast %mul3A_370 : i32 to index
      %swap3A_374 = tpu.vector_load %arg8[%swap3A_372, %swap3A_373] {strides = array<i32>} : memref<16x256xf32, #tpu.memory_space<vmem>>, vector<16xf32>,
      tpu.vector_store %arg8[%swap3A_372, %swap3A_373], %broadcast_in_dim3A_368 {strides = array<i32>} : memref<16x256xf32, #tpu.memory_space<vmem>>, vector<16xf32>,
      %broadcast_in_dim3A_375 = arith.constant 0 : i32
      %broadcast_in_dim3A_376 = vector.broadcast %broadcast_in_dim3A_375 : i32 to vector<16xi32>
      %mul3A_377 = arith.constant 16 : i32
      %mul3A_378 = arith.muli %scan3A_213, %mul3A_377 : i32
      %swap3A_379 = arith.constant 10 : i32
      %swap3A_380 = arith.index_cast %swap3A_379 : i32 to index
      %swap3A_381 = arith.index_cast %mul3A_378 : i32 to index
      %swap3A_382 = tpu.vector_load %arg7[%swap3A_380, %swap3A_381] {strides = array<i32>} : memref<16x256xi32, #tpu.memory_space<vmem>>, vector<16xi32>,
      tpu.vector_store %arg7[%swap3A_380, %swap3A_381], %broadcast_in_dim3A_376 {strides = array<i32>} : memref<16x256xi32, #tpu.memory_space<vmem>>, vector<16xi32>,
      %broadcast_in_dim3A_383 = arith.constant 0.000000e+00 : f32
      %broadcast_in_dim3A_384 = vector.broadcast %broadcast_in_dim3A_383 : f32 to vector<16xf32>
      %mul3A_385 = arith.constant 16 : i32
      %mul3A_386 = arith.muli %scan3A_213, %mul3A_385 : i32
      %swap3A_387 = arith.constant 10 : i32
      %swap3A_388 = arith.index_cast %swap3A_387 : i32 to index
      %swap3A_389 = arith.index_cast %mul3A_386 : i32 to index
      %swap3A_390 = tpu.vector_load %arg8[%swap3A_388, %swap3A_389] {strides = array<i32>} : memref<16x256xf32, #tpu.memory_space<vmem>>, vector<16xf32>,
      tpu.vector_store %arg8[%swap3A_388, %swap3A_389], %broadcast_in_dim3A_384 {strides = array<i32>} : memref<16x256xf32, #tpu.memory_space<vmem>>, vector<16xf32>,
      %broadcast_in_dim3A_391 = arith.constant 0 : i32
      %broadcast_in_dim3A_392 = vector.broadcast %broadcast_in_dim3A_391 : i32 to vector<16xi32>
      %mul3A_393 = arith.constant 16 : i32
      %mul3A_394 = arith.muli %scan3A_213, %mul3A_393 : i32
      %swap3A_395 = arith.constant 11 : i32
      %swap3A_396 = arith.index_cast %swap3A_395 : i32 to index
      %swap3A_397 = arith.index_cast %mul3A_394 : i32 to index
      %swap3A_398 = tpu.vector_load %arg7[%swap3A_396, %swap3A_397] {strides = array<i32>} : memref<16x256xi32, #tpu.memory_space<vmem>>, vector<16xi32>,
      tpu.vector_store %arg7[%swap3A_396, %swap3A_397], %broadcast_in_dim3A_392 {strides = array<i32>} : memref<16x256xi32, #tpu.memory_space<vmem>>, vector<16xi32>,
      %broadcast_in_dim3A_399 = arith.constant 0.000000e+00 : f32
      %broadcast_in_dim3A_400 = vector.broadcast %broadcast_in_dim3A_399 : f32 to vector<16xf32>
      %mul3A_401 = arith.constant 16 : i32
      %mul3A_402 = arith.muli %scan3A_213, %mul3A_401 : i32
      %swap3A_403 = arith.constant 11 : i32
      %swap3A_404 = arith.index_cast %swap3A_403 : i32 to index
      %swap3A_405 = arith.index_cast %mul3A_402 : i32 to index
      %swap3A_406 = tpu.vector_load %arg8[%swap3A_404, %swap3A_405] {strides = array<i32>} : memref<16x256xf32, #tpu.memory_space<vmem>>, vector<16xf32>,
      tpu.vector_store %arg8[%swap3A_404, %swap3A_405], %broadcast_in_dim3A_400 {strides = array<i32>} : memref<16x256xf32, #tpu.memory_space<vmem>>, vector<16xf32>,
      %broadcast_in_dim3A_407 = arith.constant 0 : i32
      %broadcast_in_dim3A_408 = vector.broadcast %broadcast_in_dim3A_407 : i32 to vector<16xi32>
      %mul3A_409 = arith.constant 16 : i32
      %mul3A_410 = arith.muli %scan3A_213, %mul3A_409 : i32
      %swap3A_411 = arith.constant 12 : i32
      %swap3A_412 = arith.index_cast %swap3A_411 : i32 to index
      %swap3A_413 = arith.index_cast %mul3A_410 : i32 to index
      %swap3A_414 = tpu.vector_load %arg7[%swap3A_412, %swap3A_413] {strides = array<i32>} : memref<16x256xi32, #tpu.memory_space<vmem>>, vector<16xi32>,
      tpu.vector_store %arg7[%swap3A_412, %swap3A_413], %broadcast_in_dim3A_408 {strides = array<i32>} : memref<16x256xi32, #tpu.memory_space<vmem>>, vector<16xi32>,
      %broadcast_in_dim3A_415 = arith.constant 0.000000e+00 : f32
      %broadcast_in_dim3A_416 = vector.broadcast %broadcast_in_dim3A_415 : f32 to vector<16xf32>
      %mul3A_417 = arith.constant 16 : i32
      %mul3A_418 = arith.muli %scan3A_213, %mul3A_417 : i32
      %swap3A_419 = arith.constant 12 : i32
      %swap3A_420 = arith.index_cast %swap3A_419 : i32 to index
      %swap3A_421 = arith.index_cast %mul3A_418 : i32 to index
      %swap3A_422 = tpu.vector_load %arg8[%swap3A_420, %swap3A_421] {strides = array<i32>} : memref<16x256xf32, #tpu.memory_space<vmem>>, vector<16xf32>,
      tpu.vector_store %arg8[%swap3A_420, %swap3A_421], %broadcast_in_dim3A_416 {strides = array<i32>} : memref<16x256xf32, #tpu.memory_space<vmem>>, vector<16xf32>,
      %broadcast_in_dim3A_423 = arith.constant 0 : i32
      %broadcast_in_dim3A_424 = vector.broadcast %broadcast_in_dim3A_423 : i32 to vector<16xi32>
      %mul3A_425 = arith.constant 16 : i32
      %mul3A_426 = arith.muli %scan3A_213, %mul3A_425 : i32
      %swap3A_427 = arith.constant 13 : i32
      %swap3A_428 = arith.index_cast %swap3A_427 : i32 to index
      %swap3A_429 = arith.index_cast %mul3A_426 : i32 to index
      %swap3A_430 = tpu.vector_load %arg7[%swap3A_428, %swap3A_429] {strides = array<i32>} : memref<16x256xi32, #tpu.memory_space<vmem>>, vector<16xi32>,
      tpu.vector_store %arg7[%swap3A_428, %swap3A_429], %broadcast_in_dim3A_424 {strides = array<i32>} : memref<16x256xi32, #tpu.memory_space<vmem>>, vector<16xi32>,
      %broadcast_in_dim3A_431 = arith.constant 0.000000e+00 : f32
      %broadcast_in_dim3A_432 = vector.broadcast %broadcast_in_dim3A_431 : f32 to vector<16xf32>
      %mul3A_433 = arith.constant 16 : i32
      %mul3A_434 = arith.muli %scan3A_213, %mul3A_433 : i32
      %swap3A_435 = arith.constant 13 : i32
      %swap3A_436 = arith.index_cast %swap3A_435 : i32 to index
      %swap3A_437 = arith.index_cast %mul3A_434 : i32 to index
      %swap3A_438 = tpu.vector_load %arg8[%swap3A_436, %swap3A_437] {strides = array<i32>} : memref<16x256xf32, #tpu.memory_space<vmem>>, vector<16xf32>,
      tpu.vector_store %arg8[%swap3A_436, %swap3A_437], %broadcast_in_dim3A_432 {strides = array<i32>} : memref<16x256xf32, #tpu.memory_space<vmem>>, vector<16xf32>,
      %broadcast_in_dim3A_439 = arith.constant 0 : i32
      %broadcast_in_dim3A_440 = vector.broadcast %broadcast_in_dim3A_439 : i32 to vector<16xi32>
      %mul3A_441 = arith.constant 16 : i32
      %mul3A_442 = arith.muli %scan3A_213, %mul3A_441 : i32
      %swap3A_443 = arith.constant 14 : i32
      %swap3A_444 = arith.index_cast %swap3A_443 : i32 to index
      %swap3A_445 = arith.index_cast %mul3A_442 : i32 to index
      %swap3A_446 = tpu.vector_load %arg7[%swap3A_444, %swap3A_445] {strides = array<i32>} : memref<16x256xi32, #tpu.memory_space<vmem>>, vector<16xi32>,
      tpu.vector_store %arg7[%swap3A_444, %swap3A_445], %broadcast_in_dim3A_440 {strides = array<i32>} : memref<16x256xi32, #tpu.memory_space<vmem>>, vector<16xi32>,
      %broadcast_in_dim3A_447 = arith.constant 0.000000e+00 : f32
      %broadcast_in_dim3A_448 = vector.broadcast %broadcast_in_dim3A_447 : f32 to vector<16xf32>
      %mul3A_449 = arith.constant 16 : i32
      %mul3A_450 = arith.muli %scan3A_213, %mul3A_449 : i32
      %swap3A_451 = arith.constant 14 : i32
      %swap3A_452 = arith.index_cast %swap3A_451 : i32 to index
      %swap3A_453 = arith.index_cast %mul3A_450 : i32 to index
      %swap3A_454 = tpu.vector_load %arg8[%swap3A_452, %swap3A_453] {strides = array<i32>} : memref<16x256xf32, #tpu.memory_space<vmem>>, vector<16xf32>,
      tpu.vector_store %arg8[%swap3A_452, %swap3A_453], %broadcast_in_dim3A_448 {strides = array<i32>} : memref<16x256xf32, #tpu.memory_space<vmem>>, vector<16xf32>,
      %broadcast_in_dim3A_455 = arith.constant 0 : i32
      %broadcast_in_dim3A_456 = vector.broadcast %broadcast_in_dim3A_455 : i32 to vector<16xi32>
      %mul3A_457 = arith.constant 16 : i32
      %mul3A_458 = arith.muli %scan3A_213, %mul3A_457 : i32
      %swap3A_459 = arith.constant 15 : i32
      %swap3A_460 = arith.index_cast %swap3A_459 : i32 to index
      %swap3A_461 = arith.index_cast %mul3A_458 : i32 to index
      %swap3A_462 = tpu.vector_load %arg7[%swap3A_460, %swap3A_461] {strides = array<i32>} : memref<16x256xi32, #tpu.memory_space<vmem>>, vector<16xi32>,
      tpu.vector_store %arg7[%swap3A_460, %swap3A_461], %broadcast_in_dim3A_456 {strides = array<i32>} : memref<16x256xi32, #tpu.memory_space<vmem>>, vector<16xi32>,
      %broadcast_in_dim3A_463 = arith.constant 0.000000e+00 : f32
      %broadcast_in_dim3A_464 = vector.broadcast %broadcast_in_dim3A_463 : f32 to vector<16xf32>
      %mul3A_465 = arith.constant 16 : i32
      %mul3A_466 = arith.muli %scan3A_213, %mul3A_465 : i32
      %swap3A_467 = arith.constant 15 : i32
      %swap3A_468 = arith.index_cast %swap3A_467 : i32 to index
      %swap3A_469 = arith.index_cast %mul3A_466 : i32 to index
      %swap3A_470 = tpu.vector_load %arg8[%swap3A_468, %swap3A_469] {strides = array<i32>} : memref<16x256xf32, #tpu.memory_space<vmem>>, vector<16xf32>,
      tpu.vector_store %arg8[%swap3A_468, %swap3A_469], %broadcast_in_dim3A_464 {strides = array<i32>} : memref<16x256xf32, #tpu.memory_space<vmem>>, vector<16xf32>,
      %scan3A_471 = arith.constant 0 : i32
      scf.yield %scan3A_471 : i32
    }
    %scan3A_31 = arith.constant 16 : i32
    %barrier3A_32 = arith.constant 0 : index
    tpu.barrier barrier_id(%barrier3A_32)
    "tpu.region"() ({
      %run_scoped3A = tpu.sem_alloc : memref<!tpu.dma_semaphore, #tpu.memory_space<semaphore_mem>>
      tpu.enqueue_dma source(%arg14 : memref<16x256xi32, #tpu.memory_space<vmem_shared>>) target(%arg9 : memref<16x256xi32, #tpu.memory_space<vmem>>) target_semaphore(%run_scoped3A : memref<!tpu.dma_semaphore, #tpu.memory_space<semaphore_mem>>)
      tpu.wait_dma2 semaphore(%run_scoped3A : memref<!tpu.dma_semaphore, #tpu.memory_space<semaphore_mem>>) src(%arg14 : memref<16x256xi32, #tpu.memory_space<vmem_shared>>) dst(%arg9 : memref<16x256xi32, #tpu.memory_space<vmem>>)
      tpu.yield
    }) : () -> ()
    "tpu.region"() ({
      %run_scoped3A = tpu.sem_alloc : memref<!tpu.dma_semaphore, #tpu.memory_space<semaphore_mem>>
      tpu.enqueue_dma source(%arg15 : memref<16x256xf32, #tpu.memory_space<vmem_shared>>) target(%arg10 : memref<16x256xf32, #tpu.memory_space<vmem>>) target_semaphore(%run_scoped3A : memref<!tpu.dma_semaphore, #tpu.memory_space<semaphore_mem>>)
      tpu.wait_dma2 semaphore(%run_scoped3A : memref<!tpu.dma_semaphore, #tpu.memory_space<semaphore_mem>>) src(%arg15 : memref<16x256xf32, #tpu.memory_space<vmem_shared>>) dst(%arg10 : memref<16x256xf32, #tpu.memory_space<vmem>>)
      tpu.yield
    }) : () -> ()
    %barrier3A_33 = arith.constant 0 : index
    tpu.barrier barrier_id(%barrier3A_33)
    %scan3A_34 = arith.constant false
    %scan3A_35 = arith.constant 0 : i32
    %scan3A_36 = arith.constant 0 : i32
    %scan3A_37 = arith.constant 0.000000e+00 : f32
    %scan3A_38 = arith.constant 0 : i32
    %scan3A_39 = arith.constant 0.000000e+00 : f32
    %scan3A_40 = arith.constant 0 : i32
    %scan3A_41 = arith.constant 16 : i32
    %scan3A_42 = arith.addi %scan3A_40, %scan3A_41 : i32
    %scan3A_43 = arith.constant 1 : i32
    %scan3A_44:6 = scf.for %scan3A_213 = %scan3A_40 to %scan3A_42 step %scan3A_43 iter_args(%scan3A_214 = %scan3A_34, %scan3A_215 = %scan3A_35, %scan3A_216 = %scan3A_36, %scan3A_217 = %scan3A_37, %scan3A_218 = %scan3A_38, %scan3A_219 = %scan3A_39) -> (i1, i32, i32, f32, i32, f32)  : i32 {
      %sub3A_220 = arith.constant 15 : i32
      %sub3A_221 = arith.subi %sub3A_220, %scan3A_213 : i32
      %broadcast_in_dim3A_222 = arith.constant 0 : i32
      %broadcast_in_dim3A_223 = vector.broadcast %broadcast_in_dim3A_222 : i32 to vector<16xi32>
      %broadcast_in_dim3A_224 = arith.constant 0.000000e+00 : f32
      %broadcast_in_dim3A_225 = vector.broadcast %broadcast_in_dim3A_224 : f32 to vector<16xf32>
      %mul3A_226 = arith.constant 16 : i32
      %mul3A_227 = arith.muli %sub3A_221, %mul3A_226 : i32
      %get3A_228 = arith.constant 0 : i32
      %get3A_229 = arith.index_cast %get3A_228 : i32 to index
      %get3A_230 = arith.index_cast %mul3A_227 : i32 to index
      %get3A_231 = tpu.vector_load %arg9[%get3A_229, %get3A_230] {strides = array<i32>} : memref<16x256xi32, #tpu.memory_space<vmem>>, vector<16xi32>,
      %add3A_232 = arith.addi %broadcast_in_dim3A_223, %get3A_231 : vector<16xi32>
      %mul3A_233 = arith.constant 16 : i32
      %mul3A_234 = arith.muli %sub3A_221, %mul3A_233 : i32
      %get3A_235 = arith.constant 0 : i32
      %get3A_236 = arith.index_cast %get3A_235 : i32 to index
      %get3A_237 = arith.index_cast %mul3A_234 : i32 to index
      %get3A_238 = tpu.vector_load %arg10[%get3A_236, %get3A_237] {strides = array<i32>} : memref<16x256xf32, #tpu.memory_space<vmem>>, vector<16xf32>,
      %add3A_239 = arith.addf %broadcast_in_dim3A_225, %get3A_238 : vector<16xf32>
      %mul3A_240 = arith.constant 16 : i32
      %mul3A_241 = arith.muli %sub3A_221, %mul3A_240 : i32
      %get3A_242 = arith.constant 1 : i32
      %get3A_243 = arith.index_cast %get3A_242 : i32 to index
      %get3A_244 = arith.index_cast %mul3A_241 : i32 to index
      %get3A_245 = tpu.vector_load %arg9[%get3A_243, %get3A_244] {strides = array<i32>} : memref<16x256xi32, #tpu.memory_space<vmem>>, vector<16xi32>,
      %add3A_246 = arith.addi %add3A_232, %get3A_245 : vector<16xi32>
      %mul3A_247 = arith.constant 16 : i32
      %mul3A_248 = arith.muli %sub3A_221, %mul3A_247 : i32
      %get3A_249 = arith.constant 1 : i32
      %get3A_250 = arith.index_cast %get3A_249 : i32 to index
      %get3A_251 = arith.index_cast %mul3A_248 : i32 to index
      %get3A_252 = tpu.vector_load %arg10[%get3A_250, %get3A_251] {strides = array<i32>} : memref<16x256xf32, #tpu.memory_space<vmem>>, vector<16xf32>,
      %add3A_253 = arith.addf %add3A_239, %get3A_252 : vector<16xf32>
      %mul3A_254 = arith.constant 16 : i32
      %mul3A_255 = arith.muli %sub3A_221, %mul3A_254 : i32
      %get3A_256 = arith.constant 2 : i32
      %get3A_257 = arith.index_cast %get3A_256 : i32 to index
      %get3A_258 = arith.index_cast %mul3A_255 : i32 to index
      %get3A_259 = tpu.vector_load %arg9[%get3A_257, %get3A_258] {strides = array<i32>} : memref<16x256xi32, #tpu.memory_space<vmem>>, vector<16xi32>,
      %add3A_260 = arith.addi %add3A_246, %get3A_259 : vector<16xi32>
      %mul3A_261 = arith.constant 16 : i32
      %mul3A_262 = arith.muli %sub3A_221, %mul3A_261 : i32
      %get3A_263 = arith.constant 2 : i32
      %get3A_264 = arith.index_cast %get3A_263 : i32 to index
      %get3A_265 = arith.index_cast %mul3A_262 : i32 to index
      %get3A_266 = tpu.vector_load %arg10[%get3A_264, %get3A_265] {strides = array<i32>} : memref<16x256xf32, #tpu.memory_space<vmem>>, vector<16xf32>,
      %add3A_267 = arith.addf %add3A_253, %get3A_266 : vector<16xf32>
      %mul3A_268 = arith.constant 16 : i32
      %mul3A_269 = arith.muli %sub3A_221, %mul3A_268 : i32
      %get3A_270 = arith.constant 3 : i32
      %get3A_271 = arith.index_cast %get3A_270 : i32 to index
      %get3A_272 = arith.index_cast %mul3A_269 : i32 to index
      %get3A_273 = tpu.vector_load %arg9[%get3A_271, %get3A_272] {strides = array<i32>} : memref<16x256xi32, #tpu.memory_space<vmem>>, vector<16xi32>,
      %add3A_274 = arith.addi %add3A_260, %get3A_273 : vector<16xi32>
      %mul3A_275 = arith.constant 16 : i32
      %mul3A_276 = arith.muli %sub3A_221, %mul3A_275 : i32
      %get3A_277 = arith.constant 3 : i32
      %get3A_278 = arith.index_cast %get3A_277 : i32 to index
      %get3A_279 = arith.index_cast %mul3A_276 : i32 to index
      %get3A_280 = tpu.vector_load %arg10[%get3A_278, %get3A_279] {strides = array<i32>} : memref<16x256xf32, #tpu.memory_space<vmem>>, vector<16xf32>,
      %add3A_281 = arith.addf %add3A_267, %get3A_280 : vector<16xf32>
      %mul3A_282 = arith.constant 16 : i32
      %mul3A_283 = arith.muli %sub3A_221, %mul3A_282 : i32
      %get3A_284 = arith.constant 4 : i32
      %get3A_285 = arith.index_cast %get3A_284 : i32 to index
      %get3A_286 = arith.index_cast %mul3A_283 : i32 to index
      %get3A_287 = tpu.vector_load %arg9[%get3A_285, %get3A_286] {strides = array<i32>} : memref<16x256xi32, #tpu.memory_space<vmem>>, vector<16xi32>,
      %add3A_288 = arith.addi %add3A_274, %get3A_287 : vector<16xi32>
      %mul3A_289 = arith.constant 16 : i32
      %mul3A_290 = arith.muli %sub3A_221, %mul3A_289 : i32
      %get3A_291 = arith.constant 4 : i32
      %get3A_292 = arith.index_cast %get3A_291 : i32 to index
      %get3A_293 = arith.index_cast %mul3A_290 : i32 to index
      %get3A_294 = tpu.vector_load %arg10[%get3A_292, %get3A_293] {strides = array<i32>} : memref<16x256xf32, #tpu.memory_space<vmem>>, vector<16xf32>,
      %add3A_295 = arith.addf %add3A_281, %get3A_294 : vector<16xf32>
      %mul3A_296 = arith.constant 16 : i32
      %mul3A_297 = arith.muli %sub3A_221, %mul3A_296 : i32
      %get3A_298 = arith.constant 5 : i32
      %get3A_299 = arith.index_cast %get3A_298 : i32 to index
      %get3A_300 = arith.index_cast %mul3A_297 : i32 to index
      %get3A_301 = tpu.vector_load %arg9[%get3A_299, %get3A_300] {strides = array<i32>} : memref<16x256xi32, #tpu.memory_space<vmem>>, vector<16xi32>,
      %add3A_302 = arith.addi %add3A_288, %get3A_301 : vector<16xi32>
      %mul3A_303 = arith.constant 16 : i32
      %mul3A_304 = arith.muli %sub3A_221, %mul3A_303 : i32
      %get3A_305 = arith.constant 5 : i32
      %get3A_306 = arith.index_cast %get3A_305 : i32 to index
      %get3A_307 = arith.index_cast %mul3A_304 : i32 to index
      %get3A_308 = tpu.vector_load %arg10[%get3A_306, %get3A_307] {strides = array<i32>} : memref<16x256xf32, #tpu.memory_space<vmem>>, vector<16xf32>,
      %add3A_309 = arith.addf %add3A_295, %get3A_308 : vector<16xf32>
      %mul3A_310 = arith.constant 16 : i32
      %mul3A_311 = arith.muli %sub3A_221, %mul3A_310 : i32
      %get3A_312 = arith.constant 6 : i32
      %get3A_313 = arith.index_cast %get3A_312 : i32 to index
      %get3A_314 = arith.index_cast %mul3A_311 : i32 to index
      %get3A_315 = tpu.vector_load %arg9[%get3A_313, %get3A_314] {strides = array<i32>} : memref<16x256xi32, #tpu.memory_space<vmem>>, vector<16xi32>,
      %add3A_316 = arith.addi %add3A_302, %get3A_315 : vector<16xi32>
      %mul3A_317 = arith.constant 16 : i32
      %mul3A_318 = arith.muli %sub3A_221, %mul3A_317 : i32
      %get3A_319 = arith.constant 6 : i32
      %get3A_320 = arith.index_cast %get3A_319 : i32 to index
      %get3A_321 = arith.index_cast %mul3A_318 : i32 to index
      %get3A_322 = tpu.vector_load %arg10[%get3A_320, %get3A_321] {strides = array<i32>} : memref<16x256xf32, #tpu.memory_space<vmem>>, vector<16xf32>,
      %add3A_323 = arith.addf %add3A_309, %get3A_322 : vector<16xf32>
      %mul3A_324 = arith.constant 16 : i32
      %mul3A_325 = arith.muli %sub3A_221, %mul3A_324 : i32
      %get3A_326 = arith.constant 7 : i32
      %get3A_327 = arith.index_cast %get3A_326 : i32 to index
      %get3A_328 = arith.index_cast %mul3A_325 : i32 to index
      %get3A_329 = tpu.vector_load %arg9[%get3A_327, %get3A_328] {strides = array<i32>} : memref<16x256xi32, #tpu.memory_space<vmem>>, vector<16xi32>,
      %add3A_330 = arith.addi %add3A_316, %get3A_329 : vector<16xi32>
      %mul3A_331 = arith.constant 16 : i32
      %mul3A_332 = arith.muli %sub3A_221, %mul3A_331 : i32
      %get3A_333 = arith.constant 7 : i32
      %get3A_334 = arith.index_cast %get3A_333 : i32 to index
      %get3A_335 = arith.index_cast %mul3A_332 : i32 to index
      %get3A_336 = tpu.vector_load %arg10[%get3A_334, %get3A_335] {strides = array<i32>} : memref<16x256xf32, #tpu.memory_space<vmem>>, vector<16xf32>,
      %add3A_337 = arith.addf %add3A_323, %get3A_336 : vector<16xf32>
      %mul3A_338 = arith.constant 16 : i32
      %mul3A_339 = arith.muli %sub3A_221, %mul3A_338 : i32
      %get3A_340 = arith.constant 8 : i32
      %get3A_341 = arith.index_cast %get3A_340 : i32 to index
      %get3A_342 = arith.index_cast %mul3A_339 : i32 to index
      %get3A_343 = tpu.vector_load %arg9[%get3A_341, %get3A_342] {strides = array<i32>} : memref<16x256xi32, #tpu.memory_space<vmem>>, vector<16xi32>,
      %add3A_344 = arith.addi %add3A_330, %get3A_343 : vector<16xi32>
      %mul3A_345 = arith.constant 16 : i32
      %mul3A_346 = arith.muli %sub3A_221, %mul3A_345 : i32
      %get3A_347 = arith.constant 8 : i32
      %get3A_348 = arith.index_cast %get3A_347 : i32 to index
      %get3A_349 = arith.index_cast %mul3A_346 : i32 to index
      %get3A_350 = tpu.vector_load %arg10[%get3A_348, %get3A_349] {strides = array<i32>} : memref<16x256xf32, #tpu.memory_space<vmem>>, vector<16xf32>,
      %add3A_351 = arith.addf %add3A_337, %get3A_350 : vector<16xf32>
      %mul3A_352 = arith.constant 16 : i32
      %mul3A_353 = arith.muli %sub3A_221, %mul3A_352 : i32
      %get3A_354 = arith.constant 9 : i32
      %get3A_355 = arith.index_cast %get3A_354 : i32 to index
      %get3A_356 = arith.index_cast %mul3A_353 : i32 to index
      %get3A_357 = tpu.vector_load %arg9[%get3A_355, %get3A_356] {strides = array<i32>} : memref<16x256xi32, #tpu.memory_space<vmem>>, vector<16xi32>,
      %add3A_358 = arith.addi %add3A_344, %get3A_357 : vector<16xi32>
      %mul3A_359 = arith.constant 16 : i32
      %mul3A_360 = arith.muli %sub3A_221, %mul3A_359 : i32
      %get3A_361 = arith.constant 9 : i32
      %get3A_362 = arith.index_cast %get3A_361 : i32 to index
      %get3A_363 = arith.index_cast %mul3A_360 : i32 to index
      %get3A_364 = tpu.vector_load %arg10[%get3A_362, %get3A_363] {strides = array<i32>} : memref<16x256xf32, #tpu.memory_space<vmem>>, vector<16xf32>,
      %add3A_365 = arith.addf %add3A_351, %get3A_364 : vector<16xf32>
      %mul3A_366 = arith.constant 16 : i32
      %mul3A_367 = arith.muli %sub3A_221, %mul3A_366 : i32
      %get3A_368 = arith.constant 10 : i32
      %get3A_369 = arith.index_cast %get3A_368 : i32 to index
      %get3A_370 = arith.index_cast %mul3A_367 : i32 to index
      %get3A_371 = tpu.vector_load %arg9[%get3A_369, %get3A_370] {strides = array<i32>} : memref<16x256xi32, #tpu.memory_space<vmem>>, vector<16xi32>,
      %add3A_372 = arith.addi %add3A_358, %get3A_371 : vector<16xi32>
      %mul3A_373 = arith.constant 16 : i32
      %mul3A_374 = arith.muli %sub3A_221, %mul3A_373 : i32
      %get3A_375 = arith.constant 10 : i32
      %get3A_376 = arith.index_cast %get3A_375 : i32 to index
      %get3A_377 = arith.index_cast %mul3A_374 : i32 to index
      %get3A_378 = tpu.vector_load %arg10[%get3A_376, %get3A_377] {strides = array<i32>} : memref<16x256xf32, #tpu.memory_space<vmem>>, vector<16xf32>,
      %add3A_379 = arith.addf %add3A_365, %get3A_378 : vector<16xf32>
      %mul3A_380 = arith.constant 16 : i32
      %mul3A_381 = arith.muli %sub3A_221, %mul3A_380 : i32
      %get3A_382 = arith.constant 11 : i32
      %get3A_383 = arith.index_cast %get3A_382 : i32 to index
      %get3A_384 = arith.index_cast %mul3A_381 : i32 to index
      %get3A_385 = tpu.vector_load %arg9[%get3A_383, %get3A_384] {strides = array<i32>} : memref<16x256xi32, #tpu.memory_space<vmem>>, vector<16xi32>,
      %add3A_386 = arith.addi %add3A_372, %get3A_385 : vector<16xi32>
      %mul3A_387 = arith.constant 16 : i32
      %mul3A_388 = arith.muli %sub3A_221, %mul3A_387 : i32
      %get3A_389 = arith.constant 11 : i32
      %get3A_390 = arith.index_cast %get3A_389 : i32 to index
      %get3A_391 = arith.index_cast %mul3A_388 : i32 to index
      %get3A_392 = tpu.vector_load %arg10[%get3A_390, %get3A_391] {strides = array<i32>} : memref<16x256xf32, #tpu.memory_space<vmem>>, vector<16xf32>,
      %add3A_393 = arith.addf %add3A_379, %get3A_392 : vector<16xf32>
      %mul3A_394 = arith.constant 16 : i32
      %mul3A_395 = arith.muli %sub3A_221, %mul3A_394 : i32
      %get3A_396 = arith.constant 12 : i32
      %get3A_397 = arith.index_cast %get3A_396 : i32 to index
      %get3A_398 = arith.index_cast %mul3A_395 : i32 to index
      %get3A_399 = tpu.vector_load %arg9[%get3A_397, %get3A_398] {strides = array<i32>} : memref<16x256xi32, #tpu.memory_space<vmem>>, vector<16xi32>,
      %add3A_400 = arith.addi %add3A_386, %get3A_399 : vector<16xi32>
      %mul3A_401 = arith.constant 16 : i32
      %mul3A_402 = arith.muli %sub3A_221, %mul3A_401 : i32
      %get3A_403 = arith.constant 12 : i32
      %get3A_404 = arith.index_cast %get3A_403 : i32 to index
      %get3A_405 = arith.index_cast %mul3A_402 : i32 to index
      %get3A_406 = tpu.vector_load %arg10[%get3A_404, %get3A_405] {strides = array<i32>} : memref<16x256xf32, #tpu.memory_space<vmem>>, vector<16xf32>,
      %add3A_407 = arith.addf %add3A_393, %get3A_406 : vector<16xf32>
      %mul3A_408 = arith.constant 16 : i32
      %mul3A_409 = arith.muli %sub3A_221, %mul3A_408 : i32
      %get3A_410 = arith.constant 13 : i32
      %get3A_411 = arith.index_cast %get3A_410 : i32 to index
      %get3A_412 = arith.index_cast %mul3A_409 : i32 to index
      %get3A_413 = tpu.vector_load %arg9[%get3A_411, %get3A_412] {strides = array<i32>} : memref<16x256xi32, #tpu.memory_space<vmem>>, vector<16xi32>,
      %add3A_414 = arith.addi %add3A_400, %get3A_413 : vector<16xi32>
      %mul3A_415 = arith.constant 16 : i32
      %mul3A_416 = arith.muli %sub3A_221, %mul3A_415 : i32
      %get3A_417 = arith.constant 13 : i32
      %get3A_418 = arith.index_cast %get3A_417 : i32 to index
      %get3A_419 = arith.index_cast %mul3A_416 : i32 to index
      %get3A_420 = tpu.vector_load %arg10[%get3A_418, %get3A_419] {strides = array<i32>} : memref<16x256xf32, #tpu.memory_space<vmem>>, vector<16xf32>,
      %add3A_421 = arith.addf %add3A_407, %get3A_420 : vector<16xf32>
      %mul3A_422 = arith.constant 16 : i32
      %mul3A_423 = arith.muli %sub3A_221, %mul3A_422 : i32
      %get3A_424 = arith.constant 14 : i32
      %get3A_425 = arith.index_cast %get3A_424 : i32 to index
      %get3A_426 = arith.index_cast %mul3A_423 : i32 to index
      %get3A_427 = tpu.vector_load %arg9[%get3A_425, %get3A_426] {strides = array<i32>} : memref<16x256xi32, #tpu.memory_space<vmem>>, vector<16xi32>,
      %add3A_428 = arith.addi %add3A_414, %get3A_427 : vector<16xi32>
      %mul3A_429 = arith.constant 16 : i32
      %mul3A_430 = arith.muli %sub3A_221, %mul3A_429 : i32
      %get3A_431 = arith.constant 14 : i32
      %get3A_432 = arith.index_cast %get3A_431 : i32 to index
      %get3A_433 = arith.index_cast %mul3A_430 : i32 to index
      %get3A_434 = tpu.vector_load %arg10[%get3A_432, %get3A_433] {strides = array<i32>} : memref<16x256xf32, #tpu.memory_space<vmem>>, vector<16xf32>,
      %add3A_435 = arith.addf %add3A_421, %get3A_434 : vector<16xf32>
      %mul3A_436 = arith.constant 16 : i32
      %mul3A_437 = arith.muli %sub3A_221, %mul3A_436 : i32
      %get3A_438 = arith.constant 15 : i32
      %get3A_439 = arith.index_cast %get3A_438 : i32 to index
      %get3A_440 = arith.index_cast %mul3A_437 : i32 to index
      %get3A_441 = tpu.vector_load %arg9[%get3A_439, %get3A_440] {strides = array<i32>} : memref<16x256xi32, #tpu.memory_space<vmem>>, vector<16xi32>,
      %add3A_442 = arith.addi %add3A_428, %get3A_441 : vector<16xi32>
      %mul3A_443 = arith.constant 16 : i32
      %mul3A_444 = arith.muli %sub3A_221, %mul3A_443 : i32
      %get3A_445 = arith.constant 15 : i32
      %get3A_446 = arith.index_cast %get3A_445 : i32 to index
      %get3A_447 = arith.index_cast %mul3A_444 : i32 to index
      %get3A_448 = tpu.vector_load %arg10[%get3A_446, %get3A_447] {strides = array<i32>} : memref<16x256xf32, #tpu.memory_space<vmem>>, vector<16xf32>,
      %add3A_449 = arith.addf %add3A_435, %get3A_448 : vector<16xf32>
      %rev3A = arith.constant 15 : i32
      %rev3A_450 = vector.broadcast %rev3A : i32 to vector<16xi32>
      %rev3A_451 = tpu.iota {dimensions = array<i32: 0>} : vector<16xi32>
      %rev3A_452 = arith.subi %rev3A_450, %rev3A_451 : vector<16xi32>
      %rev3A_453 = tpu.dynamic_gather %add3A_442[%rev3A_452] in [0] : vector<16xi32>, vector<16xi32> -> vector<16xi32>
      %rev3A_454 = arith.constant 15 : i32
      %rev3A_455 = vector.broadcast %rev3A_454 : i32 to vector<16xi32>
      %rev3A_456 = tpu.iota {dimensions = array<i32: 0>} : vector<16xi32>
      %rev3A_457 = arith.subi %rev3A_455, %rev3A_456 : vector<16xi32>
      %rev3A_458 = tpu.dynamic_gather %add3A_449[%rev3A_457] in [0] : vector<16xf32>, vector<16xi32> -> vector<16xf32>
      %broadcast_in_dim3A_459 = arith.constant true
      %broadcast_in_dim3A_460 = vector.broadcast %broadcast_in_dim3A_459 : i1 to vector<16xi1>
      %masked_cumsum3A = tpu.scan <sum>, %rev3A_453 masked %broadcast_in_dim3A_460 : vector<16xi32>, vector<16xi1> -> vector<16xi32>
      %broadcast_in_dim3A_461 = arith.constant true
      %broadcast_in_dim3A_462 = vector.broadcast %broadcast_in_dim3A_461 : i1 to vector<16xi1>
      %masked_cumsum3A_463 = tpu.scan <sum>, %rev3A_458 masked %broadcast_in_dim3A_462 : vector<16xf32>, vector<16xi1> -> vector<16xf32>
      %add3A_464 = vector.broadcast %scan3A_216 : i32 to vector<16xi32>
      %add3A_465 = arith.addi %add3A_464, %masked_cumsum3A : vector<16xi32>
      %ge3A = vector.broadcast %min3A_8 : i32 to vector<16xi32>
      %ge3A_466 = arith.cmpi sge, %add3A_465, %ge3A : vector<16xi32>
      %convert_element_type3A_467 = arith.extui %ge3A_466 : vector<16xi1> to vector<16xi32>
      %broadcast_in_dim3A_468 = arith.constant true
      %broadcast_in_dim3A_469 = vector.broadcast %broadcast_in_dim3A_468 : i1 to vector<16xi1>
      %masked_cumsum3A_470 = tpu.scan <sum>, %convert_element_type3A_467 masked %broadcast_in_dim3A_469 : vector<16xi32>, vector<16xi1> -> vector<16xi32>
      %eq3A_471 = arith.constant 1 : i32
      %eq3A_472 = vector.broadcast %eq3A_471 : i32 to vector<16xi32>
      %eq3A_473 = arith.cmpi eq, %masked_cumsum3A_470, %eq3A_472 : vector<16xi32>
      %and3A = arith.andi %ge3A_466, %eq3A_473 : vector<16xi1>
      %jit3A_474 = arith.constant 0 : i32
      %broadcast_in_dim3A_475 = vector.broadcast %jit3A_474 : i32 to vector<16xi32>
      %select_n3A_476 = arith.select %and3A, %iota3A_2, %broadcast_in_dim3A_475 : vector<16xi1>, vector<16xi32>
      %reduce_sum3A = arith.constant true
      %reduce_sum3A_477 = vector.broadcast %reduce_sum3A : i1 to vector<16xi1>
      %reduce_sum3A_478 = tpu.scan <sum>, %select_n3A_476 masked %reduce_sum3A_477 : vector<16xi32>, vector<16xi1> -> vector<16xi32>
      %reduce_sum3A_479 = vector.extract %reduce_sum3A_478[15] : i32 from vector<16xi32>
      %sub3A_480 = arith.subi %masked_cumsum3A, %rev3A_453 : vector<16xi32>
      %jit3A_481 = arith.constant 0 : i32
      %broadcast_in_dim3A_482 = vector.broadcast %jit3A_481 : i32 to vector<16xi32>
      %select_n3A_483 = arith.select %and3A, %sub3A_480, %broadcast_in_dim3A_482 : vector<16xi1>, vector<16xi32>
      %reduce_sum3A_484 = arith.constant true
      %reduce_sum3A_485 = vector.broadcast %reduce_sum3A_484 : i1 to vector<16xi1>
      %reduce_sum3A_486 = tpu.scan <sum>, %select_n3A_483 masked %reduce_sum3A_485 : vector<16xi32>, vector<16xi1> -> vector<16xi32>
      %reduce_sum3A_487 = vector.extract %reduce_sum3A_486[15] : i32 from vector<16xi32>
      %sub3A_488 = arith.subf %masked_cumsum3A_463, %rev3A_458 : vector<16xf32>
      %jit3A_489 = arith.constant 0.000000e+00 : f32
      %broadcast_in_dim3A_490 = vector.broadcast %jit3A_489 : f32 to vector<16xf32>
      %select_n3A_491 = arith.select %and3A, %sub3A_488, %broadcast_in_dim3A_490 : vector<16xi1>, vector<16xf32>
      %reduce_sum3A_492 = arith.constant true
      %reduce_sum3A_493 = vector.broadcast %reduce_sum3A_492 : i1 to vector<16xi1>
      %reduce_sum3A_494 = tpu.scan <sum>, %select_n3A_491 masked %reduce_sum3A_493 : vector<16xf32>, vector<16xi1> -> vector<16xf32>
      %reduce_sum3A_495 = vector.extract %reduce_sum3A_494[15] : f32 from vector<16xf32>
      %not3A = arith.constant true
      %not3A_496 = arith.xori %scan3A_214, %not3A : i1
      %reduce_or3A = arith.constant 1.000000e+00 : f32
      %reduce_or3A_497 = arith.constant 0.000000e+00 : f32
      %reduce_or3A_498 = vector.broadcast %reduce_or3A : f32 to vector<16xf32>
      %reduce_or3A_499 = vector.broadcast %reduce_or3A_497 : f32 to vector<16xf32>
      %reduce_or3A_500 = arith.select %ge3A_466, %reduce_or3A_498, %reduce_or3A_499 : vector<16xi1>, vector<16xf32>
      %reduce_or3A_501 = arith.constant true
      %reduce_or3A_502 = vector.broadcast %reduce_or3A_501 : i1 to vector<16xi1>
      %reduce_or3A_503 = tpu.scan <max>, %reduce_or3A_500 masked %reduce_or3A_502 : vector<16xf32>, vector<16xi1> -> vector<16xf32>
      %reduce_or3A_504 = vector.extract %reduce_or3A_503[15] : f32 from vector<16xf32>
      %reduce_or3A_505 = arith.constant 0.000000e+00 : f32
      %reduce_or3A_506 = arith.cmpf ogt, %reduce_or3A_504, %reduce_or3A_505 : f32
      %and3A_507 = arith.andi %not3A_496, %reduce_or3A_506 : i1
      %mul3A_508 = arith.constant 16 : i32
      %mul3A_509 = arith.muli %sub3A_221, %mul3A_508 : i32
      %add3A_510 = arith.constant 15 : i32
      %add3A_511 = arith.addi %mul3A_509, %add3A_510 : i32
      %sub3A_512 = arith.subi %add3A_511, %reduce_sum3A_479 : i32
      %select_n3A_513 = arith.select %and3A_507, %sub3A_512, %scan3A_215 : i32
      %add3A_514 = arith.addi %scan3A_216, %reduce_sum3A_487 : i32
      %select_n3A_515 = arith.select %and3A_507, %add3A_514, %scan3A_218 : i32
      %add3A_516 = arith.addf %scan3A_217, %reduce_sum3A_495 : f32
      %select_n3A_517 = arith.select %and3A_507, %add3A_516, %scan3A_219 : f32
      %or3A_518 = arith.ori %scan3A_214, %and3A_507 : i1
      %reduce_sum3A_519 = arith.constant true
      %reduce_sum3A_520 = vector.broadcast %reduce_sum3A_519 : i1 to vector<16xi1>
      %reduce_sum3A_521 = tpu.scan <sum>, %add3A_442 masked %reduce_sum3A_520 : vector<16xi32>, vector<16xi1> -> vector<16xi32>
      %reduce_sum3A_522 = vector.extract %reduce_sum3A_521[15] : i32 from vector<16xi32>
      %add3A_523 = arith.addi %scan3A_216, %reduce_sum3A_522 : i32
      %reduce_sum3A_524 = arith.constant true
      %reduce_sum3A_525 = vector.broadcast %reduce_sum3A_524 : i1 to vector<16xi1>
      %reduce_sum3A_526 = tpu.scan <sum>, %add3A_449 masked %reduce_sum3A_525 : vector<16xf32>, vector<16xi1> -> vector<16xf32>
      %reduce_sum3A_527 = vector.extract %reduce_sum3A_526[15] : f32 from vector<16xf32>
      %add3A_528 = arith.addf %scan3A_217, %reduce_sum3A_527 : f32
      scf.yield %or3A_518, %select_n3A_513, %add3A_523, %add3A_528, %select_n3A_515, %select_n3A_517 : i1, i32, i32, f32, i32, f32
    }
    %scan3A_45 = arith.constant 16 : i32
    %shift_left3A = arith.constant 24 : i32
    %shift_left3A_46 = arith.shli %scan3A_44#1, %shift_left3A : i32
    %or3A = arith.constant 0 : i32
    %or3A_47 = arith.ori %or3A, %shift_left3A_46 : i32
    %sub3A = arith.subi %min3A_8, %scan3A_44#4 : i32
    %add3A = arith.constant 0 : i32
    %add3A_48 = arith.addi %add3A, %scan3A_44#4 : i32
    %add3A_49 = arith.constant 0.000000e+00 : f32
    %add3A_50 = arith.addf %add3A_49, %scan3A_44#5 : f32
    %eq3A_51 = arith.constant 0 : i32
    %eq3A_52 = arith.cmpi eq, %arg1, %eq3A_51 : i32
    %convert_element_type3A_53 = arith.extui %eq3A_52 : i1 to i32
    %cond3A_54 = arith.constant 0 : i32
    %cond3A_55 = arith.cmpi ne, %convert_element_type3A_53, %cond3A_54 : i32
    scf.if %cond3A_55 {
      "tpu.region"() ({
        %run_scoped3A = tpu.sem_alloc : memref<!tpu.dma_semaphore, #tpu.memory_space<semaphore_mem>>
        tpu.enqueue_dma source(%arg7 : memref<16x256xi32, #tpu.memory_space<vmem>>) target(%arg14 : memref<16x256xi32, #tpu.memory_space<vmem_shared>>) target_semaphore(%run_scoped3A : memref<!tpu.dma_semaphore, #tpu.memory_space<semaphore_mem>>)
        tpu.wait_dma2 semaphore(%run_scoped3A : memref<!tpu.dma_semaphore, #tpu.memory_space<semaphore_mem>>) src(%arg7 : memref<16x256xi32, #tpu.memory_space<vmem>>) dst(%arg14 : memref<16x256xi32, #tpu.memory_space<vmem_shared>>)
        tpu.yield
      }) : () -> ()
      "tpu.region"() ({
        %run_scoped3A = tpu.sem_alloc : memref<!tpu.dma_semaphore, #tpu.memory_space<semaphore_mem>>
        tpu.enqueue_dma source(%arg8 : memref<16x256xf32, #tpu.memory_space<vmem>>) target(%arg15 : memref<16x256xf32, #tpu.memory_space<vmem_shared>>) target_semaphore(%run_scoped3A : memref<!tpu.dma_semaphore, #tpu.memory_space<semaphore_mem>>)
        tpu.wait_dma2 semaphore(%run_scoped3A : memref<!tpu.dma_semaphore, #tpu.memory_space<semaphore_mem>>) src(%arg8 : memref<16x256xf32, #tpu.memory_space<vmem>>) dst(%arg15 : memref<16x256xf32, #tpu.memory_space<vmem_shared>>)
        tpu.yield
      }) : () -> ()
    } else {
    }
    %barrier3A_56 = arith.constant 0 : index
    tpu.barrier barrier_id(%barrier3A_56)
    %scan3A_57 = arith.constant -16777216 : i32
    %scan3A_58 = arith.constant 0 : i32
    %scan3A_59 = arith.constant 0 : i32
    %scan3A_60 = arith.constant 392 : i32
    %scan3A_61 = arith.addi %scan3A_59, %scan3A_60 : i32
    %scan3A_62 = arith.constant 1 : i32
    %scan3A_63 = scf.for %scan3A_213 = %scan3A_59 to %scan3A_61 step %scan3A_62 iter_args(%scan3A_214 = %scan3A_58) -> (i32)  : i32 {
      %mul3A_215 = arith.constant 16 : i32
      %mul3A_216 = arith.muli %scan3A_213, %mul3A_215 : i32
      %get3A_217 = arith.index_cast %mul3A_216 : i32 to index
      %get3A_218 = tpu.vector_load %arg5[%get3A_217] {strides = array<i32>} : memref<6272xf32, #tpu.memory_space<vmem>>, vector<16xf32>,
      %bitcast_convert_type3A_219 = tpu.bitcast %get3A_218 : vector<16xf32> -> vector<16xi32>
      %and3A = vector.broadcast %scan3A_57 : i32 to vector<16xi32>
      %and3A_220 = arith.andi %bitcast_convert_type3A_219, %and3A : vector<16xi32>
      %eq3A_221 = vector.broadcast %or3A_47 : i32 to vector<16xi32>
      %eq3A_222 = arith.cmpi eq, %and3A_220, %eq3A_221 : vector<16xi32>
      %convert_element_type3A_223 = arith.extui %eq3A_222 : vector<16xi1> to vector<16xi32>
      %broadcast_in_dim3A_224 = arith.constant true
      %broadcast_in_dim3A_225 = vector.broadcast %broadcast_in_dim3A_224 : i1 to vector<16xi1>
      %masked_cumsum3A = tpu.scan <sum>, %convert_element_type3A_223 masked %broadcast_in_dim3A_225 : vector<16xi32>, vector<16xi1> -> vector<16xi32>
      %add3A_226 = vector.broadcast %scan3A_214 : i32 to vector<16xi32>
      %add3A_227 = arith.addi %add3A_226, %masked_cumsum3A : vector<16xi32>
      %sub3A_228 = arith.constant 1 : i32
      %sub3A_229 = vector.broadcast %sub3A_228 : i32 to vector<16xi32>
      %sub3A_230 = arith.subi %add3A_227, %sub3A_229 : vector<16xi32>
      tpu.vector_store_idx %arg6[%sub3A_230], %get3A_218 masked %eq3A_222 : memref<6272xf32, #tpu.memory_space<vmem>>[vector<16xi32>], vector<16xf32>, vector<16xi1>
      %shift_right_logical3A = arith.constant 16 : i32
      %shift_right_logical3A_231 = vector.broadcast %shift_right_logical3A : i32 to vector<16xi32>
      %shift_right_logical3A_232 = arith.shrui %bitcast_convert_type3A_219, %shift_right_logical3A_231 : vector<16xi32>
      %and3A_233 = arith.constant 255 : i32
      %and3A_234 = vector.broadcast %and3A_233 : i32 to vector<16xi32>
      %and3A_235 = arith.andi %shift_right_logical3A_232, %and3A_234 : vector<16xi32>
      tpu.vector_store_idx %arg7[%iota3A_2, %and3A_235], %broadcast_in_dim3A_3 masked %eq3A_222 {add = true} : memref<16x256xi32, #tpu.memory_space<vmem>>[vector<16xi32>, vector<16xi32>], vector<16xi32>, vector<16xi1>
      tpu.vector_store_idx %arg8[%iota3A_2, %and3A_235], %get3A_218 masked %eq3A_222 {add = true} : memref<16x256xf32, #tpu.memory_space<vmem>>[vector<16xi32>, vector<16xi32>], vector<16xf32>, vector<16xi1>
      %reduce_sum3A = arith.constant true
      %reduce_sum3A_236 = vector.broadcast %reduce_sum3A : i1 to vector<16xi1>
      %reduce_sum3A_237 = tpu.scan <sum>, %convert_element_type3A_223 masked %reduce_sum3A_236 : vector<16xi32>, vector<16xi1> -> vector<16xi32>
      %reduce_sum3A_238 = vector.extract %reduce_sum3A_237[15] : i32 from vector<16xi32>
      %add3A_239 = arith.addi %scan3A_214, %reduce_sum3A_238 : i32
      scf.yield %add3A_239 : i32
    }
    %scan3A_64 = arith.constant 392 : i32
    %add3A_65 = arith.constant 15 : i32
    %add3A_66 = arith.addi %scan3A_63, %add3A_65 : i32
    %div3A = arith.constant 16 : i32
    %div3A_67 = arith.divsi %add3A_66, %div3A : i32
    "tpu.region"() ({
      %run_scoped3A = tpu.sem_alloc : memref<!tpu.dma_semaphore, #tpu.memory_space<semaphore_mem>>
      %dma_start3A = arith.constant 0 : i32
      %dma_start3A_213 = arith.constant 0 : i32
      %dma_start3A_214 = tpu.memref_slice %arg14[%dma_start3A, %dma_start3A_213] : memref<16x256xi32, #tpu.memory_space<vmem_shared>> -> memref<16x256xi32, #tpu.memory_space<vmem_shared>>
      tpu.enqueue_indirect_dma source(%arg7 : memref<16x256xi32, #tpu.memory_space<vmem>>) target(%dma_start3A_214 : memref<16x256xi32, #tpu.memory_space<vmem_shared>>) offsets(%arg11 : memref<16xi32, #tpu.memory_space<vmem>>) semaphore(%run_scoped3A : memref<!tpu.dma_semaphore, #tpu.memory_space<semaphore_mem>>) {add = true}
      %dma_wait3A = arith.constant 0 : i32
      %dma_wait3A_215 = arith.constant 0 : i32
      %dma_wait3A_216 = tpu.memref_slice %arg14[%dma_wait3A, %dma_wait3A_215] : memref<16x256xi32, #tpu.memory_space<vmem_shared>> -> memref<16x256xi32, #tpu.memory_space<vmem_shared>>
      tpu.wait_indirect_dma semaphore(%run_scoped3A : memref<!tpu.dma_semaphore, #tpu.memory_space<semaphore_mem>>) src(%arg7 : memref<16x256xi32, #tpu.memory_space<vmem>>) dst(%dma_wait3A_216 : memref<16x256xi32, #tpu.memory_space<vmem_shared>>)
      tpu.yield
    }) : () -> ()
    "tpu.region"() ({
      %run_scoped3A = tpu.sem_alloc : memref<!tpu.dma_semaphore, #tpu.memory_space<semaphore_mem>>
      %dma_start3A = arith.constant 0 : i32
      %dma_start3A_213 = arith.constant 0 : i32
      %dma_start3A_214 = tpu.memref_slice %arg15[%dma_start3A, %dma_start3A_213] : memref<16x256xf32, #tpu.memory_space<vmem_shared>> -> memref<16x256xf32, #tpu.memory_space<vmem_shared>>
      tpu.enqueue_indirect_dma source(%arg8 : memref<16x256xf32, #tpu.memory_space<vmem>>) target(%dma_start3A_214 : memref<16x256xf32, #tpu.memory_space<vmem_shared>>) offsets(%arg11 : memref<16xi32, #tpu.memory_space<vmem>>) semaphore(%run_scoped3A : memref<!tpu.dma_semaphore, #tpu.memory_space<semaphore_mem>>) {add = true}
      %dma_wait3A = arith.constant 0 : i32
      %dma_wait3A_215 = arith.constant 0 : i32
      %dma_wait3A_216 = tpu.memref_slice %arg15[%dma_wait3A, %dma_wait3A_215] : memref<16x256xf32, #tpu.memory_space<vmem_shared>> -> memref<16x256xf32, #tpu.memory_space<vmem_shared>>
      tpu.wait_indirect_dma semaphore(%run_scoped3A : memref<!tpu.dma_semaphore, #tpu.memory_space<semaphore_mem>>) src(%arg8 : memref<16x256xf32, #tpu.memory_space<vmem>>) dst(%dma_wait3A_216 : memref<16x256xf32, #tpu.memory_space<vmem_shared>>)
      tpu.yield
    }) : () -> ()
    %while3A = arith.constant 0 : i32
    %while3A_68 = arith.constant 0 : i32
    %while3A_69 = arith.subi %div3A_67, %while3A : i32
    %while3A_70 = arith.addi %while3A, %while3A_69 : i32
    %while3A_71 = arith.constant 1 : i32
    %while3A_72 = arith.divsi %while3A_69, %while3A_71 : i32
    %while3A_73 = arith.muli %while3A_72, %while3A_71 : i32
    %while3A_74 = arith.addi %while3A, %while3A_73 : i32
    %while3A_75 = arith.constant 1 : i32
    %while3A_76 = scf.for %while3A_213 = %while3A to %while3A_74 step %while3A_75 iter_args(%while3A_214 = %while3A_68) -> (i32)  : i32 {
      %mul3A_215 = arith.constant 16 : i32
      %mul3A_216 = arith.muli %while3A_213, %mul3A_215 : i32
      %get3A_217 = arith.index_cast %mul3A_216 : i32 to index
      %get3A_218 = tpu.vector_load %arg6[%get3A_217] {strides = array<i32>} : memref<6272xf32, #tpu.memory_space<vmem>>, vector<16xf32>,
      %bitcast_convert_type3A_219 = tpu.bitcast %get3A_218 : vector<16xf32> -> vector<16xi32>
      %shift_right_logical3A = arith.constant 16 : i32
      %shift_right_logical3A_220 = vector.broadcast %shift_right_logical3A : i32 to vector<16xi32>
      %shift_right_logical3A_221 = arith.shrui %bitcast_convert_type3A_219, %shift_right_logical3A_220 : vector<16xi32>
      %and3A = arith.constant 255 : i32
      %and3A_222 = vector.broadcast %and3A : i32 to vector<16xi32>
      %and3A_223 = arith.andi %shift_right_logical3A_221, %and3A_222 : vector<16xi32>
      %broadcast_in_dim3A_224 = arith.constant 0 : i32
      %broadcast_in_dim3A_225 = vector.broadcast %broadcast_in_dim3A_224 : i32 to vector<16xi32>
      tpu.vector_store_idx %arg7[%iota3A_2, %and3A_223], %broadcast_in_dim3A_225 : memref<16x256xi32, #tpu.memory_space<vmem>>[vector<16xi32>, vector<16xi32>], vector<16xi32>,
      %broadcast_in_dim3A_226 = arith.constant 0.000000e+00 : f32
      %broadcast_in_dim3A_227 = vector.broadcast %broadcast_in_dim3A_226 : f32 to vector<16xf32>
      tpu.vector_store_idx %arg8[%iota3A_2, %and3A_223], %broadcast_in_dim3A_227 : memref<16x256xf32, #tpu.memory_space<vmem>>[vector<16xi32>, vector<16xi32>], vector<16xf32>,
      %while3A_228 = arith.constant 0 : i32
      scf.yield %while3A_228 : i32
    }
    %while3A_77 = arith.constant 1 : i32
    %while3A_78 = scf.for %while3A_213 = %while3A_74 to %while3A_70 step %while3A_77 iter_args(%while3A_214 = %while3A_76) -> (i32)  : i32 {
      %mul3A_215 = arith.constant 16 : i32
      %mul3A_216 = arith.muli %while3A_213, %mul3A_215 : i32
      %get3A_217 = arith.index_cast %mul3A_216 : i32 to index
      %get3A_218 = tpu.vector_load %arg6[%get3A_217] {strides = array<i32>} : memref<6272xf32, #tpu.memory_space<vmem>>, vector<16xf32>,
      %bitcast_convert_type3A_219 = tpu.bitcast %get3A_218 : vector<16xf32> -> vector<16xi32>
      %shift_right_logical3A = arith.constant 16 : i32
      %shift_right_logical3A_220 = vector.broadcast %shift_right_logical3A : i32 to vector<16xi32>
      %shift_right_logical3A_221 = arith.shrui %bitcast_convert_type3A_219, %shift_right_logical3A_220 : vector<16xi32>
      %and3A = arith.constant 255 : i32
      %and3A_222 = vector.broadcast %and3A : i32 to vector<16xi32>
      %and3A_223 = arith.andi %shift_right_logical3A_221, %and3A_222 : vector<16xi32>
      %broadcast_in_dim3A_224 = arith.constant 0 : i32
      %broadcast_in_dim3A_225 = vector.broadcast %broadcast_in_dim3A_224 : i32 to vector<16xi32>
      tpu.vector_store_idx %arg7[%iota3A_2, %and3A_223], %broadcast_in_dim3A_225 : memref<16x256xi32, #tpu.memory_space<vmem>>[vector<16xi32>, vector<16xi32>], vector<16xi32>,
      %broadcast_in_dim3A_226 = arith.constant 0.000000e+00 : f32
      %broadcast_in_dim3A_227 = vector.broadcast %broadcast_in_dim3A_226 : f32 to vector<16xf32>
      tpu.vector_store_idx %arg8[%iota3A_2, %and3A_223], %broadcast_in_dim3A_227 : memref<16x256xf32, #tpu.memory_space<vmem>>[vector<16xi32>, vector<16xi32>], vector<16xf32>,
      %while3A_228 = arith.constant 0 : i32
      scf.yield %while3A_228 : i32
    }
    %barrier3A_79 = arith.constant 0 : index
    tpu.barrier barrier_id(%barrier3A_79)
    "tpu.region"() ({
      %run_scoped3A = tpu.sem_alloc : memref<!tpu.dma_semaphore, #tpu.memory_space<semaphore_mem>>
      tpu.enqueue_dma source(%arg14 : memref<16x256xi32, #tpu.memory_space<vmem_shared>>) target(%arg9 : memref<16x256xi32, #tpu.memory_space<vmem>>) target_semaphore(%run_scoped3A : memref<!tpu.dma_semaphore, #tpu.memory_space<semaphore_mem>>)
      tpu.wait_dma2 semaphore(%run_scoped3A : memref<!tpu.dma_semaphore, #tpu.memory_space<semaphore_mem>>) src(%arg14 : memref<16x256xi32, #tpu.memory_space<vmem_shared>>) dst(%arg9 : memref<16x256xi32, #tpu.memory_space<vmem>>)
      tpu.yield
    }) : () -> ()
    "tpu.region"() ({
      %run_scoped3A = tpu.sem_alloc : memref<!tpu.dma_semaphore, #tpu.memory_space<semaphore_mem>>
      tpu.enqueue_dma source(%arg15 : memref<16x256xf32, #tpu.memory_space<vmem_shared>>) target(%arg10 : memref<16x256xf32, #tpu.memory_space<vmem>>) target_semaphore(%run_scoped3A : memref<!tpu.dma_semaphore, #tpu.memory_space<semaphore_mem>>)
      tpu.wait_dma2 semaphore(%run_scoped3A : memref<!tpu.dma_semaphore, #tpu.memory_space<semaphore_mem>>) src(%arg15 : memref<16x256xf32, #tpu.memory_space<vmem_shared>>) dst(%arg10 : memref<16x256xf32, #tpu.memory_space<vmem>>)
      tpu.yield
    }) : () -> ()
    %barrier3A_80 = arith.constant 0 : index
    tpu.barrier barrier_id(%barrier3A_80)
    %scan3A_81 = arith.constant false
    %scan3A_82 = arith.constant 0 : i32
    %scan3A_83 = arith.constant 0 : i32
    %scan3A_84 = arith.constant 0.000000e+00 : f32
    %scan3A_85 = arith.constant 0 : i32
    %scan3A_86 = arith.constant 0.000000e+00 : f32
    %scan3A_87 = arith.constant 0 : i32
    %scan3A_88 = arith.constant 16 : i32
    %scan3A_89 = arith.addi %scan3A_87, %scan3A_88 : i32
    %scan3A_90 = arith.constant 1 : i32
    %scan3A_91:6 = scf.for %scan3A_213 = %scan3A_87 to %scan3A_89 step %scan3A_90 iter_args(%scan3A_214 = %scan3A_81, %scan3A_215 = %scan3A_82, %scan3A_216 = %scan3A_83, %scan3A_217 = %scan3A_84, %scan3A_218 = %scan3A_85, %scan3A_219 = %scan3A_86) -> (i1, i32, i32, f32, i32, f32)  : i32 {
      %sub3A_220 = arith.constant 15 : i32
      %sub3A_221 = arith.subi %sub3A_220, %scan3A_213 : i32
      %broadcast_in_dim3A_222 = arith.constant 0 : i32
      %broadcast_in_dim3A_223 = vector.broadcast %broadcast_in_dim3A_222 : i32 to vector<16xi32>
      %broadcast_in_dim3A_224 = arith.constant 0.000000e+00 : f32
      %broadcast_in_dim3A_225 = vector.broadcast %broadcast_in_dim3A_224 : f32 to vector<16xf32>
      %mul3A_226 = arith.constant 16 : i32
      %mul3A_227 = arith.muli %sub3A_221, %mul3A_226 : i32
      %get3A_228 = arith.constant 0 : i32
      %get3A_229 = arith.index_cast %get3A_228 : i32 to index
      %get3A_230 = arith.index_cast %mul3A_227 : i32 to index
      %get3A_231 = tpu.vector_load %arg9[%get3A_229, %get3A_230] {strides = array<i32>} : memref<16x256xi32, #tpu.memory_space<vmem>>, vector<16xi32>,
      %add3A_232 = arith.addi %broadcast_in_dim3A_223, %get3A_231 : vector<16xi32>
      %mul3A_233 = arith.constant 16 : i32
      %mul3A_234 = arith.muli %sub3A_221, %mul3A_233 : i32
      %get3A_235 = arith.constant 0 : i32
      %get3A_236 = arith.index_cast %get3A_235 : i32 to index
      %get3A_237 = arith.index_cast %mul3A_234 : i32 to index
      %get3A_238 = tpu.vector_load %arg10[%get3A_236, %get3A_237] {strides = array<i32>} : memref<16x256xf32, #tpu.memory_space<vmem>>, vector<16xf32>,
      %add3A_239 = arith.addf %broadcast_in_dim3A_225, %get3A_238 : vector<16xf32>
      %mul3A_240 = arith.constant 16 : i32
      %mul3A_241 = arith.muli %sub3A_221, %mul3A_240 : i32
      %get3A_242 = arith.constant 1 : i32
      %get3A_243 = arith.index_cast %get3A_242 : i32 to index
      %get3A_244 = arith.index_cast %mul3A_241 : i32 to index
      %get3A_245 = tpu.vector_load %arg9[%get3A_243, %get3A_244] {strides = array<i32>} : memref<16x256xi32, #tpu.memory_space<vmem>>, vector<16xi32>,
      %add3A_246 = arith.addi %add3A_232, %get3A_245 : vector<16xi32>
      %mul3A_247 = arith.constant 16 : i32
      %mul3A_248 = arith.muli %sub3A_221, %mul3A_247 : i32
      %get3A_249 = arith.constant 1 : i32
      %get3A_250 = arith.index_cast %get3A_249 : i32 to index
      %get3A_251 = arith.index_cast %mul3A_248 : i32 to index
      %get3A_252 = tpu.vector_load %arg10[%get3A_250, %get3A_251] {strides = array<i32>} : memref<16x256xf32, #tpu.memory_space<vmem>>, vector<16xf32>,
      %add3A_253 = arith.addf %add3A_239, %get3A_252 : vector<16xf32>
      %mul3A_254 = arith.constant 16 : i32
      %mul3A_255 = arith.muli %sub3A_221, %mul3A_254 : i32
      %get3A_256 = arith.constant 2 : i32
      %get3A_257 = arith.index_cast %get3A_256 : i32 to index
      %get3A_258 = arith.index_cast %mul3A_255 : i32 to index
      %get3A_259 = tpu.vector_load %arg9[%get3A_257, %get3A_258] {strides = array<i32>} : memref<16x256xi32, #tpu.memory_space<vmem>>, vector<16xi32>,
      %add3A_260 = arith.addi %add3A_246, %get3A_259 : vector<16xi32>
      %mul3A_261 = arith.constant 16 : i32
      %mul3A_262 = arith.muli %sub3A_221, %mul3A_261 : i32
      %get3A_263 = arith.constant 2 : i32
      %get3A_264 = arith.index_cast %get3A_263 : i32 to index
      %get3A_265 = arith.index_cast %mul3A_262 : i32 to index
      %get3A_266 = tpu.vector_load %arg10[%get3A_264, %get3A_265] {strides = array<i32>} : memref<16x256xf32, #tpu.memory_space<vmem>>, vector<16xf32>,
      %add3A_267 = arith.addf %add3A_253, %get3A_266 : vector<16xf32>
      %mul3A_268 = arith.constant 16 : i32
      %mul3A_269 = arith.muli %sub3A_221, %mul3A_268 : i32
      %get3A_270 = arith.constant 3 : i32
      %get3A_271 = arith.index_cast %get3A_270 : i32 to index
      %get3A_272 = arith.index_cast %mul3A_269 : i32 to index
      %get3A_273 = tpu.vector_load %arg9[%get3A_271, %get3A_272] {strides = array<i32>} : memref<16x256xi32, #tpu.memory_space<vmem>>, vector<16xi32>,
      %add3A_274 = arith.addi %add3A_260, %get3A_273 : vector<16xi32>
      %mul3A_275 = arith.constant 16 : i32
      %mul3A_276 = arith.muli %sub3A_221, %mul3A_275 : i32
      %get3A_277 = arith.constant 3 : i32
      %get3A_278 = arith.index_cast %get3A_277 : i32 to index
      %get3A_279 = arith.index_cast %mul3A_276 : i32 to index
      %get3A_280 = tpu.vector_load %arg10[%get3A_278, %get3A_279] {strides = array<i32>} : memref<16x256xf32, #tpu.memory_space<vmem>>, vector<16xf32>,
      %add3A_281 = arith.addf %add3A_267, %get3A_280 : vector<16xf32>
      %mul3A_282 = arith.constant 16 : i32
      %mul3A_283 = arith.muli %sub3A_221, %mul3A_282 : i32
      %get3A_284 = arith.constant 4 : i32
      %get3A_285 = arith.index_cast %get3A_284 : i32 to index
      %get3A_286 = arith.index_cast %mul3A_283 : i32 to index
      %get3A_287 = tpu.vector_load %arg9[%get3A_285, %get3A_286] {strides = array<i32>} : memref<16x256xi32, #tpu.memory_space<vmem>>, vector<16xi32>,
      %add3A_288 = arith.addi %add3A_274, %get3A_287 : vector<16xi32>
      %mul3A_289 = arith.constant 16 : i32
      %mul3A_290 = arith.muli %sub3A_221, %mul3A_289 : i32
      %get3A_291 = arith.constant 4 : i32
      %get3A_292 = arith.index_cast %get3A_291 : i32 to index
      %get3A_293 = arith.index_cast %mul3A_290 : i32 to index
      %get3A_294 = tpu.vector_load %arg10[%get3A_292, %get3A_293] {strides = array<i32>} : memref<16x256xf32, #tpu.memory_space<vmem>>, vector<16xf32>,
      %add3A_295 = arith.addf %add3A_281, %get3A_294 : vector<16xf32>
      %mul3A_296 = arith.constant 16 : i32
      %mul3A_297 = arith.muli %sub3A_221, %mul3A_296 : i32
      %get3A_298 = arith.constant 5 : i32
      %get3A_299 = arith.index_cast %get3A_298 : i32 to index
      %get3A_300 = arith.index_cast %mul3A_297 : i32 to index
      %get3A_301 = tpu.vector_load %arg9[%get3A_299, %get3A_300] {strides = array<i32>} : memref<16x256xi32, #tpu.memory_space<vmem>>, vector<16xi32>,
      %add3A_302 = arith.addi %add3A_288, %get3A_301 : vector<16xi32>
      %mul3A_303 = arith.constant 16 : i32
      %mul3A_304 = arith.muli %sub3A_221, %mul3A_303 : i32
      %get3A_305 = arith.constant 5 : i32
      %get3A_306 = arith.index_cast %get3A_305 : i32 to index
      %get3A_307 = arith.index_cast %mul3A_304 : i32 to index
      %get3A_308 = tpu.vector_load %arg10[%get3A_306, %get3A_307] {strides = array<i32>} : memref<16x256xf32, #tpu.memory_space<vmem>>, vector<16xf32>,
      %add3A_309 = arith.addf %add3A_295, %get3A_308 : vector<16xf32>
      %mul3A_310 = arith.constant 16 : i32
      %mul3A_311 = arith.muli %sub3A_221, %mul3A_310 : i32
      %get3A_312 = arith.constant 6 : i32
      %get3A_313 = arith.index_cast %get3A_312 : i32 to index
      %get3A_314 = arith.index_cast %mul3A_311 : i32 to index
      %get3A_315 = tpu.vector_load %arg9[%get3A_313, %get3A_314] {strides = array<i32>} : memref<16x256xi32, #tpu.memory_space<vmem>>, vector<16xi32>,
      %add3A_316 = arith.addi %add3A_302, %get3A_315 : vector<16xi32>
      %mul3A_317 = arith.constant 16 : i32
      %mul3A_318 = arith.muli %sub3A_221, %mul3A_317 : i32
      %get3A_319 = arith.constant 6 : i32
      %get3A_320 = arith.index_cast %get3A_319 : i32 to index
      %get3A_321 = arith.index_cast %mul3A_318 : i32 to index
      %get3A_322 = tpu.vector_load %arg10[%get3A_320, %get3A_321] {strides = array<i32>} : memref<16x256xf32, #tpu.memory_space<vmem>>, vector<16xf32>,
      %add3A_323 = arith.addf %add3A_309, %get3A_322 : vector<16xf32>
      %mul3A_324 = arith.constant 16 : i32
      %mul3A_325 = arith.muli %sub3A_221, %mul3A_324 : i32
      %get3A_326 = arith.constant 7 : i32
      %get3A_327 = arith.index_cast %get3A_326 : i32 to index
      %get3A_328 = arith.index_cast %mul3A_325 : i32 to index
      %get3A_329 = tpu.vector_load %arg9[%get3A_327, %get3A_328] {strides = array<i32>} : memref<16x256xi32, #tpu.memory_space<vmem>>, vector<16xi32>,
      %add3A_330 = arith.addi %add3A_316, %get3A_329 : vector<16xi32>
      %mul3A_331 = arith.constant 16 : i32
      %mul3A_332 = arith.muli %sub3A_221, %mul3A_331 : i32
      %get3A_333 = arith.constant 7 : i32
      %get3A_334 = arith.index_cast %get3A_333 : i32 to index
      %get3A_335 = arith.index_cast %mul3A_332 : i32 to index
      %get3A_336 = tpu.vector_load %arg10[%get3A_334, %get3A_335] {strides = array<i32>} : memref<16x256xf32, #tpu.memory_space<vmem>>, vector<16xf32>,
      %add3A_337 = arith.addf %add3A_323, %get3A_336 : vector<16xf32>
      %mul3A_338 = arith.constant 16 : i32
      %mul3A_339 = arith.muli %sub3A_221, %mul3A_338 : i32
      %get3A_340 = arith.constant 8 : i32
      %get3A_341 = arith.index_cast %get3A_340 : i32 to index
      %get3A_342 = arith.index_cast %mul3A_339 : i32 to index
      %get3A_343 = tpu.vector_load %arg9[%get3A_341, %get3A_342] {strides = array<i32>} : memref<16x256xi32, #tpu.memory_space<vmem>>, vector<16xi32>,
      %add3A_344 = arith.addi %add3A_330, %get3A_343 : vector<16xi32>
      %mul3A_345 = arith.constant 16 : i32
      %mul3A_346 = arith.muli %sub3A_221, %mul3A_345 : i32
      %get3A_347 = arith.constant 8 : i32
      %get3A_348 = arith.index_cast %get3A_347 : i32 to index
      %get3A_349 = arith.index_cast %mul3A_346 : i32 to index
      %get3A_350 = tpu.vector_load %arg10[%get3A_348, %get3A_349] {strides = array<i32>} : memref<16x256xf32, #tpu.memory_space<vmem>>, vector<16xf32>,
      %add3A_351 = arith.addf %add3A_337, %get3A_350 : vector<16xf32>
      %mul3A_352 = arith.constant 16 : i32
      %mul3A_353 = arith.muli %sub3A_221, %mul3A_352 : i32
      %get3A_354 = arith.constant 9 : i32
      %get3A_355 = arith.index_cast %get3A_354 : i32 to index
      %get3A_356 = arith.index_cast %mul3A_353 : i32 to index
      %get3A_357 = tpu.vector_load %arg9[%get3A_355, %get3A_356] {strides = array<i32>} : memref<16x256xi32, #tpu.memory_space<vmem>>, vector<16xi32>,
      %add3A_358 = arith.addi %add3A_344, %get3A_357 : vector<16xi32>
      %mul3A_359 = arith.constant 16 : i32
      %mul3A_360 = arith.muli %sub3A_221, %mul3A_359 : i32
      %get3A_361 = arith.constant 9 : i32
      %get3A_362 = arith.index_cast %get3A_361 : i32 to index
      %get3A_363 = arith.index_cast %mul3A_360 : i32 to index
      %get3A_364 = tpu.vector_load %arg10[%get3A_362, %get3A_363] {strides = array<i32>} : memref<16x256xf32, #tpu.memory_space<vmem>>, vector<16xf32>,
      %add3A_365 = arith.addf %add3A_351, %get3A_364 : vector<16xf32>
      %mul3A_366 = arith.constant 16 : i32
      %mul3A_367 = arith.muli %sub3A_221, %mul3A_366 : i32
      %get3A_368 = arith.constant 10 : i32
      %get3A_369 = arith.index_cast %get3A_368 : i32 to index
      %get3A_370 = arith.index_cast %mul3A_367 : i32 to index
      %get3A_371 = tpu.vector_load %arg9[%get3A_369, %get3A_370] {strides = array<i32>} : memref<16x256xi32, #tpu.memory_space<vmem>>, vector<16xi32>,
      %add3A_372 = arith.addi %add3A_358, %get3A_371 : vector<16xi32>
      %mul3A_373 = arith.constant 16 : i32
      %mul3A_374 = arith.muli %sub3A_221, %mul3A_373 : i32
      %get3A_375 = arith.constant 10 : i32
      %get3A_376 = arith.index_cast %get3A_375 : i32 to index
      %get3A_377 = arith.index_cast %mul3A_374 : i32 to index
      %get3A_378 = tpu.vector_load %arg10[%get3A_376, %get3A_377] {strides = array<i32>} : memref<16x256xf32, #tpu.memory_space<vmem>>, vector<16xf32>,
      %add3A_379 = arith.addf %add3A_365, %get3A_378 : vector<16xf32>
      %mul3A_380 = arith.constant 16 : i32
      %mul3A_381 = arith.muli %sub3A_221, %mul3A_380 : i32
      %get3A_382 = arith.constant 11 : i32
      %get3A_383 = arith.index_cast %get3A_382 : i32 to index
      %get3A_384 = arith.index_cast %mul3A_381 : i32 to index
      %get3A_385 = tpu.vector_load %arg9[%get3A_383, %get3A_384] {strides = array<i32>} : memref<16x256xi32, #tpu.memory_space<vmem>>, vector<16xi32>,
      %add3A_386 = arith.addi %add3A_372, %get3A_385 : vector<16xi32>
      %mul3A_387 = arith.constant 16 : i32
      %mul3A_388 = arith.muli %sub3A_221, %mul3A_387 : i32
      %get3A_389 = arith.constant 11 : i32
      %get3A_390 = arith.index_cast %get3A_389 : i32 to index
      %get3A_391 = arith.index_cast %mul3A_388 : i32 to index
      %get3A_392 = tpu.vector_load %arg10[%get3A_390, %get3A_391] {strides = array<i32>} : memref<16x256xf32, #tpu.memory_space<vmem>>, vector<16xf32>,
      %add3A_393 = arith.addf %add3A_379, %get3A_392 : vector<16xf32>
      %mul3A_394 = arith.constant 16 : i32
      %mul3A_395 = arith.muli %sub3A_221, %mul3A_394 : i32
      %get3A_396 = arith.constant 12 : i32
      %get3A_397 = arith.index_cast %get3A_396 : i32 to index
      %get3A_398 = arith.index_cast %mul3A_395 : i32 to index
      %get3A_399 = tpu.vector_load %arg9[%get3A_397, %get3A_398] {strides = array<i32>} : memref<16x256xi32, #tpu.memory_space<vmem>>, vector<16xi32>,
      %add3A_400 = arith.addi %add3A_386, %get3A_399 : vector<16xi32>
      %mul3A_401 = arith.constant 16 : i32
      %mul3A_402 = arith.muli %sub3A_221, %mul3A_401 : i32
      %get3A_403 = arith.constant 12 : i32
      %get3A_404 = arith.index_cast %get3A_403 : i32 to index
      %get3A_405 = arith.index_cast %mul3A_402 : i32 to index
      %get3A_406 = tpu.vector_load %arg10[%get3A_404, %get3A_405] {strides = array<i32>} : memref<16x256xf32, #tpu.memory_space<vmem>>, vector<16xf32>,
      %add3A_407 = arith.addf %add3A_393, %get3A_406 : vector<16xf32>
      %mul3A_408 = arith.constant 16 : i32
      %mul3A_409 = arith.muli %sub3A_221, %mul3A_408 : i32
      %get3A_410 = arith.constant 13 : i32
      %get3A_411 = arith.index_cast %get3A_410 : i32 to index
      %get3A_412 = arith.index_cast %mul3A_409 : i32 to index
      %get3A_413 = tpu.vector_load %arg9[%get3A_411, %get3A_412] {strides = array<i32>} : memref<16x256xi32, #tpu.memory_space<vmem>>, vector<16xi32>,
      %add3A_414 = arith.addi %add3A_400, %get3A_413 : vector<16xi32>
      %mul3A_415 = arith.constant 16 : i32
      %mul3A_416 = arith.muli %sub3A_221, %mul3A_415 : i32
      %get3A_417 = arith.constant 13 : i32
      %get3A_418 = arith.index_cast %get3A_417 : i32 to index
      %get3A_419 = arith.index_cast %mul3A_416 : i32 to index
      %get3A_420 = tpu.vector_load %arg10[%get3A_418, %get3A_419] {strides = array<i32>} : memref<16x256xf32, #tpu.memory_space<vmem>>, vector<16xf32>,
      %add3A_421 = arith.addf %add3A_407, %get3A_420 : vector<16xf32>
      %mul3A_422 = arith.constant 16 : i32
      %mul3A_423 = arith.muli %sub3A_221, %mul3A_422 : i32
      %get3A_424 = arith.constant 14 : i32
      %get3A_425 = arith.index_cast %get3A_424 : i32 to index
      %get3A_426 = arith.index_cast %mul3A_423 : i32 to index
      %get3A_427 = tpu.vector_load %arg9[%get3A_425, %get3A_426] {strides = array<i32>} : memref<16x256xi32, #tpu.memory_space<vmem>>, vector<16xi32>,
      %add3A_428 = arith.addi %add3A_414, %get3A_427 : vector<16xi32>
      %mul3A_429 = arith.constant 16 : i32
      %mul3A_430 = arith.muli %sub3A_221, %mul3A_429 : i32
      %get3A_431 = arith.constant 14 : i32
      %get3A_432 = arith.index_cast %get3A_431 : i32 to index
      %get3A_433 = arith.index_cast %mul3A_430 : i32 to index
      %get3A_434 = tpu.vector_load %arg10[%get3A_432, %get3A_433] {strides = array<i32>} : memref<16x256xf32, #tpu.memory_space<vmem>>, vector<16xf32>,
      %add3A_435 = arith.addf %add3A_421, %get3A_434 : vector<16xf32>
      %mul3A_436 = arith.constant 16 : i32
      %mul3A_437 = arith.muli %sub3A_221, %mul3A_436 : i32
      %get3A_438 = arith.constant 15 : i32
      %get3A_439 = arith.index_cast %get3A_438 : i32 to index
      %get3A_440 = arith.index_cast %mul3A_437 : i32 to index
      %get3A_441 = tpu.vector_load %arg9[%get3A_439, %get3A_440] {strides = array<i32>} : memref<16x256xi32, #tpu.memory_space<vmem>>, vector<16xi32>,
      %add3A_442 = arith.addi %add3A_428, %get3A_441 : vector<16xi32>
      %mul3A_443 = arith.constant 16 : i32
      %mul3A_444 = arith.muli %sub3A_221, %mul3A_443 : i32
      %get3A_445 = arith.constant 15 : i32
      %get3A_446 = arith.index_cast %get3A_445 : i32 to index
      %get3A_447 = arith.index_cast %mul3A_444 : i32 to index
      %get3A_448 = tpu.vector_load %arg10[%get3A_446, %get3A_447] {strides = array<i32>} : memref<16x256xf32, #tpu.memory_space<vmem>>, vector<16xf32>,
      %add3A_449 = arith.addf %add3A_435, %get3A_448 : vector<16xf32>
      %rev3A = arith.constant 15 : i32
      %rev3A_450 = vector.broadcast %rev3A : i32 to vector<16xi32>
      %rev3A_451 = tpu.iota {dimensions = array<i32: 0>} : vector<16xi32>
      %rev3A_452 = arith.subi %rev3A_450, %rev3A_451 : vector<16xi32>
      %rev3A_453 = tpu.dynamic_gather %add3A_442[%rev3A_452] in [0] : vector<16xi32>, vector<16xi32> -> vector<16xi32>
      %rev3A_454 = arith.constant 15 : i32
      %rev3A_455 = vector.broadcast %rev3A_454 : i32 to vector<16xi32>
      %rev3A_456 = tpu.iota {dimensions = array<i32: 0>} : vector<16xi32>
      %rev3A_457 = arith.subi %rev3A_455, %rev3A_456 : vector<16xi32>
      %rev3A_458 = tpu.dynamic_gather %add3A_449[%rev3A_457] in [0] : vector<16xf32>, vector<16xi32> -> vector<16xf32>
      %broadcast_in_dim3A_459 = arith.constant true
      %broadcast_in_dim3A_460 = vector.broadcast %broadcast_in_dim3A_459 : i1 to vector<16xi1>
      %masked_cumsum3A = tpu.scan <sum>, %rev3A_453 masked %broadcast_in_dim3A_460 : vector<16xi32>, vector<16xi1> -> vector<16xi32>
      %broadcast_in_dim3A_461 = arith.constant true
      %broadcast_in_dim3A_462 = vector.broadcast %broadcast_in_dim3A_461 : i1 to vector<16xi1>
      %masked_cumsum3A_463 = tpu.scan <sum>, %rev3A_458 masked %broadcast_in_dim3A_462 : vector<16xf32>, vector<16xi1> -> vector<16xf32>
      %add3A_464 = vector.broadcast %scan3A_216 : i32 to vector<16xi32>
      %add3A_465 = arith.addi %add3A_464, %masked_cumsum3A : vector<16xi32>
      %ge3A = vector.broadcast %sub3A : i32 to vector<16xi32>
      %ge3A_466 = arith.cmpi sge, %add3A_465, %ge3A : vector<16xi32>
      %convert_element_type3A_467 = arith.extui %ge3A_466 : vector<16xi1> to vector<16xi32>
      %broadcast_in_dim3A_468 = arith.constant true
      %broadcast_in_dim3A_469 = vector.broadcast %broadcast_in_dim3A_468 : i1 to vector<16xi1>
      %masked_cumsum3A_470 = tpu.scan <sum>, %convert_element_type3A_467 masked %broadcast_in_dim3A_469 : vector<16xi32>, vector<16xi1> -> vector<16xi32>
      %eq3A_471 = arith.constant 1 : i32
      %eq3A_472 = vector.broadcast %eq3A_471 : i32 to vector<16xi32>
      %eq3A_473 = arith.cmpi eq, %masked_cumsum3A_470, %eq3A_472 : vector<16xi32>
      %and3A = arith.andi %ge3A_466, %eq3A_473 : vector<16xi1>
      %jit3A_474 = arith.constant 0 : i32
      %broadcast_in_dim3A_475 = vector.broadcast %jit3A_474 : i32 to vector<16xi32>
      %select_n3A_476 = arith.select %and3A, %iota3A_2, %broadcast_in_dim3A_475 : vector<16xi1>, vector<16xi32>
      %reduce_sum3A = arith.constant true
      %reduce_sum3A_477 = vector.broadcast %reduce_sum3A : i1 to vector<16xi1>
      %reduce_sum3A_478 = tpu.scan <sum>, %select_n3A_476 masked %reduce_sum3A_477 : vector<16xi32>, vector<16xi1> -> vector<16xi32>
      %reduce_sum3A_479 = vector.extract %reduce_sum3A_478[15] : i32 from vector<16xi32>
      %sub3A_480 = arith.subi %masked_cumsum3A, %rev3A_453 : vector<16xi32>
      %jit3A_481 = arith.constant 0 : i32
      %broadcast_in_dim3A_482 = vector.broadcast %jit3A_481 : i32 to vector<16xi32>
      %select_n3A_483 = arith.select %and3A, %sub3A_480, %broadcast_in_dim3A_482 : vector<16xi1>, vector<16xi32>
      %reduce_sum3A_484 = arith.constant true
      %reduce_sum3A_485 = vector.broadcast %reduce_sum3A_484 : i1 to vector<16xi1>
      %reduce_sum3A_486 = tpu.scan <sum>, %select_n3A_483 masked %reduce_sum3A_485 : vector<16xi32>, vector<16xi1> -> vector<16xi32>
      %reduce_sum3A_487 = vector.extract %reduce_sum3A_486[15] : i32 from vector<16xi32>
      %sub3A_488 = arith.subf %masked_cumsum3A_463, %rev3A_458 : vector<16xf32>
      %jit3A_489 = arith.constant 0.000000e+00 : f32
      %broadcast_in_dim3A_490 = vector.broadcast %jit3A_489 : f32 to vector<16xf32>
      %select_n3A_491 = arith.select %and3A, %sub3A_488, %broadcast_in_dim3A_490 : vector<16xi1>, vector<16xf32>
      %reduce_sum3A_492 = arith.constant true
      %reduce_sum3A_493 = vector.broadcast %reduce_sum3A_492 : i1 to vector<16xi1>
      %reduce_sum3A_494 = tpu.scan <sum>, %select_n3A_491 masked %reduce_sum3A_493 : vector<16xf32>, vector<16xi1> -> vector<16xf32>
      %reduce_sum3A_495 = vector.extract %reduce_sum3A_494[15] : f32 from vector<16xf32>
      %not3A = arith.constant true
      %not3A_496 = arith.xori %scan3A_214, %not3A : i1
      %reduce_or3A = arith.constant 1.000000e+00 : f32
      %reduce_or3A_497 = arith.constant 0.000000e+00 : f32
      %reduce_or3A_498 = vector.broadcast %reduce_or3A : f32 to vector<16xf32>
      %reduce_or3A_499 = vector.broadcast %reduce_or3A_497 : f32 to vector<16xf32>
      %reduce_or3A_500 = arith.select %ge3A_466, %reduce_or3A_498, %reduce_or3A_499 : vector<16xi1>, vector<16xf32>
      %reduce_or3A_501 = arith.constant true
      %reduce_or3A_502 = vector.broadcast %reduce_or3A_501 : i1 to vector<16xi1>
      %reduce_or3A_503 = tpu.scan <max>, %reduce_or3A_500 masked %reduce_or3A_502 : vector<16xf32>, vector<16xi1> -> vector<16xf32>
      %reduce_or3A_504 = vector.extract %reduce_or3A_503[15] : f32 from vector<16xf32>
      %reduce_or3A_505 = arith.constant 0.000000e+00 : f32
      %reduce_or3A_506 = arith.cmpf ogt, %reduce_or3A_504, %reduce_or3A_505 : f32
      %and3A_507 = arith.andi %not3A_496, %reduce_or3A_506 : i1
      %mul3A_508 = arith.constant 16 : i32
      %mul3A_509 = arith.muli %sub3A_221, %mul3A_508 : i32
      %add3A_510 = arith.constant 15 : i32
      %add3A_511 = arith.addi %mul3A_509, %add3A_510 : i32
      %sub3A_512 = arith.subi %add3A_511, %reduce_sum3A_479 : i32
      %select_n3A_513 = arith.select %and3A_507, %sub3A_512, %scan3A_215 : i32
      %add3A_514 = arith.addi %scan3A_216, %reduce_sum3A_487 : i32
      %select_n3A_515 = arith.select %and3A_507, %add3A_514, %scan3A_218 : i32
      %add3A_516 = arith.addf %scan3A_217, %reduce_sum3A_495 : f32
      %select_n3A_517 = arith.select %and3A_507, %add3A_516, %scan3A_219 : f32
      %or3A_518 = arith.ori %scan3A_214, %and3A_507 : i1
      %reduce_sum3A_519 = arith.constant true
      %reduce_sum3A_520 = vector.broadcast %reduce_sum3A_519 : i1 to vector<16xi1>
      %reduce_sum3A_521 = tpu.scan <sum>, %add3A_442 masked %reduce_sum3A_520 : vector<16xi32>, vector<16xi1> -> vector<16xi32>
      %reduce_sum3A_522 = vector.extract %reduce_sum3A_521[15] : i32 from vector<16xi32>
      %add3A_523 = arith.addi %scan3A_216, %reduce_sum3A_522 : i32
      %reduce_sum3A_524 = arith.constant true
      %reduce_sum3A_525 = vector.broadcast %reduce_sum3A_524 : i1 to vector<16xi1>
      %reduce_sum3A_526 = tpu.scan <sum>, %add3A_449 masked %reduce_sum3A_525 : vector<16xf32>, vector<16xi1> -> vector<16xf32>
      %reduce_sum3A_527 = vector.extract %reduce_sum3A_526[15] : f32 from vector<16xf32>
      %add3A_528 = arith.addf %scan3A_217, %reduce_sum3A_527 : f32
      scf.yield %or3A_518, %select_n3A_513, %add3A_523, %add3A_528, %select_n3A_515, %select_n3A_517 : i1, i32, i32, f32, i32, f32
    }
    %scan3A_92 = arith.constant 16 : i32
    %shift_left3A_93 = arith.constant 16 : i32
    %shift_left3A_94 = arith.shli %scan3A_91#1, %shift_left3A_93 : i32
    %or3A_95 = arith.ori %or3A_47, %shift_left3A_94 : i32
    %sub3A_96 = arith.subi %sub3A, %scan3A_91#4 : i32
    %add3A_97 = arith.addi %add3A_48, %scan3A_91#4 : i32
    %add3A_98 = arith.addf %add3A_50, %scan3A_91#5 : f32
    %eq3A_99 = arith.constant 0 : i32
    %eq3A_100 = arith.cmpi eq, %arg1, %eq3A_99 : i32
    %convert_element_type3A_101 = arith.extui %eq3A_100 : i1 to i32
    %cond3A_102 = arith.constant 0 : i32
    %cond3A_103 = arith.cmpi ne, %convert_element_type3A_101, %cond3A_102 : i32
    scf.if %cond3A_103 {
      "tpu.region"() ({
        %run_scoped3A = tpu.sem_alloc : memref<!tpu.dma_semaphore, #tpu.memory_space<semaphore_mem>>
        tpu.enqueue_dma source(%arg7 : memref<16x256xi32, #tpu.memory_space<vmem>>) target(%arg14 : memref<16x256xi32, #tpu.memory_space<vmem_shared>>) target_semaphore(%run_scoped3A : memref<!tpu.dma_semaphore, #tpu.memory_space<semaphore_mem>>)
        tpu.wait_dma2 semaphore(%run_scoped3A : memref<!tpu.dma_semaphore, #tpu.memory_space<semaphore_mem>>) src(%arg7 : memref<16x256xi32, #tpu.memory_space<vmem>>) dst(%arg14 : memref<16x256xi32, #tpu.memory_space<vmem_shared>>)
        tpu.yield
      }) : () -> ()
      "tpu.region"() ({
        %run_scoped3A = tpu.sem_alloc : memref<!tpu.dma_semaphore, #tpu.memory_space<semaphore_mem>>
        tpu.enqueue_dma source(%arg8 : memref<16x256xf32, #tpu.memory_space<vmem>>) target(%arg15 : memref<16x256xf32, #tpu.memory_space<vmem_shared>>) target_semaphore(%run_scoped3A : memref<!tpu.dma_semaphore, #tpu.memory_space<semaphore_mem>>)
        tpu.wait_dma2 semaphore(%run_scoped3A : memref<!tpu.dma_semaphore, #tpu.memory_space<semaphore_mem>>) src(%arg8 : memref<16x256xf32, #tpu.memory_space<vmem>>) dst(%arg15 : memref<16x256xf32, #tpu.memory_space<vmem_shared>>)
        tpu.yield
      }) : () -> ()
    } else {
    }
    %barrier3A_104 = arith.constant 0 : index
    tpu.barrier barrier_id(%barrier3A_104)
    %while3A_105 = arith.constant -65536 : i32
    %while3A_106 = arith.constant 0 : i32
    %while3A_107 = arith.constant 0 : i32
    %while3A_108 = arith.subi %div3A_67, %while3A_106 : i32
    %while3A_109 = arith.addi %while3A_106, %while3A_108 : i32
    %while3A_110 = arith.constant 1 : i32
    %while3A_111 = arith.divsi %while3A_108, %while3A_110 : i32
    %while3A_112 = arith.muli %while3A_111, %while3A_110 : i32
    %while3A_113 = arith.addi %while3A_106, %while3A_112 : i32
    %while3A_114 = arith.constant 1 : i32
    %while3A_115 = scf.for %while3A_213 = %while3A_106 to %while3A_113 step %while3A_114 iter_args(%while3A_214 = %while3A_107) -> (i32)  : i32 {
      %mul3A_215 = arith.constant 16 : i32
      %mul3A_216 = arith.muli %while3A_213, %mul3A_215 : i32
      %get3A_217 = arith.index_cast %mul3A_216 : i32 to index
      %get3A_218 = tpu.vector_load %arg6[%get3A_217] {strides = array<i32>} : memref<6272xf32, #tpu.memory_space<vmem>>, vector<16xf32>,
      %bitcast_convert_type3A_219 = tpu.bitcast %get3A_218 : vector<16xf32> -> vector<16xi32>
      %mul3A_220 = arith.constant 16 : i32
      %mul3A_221 = arith.muli %while3A_213, %mul3A_220 : i32
      %add3A_222 = vector.broadcast %mul3A_221 : i32 to vector<16xi32>
      %add3A_223 = arith.addi %add3A_222, %iota3A_2 : vector<16xi32>
      %and3A = vector.broadcast %while3A_105 : i32 to vector<16xi32>
      %and3A_224 = arith.andi %bitcast_convert_type3A_219, %and3A : vector<16xi32>
      %eq3A_225 = vector.broadcast %or3A_95 : i32 to vector<16xi32>
      %eq3A_226 = arith.cmpi eq, %and3A_224, %eq3A_225 : vector<16xi32>
      %lt3A = vector.broadcast %scan3A_63 : i32 to vector<16xi32>
      %lt3A_227 = arith.cmpi slt, %add3A_223, %lt3A : vector<16xi32>
      %and3A_228 = arith.andi %eq3A_226, %lt3A_227 : vector<16xi1>
      %shift_right_logical3A = arith.constant 8 : i32
      %shift_right_logical3A_229 = vector.broadcast %shift_right_logical3A : i32 to vector<16xi32>
      %shift_right_logical3A_230 = arith.shrui %bitcast_convert_type3A_219, %shift_right_logical3A_229 : vector<16xi32>
      %and3A_231 = arith.constant 255 : i32
      %and3A_232 = vector.broadcast %and3A_231 : i32 to vector<16xi32>
      %and3A_233 = arith.andi %shift_right_logical3A_230, %and3A_232 : vector<16xi32>
      tpu.vector_store_idx %arg7[%iota3A_2, %and3A_233], %broadcast_in_dim3A_3 masked %and3A_228 {add = true} : memref<16x256xi32, #tpu.memory_space<vmem>>[vector<16xi32>, vector<16xi32>], vector<16xi32>, vector<16xi1>
      tpu.vector_store_idx %arg8[%iota3A_2, %and3A_233], %get3A_218 masked %and3A_228 {add = true} : memref<16x256xf32, #tpu.memory_space<vmem>>[vector<16xi32>, vector<16xi32>], vector<16xf32>, vector<16xi1>
      %while3A_234 = arith.constant 0 : i32
      scf.yield %while3A_234 : i32
    }
    %while3A_116 = arith.constant 1 : i32
    %while3A_117 = scf.for %while3A_213 = %while3A_113 to %while3A_109 step %while3A_116 iter_args(%while3A_214 = %while3A_115) -> (i32)  : i32 {
      %mul3A_215 = arith.constant 16 : i32
      %mul3A_216 = arith.muli %while3A_213, %mul3A_215 : i32
      %get3A_217 = arith.index_cast %mul3A_216 : i32 to index
      %get3A_218 = tpu.vector_load %arg6[%get3A_217] {strides = array<i32>} : memref<6272xf32, #tpu.memory_space<vmem>>, vector<16xf32>,
      %bitcast_convert_type3A_219 = tpu.bitcast %get3A_218 : vector<16xf32> -> vector<16xi32>
      %mul3A_220 = arith.constant 16 : i32
      %mul3A_221 = arith.muli %while3A_213, %mul3A_220 : i32
      %add3A_222 = vector.broadcast %mul3A_221 : i32 to vector<16xi32>
      %add3A_223 = arith.addi %add3A_222, %iota3A_2 : vector<16xi32>
      %and3A = vector.broadcast %while3A_105 : i32 to vector<16xi32>
      %and3A_224 = arith.andi %bitcast_convert_type3A_219, %and3A : vector<16xi32>
      %eq3A_225 = vector.broadcast %or3A_95 : i32 to vector<16xi32>
      %eq3A_226 = arith.cmpi eq, %and3A_224, %eq3A_225 : vector<16xi32>
      %lt3A = vector.broadcast %scan3A_63 : i32 to vector<16xi32>
      %lt3A_227 = arith.cmpi slt, %add3A_223, %lt3A : vector<16xi32>
      %and3A_228 = arith.andi %eq3A_226, %lt3A_227 : vector<16xi1>
      %shift_right_logical3A = arith.constant 8 : i32
      %shift_right_logical3A_229 = vector.broadcast %shift_right_logical3A : i32 to vector<16xi32>
      %shift_right_logical3A_230 = arith.shrui %bitcast_convert_type3A_219, %shift_right_logical3A_229 : vector<16xi32>
      %and3A_231 = arith.constant 255 : i32
      %and3A_232 = vector.broadcast %and3A_231 : i32 to vector<16xi32>
      %and3A_233 = arith.andi %shift_right_logical3A_230, %and3A_232 : vector<16xi32>
      tpu.vector_store_idx %arg7[%iota3A_2, %and3A_233], %broadcast_in_dim3A_3 masked %and3A_228 {add = true} : memref<16x256xi32, #tpu.memory_space<vmem>>[vector<16xi32>, vector<16xi32>], vector<16xi32>, vector<16xi1>
      tpu.vector_store_idx %arg8[%iota3A_2, %and3A_233], %get3A_218 masked %and3A_228 {add = true} : memref<16x256xf32, #tpu.memory_space<vmem>>[vector<16xi32>, vector<16xi32>], vector<16xf32>, vector<16xi1>
      %while3A_234 = arith.constant 0 : i32
      scf.yield %while3A_234 : i32
    }
    "tpu.region"() ({
      %run_scoped3A = tpu.sem_alloc : memref<!tpu.dma_semaphore, #tpu.memory_space<semaphore_mem>>
      %dma_start3A = arith.constant 0 : i32
      %dma_start3A_213 = arith.constant 0 : i32
      %dma_start3A_214 = tpu.memref_slice %arg14[%dma_start3A, %dma_start3A_213] : memref<16x256xi32, #tpu.memory_space<vmem_shared>> -> memref<16x256xi32, #tpu.memory_space<vmem_shared>>
      tpu.enqueue_indirect_dma source(%arg7 : memref<16x256xi32, #tpu.memory_space<vmem>>) target(%dma_start3A_214 : memref<16x256xi32, #tpu.memory_space<vmem_shared>>) offsets(%arg11 : memref<16xi32, #tpu.memory_space<vmem>>) semaphore(%run_scoped3A : memref<!tpu.dma_semaphore, #tpu.memory_space<semaphore_mem>>) {add = true}
      %dma_wait3A = arith.constant 0 : i32
      %dma_wait3A_215 = arith.constant 0 : i32
      %dma_wait3A_216 = tpu.memref_slice %arg14[%dma_wait3A, %dma_wait3A_215] : memref<16x256xi32, #tpu.memory_space<vmem_shared>> -> memref<16x256xi32, #tpu.memory_space<vmem_shared>>
      tpu.wait_indirect_dma semaphore(%run_scoped3A : memref<!tpu.dma_semaphore, #tpu.memory_space<semaphore_mem>>) src(%arg7 : memref<16x256xi32, #tpu.memory_space<vmem>>) dst(%dma_wait3A_216 : memref<16x256xi32, #tpu.memory_space<vmem_shared>>)
      tpu.yield
    }) : () -> ()
    "tpu.region"() ({
      %run_scoped3A = tpu.sem_alloc : memref<!tpu.dma_semaphore, #tpu.memory_space<semaphore_mem>>
      %dma_start3A = arith.constant 0 : i32
      %dma_start3A_213 = arith.constant 0 : i32
      %dma_start3A_214 = tpu.memref_slice %arg15[%dma_start3A, %dma_start3A_213] : memref<16x256xf32, #tpu.memory_space<vmem_shared>> -> memref<16x256xf32, #tpu.memory_space<vmem_shared>>
      tpu.enqueue_indirect_dma source(%arg8 : memref<16x256xf32, #tpu.memory_space<vmem>>) target(%dma_start3A_214 : memref<16x256xf32, #tpu.memory_space<vmem_shared>>) offsets(%arg11 : memref<16xi32, #tpu.memory_space<vmem>>) semaphore(%run_scoped3A : memref<!tpu.dma_semaphore, #tpu.memory_space<semaphore_mem>>) {add = true}
      %dma_wait3A = arith.constant 0 : i32
      %dma_wait3A_215 = arith.constant 0 : i32
      %dma_wait3A_216 = tpu.memref_slice %arg15[%dma_wait3A, %dma_wait3A_215] : memref<16x256xf32, #tpu.memory_space<vmem_shared>> -> memref<16x256xf32, #tpu.memory_space<vmem_shared>>
      tpu.wait_indirect_dma semaphore(%run_scoped3A : memref<!tpu.dma_semaphore, #tpu.memory_space<semaphore_mem>>) src(%arg8 : memref<16x256xf32, #tpu.memory_space<vmem>>) dst(%dma_wait3A_216 : memref<16x256xf32, #tpu.memory_space<vmem_shared>>)
      tpu.yield
    }) : () -> ()
    %while3A_118 = arith.constant 0 : i32
    %while3A_119 = arith.constant 0 : i32
    %while3A_120 = arith.subi %div3A_67, %while3A_118 : i32
    %while3A_121 = arith.addi %while3A_118, %while3A_120 : i32
    %while3A_122 = arith.constant 1 : i32
    %while3A_123 = arith.divsi %while3A_120, %while3A_122 : i32
    %while3A_124 = arith.muli %while3A_123, %while3A_122 : i32
    %while3A_125 = arith.addi %while3A_118, %while3A_124 : i32
    %while3A_126 = arith.constant 1 : i32
    %while3A_127 = scf.for %while3A_213 = %while3A_118 to %while3A_125 step %while3A_126 iter_args(%while3A_214 = %while3A_119) -> (i32)  : i32 {
      %mul3A_215 = arith.constant 16 : i32
      %mul3A_216 = arith.muli %while3A_213, %mul3A_215 : i32
      %get3A_217 = arith.index_cast %mul3A_216 : i32 to index
      %get3A_218 = tpu.vector_load %arg6[%get3A_217] {strides = array<i32>} : memref<6272xf32, #tpu.memory_space<vmem>>, vector<16xf32>,
      %bitcast_convert_type3A_219 = tpu.bitcast %get3A_218 : vector<16xf32> -> vector<16xi32>
      %shift_right_logical3A = arith.constant 8 : i32
      %shift_right_logical3A_220 = vector.broadcast %shift_right_logical3A : i32 to vector<16xi32>
      %shift_right_logical3A_221 = arith.shrui %bitcast_convert_type3A_219, %shift_right_logical3A_220 : vector<16xi32>
      %and3A = arith.constant 255 : i32
      %and3A_222 = vector.broadcast %and3A : i32 to vector<16xi32>
      %and3A_223 = arith.andi %shift_right_logical3A_221, %and3A_222 : vector<16xi32>
      %broadcast_in_dim3A_224 = arith.constant 0 : i32
      %broadcast_in_dim3A_225 = vector.broadcast %broadcast_in_dim3A_224 : i32 to vector<16xi32>
      tpu.vector_store_idx %arg7[%iota3A_2, %and3A_223], %broadcast_in_dim3A_225 : memref<16x256xi32, #tpu.memory_space<vmem>>[vector<16xi32>, vector<16xi32>], vector<16xi32>,
      %broadcast_in_dim3A_226 = arith.constant 0.000000e+00 : f32
      %broadcast_in_dim3A_227 = vector.broadcast %broadcast_in_dim3A_226 : f32 to vector<16xf32>
      tpu.vector_store_idx %arg8[%iota3A_2, %and3A_223], %broadcast_in_dim3A_227 : memref<16x256xf32, #tpu.memory_space<vmem>>[vector<16xi32>, vector<16xi32>], vector<16xf32>,
      %while3A_228 = arith.constant 0 : i32
      scf.yield %while3A_228 : i32
    }
    %while3A_128 = arith.constant 1 : i32
    %while3A_129 = scf.for %while3A_213 = %while3A_125 to %while3A_121 step %while3A_128 iter_args(%while3A_214 = %while3A_127) -> (i32)  : i32 {
      %mul3A_215 = arith.constant 16 : i32
      %mul3A_216 = arith.muli %while3A_213, %mul3A_215 : i32
      %get3A_217 = arith.index_cast %mul3A_216 : i32 to index
      %get3A_218 = tpu.vector_load %arg6[%get3A_217] {strides = array<i32>} : memref<6272xf32, #tpu.memory_space<vmem>>, vector<16xf32>,
      %bitcast_convert_type3A_219 = tpu.bitcast %get3A_218 : vector<16xf32> -> vector<16xi32>
      %shift_right_logical3A = arith.constant 8 : i32
      %shift_right_logical3A_220 = vector.broadcast %shift_right_logical3A : i32 to vector<16xi32>
      %shift_right_logical3A_221 = arith.shrui %bitcast_convert_type3A_219, %shift_right_logical3A_220 : vector<16xi32>
      %and3A = arith.constant 255 : i32
      %and3A_222 = vector.broadcast %and3A : i32 to vector<16xi32>
      %and3A_223 = arith.andi %shift_right_logical3A_221, %and3A_222 : vector<16xi32>
      %broadcast_in_dim3A_224 = arith.constant 0 : i32
      %broadcast_in_dim3A_225 = vector.broadcast %broadcast_in_dim3A_224 : i32 to vector<16xi32>
      tpu.vector_store_idx %arg7[%iota3A_2, %and3A_223], %broadcast_in_dim3A_225 : memref<16x256xi32, #tpu.memory_space<vmem>>[vector<16xi32>, vector<16xi32>], vector<16xi32>,
      %broadcast_in_dim3A_226 = arith.constant 0.000000e+00 : f32
      %broadcast_in_dim3A_227 = vector.broadcast %broadcast_in_dim3A_226 : f32 to vector<16xf32>
      tpu.vector_store_idx %arg8[%iota3A_2, %and3A_223], %broadcast_in_dim3A_227 : memref<16x256xf32, #tpu.memory_space<vmem>>[vector<16xi32>, vector<16xi32>], vector<16xf32>,
      %while3A_228 = arith.constant 0 : i32
      scf.yield %while3A_228 : i32
    }
    %barrier3A_130 = arith.constant 0 : index
    tpu.barrier barrier_id(%barrier3A_130)
    "tpu.region"() ({
      %run_scoped3A = tpu.sem_alloc : memref<!tpu.dma_semaphore, #tpu.memory_space<semaphore_mem>>
      tpu.enqueue_dma source(%arg14 : memref<16x256xi32, #tpu.memory_space<vmem_shared>>) target(%arg9 : memref<16x256xi32, #tpu.memory_space<vmem>>) target_semaphore(%run_scoped3A : memref<!tpu.dma_semaphore, #tpu.memory_space<semaphore_mem>>)
      tpu.wait_dma2 semaphore(%run_scoped3A : memref<!tpu.dma_semaphore, #tpu.memory_space<semaphore_mem>>) src(%arg14 : memref<16x256xi32, #tpu.memory_space<vmem_shared>>) dst(%arg9 : memref<16x256xi32, #tpu.memory_space<vmem>>)
      tpu.yield
    }) : () -> ()
    "tpu.region"() ({
      %run_scoped3A = tpu.sem_alloc : memref<!tpu.dma_semaphore, #tpu.memory_space<semaphore_mem>>
      tpu.enqueue_dma source(%arg15 : memref<16x256xf32, #tpu.memory_space<vmem_shared>>) target(%arg10 : memref<16x256xf32, #tpu.memory_space<vmem>>) target_semaphore(%run_scoped3A : memref<!tpu.dma_semaphore, #tpu.memory_space<semaphore_mem>>)
      tpu.wait_dma2 semaphore(%run_scoped3A : memref<!tpu.dma_semaphore, #tpu.memory_space<semaphore_mem>>) src(%arg15 : memref<16x256xf32, #tpu.memory_space<vmem_shared>>) dst(%arg10 : memref<16x256xf32, #tpu.memory_space<vmem>>)
      tpu.yield
    }) : () -> ()
    %barrier3A_131 = arith.constant 0 : index
    tpu.barrier barrier_id(%barrier3A_131)
    %scan3A_132 = arith.constant false
    %scan3A_133 = arith.constant 0 : i32
    %scan3A_134 = arith.constant 0 : i32
    %scan3A_135 = arith.constant 0.000000e+00 : f32
    %scan3A_136 = arith.constant 0 : i32
    %scan3A_137 = arith.constant 0.000000e+00 : f32
    %scan3A_138 = arith.constant 0 : i32
    %scan3A_139 = arith.constant 16 : i32
    %scan3A_140 = arith.addi %scan3A_138, %scan3A_139 : i32
    %scan3A_141 = arith.constant 1 : i32
    %scan3A_142:6 = scf.for %scan3A_213 = %scan3A_138 to %scan3A_140 step %scan3A_141 iter_args(%scan3A_214 = %scan3A_132, %scan3A_215 = %scan3A_133, %scan3A_216 = %scan3A_134, %scan3A_217 = %scan3A_135, %scan3A_218 = %scan3A_136, %scan3A_219 = %scan3A_137) -> (i1, i32, i32, f32, i32, f32)  : i32 {
      %sub3A_220 = arith.constant 15 : i32
      %sub3A_221 = arith.subi %sub3A_220, %scan3A_213 : i32
      %broadcast_in_dim3A_222 = arith.constant 0 : i32
      %broadcast_in_dim3A_223 = vector.broadcast %broadcast_in_dim3A_222 : i32 to vector<16xi32>
      %broadcast_in_dim3A_224 = arith.constant 0.000000e+00 : f32
      %broadcast_in_dim3A_225 = vector.broadcast %broadcast_in_dim3A_224 : f32 to vector<16xf32>
      %mul3A_226 = arith.constant 16 : i32
      %mul3A_227 = arith.muli %sub3A_221, %mul3A_226 : i32
      %get3A_228 = arith.constant 0 : i32
      %get3A_229 = arith.index_cast %get3A_228 : i32 to index
      %get3A_230 = arith.index_cast %mul3A_227 : i32 to index
      %get3A_231 = tpu.vector_load %arg9[%get3A_229, %get3A_230] {strides = array<i32>} : memref<16x256xi32, #tpu.memory_space<vmem>>, vector<16xi32>,
      %add3A_232 = arith.addi %broadcast_in_dim3A_223, %get3A_231 : vector<16xi32>
      %mul3A_233 = arith.constant 16 : i32
      %mul3A_234 = arith.muli %sub3A_221, %mul3A_233 : i32
      %get3A_235 = arith.constant 0 : i32
      %get3A_236 = arith.index_cast %get3A_235 : i32 to index
      %get3A_237 = arith.index_cast %mul3A_234 : i32 to index
      %get3A_238 = tpu.vector_load %arg10[%get3A_236, %get3A_237] {strides = array<i32>} : memref<16x256xf32, #tpu.memory_space<vmem>>, vector<16xf32>,
      %add3A_239 = arith.addf %broadcast_in_dim3A_225, %get3A_238 : vector<16xf32>
      %mul3A_240 = arith.constant 16 : i32
      %mul3A_241 = arith.muli %sub3A_221, %mul3A_240 : i32
      %get3A_242 = arith.constant 1 : i32
      %get3A_243 = arith.index_cast %get3A_242 : i32 to index
      %get3A_244 = arith.index_cast %mul3A_241 : i32 to index
      %get3A_245 = tpu.vector_load %arg9[%get3A_243, %get3A_244] {strides = array<i32>} : memref<16x256xi32, #tpu.memory_space<vmem>>, vector<16xi32>,
      %add3A_246 = arith.addi %add3A_232, %get3A_245 : vector<16xi32>
      %mul3A_247 = arith.constant 16 : i32
      %mul3A_248 = arith.muli %sub3A_221, %mul3A_247 : i32
      %get3A_249 = arith.constant 1 : i32
      %get3A_250 = arith.index_cast %get3A_249 : i32 to index
      %get3A_251 = arith.index_cast %mul3A_248 : i32 to index
      %get3A_252 = tpu.vector_load %arg10[%get3A_250, %get3A_251] {strides = array<i32>} : memref<16x256xf32, #tpu.memory_space<vmem>>, vector<16xf32>,
      %add3A_253 = arith.addf %add3A_239, %get3A_252 : vector<16xf32>
      %mul3A_254 = arith.constant 16 : i32
      %mul3A_255 = arith.muli %sub3A_221, %mul3A_254 : i32
      %get3A_256 = arith.constant 2 : i32
      %get3A_257 = arith.index_cast %get3A_256 : i32 to index
      %get3A_258 = arith.index_cast %mul3A_255 : i32 to index
      %get3A_259 = tpu.vector_load %arg9[%get3A_257, %get3A_258] {strides = array<i32>} : memref<16x256xi32, #tpu.memory_space<vmem>>, vector<16xi32>,
      %add3A_260 = arith.addi %add3A_246, %get3A_259 : vector<16xi32>
      %mul3A_261 = arith.constant 16 : i32
      %mul3A_262 = arith.muli %sub3A_221, %mul3A_261 : i32
      %get3A_263 = arith.constant 2 : i32
      %get3A_264 = arith.index_cast %get3A_263 : i32 to index
      %get3A_265 = arith.index_cast %mul3A_262 : i32 to index
      %get3A_266 = tpu.vector_load %arg10[%get3A_264, %get3A_265] {strides = array<i32>} : memref<16x256xf32, #tpu.memory_space<vmem>>, vector<16xf32>,
      %add3A_267 = arith.addf %add3A_253, %get3A_266 : vector<16xf32>
      %mul3A_268 = arith.constant 16 : i32
      %mul3A_269 = arith.muli %sub3A_221, %mul3A_268 : i32
      %get3A_270 = arith.constant 3 : i32
      %get3A_271 = arith.index_cast %get3A_270 : i32 to index
      %get3A_272 = arith.index_cast %mul3A_269 : i32 to index
      %get3A_273 = tpu.vector_load %arg9[%get3A_271, %get3A_272] {strides = array<i32>} : memref<16x256xi32, #tpu.memory_space<vmem>>, vector<16xi32>,
      %add3A_274 = arith.addi %add3A_260, %get3A_273 : vector<16xi32>
      %mul3A_275 = arith.constant 16 : i32
      %mul3A_276 = arith.muli %sub3A_221, %mul3A_275 : i32
      %get3A_277 = arith.constant 3 : i32
      %get3A_278 = arith.index_cast %get3A_277 : i32 to index
      %get3A_279 = arith.index_cast %mul3A_276 : i32 to index
      %get3A_280 = tpu.vector_load %arg10[%get3A_278, %get3A_279] {strides = array<i32>} : memref<16x256xf32, #tpu.memory_space<vmem>>, vector<16xf32>,
      %add3A_281 = arith.addf %add3A_267, %get3A_280 : vector<16xf32>
      %mul3A_282 = arith.constant 16 : i32
      %mul3A_283 = arith.muli %sub3A_221, %mul3A_282 : i32
      %get3A_284 = arith.constant 4 : i32
      %get3A_285 = arith.index_cast %get3A_284 : i32 to index
      %get3A_286 = arith.index_cast %mul3A_283 : i32 to index
      %get3A_287 = tpu.vector_load %arg9[%get3A_285, %get3A_286] {strides = array<i32>} : memref<16x256xi32, #tpu.memory_space<vmem>>, vector<16xi32>,
      %add3A_288 = arith.addi %add3A_274, %get3A_287 : vector<16xi32>
      %mul3A_289 = arith.constant 16 : i32
      %mul3A_290 = arith.muli %sub3A_221, %mul3A_289 : i32
      %get3A_291 = arith.constant 4 : i32
      %get3A_292 = arith.index_cast %get3A_291 : i32 to index
      %get3A_293 = arith.index_cast %mul3A_290 : i32 to index
      %get3A_294 = tpu.vector_load %arg10[%get3A_292, %get3A_293] {strides = array<i32>} : memref<16x256xf32, #tpu.memory_space<vmem>>, vector<16xf32>,
      %add3A_295 = arith.addf %add3A_281, %get3A_294 : vector<16xf32>
      %mul3A_296 = arith.constant 16 : i32
      %mul3A_297 = arith.muli %sub3A_221, %mul3A_296 : i32
      %get3A_298 = arith.constant 5 : i32
      %get3A_299 = arith.index_cast %get3A_298 : i32 to index
      %get3A_300 = arith.index_cast %mul3A_297 : i32 to index
      %get3A_301 = tpu.vector_load %arg9[%get3A_299, %get3A_300] {strides = array<i32>} : memref<16x256xi32, #tpu.memory_space<vmem>>, vector<16xi32>,
      %add3A_302 = arith.addi %add3A_288, %get3A_301 : vector<16xi32>
      %mul3A_303 = arith.constant 16 : i32
      %mul3A_304 = arith.muli %sub3A_221, %mul3A_303 : i32
      %get3A_305 = arith.constant 5 : i32
      %get3A_306 = arith.index_cast %get3A_305 : i32 to index
      %get3A_307 = arith.index_cast %mul3A_304 : i32 to index
      %get3A_308 = tpu.vector_load %arg10[%get3A_306, %get3A_307] {strides = array<i32>} : memref<16x256xf32, #tpu.memory_space<vmem>>, vector<16xf32>,
      %add3A_309 = arith.addf %add3A_295, %get3A_308 : vector<16xf32>
      %mul3A_310 = arith.constant 16 : i32
      %mul3A_311 = arith.muli %sub3A_221, %mul3A_310 : i32
      %get3A_312 = arith.constant 6 : i32
      %get3A_313 = arith.index_cast %get3A_312 : i32 to index
      %get3A_314 = arith.index_cast %mul3A_311 : i32 to index
      %get3A_315 = tpu.vector_load %arg9[%get3A_313, %get3A_314] {strides = array<i32>} : memref<16x256xi32, #tpu.memory_space<vmem>>, vector<16xi32>,
      %add3A_316 = arith.addi %add3A_302, %get3A_315 : vector<16xi32>
      %mul3A_317 = arith.constant 16 : i32
      %mul3A_318 = arith.muli %sub3A_221, %mul3A_317 : i32
      %get3A_319 = arith.constant 6 : i32
      %get3A_320 = arith.index_cast %get3A_319 : i32 to index
      %get3A_321 = arith.index_cast %mul3A_318 : i32 to index
      %get3A_322 = tpu.vector_load %arg10[%get3A_320, %get3A_321] {strides = array<i32>} : memref<16x256xf32, #tpu.memory_space<vmem>>, vector<16xf32>,
      %add3A_323 = arith.addf %add3A_309, %get3A_322 : vector<16xf32>
      %mul3A_324 = arith.constant 16 : i32
      %mul3A_325 = arith.muli %sub3A_221, %mul3A_324 : i32
      %get3A_326 = arith.constant 7 : i32
      %get3A_327 = arith.index_cast %get3A_326 : i32 to index
      %get3A_328 = arith.index_cast %mul3A_325 : i32 to index
      %get3A_329 = tpu.vector_load %arg9[%get3A_327, %get3A_328] {strides = array<i32>} : memref<16x256xi32, #tpu.memory_space<vmem>>, vector<16xi32>,
      %add3A_330 = arith.addi %add3A_316, %get3A_329 : vector<16xi32>
      %mul3A_331 = arith.constant 16 : i32
      %mul3A_332 = arith.muli %sub3A_221, %mul3A_331 : i32
      %get3A_333 = arith.constant 7 : i32
      %get3A_334 = arith.index_cast %get3A_333 : i32 to index
      %get3A_335 = arith.index_cast %mul3A_332 : i32 to index
      %get3A_336 = tpu.vector_load %arg10[%get3A_334, %get3A_335] {strides = array<i32>} : memref<16x256xf32, #tpu.memory_space<vmem>>, vector<16xf32>,
      %add3A_337 = arith.addf %add3A_323, %get3A_336 : vector<16xf32>
      %mul3A_338 = arith.constant 16 : i32
      %mul3A_339 = arith.muli %sub3A_221, %mul3A_338 : i32
      %get3A_340 = arith.constant 8 : i32
      %get3A_341 = arith.index_cast %get3A_340 : i32 to index
      %get3A_342 = arith.index_cast %mul3A_339 : i32 to index
      %get3A_343 = tpu.vector_load %arg9[%get3A_341, %get3A_342] {strides = array<i32>} : memref<16x256xi32, #tpu.memory_space<vmem>>, vector<16xi32>,
      %add3A_344 = arith.addi %add3A_330, %get3A_343 : vector<16xi32>
      %mul3A_345 = arith.constant 16 : i32
      %mul3A_346 = arith.muli %sub3A_221, %mul3A_345 : i32
      %get3A_347 = arith.constant 8 : i32
      %get3A_348 = arith.index_cast %get3A_347 : i32 to index
      %get3A_349 = arith.index_cast %mul3A_346 : i32 to index
      %get3A_350 = tpu.vector_load %arg10[%get3A_348, %get3A_349] {strides = array<i32>} : memref<16x256xf32, #tpu.memory_space<vmem>>, vector<16xf32>,
      %add3A_351 = arith.addf %add3A_337, %get3A_350 : vector<16xf32>
      %mul3A_352 = arith.constant 16 : i32
      %mul3A_353 = arith.muli %sub3A_221, %mul3A_352 : i32
      %get3A_354 = arith.constant 9 : i32
      %get3A_355 = arith.index_cast %get3A_354 : i32 to index
      %get3A_356 = arith.index_cast %mul3A_353 : i32 to index
      %get3A_357 = tpu.vector_load %arg9[%get3A_355, %get3A_356] {strides = array<i32>} : memref<16x256xi32, #tpu.memory_space<vmem>>, vector<16xi32>,
      %add3A_358 = arith.addi %add3A_344, %get3A_357 : vector<16xi32>
      %mul3A_359 = arith.constant 16 : i32
      %mul3A_360 = arith.muli %sub3A_221, %mul3A_359 : i32
      %get3A_361 = arith.constant 9 : i32
      %get3A_362 = arith.index_cast %get3A_361 : i32 to index
      %get3A_363 = arith.index_cast %mul3A_360 : i32 to index
      %get3A_364 = tpu.vector_load %arg10[%get3A_362, %get3A_363] {strides = array<i32>} : memref<16x256xf32, #tpu.memory_space<vmem>>, vector<16xf32>,
      %add3A_365 = arith.addf %add3A_351, %get3A_364 : vector<16xf32>
      %mul3A_366 = arith.constant 16 : i32
      %mul3A_367 = arith.muli %sub3A_221, %mul3A_366 : i32
      %get3A_368 = arith.constant 10 : i32
      %get3A_369 = arith.index_cast %get3A_368 : i32 to index
      %get3A_370 = arith.index_cast %mul3A_367 : i32 to index
      %get3A_371 = tpu.vector_load %arg9[%get3A_369, %get3A_370] {strides = array<i32>} : memref<16x256xi32, #tpu.memory_space<vmem>>, vector<16xi32>,
      %add3A_372 = arith.addi %add3A_358, %get3A_371 : vector<16xi32>
      %mul3A_373 = arith.constant 16 : i32
      %mul3A_374 = arith.muli %sub3A_221, %mul3A_373 : i32
      %get3A_375 = arith.constant 10 : i32
      %get3A_376 = arith.index_cast %get3A_375 : i32 to index
      %get3A_377 = arith.index_cast %mul3A_374 : i32 to index
      %get3A_378 = tpu.vector_load %arg10[%get3A_376, %get3A_377] {strides = array<i32>} : memref<16x256xf32, #tpu.memory_space<vmem>>, vector<16xf32>,
      %add3A_379 = arith.addf %add3A_365, %get3A_378 : vector<16xf32>
      %mul3A_380 = arith.constant 16 : i32
      %mul3A_381 = arith.muli %sub3A_221, %mul3A_380 : i32
      %get3A_382 = arith.constant 11 : i32
      %get3A_383 = arith.index_cast %get3A_382 : i32 to index
      %get3A_384 = arith.index_cast %mul3A_381 : i32 to index
      %get3A_385 = tpu.vector_load %arg9[%get3A_383, %get3A_384] {strides = array<i32>} : memref<16x256xi32, #tpu.memory_space<vmem>>, vector<16xi32>,
      %add3A_386 = arith.addi %add3A_372, %get3A_385 : vector<16xi32>
      %mul3A_387 = arith.constant 16 : i32
      %mul3A_388 = arith.muli %sub3A_221, %mul3A_387 : i32
      %get3A_389 = arith.constant 11 : i32
      %get3A_390 = arith.index_cast %get3A_389 : i32 to index
      %get3A_391 = arith.index_cast %mul3A_388 : i32 to index
      %get3A_392 = tpu.vector_load %arg10[%get3A_390, %get3A_391] {strides = array<i32>} : memref<16x256xf32, #tpu.memory_space<vmem>>, vector<16xf32>,
      %add3A_393 = arith.addf %add3A_379, %get3A_392 : vector<16xf32>
      %mul3A_394 = arith.constant 16 : i32
      %mul3A_395 = arith.muli %sub3A_221, %mul3A_394 : i32
      %get3A_396 = arith.constant 12 : i32
      %get3A_397 = arith.index_cast %get3A_396 : i32 to index
      %get3A_398 = arith.index_cast %mul3A_395 : i32 to index
      %get3A_399 = tpu.vector_load %arg9[%get3A_397, %get3A_398] {strides = array<i32>} : memref<16x256xi32, #tpu.memory_space<vmem>>, vector<16xi32>,
      %add3A_400 = arith.addi %add3A_386, %get3A_399 : vector<16xi32>
      %mul3A_401 = arith.constant 16 : i32
      %mul3A_402 = arith.muli %sub3A_221, %mul3A_401 : i32
      %get3A_403 = arith.constant 12 : i32
      %get3A_404 = arith.index_cast %get3A_403 : i32 to index
      %get3A_405 = arith.index_cast %mul3A_402 : i32 to index
      %get3A_406 = tpu.vector_load %arg10[%get3A_404, %get3A_405] {strides = array<i32>} : memref<16x256xf32, #tpu.memory_space<vmem>>, vector<16xf32>,
      %add3A_407 = arith.addf %add3A_393, %get3A_406 : vector<16xf32>
      %mul3A_408 = arith.constant 16 : i32
      %mul3A_409 = arith.muli %sub3A_221, %mul3A_408 : i32
      %get3A_410 = arith.constant 13 : i32
      %get3A_411 = arith.index_cast %get3A_410 : i32 to index
      %get3A_412 = arith.index_cast %mul3A_409 : i32 to index
      %get3A_413 = tpu.vector_load %arg9[%get3A_411, %get3A_412] {strides = array<i32>} : memref<16x256xi32, #tpu.memory_space<vmem>>, vector<16xi32>,
      %add3A_414 = arith.addi %add3A_400, %get3A_413 : vector<16xi32>
      %mul3A_415 = arith.constant 16 : i32
      %mul3A_416 = arith.muli %sub3A_221, %mul3A_415 : i32
      %get3A_417 = arith.constant 13 : i32
      %get3A_418 = arith.index_cast %get3A_417 : i32 to index
      %get3A_419 = arith.index_cast %mul3A_416 : i32 to index
      %get3A_420 = tpu.vector_load %arg10[%get3A_418, %get3A_419] {strides = array<i32>} : memref<16x256xf32, #tpu.memory_space<vmem>>, vector<16xf32>,
      %add3A_421 = arith.addf %add3A_407, %get3A_420 : vector<16xf32>
      %mul3A_422 = arith.constant 16 : i32
      %mul3A_423 = arith.muli %sub3A_221, %mul3A_422 : i32
      %get3A_424 = arith.constant 14 : i32
      %get3A_425 = arith.index_cast %get3A_424 : i32 to index
      %get3A_426 = arith.index_cast %mul3A_423 : i32 to index
      %get3A_427 = tpu.vector_load %arg9[%get3A_425, %get3A_426] {strides = array<i32>} : memref<16x256xi32, #tpu.memory_space<vmem>>, vector<16xi32>,
      %add3A_428 = arith.addi %add3A_414, %get3A_427 : vector<16xi32>
      %mul3A_429 = arith.constant 16 : i32
      %mul3A_430 = arith.muli %sub3A_221, %mul3A_429 : i32
      %get3A_431 = arith.constant 14 : i32
      %get3A_432 = arith.index_cast %get3A_431 : i32 to index
      %get3A_433 = arith.index_cast %mul3A_430 : i32 to index
      %get3A_434 = tpu.vector_load %arg10[%get3A_432, %get3A_433] {strides = array<i32>} : memref<16x256xf32, #tpu.memory_space<vmem>>, vector<16xf32>,
      %add3A_435 = arith.addf %add3A_421, %get3A_434 : vector<16xf32>
      %mul3A_436 = arith.constant 16 : i32
      %mul3A_437 = arith.muli %sub3A_221, %mul3A_436 : i32
      %get3A_438 = arith.constant 15 : i32
      %get3A_439 = arith.index_cast %get3A_438 : i32 to index
      %get3A_440 = arith.index_cast %mul3A_437 : i32 to index
      %get3A_441 = tpu.vector_load %arg9[%get3A_439, %get3A_440] {strides = array<i32>} : memref<16x256xi32, #tpu.memory_space<vmem>>, vector<16xi32>,
      %add3A_442 = arith.addi %add3A_428, %get3A_441 : vector<16xi32>
      %mul3A_443 = arith.constant 16 : i32
      %mul3A_444 = arith.muli %sub3A_221, %mul3A_443 : i32
      %get3A_445 = arith.constant 15 : i32
      %get3A_446 = arith.index_cast %get3A_445 : i32 to index
      %get3A_447 = arith.index_cast %mul3A_444 : i32 to index
      %get3A_448 = tpu.vector_load %arg10[%get3A_446, %get3A_447] {strides = array<i32>} : memref<16x256xf32, #tpu.memory_space<vmem>>, vector<16xf32>,
      %add3A_449 = arith.addf %add3A_435, %get3A_448 : vector<16xf32>
      %rev3A = arith.constant 15 : i32
      %rev3A_450 = vector.broadcast %rev3A : i32 to vector<16xi32>
      %rev3A_451 = tpu.iota {dimensions = array<i32: 0>} : vector<16xi32>
      %rev3A_452 = arith.subi %rev3A_450, %rev3A_451 : vector<16xi32>
      %rev3A_453 = tpu.dynamic_gather %add3A_442[%rev3A_452] in [0] : vector<16xi32>, vector<16xi32> -> vector<16xi32>
      %rev3A_454 = arith.constant 15 : i32
      %rev3A_455 = vector.broadcast %rev3A_454 : i32 to vector<16xi32>
      %rev3A_456 = tpu.iota {dimensions = array<i32: 0>} : vector<16xi32>
      %rev3A_457 = arith.subi %rev3A_455, %rev3A_456 : vector<16xi32>
      %rev3A_458 = tpu.dynamic_gather %add3A_449[%rev3A_457] in [0] : vector<16xf32>, vector<16xi32> -> vector<16xf32>
      %broadcast_in_dim3A_459 = arith.constant true
      %broadcast_in_dim3A_460 = vector.broadcast %broadcast_in_dim3A_459 : i1 to vector<16xi1>
      %masked_cumsum3A = tpu.scan <sum>, %rev3A_453 masked %broadcast_in_dim3A_460 : vector<16xi32>, vector<16xi1> -> vector<16xi32>
      %broadcast_in_dim3A_461 = arith.constant true
      %broadcast_in_dim3A_462 = vector.broadcast %broadcast_in_dim3A_461 : i1 to vector<16xi1>
      %masked_cumsum3A_463 = tpu.scan <sum>, %rev3A_458 masked %broadcast_in_dim3A_462 : vector<16xf32>, vector<16xi1> -> vector<16xf32>
      %add3A_464 = vector.broadcast %scan3A_216 : i32 to vector<16xi32>
      %add3A_465 = arith.addi %add3A_464, %masked_cumsum3A : vector<16xi32>
      %ge3A = vector.broadcast %sub3A_96 : i32 to vector<16xi32>
      %ge3A_466 = arith.cmpi sge, %add3A_465, %ge3A : vector<16xi32>
      %convert_element_type3A_467 = arith.extui %ge3A_466 : vector<16xi1> to vector<16xi32>
      %broadcast_in_dim3A_468 = arith.constant true
      %broadcast_in_dim3A_469 = vector.broadcast %broadcast_in_dim3A_468 : i1 to vector<16xi1>
      %masked_cumsum3A_470 = tpu.scan <sum>, %convert_element_type3A_467 masked %broadcast_in_dim3A_469 : vector<16xi32>, vector<16xi1> -> vector<16xi32>
      %eq3A_471 = arith.constant 1 : i32
      %eq3A_472 = vector.broadcast %eq3A_471 : i32 to vector<16xi32>
      %eq3A_473 = arith.cmpi eq, %masked_cumsum3A_470, %eq3A_472 : vector<16xi32>
      %and3A = arith.andi %ge3A_466, %eq3A_473 : vector<16xi1>
      %jit3A_474 = arith.constant 0 : i32
      %broadcast_in_dim3A_475 = vector.broadcast %jit3A_474 : i32 to vector<16xi32>
      %select_n3A_476 = arith.select %and3A, %iota3A_2, %broadcast_in_dim3A_475 : vector<16xi1>, vector<16xi32>
      %reduce_sum3A = arith.constant true
      %reduce_sum3A_477 = vector.broadcast %reduce_sum3A : i1 to vector<16xi1>
      %reduce_sum3A_478 = tpu.scan <sum>, %select_n3A_476 masked %reduce_sum3A_477 : vector<16xi32>, vector<16xi1> -> vector<16xi32>
      %reduce_sum3A_479 = vector.extract %reduce_sum3A_478[15] : i32 from vector<16xi32>
      %sub3A_480 = arith.subi %masked_cumsum3A, %rev3A_453 : vector<16xi32>
      %jit3A_481 = arith.constant 0 : i32
      %broadcast_in_dim3A_482 = vector.broadcast %jit3A_481 : i32 to vector<16xi32>
      %select_n3A_483 = arith.select %and3A, %sub3A_480, %broadcast_in_dim3A_482 : vector<16xi1>, vector<16xi32>
      %reduce_sum3A_484 = arith.constant true
      %reduce_sum3A_485 = vector.broadcast %reduce_sum3A_484 : i1 to vector<16xi1>
      %reduce_sum3A_486 = tpu.scan <sum>, %select_n3A_483 masked %reduce_sum3A_485 : vector<16xi32>, vector<16xi1> -> vector<16xi32>
      %reduce_sum3A_487 = vector.extract %reduce_sum3A_486[15] : i32 from vector<16xi32>
      %sub3A_488 = arith.subf %masked_cumsum3A_463, %rev3A_458 : vector<16xf32>
      %jit3A_489 = arith.constant 0.000000e+00 : f32
      %broadcast_in_dim3A_490 = vector.broadcast %jit3A_489 : f32 to vector<16xf32>
      %select_n3A_491 = arith.select %and3A, %sub3A_488, %broadcast_in_dim3A_490 : vector<16xi1>, vector<16xf32>
      %reduce_sum3A_492 = arith.constant true
      %reduce_sum3A_493 = vector.broadcast %reduce_sum3A_492 : i1 to vector<16xi1>
      %reduce_sum3A_494 = tpu.scan <sum>, %select_n3A_491 masked %reduce_sum3A_493 : vector<16xf32>, vector<16xi1> -> vector<16xf32>
      %reduce_sum3A_495 = vector.extract %reduce_sum3A_494[15] : f32 from vector<16xf32>
      %not3A = arith.constant true
      %not3A_496 = arith.xori %scan3A_214, %not3A : i1
      %reduce_or3A = arith.constant 1.000000e+00 : f32
      %reduce_or3A_497 = arith.constant 0.000000e+00 : f32
      %reduce_or3A_498 = vector.broadcast %reduce_or3A : f32 to vector<16xf32>
      %reduce_or3A_499 = vector.broadcast %reduce_or3A_497 : f32 to vector<16xf32>
      %reduce_or3A_500 = arith.select %ge3A_466, %reduce_or3A_498, %reduce_or3A_499 : vector<16xi1>, vector<16xf32>
      %reduce_or3A_501 = arith.constant true
      %reduce_or3A_502 = vector.broadcast %reduce_or3A_501 : i1 to vector<16xi1>
      %reduce_or3A_503 = tpu.scan <max>, %reduce_or3A_500 masked %reduce_or3A_502 : vector<16xf32>, vector<16xi1> -> vector<16xf32>
      %reduce_or3A_504 = vector.extract %reduce_or3A_503[15] : f32 from vector<16xf32>
      %reduce_or3A_505 = arith.constant 0.000000e+00 : f32
      %reduce_or3A_506 = arith.cmpf ogt, %reduce_or3A_504, %reduce_or3A_505 : f32
      %and3A_507 = arith.andi %not3A_496, %reduce_or3A_506 : i1
      %mul3A_508 = arith.constant 16 : i32
      %mul3A_509 = arith.muli %sub3A_221, %mul3A_508 : i32
      %add3A_510 = arith.constant 15 : i32
      %add3A_511 = arith.addi %mul3A_509, %add3A_510 : i32
      %sub3A_512 = arith.subi %add3A_511, %reduce_sum3A_479 : i32
      %select_n3A_513 = arith.select %and3A_507, %sub3A_512, %scan3A_215 : i32
      %add3A_514 = arith.addi %scan3A_216, %reduce_sum3A_487 : i32
      %select_n3A_515 = arith.select %and3A_507, %add3A_514, %scan3A_218 : i32
      %add3A_516 = arith.addf %scan3A_217, %reduce_sum3A_495 : f32
      %select_n3A_517 = arith.select %and3A_507, %add3A_516, %scan3A_219 : f32
      %or3A_518 = arith.ori %scan3A_214, %and3A_507 : i1
      %reduce_sum3A_519 = arith.constant true
      %reduce_sum3A_520 = vector.broadcast %reduce_sum3A_519 : i1 to vector<16xi1>
      %reduce_sum3A_521 = tpu.scan <sum>, %add3A_442 masked %reduce_sum3A_520 : vector<16xi32>, vector<16xi1> -> vector<16xi32>
      %reduce_sum3A_522 = vector.extract %reduce_sum3A_521[15] : i32 from vector<16xi32>
      %add3A_523 = arith.addi %scan3A_216, %reduce_sum3A_522 : i32
      %reduce_sum3A_524 = arith.constant true
      %reduce_sum3A_525 = vector.broadcast %reduce_sum3A_524 : i1 to vector<16xi1>
      %reduce_sum3A_526 = tpu.scan <sum>, %add3A_449 masked %reduce_sum3A_525 : vector<16xf32>, vector<16xi1> -> vector<16xf32>
      %reduce_sum3A_527 = vector.extract %reduce_sum3A_526[15] : f32 from vector<16xf32>
      %add3A_528 = arith.addf %scan3A_217, %reduce_sum3A_527 : f32
      scf.yield %or3A_518, %select_n3A_513, %add3A_523, %add3A_528, %select_n3A_515, %select_n3A_517 : i1, i32, i32, f32, i32, f32
    }
    %scan3A_143 = arith.constant 16 : i32
    %shift_left3A_144 = arith.constant 8 : i32
    %shift_left3A_145 = arith.shli %scan3A_142#1, %shift_left3A_144 : i32
    %or3A_146 = arith.ori %or3A_95, %shift_left3A_145 : i32
    %sub3A_147 = arith.subi %sub3A_96, %scan3A_142#4 : i32
    %add3A_148 = arith.addi %add3A_97, %scan3A_142#4 : i32
    %add3A_149 = arith.addf %add3A_98, %scan3A_142#5 : f32
    %eq3A_150 = arith.constant 0 : i32
    %eq3A_151 = arith.cmpi eq, %arg1, %eq3A_150 : i32
    %convert_element_type3A_152 = arith.extui %eq3A_151 : i1 to i32
    %cond3A_153 = arith.constant 0 : i32
    %cond3A_154 = arith.cmpi ne, %convert_element_type3A_152, %cond3A_153 : i32
    scf.if %cond3A_154 {
      "tpu.region"() ({
        %run_scoped3A = tpu.sem_alloc : memref<!tpu.dma_semaphore, #tpu.memory_space<semaphore_mem>>
        tpu.enqueue_dma source(%arg7 : memref<16x256xi32, #tpu.memory_space<vmem>>) target(%arg14 : memref<16x256xi32, #tpu.memory_space<vmem_shared>>) target_semaphore(%run_scoped3A : memref<!tpu.dma_semaphore, #tpu.memory_space<semaphore_mem>>)
        tpu.wait_dma2 semaphore(%run_scoped3A : memref<!tpu.dma_semaphore, #tpu.memory_space<semaphore_mem>>) src(%arg7 : memref<16x256xi32, #tpu.memory_space<vmem>>) dst(%arg14 : memref<16x256xi32, #tpu.memory_space<vmem_shared>>)
        tpu.yield
      }) : () -> ()
      "tpu.region"() ({
        %run_scoped3A = tpu.sem_alloc : memref<!tpu.dma_semaphore, #tpu.memory_space<semaphore_mem>>
        tpu.enqueue_dma source(%arg8 : memref<16x256xf32, #tpu.memory_space<vmem>>) target(%arg15 : memref<16x256xf32, #tpu.memory_space<vmem_shared>>) target_semaphore(%run_scoped3A : memref<!tpu.dma_semaphore, #tpu.memory_space<semaphore_mem>>)
        tpu.wait_dma2 semaphore(%run_scoped3A : memref<!tpu.dma_semaphore, #tpu.memory_space<semaphore_mem>>) src(%arg8 : memref<16x256xf32, #tpu.memory_space<vmem>>) dst(%arg15 : memref<16x256xf32, #tpu.memory_space<vmem_shared>>)
        tpu.yield
      }) : () -> ()
    } else {
    }
    %barrier3A_155 = arith.constant 0 : index
    tpu.barrier barrier_id(%barrier3A_155)
    %while3A_156 = arith.constant -256 : i32
    %while3A_157 = arith.constant 0 : i32
    %while3A_158 = arith.constant 0 : i32
    %while3A_159 = arith.subi %div3A_67, %while3A_157 : i32
    %while3A_160 = arith.addi %while3A_157, %while3A_159 : i32
    %while3A_161 = arith.constant 1 : i32
    %while3A_162 = arith.divsi %while3A_159, %while3A_161 : i32
    %while3A_163 = arith.muli %while3A_162, %while3A_161 : i32
    %while3A_164 = arith.addi %while3A_157, %while3A_163 : i32
    %while3A_165 = arith.constant 1 : i32
    %while3A_166 = scf.for %while3A_213 = %while3A_157 to %while3A_164 step %while3A_165 iter_args(%while3A_214 = %while3A_158) -> (i32)  : i32 {
      %mul3A_215 = arith.constant 16 : i32
      %mul3A_216 = arith.muli %while3A_213, %mul3A_215 : i32
      %get3A_217 = arith.index_cast %mul3A_216 : i32 to index
      %get3A_218 = tpu.vector_load %arg6[%get3A_217] {strides = array<i32>} : memref<6272xf32, #tpu.memory_space<vmem>>, vector<16xf32>,
      %bitcast_convert_type3A_219 = tpu.bitcast %get3A_218 : vector<16xf32> -> vector<16xi32>
      %mul3A_220 = arith.constant 16 : i32
      %mul3A_221 = arith.muli %while3A_213, %mul3A_220 : i32
      %add3A_222 = vector.broadcast %mul3A_221 : i32 to vector<16xi32>
      %add3A_223 = arith.addi %add3A_222, %iota3A_2 : vector<16xi32>
      %and3A = vector.broadcast %while3A_156 : i32 to vector<16xi32>
      %and3A_224 = arith.andi %bitcast_convert_type3A_219, %and3A : vector<16xi32>
      %eq3A_225 = vector.broadcast %or3A_146 : i32 to vector<16xi32>
      %eq3A_226 = arith.cmpi eq, %and3A_224, %eq3A_225 : vector<16xi32>
      %lt3A = vector.broadcast %scan3A_63 : i32 to vector<16xi32>
      %lt3A_227 = arith.cmpi slt, %add3A_223, %lt3A : vector<16xi32>
      %and3A_228 = arith.andi %eq3A_226, %lt3A_227 : vector<16xi1>
      %shift_right_logical3A = arith.constant 0 : i32
      %shift_right_logical3A_229 = vector.broadcast %shift_right_logical3A : i32 to vector<16xi32>
      %shift_right_logical3A_230 = arith.shrui %bitcast_convert_type3A_219, %shift_right_logical3A_229 : vector<16xi32>
      %and3A_231 = arith.constant 255 : i32
      %and3A_232 = vector.broadcast %and3A_231 : i32 to vector<16xi32>
      %and3A_233 = arith.andi %shift_right_logical3A_230, %and3A_232 : vector<16xi32>
      tpu.vector_store_idx %arg7[%iota3A_2, %and3A_233], %broadcast_in_dim3A_3 masked %and3A_228 {add = true} : memref<16x256xi32, #tpu.memory_space<vmem>>[vector<16xi32>, vector<16xi32>], vector<16xi32>, vector<16xi1>
      tpu.vector_store_idx %arg8[%iota3A_2, %and3A_233], %get3A_218 masked %and3A_228 {add = true} : memref<16x256xf32, #tpu.memory_space<vmem>>[vector<16xi32>, vector<16xi32>], vector<16xf32>, vector<16xi1>
      %while3A_234 = arith.constant 0 : i32
      scf.yield %while3A_234 : i32
    }
    %while3A_167 = arith.constant 1 : i32
    %while3A_168 = scf.for %while3A_213 = %while3A_164 to %while3A_160 step %while3A_167 iter_args(%while3A_214 = %while3A_166) -> (i32)  : i32 {
      %mul3A_215 = arith.constant 16 : i32
      %mul3A_216 = arith.muli %while3A_213, %mul3A_215 : i32
      %get3A_217 = arith.index_cast %mul3A_216 : i32 to index
      %get3A_218 = tpu.vector_load %arg6[%get3A_217] {strides = array<i32>} : memref<6272xf32, #tpu.memory_space<vmem>>, vector<16xf32>,
      %bitcast_convert_type3A_219 = tpu.bitcast %get3A_218 : vector<16xf32> -> vector<16xi32>
      %mul3A_220 = arith.constant 16 : i32
      %mul3A_221 = arith.muli %while3A_213, %mul3A_220 : i32
      %add3A_222 = vector.broadcast %mul3A_221 : i32 to vector<16xi32>
      %add3A_223 = arith.addi %add3A_222, %iota3A_2 : vector<16xi32>
      %and3A = vector.broadcast %while3A_156 : i32 to vector<16xi32>
      %and3A_224 = arith.andi %bitcast_convert_type3A_219, %and3A : vector<16xi32>
      %eq3A_225 = vector.broadcast %or3A_146 : i32 to vector<16xi32>
      %eq3A_226 = arith.cmpi eq, %and3A_224, %eq3A_225 : vector<16xi32>
      %lt3A = vector.broadcast %scan3A_63 : i32 to vector<16xi32>
      %lt3A_227 = arith.cmpi slt, %add3A_223, %lt3A : vector<16xi32>
      %and3A_228 = arith.andi %eq3A_226, %lt3A_227 : vector<16xi1>
      %shift_right_logical3A = arith.constant 0 : i32
      %shift_right_logical3A_229 = vector.broadcast %shift_right_logical3A : i32 to vector<16xi32>
      %shift_right_logical3A_230 = arith.shrui %bitcast_convert_type3A_219, %shift_right_logical3A_229 : vector<16xi32>
      %and3A_231 = arith.constant 255 : i32
      %and3A_232 = vector.broadcast %and3A_231 : i32 to vector<16xi32>
      %and3A_233 = arith.andi %shift_right_logical3A_230, %and3A_232 : vector<16xi32>
      tpu.vector_store_idx %arg7[%iota3A_2, %and3A_233], %broadcast_in_dim3A_3 masked %and3A_228 {add = true} : memref<16x256xi32, #tpu.memory_space<vmem>>[vector<16xi32>, vector<16xi32>], vector<16xi32>, vector<16xi1>
      tpu.vector_store_idx %arg8[%iota3A_2, %and3A_233], %get3A_218 masked %and3A_228 {add = true} : memref<16x256xf32, #tpu.memory_space<vmem>>[vector<16xi32>, vector<16xi32>], vector<16xf32>, vector<16xi1>
      %while3A_234 = arith.constant 0 : i32
      scf.yield %while3A_234 : i32
    }
    "tpu.region"() ({
      %run_scoped3A = tpu.sem_alloc : memref<!tpu.dma_semaphore, #tpu.memory_space<semaphore_mem>>
      %dma_start3A = arith.constant 0 : i32
      %dma_start3A_213 = arith.constant 0 : i32
      %dma_start3A_214 = tpu.memref_slice %arg14[%dma_start3A, %dma_start3A_213] : memref<16x256xi32, #tpu.memory_space<vmem_shared>> -> memref<16x256xi32, #tpu.memory_space<vmem_shared>>
      tpu.enqueue_indirect_dma source(%arg7 : memref<16x256xi32, #tpu.memory_space<vmem>>) target(%dma_start3A_214 : memref<16x256xi32, #tpu.memory_space<vmem_shared>>) offsets(%arg11 : memref<16xi32, #tpu.memory_space<vmem>>) semaphore(%run_scoped3A : memref<!tpu.dma_semaphore, #tpu.memory_space<semaphore_mem>>) {add = true}
      %dma_wait3A = arith.constant 0 : i32
      %dma_wait3A_215 = arith.constant 0 : i32
      %dma_wait3A_216 = tpu.memref_slice %arg14[%dma_wait3A, %dma_wait3A_215] : memref<16x256xi32, #tpu.memory_space<vmem_shared>> -> memref<16x256xi32, #tpu.memory_space<vmem_shared>>
      tpu.wait_indirect_dma semaphore(%run_scoped3A : memref<!tpu.dma_semaphore, #tpu.memory_space<semaphore_mem>>) src(%arg7 : memref<16x256xi32, #tpu.memory_space<vmem>>) dst(%dma_wait3A_216 : memref<16x256xi32, #tpu.memory_space<vmem_shared>>)
      tpu.yield
    }) : () -> ()
    "tpu.region"() ({
      %run_scoped3A = tpu.sem_alloc : memref<!tpu.dma_semaphore, #tpu.memory_space<semaphore_mem>>
      %dma_start3A = arith.constant 0 : i32
      %dma_start3A_213 = arith.constant 0 : i32
      %dma_start3A_214 = tpu.memref_slice %arg15[%dma_start3A, %dma_start3A_213] : memref<16x256xf32, #tpu.memory_space<vmem_shared>> -> memref<16x256xf32, #tpu.memory_space<vmem_shared>>
      tpu.enqueue_indirect_dma source(%arg8 : memref<16x256xf32, #tpu.memory_space<vmem>>) target(%dma_start3A_214 : memref<16x256xf32, #tpu.memory_space<vmem_shared>>) offsets(%arg11 : memref<16xi32, #tpu.memory_space<vmem>>) semaphore(%run_scoped3A : memref<!tpu.dma_semaphore, #tpu.memory_space<semaphore_mem>>) {add = true}
      %dma_wait3A = arith.constant 0 : i32
      %dma_wait3A_215 = arith.constant 0 : i32
      %dma_wait3A_216 = tpu.memref_slice %arg15[%dma_wait3A, %dma_wait3A_215] : memref<16x256xf32, #tpu.memory_space<vmem_shared>> -> memref<16x256xf32, #tpu.memory_space<vmem_shared>>
      tpu.wait_indirect_dma semaphore(%run_scoped3A : memref<!tpu.dma_semaphore, #tpu.memory_space<semaphore_mem>>) src(%arg8 : memref<16x256xf32, #tpu.memory_space<vmem>>) dst(%dma_wait3A_216 : memref<16x256xf32, #tpu.memory_space<vmem_shared>>)
      tpu.yield
    }) : () -> ()
    %barrier3A_169 = arith.constant 0 : index
    tpu.barrier barrier_id(%barrier3A_169)
    "tpu.region"() ({
      %run_scoped3A = tpu.sem_alloc : memref<!tpu.dma_semaphore, #tpu.memory_space<semaphore_mem>>
      tpu.enqueue_dma source(%arg14 : memref<16x256xi32, #tpu.memory_space<vmem_shared>>) target(%arg9 : memref<16x256xi32, #tpu.memory_space<vmem>>) target_semaphore(%run_scoped3A : memref<!tpu.dma_semaphore, #tpu.memory_space<semaphore_mem>>)
      tpu.wait_dma2 semaphore(%run_scoped3A : memref<!tpu.dma_semaphore, #tpu.memory_space<semaphore_mem>>) src(%arg14 : memref<16x256xi32, #tpu.memory_space<vmem_shared>>) dst(%arg9 : memref<16x256xi32, #tpu.memory_space<vmem>>)
      tpu.yield
    }) : () -> ()
    "tpu.region"() ({
      %run_scoped3A = tpu.sem_alloc : memref<!tpu.dma_semaphore, #tpu.memory_space<semaphore_mem>>
      tpu.enqueue_dma source(%arg15 : memref<16x256xf32, #tpu.memory_space<vmem_shared>>) target(%arg10 : memref<16x256xf32, #tpu.memory_space<vmem>>) target_semaphore(%run_scoped3A : memref<!tpu.dma_semaphore, #tpu.memory_space<semaphore_mem>>)
      tpu.wait_dma2 semaphore(%run_scoped3A : memref<!tpu.dma_semaphore, #tpu.memory_space<semaphore_mem>>) src(%arg15 : memref<16x256xf32, #tpu.memory_space<vmem_shared>>) dst(%arg10 : memref<16x256xf32, #tpu.memory_space<vmem>>)
      tpu.yield
    }) : () -> ()
    %barrier3A_170 = arith.constant 0 : index
    tpu.barrier barrier_id(%barrier3A_170)
    %scan3A_171 = arith.constant false
    %scan3A_172 = arith.constant 0 : i32
    %scan3A_173 = arith.constant 0 : i32
    %scan3A_174 = arith.constant 0.000000e+00 : f32
    %scan3A_175 = arith.constant 0 : i32
    %scan3A_176 = arith.constant 0.000000e+00 : f32
    %scan3A_177 = arith.constant 0 : i32
    %scan3A_178 = arith.constant 16 : i32
    %scan3A_179 = arith.addi %scan3A_177, %scan3A_178 : i32
    %scan3A_180 = arith.constant 1 : i32
    %scan3A_181:6 = scf.for %scan3A_213 = %scan3A_177 to %scan3A_179 step %scan3A_180 iter_args(%scan3A_214 = %scan3A_171, %scan3A_215 = %scan3A_172, %scan3A_216 = %scan3A_173, %scan3A_217 = %scan3A_174, %scan3A_218 = %scan3A_175, %scan3A_219 = %scan3A_176) -> (i1, i32, i32, f32, i32, f32)  : i32 {
      %sub3A_220 = arith.constant 15 : i32
      %sub3A_221 = arith.subi %sub3A_220, %scan3A_213 : i32
      %broadcast_in_dim3A_222 = arith.constant 0 : i32
      %broadcast_in_dim3A_223 = vector.broadcast %broadcast_in_dim3A_222 : i32 to vector<16xi32>
      %broadcast_in_dim3A_224 = arith.constant 0.000000e+00 : f32
      %broadcast_in_dim3A_225 = vector.broadcast %broadcast_in_dim3A_224 : f32 to vector<16xf32>
      %mul3A_226 = arith.constant 16 : i32
      %mul3A_227 = arith.muli %sub3A_221, %mul3A_226 : i32
      %get3A_228 = arith.constant 0 : i32
      %get3A_229 = arith.index_cast %get3A_228 : i32 to index
      %get3A_230 = arith.index_cast %mul3A_227 : i32 to index
      %get3A_231 = tpu.vector_load %arg9[%get3A_229, %get3A_230] {strides = array<i32>} : memref<16x256xi32, #tpu.memory_space<vmem>>, vector<16xi32>,
      %add3A_232 = arith.addi %broadcast_in_dim3A_223, %get3A_231 : vector<16xi32>
      %mul3A_233 = arith.constant 16 : i32
      %mul3A_234 = arith.muli %sub3A_221, %mul3A_233 : i32
      %get3A_235 = arith.constant 0 : i32
      %get3A_236 = arith.index_cast %get3A_235 : i32 to index
      %get3A_237 = arith.index_cast %mul3A_234 : i32 to index
      %get3A_238 = tpu.vector_load %arg10[%get3A_236, %get3A_237] {strides = array<i32>} : memref<16x256xf32, #tpu.memory_space<vmem>>, vector<16xf32>,
      %add3A_239 = arith.addf %broadcast_in_dim3A_225, %get3A_238 : vector<16xf32>
      %mul3A_240 = arith.constant 16 : i32
      %mul3A_241 = arith.muli %sub3A_221, %mul3A_240 : i32
      %get3A_242 = arith.constant 1 : i32
      %get3A_243 = arith.index_cast %get3A_242 : i32 to index
      %get3A_244 = arith.index_cast %mul3A_241 : i32 to index
      %get3A_245 = tpu.vector_load %arg9[%get3A_243, %get3A_244] {strides = array<i32>} : memref<16x256xi32, #tpu.memory_space<vmem>>, vector<16xi32>,
      %add3A_246 = arith.addi %add3A_232, %get3A_245 : vector<16xi32>
      %mul3A_247 = arith.constant 16 : i32
      %mul3A_248 = arith.muli %sub3A_221, %mul3A_247 : i32
      %get3A_249 = arith.constant 1 : i32
      %get3A_250 = arith.index_cast %get3A_249 : i32 to index
      %get3A_251 = arith.index_cast %mul3A_248 : i32 to index
      %get3A_252 = tpu.vector_load %arg10[%get3A_250, %get3A_251] {strides = array<i32>} : memref<16x256xf32, #tpu.memory_space<vmem>>, vector<16xf32>,
      %add3A_253 = arith.addf %add3A_239, %get3A_252 : vector<16xf32>
      %mul3A_254 = arith.constant 16 : i32
      %mul3A_255 = arith.muli %sub3A_221, %mul3A_254 : i32
      %get3A_256 = arith.constant 2 : i32
      %get3A_257 = arith.index_cast %get3A_256 : i32 to index
      %get3A_258 = arith.index_cast %mul3A_255 : i32 to index
      %get3A_259 = tpu.vector_load %arg9[%get3A_257, %get3A_258] {strides = array<i32>} : memref<16x256xi32, #tpu.memory_space<vmem>>, vector<16xi32>,
      %add3A_260 = arith.addi %add3A_246, %get3A_259 : vector<16xi32>
      %mul3A_261 = arith.constant 16 : i32
      %mul3A_262 = arith.muli %sub3A_221, %mul3A_261 : i32
      %get3A_263 = arith.constant 2 : i32
      %get3A_264 = arith.index_cast %get3A_263 : i32 to index
      %get3A_265 = arith.index_cast %mul3A_262 : i32 to index
      %get3A_266 = tpu.vector_load %arg10[%get3A_264, %get3A_265] {strides = array<i32>} : memref<16x256xf32, #tpu.memory_space<vmem>>, vector<16xf32>,
      %add3A_267 = arith.addf %add3A_253, %get3A_266 : vector<16xf32>
      %mul3A_268 = arith.constant 16 : i32
      %mul3A_269 = arith.muli %sub3A_221, %mul3A_268 : i32
      %get3A_270 = arith.constant 3 : i32
      %get3A_271 = arith.index_cast %get3A_270 : i32 to index
      %get3A_272 = arith.index_cast %mul3A_269 : i32 to index
      %get3A_273 = tpu.vector_load %arg9[%get3A_271, %get3A_272] {strides = array<i32>} : memref<16x256xi32, #tpu.memory_space<vmem>>, vector<16xi32>,
      %add3A_274 = arith.addi %add3A_260, %get3A_273 : vector<16xi32>
      %mul3A_275 = arith.constant 16 : i32
      %mul3A_276 = arith.muli %sub3A_221, %mul3A_275 : i32
      %get3A_277 = arith.constant 3 : i32
      %get3A_278 = arith.index_cast %get3A_277 : i32 to index
      %get3A_279 = arith.index_cast %mul3A_276 : i32 to index
      %get3A_280 = tpu.vector_load %arg10[%get3A_278, %get3A_279] {strides = array<i32>} : memref<16x256xf32, #tpu.memory_space<vmem>>, vector<16xf32>,
      %add3A_281 = arith.addf %add3A_267, %get3A_280 : vector<16xf32>
      %mul3A_282 = arith.constant 16 : i32
      %mul3A_283 = arith.muli %sub3A_221, %mul3A_282 : i32
      %get3A_284 = arith.constant 4 : i32
      %get3A_285 = arith.index_cast %get3A_284 : i32 to index
      %get3A_286 = arith.index_cast %mul3A_283 : i32 to index
      %get3A_287 = tpu.vector_load %arg9[%get3A_285, %get3A_286] {strides = array<i32>} : memref<16x256xi32, #tpu.memory_space<vmem>>, vector<16xi32>,
      %add3A_288 = arith.addi %add3A_274, %get3A_287 : vector<16xi32>
      %mul3A_289 = arith.constant 16 : i32
      %mul3A_290 = arith.muli %sub3A_221, %mul3A_289 : i32
      %get3A_291 = arith.constant 4 : i32
      %get3A_292 = arith.index_cast %get3A_291 : i32 to index
      %get3A_293 = arith.index_cast %mul3A_290 : i32 to index
      %get3A_294 = tpu.vector_load %arg10[%get3A_292, %get3A_293] {strides = array<i32>} : memref<16x256xf32, #tpu.memory_space<vmem>>, vector<16xf32>,
      %add3A_295 = arith.addf %add3A_281, %get3A_294 : vector<16xf32>
      %mul3A_296 = arith.constant 16 : i32
      %mul3A_297 = arith.muli %sub3A_221, %mul3A_296 : i32
      %get3A_298 = arith.constant 5 : i32
      %get3A_299 = arith.index_cast %get3A_298 : i32 to index
      %get3A_300 = arith.index_cast %mul3A_297 : i32 to index
      %get3A_301 = tpu.vector_load %arg9[%get3A_299, %get3A_300] {strides = array<i32>} : memref<16x256xi32, #tpu.memory_space<vmem>>, vector<16xi32>,
      %add3A_302 = arith.addi %add3A_288, %get3A_301 : vector<16xi32>
      %mul3A_303 = arith.constant 16 : i32
      %mul3A_304 = arith.muli %sub3A_221, %mul3A_303 : i32
      %get3A_305 = arith.constant 5 : i32
      %get3A_306 = arith.index_cast %get3A_305 : i32 to index
      %get3A_307 = arith.index_cast %mul3A_304 : i32 to index
      %get3A_308 = tpu.vector_load %arg10[%get3A_306, %get3A_307] {strides = array<i32>} : memref<16x256xf32, #tpu.memory_space<vmem>>, vector<16xf32>,
      %add3A_309 = arith.addf %add3A_295, %get3A_308 : vector<16xf32>
      %mul3A_310 = arith.constant 16 : i32
      %mul3A_311 = arith.muli %sub3A_221, %mul3A_310 : i32
      %get3A_312 = arith.constant 6 : i32
      %get3A_313 = arith.index_cast %get3A_312 : i32 to index
      %get3A_314 = arith.index_cast %mul3A_311 : i32 to index
      %get3A_315 = tpu.vector_load %arg9[%get3A_313, %get3A_314] {strides = array<i32>} : memref<16x256xi32, #tpu.memory_space<vmem>>, vector<16xi32>,
      %add3A_316 = arith.addi %add3A_302, %get3A_315 : vector<16xi32>
      %mul3A_317 = arith.constant 16 : i32
      %mul3A_318 = arith.muli %sub3A_221, %mul3A_317 : i32
      %get3A_319 = arith.constant 6 : i32
      %get3A_320 = arith.index_cast %get3A_319 : i32 to index
      %get3A_321 = arith.index_cast %mul3A_318 : i32 to index
      %get3A_322 = tpu.vector_load %arg10[%get3A_320, %get3A_321] {strides = array<i32>} : memref<16x256xf32, #tpu.memory_space<vmem>>, vector<16xf32>,
      %add3A_323 = arith.addf %add3A_309, %get3A_322 : vector<16xf32>
      %mul3A_324 = arith.constant 16 : i32
      %mul3A_325 = arith.muli %sub3A_221, %mul3A_324 : i32
      %get3A_326 = arith.constant 7 : i32
      %get3A_327 = arith.index_cast %get3A_326 : i32 to index
      %get3A_328 = arith.index_cast %mul3A_325 : i32 to index
      %get3A_329 = tpu.vector_load %arg9[%get3A_327, %get3A_328] {strides = array<i32>} : memref<16x256xi32, #tpu.memory_space<vmem>>, vector<16xi32>,
      %add3A_330 = arith.addi %add3A_316, %get3A_329 : vector<16xi32>
      %mul3A_331 = arith.constant 16 : i32
      %mul3A_332 = arith.muli %sub3A_221, %mul3A_331 : i32
      %get3A_333 = arith.constant 7 : i32
      %get3A_334 = arith.index_cast %get3A_333 : i32 to index
      %get3A_335 = arith.index_cast %mul3A_332 : i32 to index
      %get3A_336 = tpu.vector_load %arg10[%get3A_334, %get3A_335] {strides = array<i32>} : memref<16x256xf32, #tpu.memory_space<vmem>>, vector<16xf32>,
      %add3A_337 = arith.addf %add3A_323, %get3A_336 : vector<16xf32>
      %mul3A_338 = arith.constant 16 : i32
      %mul3A_339 = arith.muli %sub3A_221, %mul3A_338 : i32
      %get3A_340 = arith.constant 8 : i32
      %get3A_341 = arith.index_cast %get3A_340 : i32 to index
      %get3A_342 = arith.index_cast %mul3A_339 : i32 to index
      %get3A_343 = tpu.vector_load %arg9[%get3A_341, %get3A_342] {strides = array<i32>} : memref<16x256xi32, #tpu.memory_space<vmem>>, vector<16xi32>,
      %add3A_344 = arith.addi %add3A_330, %get3A_343 : vector<16xi32>
      %mul3A_345 = arith.constant 16 : i32
      %mul3A_346 = arith.muli %sub3A_221, %mul3A_345 : i32
      %get3A_347 = arith.constant 8 : i32
      %get3A_348 = arith.index_cast %get3A_347 : i32 to index
      %get3A_349 = arith.index_cast %mul3A_346 : i32 to index
      %get3A_350 = tpu.vector_load %arg10[%get3A_348, %get3A_349] {strides = array<i32>} : memref<16x256xf32, #tpu.memory_space<vmem>>, vector<16xf32>,
      %add3A_351 = arith.addf %add3A_337, %get3A_350 : vector<16xf32>
      %mul3A_352 = arith.constant 16 : i32
      %mul3A_353 = arith.muli %sub3A_221, %mul3A_352 : i32
      %get3A_354 = arith.constant 9 : i32
      %get3A_355 = arith.index_cast %get3A_354 : i32 to index
      %get3A_356 = arith.index_cast %mul3A_353 : i32 to index
      %get3A_357 = tpu.vector_load %arg9[%get3A_355, %get3A_356] {strides = array<i32>} : memref<16x256xi32, #tpu.memory_space<vmem>>, vector<16xi32>,
      %add3A_358 = arith.addi %add3A_344, %get3A_357 : vector<16xi32>
      %mul3A_359 = arith.constant 16 : i32
      %mul3A_360 = arith.muli %sub3A_221, %mul3A_359 : i32
      %get3A_361 = arith.constant 9 : i32
      %get3A_362 = arith.index_cast %get3A_361 : i32 to index
      %get3A_363 = arith.index_cast %mul3A_360 : i32 to index
      %get3A_364 = tpu.vector_load %arg10[%get3A_362, %get3A_363] {strides = array<i32>} : memref<16x256xf32, #tpu.memory_space<vmem>>, vector<16xf32>,
      %add3A_365 = arith.addf %add3A_351, %get3A_364 : vector<16xf32>
      %mul3A_366 = arith.constant 16 : i32
      %mul3A_367 = arith.muli %sub3A_221, %mul3A_366 : i32
      %get3A_368 = arith.constant 10 : i32
      %get3A_369 = arith.index_cast %get3A_368 : i32 to index
      %get3A_370 = arith.index_cast %mul3A_367 : i32 to index
      %get3A_371 = tpu.vector_load %arg9[%get3A_369, %get3A_370] {strides = array<i32>} : memref<16x256xi32, #tpu.memory_space<vmem>>, vector<16xi32>,
      %add3A_372 = arith.addi %add3A_358, %get3A_371 : vector<16xi32>
      %mul3A_373 = arith.constant 16 : i32
      %mul3A_374 = arith.muli %sub3A_221, %mul3A_373 : i32
      %get3A_375 = arith.constant 10 : i32
      %get3A_376 = arith.index_cast %get3A_375 : i32 to index
      %get3A_377 = arith.index_cast %mul3A_374 : i32 to index
      %get3A_378 = tpu.vector_load %arg10[%get3A_376, %get3A_377] {strides = array<i32>} : memref<16x256xf32, #tpu.memory_space<vmem>>, vector<16xf32>,
      %add3A_379 = arith.addf %add3A_365, %get3A_378 : vector<16xf32>
      %mul3A_380 = arith.constant 16 : i32
      %mul3A_381 = arith.muli %sub3A_221, %mul3A_380 : i32
      %get3A_382 = arith.constant 11 : i32
      %get3A_383 = arith.index_cast %get3A_382 : i32 to index
      %get3A_384 = arith.index_cast %mul3A_381 : i32 to index
      %get3A_385 = tpu.vector_load %arg9[%get3A_383, %get3A_384] {strides = array<i32>} : memref<16x256xi32, #tpu.memory_space<vmem>>, vector<16xi32>,
      %add3A_386 = arith.addi %add3A_372, %get3A_385 : vector<16xi32>
      %mul3A_387 = arith.constant 16 : i32
      %mul3A_388 = arith.muli %sub3A_221, %mul3A_387 : i32
      %get3A_389 = arith.constant 11 : i32
      %get3A_390 = arith.index_cast %get3A_389 : i32 to index
      %get3A_391 = arith.index_cast %mul3A_388 : i32 to index
      %get3A_392 = tpu.vector_load %arg10[%get3A_390, %get3A_391] {strides = array<i32>} : memref<16x256xf32, #tpu.memory_space<vmem>>, vector<16xf32>,
      %add3A_393 = arith.addf %add3A_379, %get3A_392 : vector<16xf32>
      %mul3A_394 = arith.constant 16 : i32
      %mul3A_395 = arith.muli %sub3A_221, %mul3A_394 : i32
      %get3A_396 = arith.constant 12 : i32
      %get3A_397 = arith.index_cast %get3A_396 : i32 to index
      %get3A_398 = arith.index_cast %mul3A_395 : i32 to index
      %get3A_399 = tpu.vector_load %arg9[%get3A_397, %get3A_398] {strides = array<i32>} : memref<16x256xi32, #tpu.memory_space<vmem>>, vector<16xi32>,
      %add3A_400 = arith.addi %add3A_386, %get3A_399 : vector<16xi32>
      %mul3A_401 = arith.constant 16 : i32
      %mul3A_402 = arith.muli %sub3A_221, %mul3A_401 : i32
      %get3A_403 = arith.constant 12 : i32
      %get3A_404 = arith.index_cast %get3A_403 : i32 to index
      %get3A_405 = arith.index_cast %mul3A_402 : i32 to index
      %get3A_406 = tpu.vector_load %arg10[%get3A_404, %get3A_405] {strides = array<i32>} : memref<16x256xf32, #tpu.memory_space<vmem>>, vector<16xf32>,
      %add3A_407 = arith.addf %add3A_393, %get3A_406 : vector<16xf32>
      %mul3A_408 = arith.constant 16 : i32
      %mul3A_409 = arith.muli %sub3A_221, %mul3A_408 : i32
      %get3A_410 = arith.constant 13 : i32
      %get3A_411 = arith.index_cast %get3A_410 : i32 to index
      %get3A_412 = arith.index_cast %mul3A_409 : i32 to index
      %get3A_413 = tpu.vector_load %arg9[%get3A_411, %get3A_412] {strides = array<i32>} : memref<16x256xi32, #tpu.memory_space<vmem>>, vector<16xi32>,
      %add3A_414 = arith.addi %add3A_400, %get3A_413 : vector<16xi32>
      %mul3A_415 = arith.constant 16 : i32
      %mul3A_416 = arith.muli %sub3A_221, %mul3A_415 : i32
      %get3A_417 = arith.constant 13 : i32
      %get3A_418 = arith.index_cast %get3A_417 : i32 to index
      %get3A_419 = arith.index_cast %mul3A_416 : i32 to index
      %get3A_420 = tpu.vector_load %arg10[%get3A_418, %get3A_419] {strides = array<i32>} : memref<16x256xf32, #tpu.memory_space<vmem>>, vector<16xf32>,
      %add3A_421 = arith.addf %add3A_407, %get3A_420 : vector<16xf32>
      %mul3A_422 = arith.constant 16 : i32
      %mul3A_423 = arith.muli %sub3A_221, %mul3A_422 : i32
      %get3A_424 = arith.constant 14 : i32
      %get3A_425 = arith.index_cast %get3A_424 : i32 to index
      %get3A_426 = arith.index_cast %mul3A_423 : i32 to index
      %get3A_427 = tpu.vector_load %arg9[%get3A_425, %get3A_426] {strides = array<i32>} : memref<16x256xi32, #tpu.memory_space<vmem>>, vector<16xi32>,
      %add3A_428 = arith.addi %add3A_414, %get3A_427 : vector<16xi32>
      %mul3A_429 = arith.constant 16 : i32
      %mul3A_430 = arith.muli %sub3A_221, %mul3A_429 : i32
      %get3A_431 = arith.constant 14 : i32
      %get3A_432 = arith.index_cast %get3A_431 : i32 to index
      %get3A_433 = arith.index_cast %mul3A_430 : i32 to index
      %get3A_434 = tpu.vector_load %arg10[%get3A_432, %get3A_433] {strides = array<i32>} : memref<16x256xf32, #tpu.memory_space<vmem>>, vector<16xf32>,
      %add3A_435 = arith.addf %add3A_421, %get3A_434 : vector<16xf32>
      %mul3A_436 = arith.constant 16 : i32
      %mul3A_437 = arith.muli %sub3A_221, %mul3A_436 : i32
      %get3A_438 = arith.constant 15 : i32
      %get3A_439 = arith.index_cast %get3A_438 : i32 to index
      %get3A_440 = arith.index_cast %mul3A_437 : i32 to index
      %get3A_441 = tpu.vector_load %arg9[%get3A_439, %get3A_440] {strides = array<i32>} : memref<16x256xi32, #tpu.memory_space<vmem>>, vector<16xi32>,
      %add3A_442 = arith.addi %add3A_428, %get3A_441 : vector<16xi32>
      %mul3A_443 = arith.constant 16 : i32
      %mul3A_444 = arith.muli %sub3A_221, %mul3A_443 : i32
      %get3A_445 = arith.constant 15 : i32
      %get3A_446 = arith.index_cast %get3A_445 : i32 to index
      %get3A_447 = arith.index_cast %mul3A_444 : i32 to index
      %get3A_448 = tpu.vector_load %arg10[%get3A_446, %get3A_447] {strides = array<i32>} : memref<16x256xf32, #tpu.memory_space<vmem>>, vector<16xf32>,
      %add3A_449 = arith.addf %add3A_435, %get3A_448 : vector<16xf32>
      %rev3A = arith.constant 15 : i32
      %rev3A_450 = vector.broadcast %rev3A : i32 to vector<16xi32>
      %rev3A_451 = tpu.iota {dimensions = array<i32: 0>} : vector<16xi32>
      %rev3A_452 = arith.subi %rev3A_450, %rev3A_451 : vector<16xi32>
      %rev3A_453 = tpu.dynamic_gather %add3A_442[%rev3A_452] in [0] : vector<16xi32>, vector<16xi32> -> vector<16xi32>
      %rev3A_454 = arith.constant 15 : i32
      %rev3A_455 = vector.broadcast %rev3A_454 : i32 to vector<16xi32>
      %rev3A_456 = tpu.iota {dimensions = array<i32: 0>} : vector<16xi32>
      %rev3A_457 = arith.subi %rev3A_455, %rev3A_456 : vector<16xi32>
      %rev3A_458 = tpu.dynamic_gather %add3A_449[%rev3A_457] in [0] : vector<16xf32>, vector<16xi32> -> vector<16xf32>
      %broadcast_in_dim3A_459 = arith.constant true
      %broadcast_in_dim3A_460 = vector.broadcast %broadcast_in_dim3A_459 : i1 to vector<16xi1>
      %masked_cumsum3A = tpu.scan <sum>, %rev3A_453 masked %broadcast_in_dim3A_460 : vector<16xi32>, vector<16xi1> -> vector<16xi32>
      %broadcast_in_dim3A_461 = arith.constant true
      %broadcast_in_dim3A_462 = vector.broadcast %broadcast_in_dim3A_461 : i1 to vector<16xi1>
      %masked_cumsum3A_463 = tpu.scan <sum>, %rev3A_458 masked %broadcast_in_dim3A_462 : vector<16xf32>, vector<16xi1> -> vector<16xf32>
      %add3A_464 = vector.broadcast %scan3A_216 : i32 to vector<16xi32>
      %add3A_465 = arith.addi %add3A_464, %masked_cumsum3A : vector<16xi32>
      %ge3A = vector.broadcast %sub3A_147 : i32 to vector<16xi32>
      %ge3A_466 = arith.cmpi sge, %add3A_465, %ge3A : vector<16xi32>
      %convert_element_type3A_467 = arith.extui %ge3A_466 : vector<16xi1> to vector<16xi32>
      %broadcast_in_dim3A_468 = arith.constant true
      %broadcast_in_dim3A_469 = vector.broadcast %broadcast_in_dim3A_468 : i1 to vector<16xi1>
      %masked_cumsum3A_470 = tpu.scan <sum>, %convert_element_type3A_467 masked %broadcast_in_dim3A_469 : vector<16xi32>, vector<16xi1> -> vector<16xi32>
      %eq3A_471 = arith.constant 1 : i32
      %eq3A_472 = vector.broadcast %eq3A_471 : i32 to vector<16xi32>
      %eq3A_473 = arith.cmpi eq, %masked_cumsum3A_470, %eq3A_472 : vector<16xi32>
      %and3A = arith.andi %ge3A_466, %eq3A_473 : vector<16xi1>
      %jit3A_474 = arith.constant 0 : i32
      %broadcast_in_dim3A_475 = vector.broadcast %jit3A_474 : i32 to vector<16xi32>
      %select_n3A_476 = arith.select %and3A, %iota3A_2, %broadcast_in_dim3A_475 : vector<16xi1>, vector<16xi32>
      %reduce_sum3A = arith.constant true
      %reduce_sum3A_477 = vector.broadcast %reduce_sum3A : i1 to vector<16xi1>
      %reduce_sum3A_478 = tpu.scan <sum>, %select_n3A_476 masked %reduce_sum3A_477 : vector<16xi32>, vector<16xi1> -> vector<16xi32>
      %reduce_sum3A_479 = vector.extract %reduce_sum3A_478[15] : i32 from vector<16xi32>
      %sub3A_480 = arith.subi %masked_cumsum3A, %rev3A_453 : vector<16xi32>
      %jit3A_481 = arith.constant 0 : i32
      %broadcast_in_dim3A_482 = vector.broadcast %jit3A_481 : i32 to vector<16xi32>
      %select_n3A_483 = arith.select %and3A, %sub3A_480, %broadcast_in_dim3A_482 : vector<16xi1>, vector<16xi32>
      %reduce_sum3A_484 = arith.constant true
      %reduce_sum3A_485 = vector.broadcast %reduce_sum3A_484 : i1 to vector<16xi1>
      %reduce_sum3A_486 = tpu.scan <sum>, %select_n3A_483 masked %reduce_sum3A_485 : vector<16xi32>, vector<16xi1> -> vector<16xi32>
      %reduce_sum3A_487 = vector.extract %reduce_sum3A_486[15] : i32 from vector<16xi32>
      %sub3A_488 = arith.subf %masked_cumsum3A_463, %rev3A_458 : vector<16xf32>
      %jit3A_489 = arith.constant 0.000000e+00 : f32
      %broadcast_in_dim3A_490 = vector.broadcast %jit3A_489 : f32 to vector<16xf32>
      %select_n3A_491 = arith.select %and3A, %sub3A_488, %broadcast_in_dim3A_490 : vector<16xi1>, vector<16xf32>
      %reduce_sum3A_492 = arith.constant true
      %reduce_sum3A_493 = vector.broadcast %reduce_sum3A_492 : i1 to vector<16xi1>
      %reduce_sum3A_494 = tpu.scan <sum>, %select_n3A_491 masked %reduce_sum3A_493 : vector<16xf32>, vector<16xi1> -> vector<16xf32>
      %reduce_sum3A_495 = vector.extract %reduce_sum3A_494[15] : f32 from vector<16xf32>
      %not3A = arith.constant true
      %not3A_496 = arith.xori %scan3A_214, %not3A : i1
      %reduce_or3A = arith.constant 1.000000e+00 : f32
      %reduce_or3A_497 = arith.constant 0.000000e+00 : f32
      %reduce_or3A_498 = vector.broadcast %reduce_or3A : f32 to vector<16xf32>
      %reduce_or3A_499 = vector.broadcast %reduce_or3A_497 : f32 to vector<16xf32>
      %reduce_or3A_500 = arith.select %ge3A_466, %reduce_or3A_498, %reduce_or3A_499 : vector<16xi1>, vector<16xf32>
      %reduce_or3A_501 = arith.constant true
      %reduce_or3A_502 = vector.broadcast %reduce_or3A_501 : i1 to vector<16xi1>
      %reduce_or3A_503 = tpu.scan <max>, %reduce_or3A_500 masked %reduce_or3A_502 : vector<16xf32>, vector<16xi1> -> vector<16xf32>
      %reduce_or3A_504 = vector.extract %reduce_or3A_503[15] : f32 from vector<16xf32>
      %reduce_or3A_505 = arith.constant 0.000000e+00 : f32
      %reduce_or3A_506 = arith.cmpf ogt, %reduce_or3A_504, %reduce_or3A_505 : f32
      %and3A_507 = arith.andi %not3A_496, %reduce_or3A_506 : i1
      %mul3A_508 = arith.constant 16 : i32
      %mul3A_509 = arith.muli %sub3A_221, %mul3A_508 : i32
      %add3A_510 = arith.constant 15 : i32
      %add3A_511 = arith.addi %mul3A_509, %add3A_510 : i32
      %sub3A_512 = arith.subi %add3A_511, %reduce_sum3A_479 : i32
      %select_n3A_513 = arith.select %and3A_507, %sub3A_512, %scan3A_215 : i32
      %add3A_514 = arith.addi %scan3A_216, %reduce_sum3A_487 : i32
      %select_n3A_515 = arith.select %and3A_507, %add3A_514, %scan3A_218 : i32
      %add3A_516 = arith.addf %scan3A_217, %reduce_sum3A_495 : f32
      %select_n3A_517 = arith.select %and3A_507, %add3A_516, %scan3A_219 : f32
      %or3A_518 = arith.ori %scan3A_214, %and3A_507 : i1
      %reduce_sum3A_519 = arith.constant true
      %reduce_sum3A_520 = vector.broadcast %reduce_sum3A_519 : i1 to vector<16xi1>
      %reduce_sum3A_521 = tpu.scan <sum>, %add3A_442 masked %reduce_sum3A_520 : vector<16xi32>, vector<16xi1> -> vector<16xi32>
      %reduce_sum3A_522 = vector.extract %reduce_sum3A_521[15] : i32 from vector<16xi32>
      %add3A_523 = arith.addi %scan3A_216, %reduce_sum3A_522 : i32
      %reduce_sum3A_524 = arith.constant true
      %reduce_sum3A_525 = vector.broadcast %reduce_sum3A_524 : i1 to vector<16xi1>
      %reduce_sum3A_526 = tpu.scan <sum>, %add3A_449 masked %reduce_sum3A_525 : vector<16xf32>, vector<16xi1> -> vector<16xf32>
      %reduce_sum3A_527 = vector.extract %reduce_sum3A_526[15] : f32 from vector<16xf32>
      %add3A_528 = arith.addf %scan3A_217, %reduce_sum3A_527 : f32
      scf.yield %or3A_518, %select_n3A_513, %add3A_523, %add3A_528, %select_n3A_515, %select_n3A_517 : i1, i32, i32, f32, i32, f32
    }
    %scan3A_182 = arith.constant 16 : i32
    %shift_left3A_183 = arith.constant 0 : i32
    %shift_left3A_184 = arith.shli %scan3A_181#1, %shift_left3A_183 : i32
    %or3A_185 = arith.ori %or3A_146, %shift_left3A_184 : i32
    %sub3A_186 = arith.subi %sub3A_147, %scan3A_181#4 : i32
    %add3A_187 = arith.addi %add3A_148, %scan3A_181#4 : i32
    %add3A_188 = arith.addf %add3A_149, %scan3A_181#5 : f32
    %broadcast_in_dim3A_189 = vector.broadcast %or3A_185 : i32 to vector<16xi32>
    %bitcast_convert_type3A = tpu.bitcast %broadcast_in_dim3A_189 : vector<16xi32> -> vector<16xf32>
    %sub3A_190 = arith.subi %min3A_8, %add3A_187 : i32
    %convert_element_type3A_191 = arith.sitofp %sub3A_190 : i32 to f32
    %mul3A_192 = vector.broadcast %convert_element_type3A_191 : f32 to vector<16xf32>
    %mul3A_193 = arith.mulf %mul3A_192, %bitcast_convert_type3A : vector<16xf32>
    %add3A_194 = vector.broadcast %add3A_188 : f32 to vector<16xf32>
    %add3A_195 = arith.addf %add3A_194, %mul3A_193 : vector<16xf32>
    %slice3A_196 = vector.extract_strided_slice %get3A_4 {offsets = [0], sizes = [1], strides = [1]} : vector<16xf32> to vector<1xf32>
    %squeeze3A_197 = vector.extract %slice3A_196[0] : f32 from vector<1xf32>
    %slice3A_198 = vector.extract_strided_slice %get3A_4 {offsets = [1], sizes = [1], strides = [1]} : vector<16xf32> to vector<1xf32>
    %squeeze3A_199 = vector.extract %slice3A_198[0] : f32 from vector<1xf32>
    %slice3A_200 = vector.extract_strided_slice %get3A_4 {offsets = [3], sizes = [1], strides = [1]} : vector<16xf32> to vector<1xf32>
    %squeeze3A_201 = vector.extract %slice3A_200[0] : f32 from vector<1xf32>
    %mul3A_202 = arith.mulf %squeeze3A_201, %squeeze3A_197 : f32
    %add3A_203 = arith.addf %mul3A_202, %squeeze3A_199 : f32
    %add3A_204 = vector.broadcast %add3A_203 : f32 to vector<16xf32>
    %add3A_205 = arith.addf %add3A_204, %add3A_195 : vector<16xf32>
    %convert_element_type3A_206 = arith.sitofp %select_n3A : i32 to f32
    %add3A_207 = arith.addf %squeeze3A, %convert_element_type3A_206 : f32
    %eq3A_208 = arith.constant 0 : i32
    %eq3A_209 = arith.cmpi eq, %arg1, %eq3A_208 : i32
    %convert_element_type3A_210 = arith.extui %eq3A_209 : i1 to i32
    %cond3A_211 = arith.constant 0 : i32
    %cond3A_212 = arith.cmpi ne, %convert_element_type3A_210, %cond3A_211 : i32
    scf.if %cond3A_212 {
      %div3A_213 = vector.broadcast %add3A_207 : f32 to vector<16xf32>
      %div3A_214 = arith.divf %add3A_205, %div3A_213 : vector<16xf32>
      %swap3A_215 = arith.constant 0 : index
      %swap3A_216 = tpu.vector_load %arg13[%swap3A_215] {strides = array<i32>} : memref<16xf32, #tpu.memory_space<vmem>>, vector<16xf32>,
      tpu.vector_store %arg13[%swap3A_215], %div3A_214 {strides = array<i32>} : memref<16xf32, #tpu.memory_space<vmem>>, vector<16xf32>,
      "tpu.region"() ({
        %run_scoped3A = tpu.sem_alloc : memref<!tpu.dma_semaphore, #tpu.memory_space<semaphore_mem>>
        tpu.enqueue_dma source(%arg13 : memref<16xf32, #tpu.memory_space<vmem>>) target(%arg4 : memref<16xf32, #tpu.memory_space<hbm>>) target_semaphore(%run_scoped3A : memref<!tpu.dma_semaphore, #tpu.memory_space<semaphore_mem>>)
        tpu.wait_dma2 semaphore(%run_scoped3A : memref<!tpu.dma_semaphore, #tpu.memory_space<semaphore_mem>>) src(%arg13 : memref<16xf32, #tpu.memory_space<vmem>>) dst(%arg4 : memref<16xf32, #tpu.memory_space<hbm>>)
        tpu.yield
      }) : () -> ()
    } else {
    }
    return
  }
}

module attributes {stable_mosaic.version = 14 : i64} {
  func.func @_tc_body(%arg0: i32, %arg1: memref<21x112x128xf32, #tpu.memory_space<vmem>>, %arg2: memref<112x128xi32, #tpu.memory_space<vmem>>, %arg3: memref<8x112x128xf32, #tpu.memory_space<vmem>>, %arg4: memref<8x112x128xf32, #tpu.memory_space<vmem>>, %arg5: memref<112x128xf32, #tpu.memory_space<vmem>>, %arg6: memref<1x8xf32, #tpu.memory_space<smem>>, %arg7: memref<112x128xf32, #tpu.memory_space<vmem>>, %arg8: memref<112x128xf32, #tpu.memory_space<vmem>>, %arg9: memref<112x128xf32, #tpu.memory_space<vmem>>) attributes {dimension_semantics = [#tpu.dimension_semantics<arbitrary>], iteration_bounds = array<i64: 7>, scalar_prefetch = 0 : i64, scratch_operands = 3 : i64, tpu.core_type = #tpu.core_type<tc>, window_params = [{transform_indices = @transform_0, window_bounds = array<i64: 21, 112, 128>}, {transform_indices = @transform_1, window_bounds = array<i64: 112, 128>}, {transform_indices = @transform_2, window_bounds = array<i64: 8, 112, 128>}, {transform_indices = @transform_3, window_bounds = array<i64: 8, 112, 128>}, {transform_indices = @transform_4, window_bounds = array<i64: 112, 128>}, {transform_indices = @transform_5, window_bounds = array<i64: 1, 8>}]} {
    %eq3A = arith.constant 0 : i32
    %eq3A_0 = arith.cmpi eq, %arg0, %eq3A : i32
    %convert_element_type3A = arith.extui %eq3A_0 : i1 to i32
    %cond3A = arith.constant 0 : i32
    %cond3A_1 = arith.cmpi ne, %convert_element_type3A, %cond3A : i32
    scf.if %cond3A_1 {
      %broadcast_in_dim3A_83 = arith.constant 0.000000e+00 : f32
      %broadcast_in_dim3A_84 = vector.broadcast %broadcast_in_dim3A_83 : f32 to vector<112x128xf32>
      %swap3A_85 = arith.constant 0 : index
      %swap3A_86 = arith.constant 0 : index
      %swap3A_87 = vector.load %arg7[%swap3A_85, %swap3A_86] : memref<112x128xf32, #tpu.memory_space<vmem>>, vector<112x128xf32>
      tpu.vector_store %arg7[%swap3A_85, %swap3A_86], %broadcast_in_dim3A_84 {strides = array<i32>} : memref<112x128xf32, #tpu.memory_space<vmem>>, vector<112x128xf32>,
      %swap3A_88 = arith.constant 0 : index
      %swap3A_89 = arith.constant 0 : index
      %swap3A_90 = vector.load %arg8[%swap3A_88, %swap3A_89] : memref<112x128xf32, #tpu.memory_space<vmem>>, vector<112x128xf32>
      tpu.vector_store %arg8[%swap3A_88, %swap3A_89], %broadcast_in_dim3A_84 {strides = array<i32>} : memref<112x128xf32, #tpu.memory_space<vmem>>, vector<112x128xf32>,
      %swap3A_91 = arith.constant 0 : index
      %swap3A_92 = arith.constant 0 : index
      %swap3A_93 = vector.load %arg9[%swap3A_91, %swap3A_92] : memref<112x128xf32, #tpu.memory_space<vmem>>, vector<112x128xf32>
      tpu.vector_store %arg9[%swap3A_91, %swap3A_92], %broadcast_in_dim3A_84 {strides = array<i32>} : memref<112x128xf32, #tpu.memory_space<vmem>>, vector<112x128xf32>,
    } else {
    }
    %get3A = arith.constant 0 : index
    %get3A_2 = arith.constant 0 : index
    %get3A_3 = arith.constant 0 : index
    %get3A_4 = vector.load %arg1[%get3A, %get3A_2, %get3A_3] : memref<21x112x128xf32, #tpu.memory_space<vmem>>, vector<21x112x128xf32>
    %get3A_5 = arith.constant 0 : index
    %get3A_6 = arith.constant 0 : index
    %get3A_7 = vector.load %arg2[%get3A_5, %get3A_6] : memref<112x128xi32, #tpu.memory_space<vmem>>, vector<112x128xi32>
    %reduce_max3A = arith.constant dense<0xFF800000> : vector<112x128xf32>
    %reduce_max3A_8 = vector.multi_reduction <maximumf>, %get3A_4, %reduce_max3A [0] : vector<21x112x128xf32> to vector<112x128xf32>
    %broadcast_in_dim3A = vector.shape_cast %reduce_max3A_8 : vector<112x128xf32> to vector<1x112x128xf32>
    %sub3A = vector.broadcast %broadcast_in_dim3A : vector<1x112x128xf32> to vector<21x112x128xf32>
    %sub3A_9 = arith.subf %get3A_4, %sub3A : vector<21x112x128xf32>
    %exp3A = math.exp %sub3A_9 : vector<21x112x128xf32>
    %reduce_sum3A = arith.constant dense<0.000000e+00> : vector<112x128xf32>
    %reduce_sum3A_10 = vector.multi_reduction <add>, %exp3A, %reduce_sum3A [0] : vector<21x112x128xf32> to vector<112x128xf32>
    %log3A = math.log %reduce_sum3A_10 : vector<112x128xf32>
    %add3A = arith.addf %reduce_max3A_8, %log3A : vector<112x128xf32>
    %iota3A = tpu.iota {dimensions = array<i32: 0>} : vector<21x112x128xi32>
    %broadcast_in_dim3A_11 = vector.shape_cast %get3A_7 : vector<112x128xi32> to vector<1x112x128xi32>
    %eq3A_12 = vector.broadcast %broadcast_in_dim3A_11 : vector<1x112x128xi32> to vector<21x112x128xi32>
    %eq3A_13 = arith.cmpi eq, %iota3A, %eq3A_12 : vector<21x112x128xi32>
    %jit3A = arith.constant 0.000000e+00 : f32
    %broadcast_in_dim3A_14 = vector.broadcast %jit3A : f32 to vector<21x112x128xf32>
    %select_n3A = arith.select %eq3A_13, %get3A_4, %broadcast_in_dim3A_14 : vector<21x112x128xi1>, vector<21x112x128xf32>
    %reduce_sum3A_15 = arith.constant dense<0.000000e+00> : vector<112x128xf32>
    %reduce_sum3A_16 = vector.multi_reduction <add>, %select_n3A, %reduce_sum3A_15 [0] : vector<21x112x128xf32> to vector<112x128xf32>
    %ge3A = arith.constant 0 : i32
    %ge3A_17 = vector.broadcast %ge3A : i32 to vector<112x128xi32>
    %ge3A_18 = arith.cmpi sge, %get3A_7, %ge3A_17 : vector<112x128xi32>
    %gt3A = arith.constant 0 : i32
    %gt3A_19 = vector.broadcast %gt3A : i32 to vector<112x128xi32>
    %gt3A_20 = arith.cmpi sgt, %get3A_7, %gt3A_19 : vector<112x128xi32>
    %sub3A_21 = arith.subf %add3A, %reduce_sum3A_16 : vector<112x128xf32>
    %jit3A_22 = arith.constant 0.000000e+00 : f32
    %broadcast_in_dim3A_23 = vector.broadcast %jit3A_22 : f32 to vector<112x128xf32>
    %select_n3A_24 = arith.select %ge3A_18, %sub3A_21, %broadcast_in_dim3A_23 : vector<112x128xi1>, vector<112x128xf32>
    %convert_element_type3A_25 = arith.extui %gt3A_20 : vector<112x128xi1> to vector<112x128xi32>
    %convert_element_type3A_26 = arith.sitofp %convert_element_type3A_25 : vector<112x128xi32> to vector<112x128xf32>
    %not3A = arith.constant dense<true> : vector<112x128xi1>
    %not3A_27 = arith.xori %gt3A_20, %not3A : vector<112x128xi1>
    %and3A = arith.andi %ge3A_18, %not3A_27 : vector<112x128xi1>
    %max3A = arith.constant 0.000000e+00 : f32
    %max3A_28 = vector.broadcast %max3A : f32 to vector<112x128xf32>
    %max3A_29 = arith.maximumf %select_n3A_24, %max3A_28 : vector<112x128xf32>
    %jit3A_30 = arith.constant 0.000000e+00 : f32
    %broadcast_in_dim3A_31 = vector.broadcast %jit3A_30 : f32 to vector<112x128xf32>
    %select_n3A_32 = arith.select %and3A, %max3A_29, %broadcast_in_dim3A_31 : vector<112x128xi1>, vector<112x128xf32>
    %get3A_33 = arith.constant 0 : index
    %get3A_34 = arith.constant 0 : index
    %get3A_35 = arith.constant 0 : index
    %get3A_36 = vector.load %arg3[%get3A_33, %get3A_34, %get3A_35] : memref<8x112x128xf32, #tpu.memory_space<vmem>>, vector<8x112x128xf32>
    %get3A_37 = arith.constant 0 : index
    %get3A_38 = arith.constant 0 : index
    %get3A_39 = arith.constant 0 : index
    %get3A_40 = vector.load %arg4[%get3A_37, %get3A_38, %get3A_39] : memref<8x112x128xf32, #tpu.memory_space<vmem>>, vector<8x112x128xf32>
    %sub3A_41 = arith.subf %get3A_36, %get3A_40 : vector<8x112x128xf32>
    %abs3A = math.absf %sub3A_41 : vector<8x112x128xf32>
    %lt3A = arith.constant 1.000000e+00 : f32
    %lt3A_42 = vector.broadcast %lt3A : f32 to vector<8x112x128xf32>
    %lt3A_43 = arith.cmpf olt, %abs3A, %lt3A_42 : vector<8x112x128xf32>
    %mul3A = arith.constant 5.000000e-01 : f32
    %mul3A_44 = vector.broadcast %mul3A : f32 to vector<8x112x128xf32>
    %mul3A_45 = arith.mulf %mul3A_44, %sub3A_41 : vector<8x112x128xf32>
    %mul3A_46 = arith.mulf %mul3A_45, %sub3A_41 : vector<8x112x128xf32>
    %sub3A_47 = arith.constant 5.000000e-01 : f32
    %sub3A_48 = vector.broadcast %sub3A_47 : f32 to vector<8x112x128xf32>
    %sub3A_49 = arith.subf %abs3A, %sub3A_48 : vector<8x112x128xf32>
    %select_n3A_50 = arith.select %lt3A_43, %mul3A_46, %sub3A_49 : vector<8x112x128xi1>, vector<8x112x128xf32>
    %get3A_51 = arith.constant 0 : index
    %get3A_52 = arith.constant 0 : index
    %get3A_53 = vector.load %arg7[%get3A_51, %get3A_52] : memref<112x128xf32, #tpu.memory_space<vmem>>, vector<112x128xf32>
    %reduce_sum3A_54 = arith.constant dense<0.000000e+00> : vector<112x128xf32>
    %reduce_sum3A_55 = vector.multi_reduction <add>, %select_n3A_50, %reduce_sum3A_54 [0] : vector<8x112x128xf32> to vector<112x128xf32>
    %mul3A_56 = arith.mulf %reduce_sum3A_55, %convert_element_type3A_26 : vector<112x128xf32>
    %add3A_57 = arith.addf %get3A_53, %mul3A_56 : vector<112x128xf32>
    %swap3A = arith.constant 0 : index
    %swap3A_58 = arith.constant 0 : index
    %swap3A_59 = vector.load %arg7[%swap3A, %swap3A_58] : memref<112x128xf32, #tpu.memory_space<vmem>>, vector<112x128xf32>
    tpu.vector_store %arg7[%swap3A, %swap3A_58], %add3A_57 {strides = array<i32>} : memref<112x128xf32, #tpu.memory_space<vmem>>, vector<112x128xf32>,
    %get3A_60 = arith.constant 0 : index
    %get3A_61 = arith.constant 0 : index
    %get3A_62 = vector.load %arg8[%get3A_60, %get3A_61] : memref<112x128xf32, #tpu.memory_space<vmem>>, vector<112x128xf32>
    %add3A_63 = arith.addf %get3A_62, %convert_element_type3A_26 : vector<112x128xf32>
    %swap3A_64 = arith.constant 0 : index
    %swap3A_65 = arith.constant 0 : index
    %swap3A_66 = vector.load %arg8[%swap3A_64, %swap3A_65] : memref<112x128xf32, #tpu.memory_space<vmem>>, vector<112x128xf32>
    tpu.vector_store %arg8[%swap3A_64, %swap3A_65], %add3A_63 {strides = array<i32>} : memref<112x128xf32, #tpu.memory_space<vmem>>, vector<112x128xf32>,
    %get3A_67 = arith.constant 0 : index
    %get3A_68 = arith.constant 0 : index
    %get3A_69 = vector.load %arg9[%get3A_67, %get3A_68] : memref<112x128xf32, #tpu.memory_space<vmem>>, vector<112x128xf32>
    %mul3A_70 = arith.mulf %select_n3A_24, %convert_element_type3A_26 : vector<112x128xf32>
    %add3A_71 = arith.addf %get3A_69, %mul3A_70 : vector<112x128xf32>
    %swap3A_72 = arith.constant 0 : index
    %swap3A_73 = arith.constant 0 : index
    %swap3A_74 = vector.load %arg9[%swap3A_72, %swap3A_73] : memref<112x128xf32, #tpu.memory_space<vmem>>, vector<112x128xf32>
    tpu.vector_store %arg9[%swap3A_72, %swap3A_73], %add3A_71 {strides = array<i32>} : memref<112x128xf32, #tpu.memory_space<vmem>>, vector<112x128xf32>,
    %swap3A_75 = arith.constant 0 : index
    %swap3A_76 = arith.constant 0 : index
    %swap3A_77 = vector.load %arg5[%swap3A_75, %swap3A_76] : memref<112x128xf32, #tpu.memory_space<vmem>>, vector<112x128xf32>
    tpu.vector_store %arg5[%swap3A_75, %swap3A_76], %select_n3A_32 {strides = array<i32>} : memref<112x128xf32, #tpu.memory_space<vmem>>, vector<112x128xf32>,
    %eq3A_78 = arith.constant 6 : i32
    %eq3A_79 = arith.cmpi eq, %arg0, %eq3A_78 : i32
    %convert_element_type3A_80 = arith.extui %eq3A_79 : i1 to i32
    %cond3A_81 = arith.constant 0 : i32
    %cond3A_82 = arith.cmpi ne, %convert_element_type3A_80, %cond3A_81 : i32
    scf.if %cond3A_82 {
      %get3A_83 = arith.constant 0 : index
      %get3A_84 = arith.constant 0 : index
      %get3A_85 = vector.load %arg7[%get3A_83, %get3A_84] : memref<112x128xf32, #tpu.memory_space<vmem>>, vector<112x128xf32>
      %reduce_sum3A_86 = vector.shape_cast %get3A_85 : vector<112x128xf32> to vector<1x112x128xf32>
      %reduce_sum3A_87 = arith.constant dense<0.000000e+00> : vector<1xf32>
      %reduce_sum3A_88 = vector.multi_reduction <add>, %reduce_sum3A_86, %reduce_sum3A_87 [1, 2] : vector<1x112x128xf32> to vector<1xf32>
      %reduce_sum3A_89 = vector.shape_cast %reduce_sum3A_88 : vector<1xf32> to vector<1x1x1xf32>
      %reduce_sum3A_90 = vector.extract %reduce_sum3A_89[0, 0, 0] : f32 from vector<1x1x1xf32>
      %swap3A_91 = arith.constant 0 : index
      %swap3A_92 = arith.constant 0 : index
      %swap3A_93 = memref.load %arg6[%swap3A_91, %swap3A_92] : memref<1x8xf32, #tpu.memory_space<smem>>
      memref.store %reduce_sum3A_90, %arg6[%swap3A_91, %swap3A_92] : memref<1x8xf32, #tpu.memory_space<smem>>
      %get3A_94 = arith.constant 0 : index
      %get3A_95 = arith.constant 0 : index
      %get3A_96 = vector.load %arg9[%get3A_94, %get3A_95] : memref<112x128xf32, #tpu.memory_space<vmem>>, vector<112x128xf32>
      %reduce_sum3A_97 = vector.shape_cast %get3A_96 : vector<112x128xf32> to vector<1x112x128xf32>
      %reduce_sum3A_98 = arith.constant dense<0.000000e+00> : vector<1xf32>
      %reduce_sum3A_99 = vector.multi_reduction <add>, %reduce_sum3A_97, %reduce_sum3A_98 [1, 2] : vector<1x112x128xf32> to vector<1xf32>
      %reduce_sum3A_100 = vector.shape_cast %reduce_sum3A_99 : vector<1xf32> to vector<1x1x1xf32>
      %reduce_sum3A_101 = vector.extract %reduce_sum3A_100[0, 0, 0] : f32 from vector<1x1x1xf32>
      %swap3A_102 = arith.constant 0 : index
      %swap3A_103 = arith.constant 1 : index
      %swap3A_104 = memref.load %arg6[%swap3A_102, %swap3A_103] : memref<1x8xf32, #tpu.memory_space<smem>>
      memref.store %reduce_sum3A_101, %arg6[%swap3A_102, %swap3A_103] : memref<1x8xf32, #tpu.memory_space<smem>>
      %get3A_105 = arith.constant 0 : index
      %get3A_106 = arith.constant 0 : index
      %get3A_107 = vector.load %arg8[%get3A_105, %get3A_106] : memref<112x128xf32, #tpu.memory_space<vmem>>, vector<112x128xf32>
      %reduce_sum3A_108 = vector.shape_cast %get3A_107 : vector<112x128xf32> to vector<1x112x128xf32>
      %reduce_sum3A_109 = arith.constant dense<0.000000e+00> : vector<1xf32>
      %reduce_sum3A_110 = vector.multi_reduction <add>, %reduce_sum3A_108, %reduce_sum3A_109 [1, 2] : vector<1x112x128xf32> to vector<1xf32>
      %reduce_sum3A_111 = vector.shape_cast %reduce_sum3A_110 : vector<1xf32> to vector<1x1x1xf32>
      %reduce_sum3A_112 = vector.extract %reduce_sum3A_111[0, 0, 0] : f32 from vector<1x1x1xf32>
      %swap3A_113 = arith.constant 0 : index
      %swap3A_114 = arith.constant 2 : index
      %swap3A_115 = memref.load %arg6[%swap3A_113, %swap3A_114] : memref<1x8xf32, #tpu.memory_space<smem>>
      memref.store %reduce_sum3A_112, %arg6[%swap3A_113, %swap3A_114] : memref<1x8xf32, #tpu.memory_space<smem>>
    } else {
    }
    return
  }
  func.func @transform_0(%arg0: i32) -> (i32, i32, i32) {
    %c0_i32 = arith.constant 0 : i32
    %c0_i32_0 = arith.constant 0 : i32
    %c0_i32_1 = arith.constant 0 : i32
    return %c0_i32, %arg0, %c0_i32_0 : i32, i32, i32
  }
  func.func @transform_1(%arg0: i32) -> (i32, i32) {
    %c0_i32 = arith.constant 0 : i32
    %c0_i32_0 = arith.constant 0 : i32
    return %arg0, %c0_i32 : i32, i32
  }
  func.func @transform_2(%arg0: i32) -> (i32, i32, i32) {
    %c0_i32 = arith.constant 0 : i32
    %c0_i32_0 = arith.constant 0 : i32
    %c0_i32_1 = arith.constant 0 : i32
    return %c0_i32, %arg0, %c0_i32_0 : i32, i32, i32
  }
  func.func @transform_3(%arg0: i32) -> (i32, i32, i32) {
    %c0_i32 = arith.constant 0 : i32
    %c0_i32_0 = arith.constant 0 : i32
    %c0_i32_1 = arith.constant 0 : i32
    return %c0_i32, %arg0, %c0_i32_0 : i32, i32, i32
  }
  func.func @transform_4(%arg0: i32) -> (i32, i32) {
    %c0_i32 = arith.constant 0 : i32
    %c0_i32_0 = arith.constant 0 : i32
    return %arg0, %c0_i32 : i32, i32
  }
  func.func @transform_5(%arg0: i32) -> (i32, i32) {
    %c0_i32 = arith.constant 0 : i32
    %c0_i32_0 = arith.constant 0 : i32
    %c0_i32_1 = arith.constant 0 : i32
    return %c0_i32, %c0_i32_0 : i32, i32
  }
}

</mosaic_0001>

<sc_bundles>
// kernel: kernel.4.cloned.1.call-start
scs
__scs_entry_jumppad:
0x0: {  	(pc) =	sbr.rel $0x88, $3  }
0x1: {  	(tag) =	ssettag $0x0;
	lr =	simm.s32 $0x1  }
0x2: {  	[smem:$0x3F9C] =	sst lr;
	_ =	strace $0xD0000000  }
0x3: {  	_ = 	snop  }
0x4: {  	_ = 	snop  }
0x5: {  	_ = 	snop  }
0x6: {  	_ = 	snop  }
0x7: {  	_ = 	snop  }
__scs_overlays_trampoline_lowered:
0x8: {  	[smem:$0x3FAB] =	sst s0  }
0x9: {  	[smem:$0x3FAC] =	sst s1  }
0xa: {  	[smem:$0x3FAD] =	sst s2  }
0xb: {  	[smem:$0x3FAE] =	sst s3  }
0xc: {  	[smem:$0x3FAF] =	sst s4  }
0xd: {  	[smem:$0x3FB0] =	sst s5  }
0xe: {  	[smem:$0x3FB1] =	sst s6  }
0xf: {  	[smem:$0x3FB2] =	sst s7  }
0x10: {  	[smem:$0x3FB3] =	sst s8  }
0x11: {  	[smem:$0x3FB4] =	sst s9;
	s0 =	simm.s32 @!p0 $0x0  }
0x12: {  	s1 =	sld [smem:$0x3F9A];
	s0 =	simm.s32 @p0 $0x1  }
0x13: {  	[smem:$0x3FB5] =	sst s0;
	s0 =	simm.s32 @!p1 $0x0  }
0x14: {  	s2 =	sld [smem:$0x3F99];
	s0 =	simm.s32 @p1 $0x1  }
0x15: {  	[smem:$0x3FB6] =	sst s0;
	s0 =	simm.s32 @!p2 $0x0  }
0x16: {  	s3 =	sld [smem:$0x3FDB];
	s0 =	simm.s32 @p2 $0x1  }
0x17: {  	s4 =	simm.s32 $0x1BF5;
	[smem:$0x3FB8] =	sst s0  }
0x18: {  	s0 =	sld [smem:$0x3F9B];
	_ =	swait.ge [sflag:s4], $0x0  }
0x19: {  	s7 =	sld [smem:$0x3F9C]  }
0x1a: {  	s8 =	sadd.s32 $0xFFFFE003, lr  }
0x1b: {  	s9 =	sadd.s32 $0xFFFFFEF7, lr;
	s5 =	simm.s32 $0xFFFFFFFF;
	p2 =	slt.u32 s8, $0xFFFFF086  }
0x1c: {  	p1 =	slt.u32 s9, $0xF7A;
	s5 =	simm.s32 @!p2 $0x0  }
0x1d: {  	s5 =	simm.s32 @p1 $0x1;
	p0 =	seq.s32 s7, s2  }
0x1e: {  	s7 =	smul.u32 @!p0 $0xF7A, s2;
	p2 =	seq.s32 @!p0 s5, $0x0  }
0x1f: {  	s9 =	smul.u32 $0xF7A, s1;
	s8 =	simm.s32 @!p0 $0x1BF5;
	p2 =	por !p2, p0  }
0x20: {  	[sflag:s8] =	ssyncset.s32 @!p0 $0xFFFFF086;
	s6 =	sadd.s32 @!p0 s3, s7;
	s7 =	simm.s32 @!p0 $0x108  }
0x21: {  	s3 =	sadd.s32 s3, s9;
	s6 =	sadd.s32 @!p0 $0x88, s6;
	s7 =	simm.s32 @p2 $0x1082  }
0x22: {  	[simem:s7], [sflag:s8] =	dma.local @!p0 [hbm:s6], $0xF7A  }
0x23: {  	s9 =	sor.u32 $0xD0000000, s2;
	s6 =	simm.s32 $0x108;
	_ =	swait.ge @!p0 [sflag:s8], $0x0  }
0x24: {  	s3 =	sadd.s32 $0x88, s3;
	s6 =	simm.s32 @!p1 $0x1082;
	[sflag:s4] =	ssyncset.s32 $0xFFFFF086  }
0x25: {  	[simem:s6], [sflag:s4] =	dma.local [hbm:s3], $0xF7A  }
0x26: {  	[smem:$0x3F9C] =	sst s1;
	(tag) =	ssettag s2;
	_ =	strace s9  }
0x27: {  	s1 =	sld [smem:$0x3FAC]  }
0x28: {  	s2 =	sld [smem:$0x3FAD]  }
0x29: {  	s4 =	sld [smem:$0x3FAF]  }
0x2a: {  	p0 =	seq.s32 s5, $0x0;
	s5 =	sld [smem:$0x3FB0]  }
0x2b: {  	s6 =	sld [smem:$0x3FB1]  }
0x2c: {  	s7 =	sld [smem:$0x3FB2]  }
0x2d: {  	s3 =	simm.s32 $0x108;
	s8 =	sld [smem:$0x3FB3]  }
0x2e: {  	s3 =	simm.s32 @!p0 $0x1082;
	s9 =	sld [smem:$0x3FB4]  }
0x2f: {  	lr =	sadd.s32 s0, s3;
	s0 =	sld [smem:$0x3FAB]  }
0x30: {  	s3 =	sld [smem:$0x3FAE]  }
0x31: {  	[smem:$0x3FB7] =	sst s10  }
0x32: {  	s10 =	sld [smem:$0x3FB5];
	_ =	sdelay $0x3  }
0x33: {  	p0 =	seq.s32 s10, $0x1;
	s10 =	sld [smem:$0x3FB7];
	_ =	sdelay $0x3  }
0x34: {  	[smem:$0x3FB7] =	sst s10  }
0x35: {  	s10 =	sld [smem:$0x3FB6];
	_ =	sdelay $0x3  }
0x36: {  	p1 =	seq.s32 s10, $0x1;
	s10 =	sld [smem:$0x3FB7];
	_ =	sdelay $0x3  }
0x37: {  	[smem:$0x3FB7] =	sst s10  }
0x38: {  	s10 =	sld [smem:$0x3FB8]  }
0x39: {  	_ = 	snop;
	(pc) =	sbr.ind lr, $3  }
0x3a: {  	_ = 	snop  }
0x3b: {  	_ = 	snop  }
0x3c: {  	p2 =	seq.s32 s10, $0x1;
	s10 =	sld [smem:$0x3FB7]  }
0x3d: {  	_ =	shalt  }
0x3e: {  	_ =	shalt  }
0x3f: {  	_ =	shalt  }
0x40: {  	_ =	shalt  }
0x41: {  	_ =	shalt  }
0x42: {  	_ =	shalt  }
0x43: {  	_ =	shalt  }
0x44: {  	_ =	shalt  }
0x45: {  	_ =	shalt  }
0x46: {  	_ =	shalt  }
0x47: {  	_ =	shalt  }
0x48: {  	_ =	shalt  }
0x49: {  	_ =	shalt  }
0x4a: {  	_ =	shalt  }
0x4b: {  	_ =	shalt  }
0x4c: {  	_ =	shalt  }
0x4d: {  	_ =	shalt  }
0x4e: {  	_ =	shalt  }
0x4f: {  	_ =	shalt  }
0x50: {  	_ =	shalt  }
0x51: {  	_ =	shalt  }
0x52: {  	_ =	shalt  }
0x53: {  	_ =	shalt  }
0x54: {  	_ =	shalt  }
0x55: {  	_ =	shalt  }
0x56: {  	_ =	shalt  }
0x57: {  	_ =	shalt  }
0x58: {  	_ =	shalt  }
0x59: {  	_ =	shalt  }
0x5a: {  	_ =	shalt  }
0x5b: {  	_ =	shalt  }
0x5c: {  	_ =	shalt  }
0x5d: {  	_ =	shalt  }
0x5e: {  	_ =	shalt  }
0x5f: {  	_ =	shalt  }
0x60: {  	_ =	shalt  }
0x61: {  	_ =	shalt  }
0x62: {  	_ =	shalt  }
0x63: {  	_ =	shalt  }
0x64: {  	_ =	shalt  }
0x65: {  	_ =	shalt  }
0x66: {  	_ =	shalt  }
0x67: {  	_ =	shalt  }
0x68: {  	_ =	shalt  }
0x69: {  	_ =	shalt  }
0x6a: {  	_ =	shalt  }
0x6b: {  	_ =	shalt  }
0x6c: {  	_ =	shalt  }
0x6d: {  	_ =	shalt  }
0x6e: {  	_ =	shalt  }
0x6f: {  	_ =	shalt  }
0x70: {  	_ =	shalt  }
0x71: {  	_ =	shalt  }
0x72: {  	_ =	shalt  }
0x73: {  	_ =	shalt  }
0x74: {  	_ =	shalt  }
0x75: {  	_ =	shalt  }
0x76: {  	_ =	shalt  }
0x77: {  	_ =	shalt  }
0x78: {  	_ =	shalt  }
0x79: {  	_ =	shalt  }
0x7a: {  	_ =	shalt  }
0x7b: {  	_ =	shalt  }
0x7c: {  	_ =	shalt  }
0x7d: {  	_ =	shalt  }
0x7e: {  	_ =	shalt  }
0x7f: {  	_ =	shalt  }
0x80: {  	_ =	shalt  }
0x81: {  	_ =	shalt  }
0x82: {  	_ =	shalt  }
0x83: {  	_ =	shalt  }
0x84: {  	_ =	shalt  }
0x85: {  	_ =	shalt  }
0x86: {  	_ =	shalt  }
0x87: {  	_ =	shalt  }
.Lfunc_end0:
.L_simem_size_0:
called_computation_lowered:
.L_overlay_start_0:
0x88: {  	s0 =	sld [smem:$0x3FD9]  }
0x89: {  	s1 =	sld [smem:$0x3FFE];
	_ =	sdelay $0x3  }
0x8a: {  	s0 =	sadd.s32 s1, s0  }
0x8b: {  	[smem:$0x3FC3] =	sst s0  }
0x8c: {  	_ = 	snop  }
0x8d: {  	s0 =	sld [smem:$0x3FD0];
	(tm) =	ssettm $0x1  }
0x8e: {  	s16 =	sld [smem:$0x3FFB];
	_ =	sdelay $0x3  }
0x8f: {  	_ =	strace s16  }
0x90: {  	s1 =	sld [smem:$0x3FFC];
	_ =	sdelay $0x3  }
0x91: {  	_ =	strace s1  }
0x92: {  	s1 =	sld [smem:$0x3FFD];
	_ =	sdelay $0x3  }
0x93: {  	_ =	strace s1  }
0x94: {  	_ =	strace $0x8FFFFFFF  }
0x95: {  	s17 =	sld [smem:$0x3FDB];
	_ =	sdelay $0x1  }
0x96: {  	s2 =	simm.s32 $_scs_section_size  }
0x97: {  	s3 =	simm.s32 $_size__tile_overlayer_lowered;
	s4 =	simm.s32 $_tile_overlayer_lowered  }
0x98: {  	s20 =	simm.s32 $0x1BFF;
	s19 =	sshll.u32 s4, $0x1;
	s1 =	sadd.s32 s2, s17  }
0x99: {  	s5 =	simm.s32 $0x0;
	s18 =	sshll.u32 s3, $0x1;
	s3 =	sadd.s32 s19, s1  }
0x9a: {  	[timem:s5], [sflag:s20] =	dma.local [hbm:s3], s18  }
0x9b: {  	_ =	swait.ge [sflag:s20], s18  }
0x9c: {  	s2 =	ssub.s32 $0x0, s18;
	[sflag:s20] =	ssyncset.done $0x0  }
0x9d: {  	[sflag:s20] =	ssyncadd.s32 s2;
	_ =	sdelay $0x1  }
0x9e: {  	s21 =	simm.s32 $0x1B8B  }
0x9f: {  	_ =	swait.ge [sflag:s21], $0x1  }
0xa0: {  	[sflag:s21] =	ssyncset.done $0x0  }
0xa1: {  	s23 =	simm.s32 $0x1B8E;
	s22 =	sld [smem:$0x3FFE];
	[sflag:s21] =	ssyncadd.s32 $0xFFFFFFFF  }
0xa2: {  	s24 =	simm.s32 $execute0_lowered;
	[smem:$0x3FD2] =	sst s23  }
0xa3: {  	s3 =	sshll.u32 s24, $0x1;
	_ =	strace $0x80000046;
	[dreg:$0x1] =	wrdreg $0xFFFFFFFF  }
0xa4: {  	s25 =	simm.s32 $_size_execute0_lowered;
	s1 =	sadd.s32 s1, s3;
	[dreg:$0x0] =	wrdreg $0x0  }
0xa5: {  	s3 =	sshll.u32 s25, $0x1;
	[dreg:$0x2] =	wrdreg s1  }
0xa6: {  	[dreg:$0x3] =	wrdreg s3  }
0xa7: {  	[dreg:$0x4] =	wrdreg $0xC0  }
0xa8: {  	_ =	task [dreg:s5], $0x5FFFF  }
0xa9: {  	[dreg:$0x1] =	wrdreg $0xFFFFFFFF  }
0xaa: {  	[dreg:$0x0] =	wrdreg $0x60  }
0xab: {  	[dreg:$0x2] =	wrdreg s22  }
0xac: {  	[dreg:$0x3] =	wrdreg s0  }
0xad: {  	[dreg:$0x4] =	wrdreg $0x71300  }
0xae: {  	[dreg:$0x5] =	wrdreg $0x72300  }
0xaf: {  	[dreg:$0x6] =	wrdreg $0x9  }
0xb0: {  	_ =	task.clear_ibuf [dreg:s5], $0x7FFFF;
	_ =	strace $0x90000046  }
0xb1: {  	s26 =	simm.s32 $0x9;
	_ =	strace $0x80000048  }
0xb2: {  	_ =	swait.ge [sflag:s26], $0x1  }
0xb3: {  	[sflag:s26] =	ssyncadd.s32 $0xFFFFFFFF  }
0xb4: {  	_ =	strace $0x90000048  }
0xb5: {  	_ =	sfence  }
0xb6: {  	s28 =	sld [smem:$0x0];
	_ =	sdelay $0x1  }
0xb7: {  	s29 =	srdreg.scid  }
0xb8: {  	s30 =	sshll.u32 s29, $0xD;
	s31 =	sshrl.u32 s29, $0x2  }
0xb9: {  	s2 =	sand.u32 $0x4000, s30;
	s1 =	sand.u32 $0x1, s29;
	s0 =	sadd.s32 s31, s28  }
0xba: {  	s1 =	sor.u32 s2, s1;
	s0 =	sshll.u32 s0, $0x11  }
0xbb: {  	s0 =	sor.u32 s0, s1  }
0xbc: {  	s0 =	sadd.s32 $0x8F2B, s0  }
0xbd: {  	[sflag:s0] =	ssyncadd.remote.s32 $0x1  }
0xbe: {  	_ =	sfence.sel $0xFFFF  }
0xbf: {  	[dreg:$0x0] =	wrdreg $0xFFFFFFFF;
	(pc) =	sbr.abs _section_cstart, $3  }
0xc0: {  	[dreg:$0x1] =	wrdreg $0xFFFFFFFF  }
0xc1: {  	_ =	task.clear_ibuf [dreg:s5], $0x2FFFF;
	_ =	strace $0x9FFFFFFF  }
0xc2: {  	(tm) =	ssettm $0x7FFFFFFF  }
0xc3: {  	_ =	shalt  }
tec
execute0_lowered:
.L_overlay_start_1:
0x0: {  	(tag) =	ssettag $0x1  }
0x1: {  	s3 =	rddreg [dreg:$0x0];
	s2 =	stileid.u32  }
0x2: {  	s7 =	rddreg [dreg:$0x2];
	s4 =	smul.u32 $0x310, s2  }
0x3: {  	s6 =	rddreg [dreg:$0x3];
	s5 =	simm.s32 $0x0  }
0x4: {  	[smem:$0x7FF] =	sst s5;
	s4 =	sadd.s32 s4, s3  }
0x5: {  	s31 =	simm.s32 $0x1;
	_ =	strace $0x80000047;
	s4 =	sadd.s32 $0xC00, s4  }
0x6: {  	[tilespmem:s5], [sflag:$0x1] =	stream.linear.gather [hbm4b:s4+s5], $0x1880, $0x38;
	[tilespmem:$0x7330] =	vst v63  }
0x7: {  	_ =	swait.ge [sflag:s31], $0x1880  }
0x8: {  	[sflag:s31] =	ssyncset.done $0x0  }
0x9: {  	s8 =	simm.s32 $0x7110;
	s3 =	sadd.s32 $0x3E00, s3;
	[sflag:s31] =	ssyncadd.s32 $0xFFFFE780  }
0xa: {  	[tilespmem:s8], [sflag:$0x1] =	stream.linear.gather [hbm4b:s3+s5], $0x10, $0x38;
	[tilespmem:$0x7330] =	vst v63  }
0xb: {  	_ =	swait.ge [sflag:s31], $0x10  }
0xc: {  	[sflag:s31] =	ssyncset.done $0x0  }
0xd: {  	v0 =	vlaneseq.u32;
	[sflag:s31] =	ssyncadd.s32 $0xFFFFFFF0  }
0xe: {  	v1 =	vimm.s32 $0x0;
	v2 =	vimm.f32 $0.0e+00;
	s4 =	simm.s32 $0xFFFFFC40;
	s3 =	simm.s32 $0xFFFFFF00;
	[tilespmem:$0x7100] =	vst v0;
	v0 =	vld [tilespmem:$0x7110]  }
.LBB2_1:
0xf: {  	p0 =	sne.s32 s4, $0xFFFFFFC0;
	[tilespmem:s3+$0x5100] =	vst v2  }
0x10: {  	[tilespmem:s3+$0x3200] =	vst v1  }
0x11: {  	[tilespmem:s3+$0x4200] =	vst v2  }
0x12: {  	[tilespmem:s3+$0x3300] =	vst v1  }
0x13: {  	[tilespmem:s3+$0x4300] =	vst v2  }
0x14: {  	[tilespmem:s3+$0x3400] =	vst v1  }
0x15: {  	[tilespmem:s3+$0x4400] =	vst v2  }
0x16: {  	[tilespmem:s3+$0x3500] =	vst v1  }
0x17: {  	[tilespmem:s3+$0x4500] =	vst v2  }
0x18: {  	[tilespmem:s3+$0x3600] =	vst v1  }
0x19: {  	[tilespmem:s3+$0x4600] =	vst v2  }
0x1a: {  	[tilespmem:s3+$0x3700] =	vst v1  }
0x1b: {  	[tilespmem:s3+$0x4700] =	vst v2  }
0x1c: {  	[tilespmem:s3+$0x3800] =	vst v1  }
0x1d: {  	[tilespmem:s3+$0x4800] =	vst v2  }
0x1e: {  	[tilespmem:s3+$0x3900] =	vst v1  }
0x1f: {  	[tilespmem:s3+$0x4900] =	vst v2  }
0x20: {  	[tilespmem:s3+$0x3A00] =	vst v1  }
0x21: {  	[tilespmem:s3+$0x4A00] =	vst v2  }
0x22: {  	[tilespmem:s3+$0x3B00] =	vst v1  }
0x23: {  	[tilespmem:s3+$0x4B00] =	vst v2  }
0x24: {  	[tilespmem:s3+$0x3C00] =	vst v1  }
0x25: {  	[tilespmem:s3+$0x4C00] =	vst v2  }
0x26: {  	[tilespmem:s3+$0x3D00] =	vst v1  }
0x27: {  	[tilespmem:s3+$0x4D00] =	vst v2  }
0x28: {  	[tilespmem:s3+$0x3E00] =	vst v1  }
0x29: {  	[tilespmem:s3+$0x4E00] =	vst v2  }
.Ltmp0:
0x2a: {  	[tilespmem:s3+$0x3F00] =	vst v1;
	(pc) =	sbr.rel @p0 .LBB2_1-.Ltmp0, $4  }
0x2b: {  	[tilespmem:s3+$0x4F00] =	vst v2  }
0x2c: {  	[tilespmem:s3+$0x4000] =	vst v1  }
0x2d: {  	[tilespmem:s3+$0x5000] =	vst v2  }
0x2e: {  	[tilespmem:s3+$0x4100] =	vst v1;
	s3 =	sshra.s32 s4, $0x2;
	s4 =	sadd.s32 $0x40, s4  }
0x2f: {  	[tilespmem:s3+$0x5100] =	vst v2  }
0x30: {  	[tilespmem:s3+$0x3200] =	vst v1  }
0x31: {  	[tilespmem:s3+$0x4200] =	vst v2  }
0x32: {  	[tilespmem:s3+$0x3300] =	vst v1  }
0x33: {  	[tilespmem:s3+$0x4300] =	vst v2  }
0x34: {  	[tilespmem:s3+$0x3400] =	vst v1  }
0x35: {  	[tilespmem:s3+$0x4400] =	vst v2  }
0x36: {  	[tilespmem:s3+$0x3500] =	vst v1  }
0x37: {  	[tilespmem:s3+$0x4500] =	vst v2  }
0x38: {  	[tilespmem:s3+$0x3600] =	vst v1  }
0x39: {  	[tilespmem:s3+$0x4600] =	vst v2  }
0x3a: {  	[tilespmem:s3+$0x3700] =	vst v1  }
0x3b: {  	[tilespmem:s3+$0x4700] =	vst v2  }
0x3c: {  	[tilespmem:s3+$0x3800] =	vst v1  }
0x3d: {  	[tilespmem:s3+$0x4800] =	vst v2  }
0x3e: {  	[tilespmem:s3+$0x3900] =	vst v1  }
0x3f: {  	[tilespmem:s3+$0x4900] =	vst v2  }
0x40: {  	[tilespmem:s3+$0x3A00] =	vst v1  }
0x41: {  	[tilespmem:s3+$0x4A00] =	vst v2;
	(v2sf) =	vpush v0, $0x2  }
0x42: {  	[tilespmem:s3+$0x3B00] =	vst v1  }
0x43: {  	[tilespmem:s3+$0x4B00] =	vst v2  }
0x44: {  	[tilespmem:s3+$0x3C00] =	vst v1  }
0x45: {  	[tilespmem:s3+$0x4C00] =	vst v2  }
0x46: {  	[tilespmem:s3+$0x3D00] =	vst v1  }
0x47: {  	[tilespmem:s3+$0x4D00] =	vst v2  }
0x48: {  	[tilespmem:s3+$0x3E00] =	vst v1  }
0x49: {  	[tilespmem:s3+$0x4E00] =	vst v2  }
0x4a: {  	[tilespmem:s3+$0x3F00] =	vst v1  }
0x4b: {  	[tilespmem:s3+$0x4F00] =	vst v2  }
0x4c: {  	[tilespmem:s3+$0x4000] =	vst v1  }
0x4d: {  	[tilespmem:s3+$0x5000] =	vst v2;
	p0 =	sne.s32 s2, $0x0  }
0x4e: {  	[tilespmem:s3+$0x4100] =	vst v1;
	s2 =	simm.s32 @!p0 $0x3100  }
0x4f: {  	[spmem:s7] =	stream.linear.scatter @!p0 [tilespmem:s2], [sflag:$0x1], $0x1000, $0x38;
	[tilespmem:$0x7330] =	vst v63  }
0x50: {  	s0 =	spop (v2sf)  }
0x51: {  	s5 =	simm.s32 @!p0 $0x1;
	[dreg:$0x5] =	wrdreg s0  }
0x52: {  	s31 =	scvt.f32.s32 s0;
	_ =	swait.ge @!p0 [sflag:s5], $0x1000  }
0x53: {  	[sflag:s5] =	ssyncset.done @!p0 $0x0  }
0x54: {  	s8 =	simm.s32 @!p0 $0x4100;
	s2 =	smul.u32 $0x3, s31;
	[sflag:s5] =	ssyncadd.s32 @!p0 $0xFFFFF000  }
0x55: {  	[spmem:s6] =	stream.linear.scatter @!p0 [tilespmem:s8], [sflag:$0x1], $0x1000, $0x38;
	[tilespmem:$0x7330] =	vst v63  }
0x56: {  	p1 =	sgt.s32 s31, $0x0;
	_ =	swait.ge @!p0 [sflag:s5], $0x1000  }
0x57: {  	s2 =	simm.s32 @!p1 $0xA;
	[sflag:s5] =	ssyncset.done @!p0 $0x0  }
0x58: {  	s9 =	simm.s32 $0x0;
	[dreg:$0x7] =	wrdreg s2;
	[sflag:s5] =	ssyncadd.s32 @!p0 $0xFFFFF000  }
0x59: {  	v1 =	vlaneseq.u32;
	s8 =	simm.s32 $0x4100;
	p1 =	slt.s32 s2, $0x18800;
	[bflag:$0x0] =	sbarrier.arrive $0xFFFF  }
0x5a: {  	v2 =	vimm.s32 $0x1;
	v1 =	vmul.u32 $0x100, v1;
	s2 =	simm.s32 @!p1 $0x18800;
	s5 =	simm.s32 $0x3100;
	v3 =	vld [tilespmem:s9+$0x0];
	s9 =	simm.s32 $0x40  }
.LBB2_3:
0x5b: {  	p1 =	sne.s32 s9, $0x61C0;
	_ =	sdelay $0x3  }
0x5c: {  	v4 =	vshrl.u32 v3, $0x18  }
0x5d: {  	v4 =	vor.u32 v1, v4;
	_ =	sdelay $0x2  }
.Ltmp1:
0x5e: {  	(pc) =	sbr.rel @p1 .LBB2_3-.Ltmp1, $4  }
0x5f: {  	_ = 	snop  }
0x60: {  	[tilespmem:v4+s5+$0x0] =	vst.idx.add.s32.msk $0xffff, v2  }
0x61: {  	s10 =	sshra.s32 s9, $0x2;
	[tilespmem:v4+s8+$0x0] =	vst.idx.add.f32.msk $0xffff, v3  }
0x62: {  	s9 =	sadd.s32 $0x40, s9;
	v3 =	vld [tilespmem:s10+$0x0]  }
0x63: {  	_ =	sdelay $0x3  }
0x64: {  	v4 =	vshrl.u32 v3, $0x18  }
0x65: {  	v1 =	vor.u32 v1, v4;
	_ =	sdelay $0x4  }
0x66: {  	s29 =	simm.s32 $0x10;
	[tilespmem:v1+s5+$0x0] =	vst.idx.add.s32.msk $0xffff, v2  }
0x67: {  	s30 =	simm.s32 $0x7100;
	s9 =	simm.s32 $0x3100;
	s31 =	simm.s32 $0x1;
	[tilespmem:v1+s8+$0x0] =	vst.idx.add.f32.msk $0xffff, v3  }
0x68: {  	[spmem:s7] =	stream.indirect.scatter.add.s32 [tilespmem:s9], [sflag:$0x1], $0x100, s30, s29, $0xb8;
	[tilespmem:$0x7330] =	vst v63  }
0x69: {  	_ =	swait.ge [sflag:s31], $0x1000  }
0x6a: {  	[sflag:s31] =	ssyncset.done $0x0  }
0x6b: {  	s10 =	simm.s32 $0x4100;
	[sflag:s31] =	ssyncadd.s32 $0xFFFFF000  }
0x6c: {  	[spmem:s6] =	stream.indirect.scatter.add.f32 [tilespmem:s10], [sflag:$0x1], $0x100, s30, s29, $0xb8;
	[tilespmem:$0x7330] =	vst v63  }
0x6d: {  	_ =	swait.ge [sflag:s31], $0x1000  }
0x6e: {  	[sflag:s31] =	ssyncset.done $0x0  }
0x6f: {  	v2 =	vimm.f32 $0.0e+00;
	s5 =	simm.s32 $0xFFFFFF00;
	v1 =	vimm.s32 $0x0;
	s8 =	simm.s32 $0xFFFFFC40;
	[sflag:s31] =	ssyncadd.s32 $0xFFFFF000  }
.LBB2_5:
0x70: {  	p1 =	sne.s32 s8, $0xFFFFFFC0;
	[tilespmem:s5+$0x5100] =	vst v2  }
0x71: {  	[tilespmem:s5+$0x3200] =	vst v1  }
0x72: {  	[tilespmem:s5+$0x4200] =	vst v2  }
0x73: {  	[tilespmem:s5+$0x3300] =	vst v1  }
0x74: {  	[tilespmem:s5+$0x4300] =	vst v2  }
0x75: {  	[tilespmem:s5+$0x3400] =	vst v1  }
0x76: {  	[tilespmem:s5+$0x4400] =	vst v2  }
0x77: {  	[tilespmem:s5+$0x3500] =	vst v1  }
0x78: {  	[tilespmem:s5+$0x4500] =	vst v2  }
0x79: {  	[tilespmem:s5+$0x3600] =	vst v1  }
0x7a: {  	[tilespmem:s5+$0x4600] =	vst v2  }
0x7b: {  	[tilespmem:s5+$0x3700] =	vst v1  }
0x7c: {  	[tilespmem:s5+$0x4700] =	vst v2  }
0x7d: {  	[tilespmem:s5+$0x3800] =	vst v1  }
0x7e: {  	[tilespmem:s5+$0x4800] =	vst v2  }
0x7f: {  	[tilespmem:s5+$0x3900] =	vst v1  }
0x80: {  	[tilespmem:s5+$0x4900] =	vst v2  }
0x81: {  	[tilespmem:s5+$0x3A00] =	vst v1  }
0x82: {  	[tilespmem:s5+$0x4A00] =	vst v2  }
0x83: {  	[tilespmem:s5+$0x3B00] =	vst v1  }
0x84: {  	[tilespmem:s5+$0x4B00] =	vst v2  }
0x85: {  	[tilespmem:s5+$0x3C00] =	vst v1  }
0x86: {  	[tilespmem:s5+$0x4C00] =	vst v2  }
0x87: {  	[tilespmem:s5+$0x3D00] =	vst v1  }
0x88: {  	[tilespmem:s5+$0x4D00] =	vst v2  }
0x89: {  	[tilespmem:s5+$0x3E00] =	vst v1  }
0x8a: {  	[tilespmem:s5+$0x4E00] =	vst v2  }
.Ltmp2:
0x8b: {  	[tilespmem:s5+$0x3F00] =	vst v1;
	(pc) =	sbr.rel @p1 .LBB2_5-.Ltmp2, $4  }
0x8c: {  	[tilespmem:s5+$0x4F00] =	vst v2  }
0x8d: {  	[tilespmem:s5+$0x4000] =	vst v1  }
0x8e: {  	[tilespmem:s5+$0x5000] =	vst v2  }
0x8f: {  	[tilespmem:s5+$0x4100] =	vst v1;
	s5 =	sshra.s32 s8, $0x2;
	s8 =	sadd.s32 $0x40, s8  }
0x90: {  	[tilespmem:s5+$0x5100] =	vst v2  }
0x91: {  	[tilespmem:s5+$0x3200] =	vst v1  }
0x92: {  	[tilespmem:s5+$0x4200] =	vst v2  }
0x93: {  	[tilespmem:s5+$0x3300] =	vst v1  }
0x94: {  	[tilespmem:s5+$0x4300] =	vst v2  }
0x95: {  	[tilespmem:s5+$0x3400] =	vst v1  }
0x96: {  	[tilespmem:s5+$0x4400] =	vst v2  }
0x97: {  	[tilespmem:s5+$0x3500] =	vst v1  }
0x98: {  	[tilespmem:s5+$0x4500] =	vst v2  }
0x99: {  	[tilespmem:s5+$0x3600] =	vst v1  }
0x9a: {  	[tilespmem:s5+$0x4600] =	vst v2  }
0x9b: {  	[tilespmem:s5+$0x3700] =	vst v1  }
0x9c: {  	[tilespmem:s5+$0x4700] =	vst v2  }
0x9d: {  	[tilespmem:s5+$0x3800] =	vst v1  }
0x9e: {  	[tilespmem:s5+$0x4800] =	vst v2  }
0x9f: {  	[tilespmem:s5+$0x3900] =	vst v1  }
0xa0: {  	[tilespmem:s5+$0x4900] =	vst v2  }
0xa1: {  	[tilespmem:s5+$0x3A00] =	vst v1  }
0xa2: {  	[tilespmem:s5+$0x4A00] =	vst v2  }
0xa3: {  	[tilespmem:s5+$0x3B00] =	vst v1  }
0xa4: {  	[tilespmem:s5+$0x4B00] =	vst v2  }
0xa5: {  	[tilespmem:s5+$0x3C00] =	vst v1  }
0xa6: {  	[tilespmem:s5+$0x4C00] =	vst v2  }
0xa7: {  	[tilespmem:s5+$0x3D00] =	vst v1  }
0xa8: {  	[tilespmem:s5+$0x4D00] =	vst v2  }
0xa9: {  	[tilespmem:s5+$0x3E00] =	vst v1  }
0xaa: {  	[tilespmem:s5+$0x4E00] =	vst v2  }
0xab: {  	[tilespmem:s5+$0x3F00] =	vst v1  }
0xac: {  	[tilespmem:s5+$0x4F00] =	vst v2  }
0xad: {  	[tilespmem:s5+$0x4000] =	vst v1  }
0xae: {  	[tilespmem:s5+$0x5000] =	vst v2  }
0xaf: {  	[tilespmem:s5+$0x4100] =	vst v1  }
0xb0: {  	s22 =	simm.s32 $0x5100;
	s23 =	simm.s32 $0x1;
	[bflag:$0x0] =	sbarrier.arrive $0xFFFF  }
0xb1: {  	[tilespmem:s22], [sflag:$0x1] =	stream.linear.gather [spmem:s7], $0x1000, $0x38;
	[tilespmem:$0x7330] =	vst v63  }
0xb2: {  	_ =	swait.ge [sflag:s23], $0x1000  }
0xb3: {  	[sflag:s23] =	ssyncset.done $0x0  }
0xb4: {  	s8 =	simm.s32 $0x6100;
	[sflag:s23] =	ssyncadd.s32 $0xFFFFF000  }
0xb5: {  	[tilespmem:s8], [sflag:$0x1] =	stream.linear.gather [spmem:s6], $0x1000, $0x38;
	[tilespmem:$0x7330] =	vst v63  }
0xb6: {  	_ =	swait.ge [sflag:s23], $0x1000  }
0xb7: {  	[sflag:s23] =	ssyncset.done $0x0  }
0xb8: {  	[sflag:s23] =	ssyncadd.s32 $0xFFFFF000  }
0xb9: {  	s24 =	simm.s32 $0x69F0;
	[bflag:$0x0] =	sbarrier.arrive $0xFFFF  }
0xba: {  	v4 =	vld [tilespmem:s24+$0x500]  }
0xbb: {  	v3 =	vld [tilespmem:s24+$0x400]  }
0xbc: {  	v5 =	vld [tilespmem:s24+$0x300]  }
0xbd: {  	v1 =	vld [tilespmem:s24+$0xFFFFF800]  }
0xbe: {  	v6 =	vld [tilespmem:s24+$0x200]  }
0xbf: {  	v2 =	vld [tilespmem:s24+$0xFFFFF900]  }
0xc0: {  	v7 =	vld [tilespmem:s24+$0x100]  }
0xc1: {  	v8 =	vld [tilespmem:s24+$0xFFFFFA00]  }
0xc2: {  	v9 =	vld [tilespmem:s24+$0x0]  }
0xc3: {  	s25 =	simm.s32 $0x59F0;
	v10 =	vld [tilespmem:s24+$0xFFFFFB00]  }
0xc4: {  	v11 =	vld [tilespmem:s25+$0xFFFFFA00]  }
0xc5: {  	v12 =	vld [tilespmem:s24+$0xFFFFFC00]  }
0xc6: {  	v13 =	vld [tilespmem:s25+$0xFFFFF800]  }
0xc7: {  	v14 =	vld [tilespmem:s24+$0xFFFFFD00]  }
0xc8: {  	v15 =	vld [tilespmem:s25+$0xFFFFF900]  }
0xc9: {  	v16 =	vld [tilespmem:s24+$0xFFFFFE00]  }
0xca: {  	v17 =	vld [tilespmem:s25+$0xFFFFFB00]  }
0xcb: {  	v18 =	vld [tilespmem:s24+$0xFFFFFF00]  }
0xcc: {  	v19 =	vld [tilespmem:s25+$0xFFFFFC00]  }
0xcd: {  	v20 =	vld [tilespmem:s25+$0xFFFFFD00]  }
0xce: {  	v21 =	vld [tilespmem:s25+$0xFFFFFE00]  }
0xcf: {  	v22 =	vld [tilespmem:s25+$0xFFFFFF00]  }
0xd0: {  	v23 =	vld [tilespmem:s25+$0x0];
	v1 =	vadd.f32 $0.0e+00, v1  }
0xd1: {  	s26 =	simm.s32 $0x69E0;
	v24 =	vld [tilespmem:s25+$0x100]  }
0xd2: {  	v39 =	vld [tilespmem:s26+$0xFFFFFA00];
	v1 =	vadd.f32 v2, v1;
	v2 =	vadd.s32 v13, v15  }
0xd3: {  	v40 =	vld [tilespmem:s26+$0xFFFFFB00];
	v2 =	vadd.s32 v11, v2  }
0xd4: {  	s9 =	simm.s32 $0x59E0;
	v41 =	vld [tilespmem:s26+$0xFFFFFD00];
	v1 =	vadd.f32 v8, v1;
	v2 =	vadd.s32 v17, v2  }
0xd5: {  	v42 =	vld [tilespmem:s9+$0xFFFFF900];
	v2 =	vadd.s32 v19, v2  }
0xd6: {  	v13 =	vld [tilespmem:s25+$0x200];
	v1 =	vadd.f32 v10, v1;
	v2 =	vadd.s32 v20, v2  }
0xd7: {  	v11 =	vld [tilespmem:s25+$0x300];
	v2 =	vadd.s32 v21, v2  }
0xd8: {  	v8 =	vld [tilespmem:s25+$0x400];
	v1 =	vadd.f32 v12, v1;
	v2 =	vadd.s32 v22, v2  }
0xd9: {  	v15 =	vld [tilespmem:s25+$0x500];
	v2 =	vadd.s32 v23, v2  }
0xda: {  	v10 =	vld [tilespmem:s25+$0x600];
	v1 =	vadd.f32 v14, v1;
	v2 =	vadd.s32 v24, v2  }
0xdb: {  	v17 =	vld [tilespmem:s25+$0x700];
	v2 =	vadd.s32 v13, v2  }
0xdc: {  	v44 =	vld [tilespmem:s26+$0xFFFFFE00];
	v16 =	vadd.f32 v16, v1;
	v2 =	vadd.s32 v11, v2  }
0xdd: {  	v1 =	vlaneseq.u32;
	v2 =	vadd.s32 v8, v2;
	v8 =	vld [tilespmem:s26+$0xFFFFF800]  }
0xde: {  	v25 =	vld [tilespmem:s9+$0xFFFFFB00];
	v38 =	vmul.u32 $0xFFFFFFFF, v1;
	v16 =	vadd.f32 v18, v16;
	v2 =	vadd.s32 v15, v2  }
0xdf: {  	v18 =	vld [tilespmem:s26+$0xFFFFF900];
	v10 =	vadd.s32 v10, v2  }
0xe0: {  	v46 =	vld [tilespmem:s9+$0xFFFFFC00];
	v2 =	vadd.s32 $0xF, v38;
	v9 =	vadd.f32 v9, v16;
	v10 =	vadd.s32 v17, v10  }
0xe1: {  	v47 =	vld [tilespmem:s9+$0x100];
	v17 =	vperm.xlane v10, v2  }
0xe2: {  	v19 =	vld [tilespmem:s24+$0x600];
	v7 =	vadd.f32 v7, v9;
	v8 =	vadd.f32 $0.0e+00, v8  }
0xe3: {  	v12 =	vld [tilespmem:s24+$0x700];
	(xrf0) =	vadd.scan.msk.s32 $0xffff, v17  }
0xe4: {  	v14 =	vld [tilespmem:s26+$0x500];
	v6 =	vadd.f32 v6, v7;
	v7 =	vadd.f32 v18, v8  }
0xe5: {  	v18 =	vld [tilespmem:s26+$0xFFFFFC00]  }
0xe6: {  	v13 =	vld [tilespmem:s26+$0x400];
	v5 =	vadd.f32 v5, v6;
	v7 =	vadd.f32 v39, v7  }
0xe7: {  	v11 =	vld [tilespmem:s26+$0x300]  }
0xe8: {  	v16 =	vld [tilespmem:s26+$0x100];
	v5 =	vadd.f32 v3, v5;
	v7 =	vadd.f32 v40, v7  }
0xe9: {  	s5 =	simm.s32 $0x0;
	v6 =	vld [tilespmem:s9+$0xFFFFF800];
	v3 =	vmov s2;
	v43, _, _ =	vpop (xrf0)  }
0xea: {  	v8 =	vld [tilespmem:s9+$0xFFFFFA00];
	v5 =	vadd.f32 v4, v5;
	v45 =	vadd.s32 s5, v43;
	v7 =	vadd.f32 v18, v7  }
0xeb: {  	v4 =	vimm.s32 $0x0;
	v18 =	vld [tilespmem:s26+$0xFFFFFF00];
	vm0 =	vge.s32 v45, v3  }
0xec: {  	v9 =	vld [tilespmem:s26+$0x0];
	v5 =	vadd.f32 v19, v5;
	v19 =	vsel vm0, $0x1, v4;
	v7 =	vadd.f32 v41, v7  }
0xed: {  	(xrf0) =	vadd.scan.msk.s32 $0xffff, v19;
	v19 =	vld [tilespmem:s9+$0xFFFFFD00]  }
0xee: {  	v12 =	vadd.f32 v12, v5;
	v5 =	vadd.s32 v6, v42;
	v6 =	vld [tilespmem:s9+$0xFFFFFE00];
	v7 =	vadd.f32 v44, v7;
	(xrf0) =	vadd.scan.msk.s32 $0xffff, v10  }
0xef: {  	v5 =	vadd.s32 v8, v5;
	v8 =	vld [tilespmem:s9+$0xFFFFFF00]  }
0xf0: {  	v10 =	vperm.xlane v12, v2;
	v5 =	vadd.s32 v25, v5;
	v7 =	vadd.f32 v18, v7;
	v18 =	vld [tilespmem:s9+$0x0]  }
0xf1: {  	v15 =	vld [tilespmem:s26+$0x200];
	v5 =	vadd.s32 v46, v5  }
0xf2: {  	(xrf2) =	vadd.scan.msk.f32 $0xffff, v10;
	v5 =	vadd.s32 v19, v5;
	v7 =	vadd.f32 v9, v7;
	v9 =	vld [tilespmem:s9+$0x200]  }
0xf3: {  	v19, _, _ =	vpop (xrf0);
	v5 =	vadd.s32 v6, v5;
	v6 =	vld [tilespmem:s9+$0x300]  }
0xf4: {  	v5 =	vadd.s32 v8, v5;
	v7 =	vadd.f32 v16, v7;
	v8 =	vld [tilespmem:s9+$0x400];
	v16, _, _ =	vpop (xrf0)  }
0xf5: {  	v5 =	vadd.s32 v18, v5;
	v18 =	vld [tilespmem:s9+$0x500];
	(v2sf) =	vpush v16, $0xF  }
0xf6: {  	v5 =	vadd.s32 v47, v5;
	v7 =	vadd.f32 v15, v7;
	v15 =	vld [tilespmem:s9+$0x600]  }
0xf7: {  	v16 =	vld [tilespmem:s9+$0x700];
	v5 =	vadd.s32 v9, v5  }
0xf8: {  	v6 =	vadd.s32 v6, v5;
	v7 =	vadd.f32 v11, v7  }
0xf9: {  	v17 =	vsub.s32 v43, v17;
	vm1 =	veq.s32 v19, $0x1;
	v6 =	vadd.s32 v8, v6  }
0xfa: {  	v5 =	vimm.f32 $0.0e+00;
	v8 =	vld [tilespmem:s26+$0x600];
	v7 =	vadd.f32 v13, v7;
	v6 =	vadd.s32 v18, v6  }
0xfb: {  	vm1 =	vmand vm0, vm1;
	v13 =	vsel vm0, $0x3F800000, v5;
	v6 =	vadd.s32 v15, v6  }
0xfc: {  	s28 =	simm.s32 $0x69D0;
	v19 =	vnsel vm1, $0x0, v1;
	v11 =	vld [tilespmem:s26+$0x700];
	(xrf0) =	vmax.scan.msk.f32 $0xffff, v13;
	v15, _, _ =	vpop (xrf2);
	v7 =	vadd.f32 v14, v7;
	v14 =	vadd.s32 v16, v6  }
0xfd: {  	(xrf0) =	vadd.scan.msk.s32 $0xffff, v19;
	v6 =	vsub.f32 v15, v10;
	v10 =	vnsel vm1, $0x0, v17;
	v15 =	vld [tilespmem:s28+$0xFFFFF800];
	v16 =	vperm.xlane v14, v2  }
0xfe: {  	(xrf0) =	vadd.scan.msk.s32 $0xffff, v10  }
0xff: {  	v7 =	vadd.f32 v8, v7;
	v8 =	vld [tilespmem:s28+$0xFFFFF900];
	(xrf0) =	vadd.scan.msk.s32 $0xffff, v16  }
0x100: {  	v6 =	vnsel vm1, $0x0, v6  }
0x101: {  	(xrf2) =	vadd.scan.msk.f32 $0xffff, v6;
	v6 =	vadd.f32 v11, v7;
	v7 =	vld [tilespmem:s28+$0xFFFFFA00]  }
0x102: {  	v50 =	vld [tilespmem:s28+$0xFFFFFB00];
	v11, _, _ =	vpop (xrf0);
	v15 =	vadd.f32 $0.0e+00, v15  }
0x103: {  	s16 =	simm.s32 $0x59D0;
	v52 =	vld [tilespmem:s28+$0xFFFFFC00];
	v49, _, _ =	vpop (xrf0)  }
0x104: {  	v26 =	vld [tilespmem:s16+$0xFFFFF800];
	v51, _, _ =	vpop (xrf0);
	v8 =	vadd.f32 v8, v15;
	s29 =	spop (v2sf)  }
0x105: {  	v27 =	vld [tilespmem:s28+$0xFFFFFD00];
	v53, _, _ =	vpop (xrf0);
	s15 =	sadd.s32 $0x0, s29  }
0x106: {  	v54 =	vld [tilespmem:s28+$0xFFFFFE00];
	v48 =	vperm.xlane v6, v2;
	v7 =	vadd.f32 v7, v8;
	v8 =	vadd.s32 s15, v53  }
0x107: {  	v55 =	vld [tilespmem:s16+$0xFFFFFB00];
	vm14 =	vge.s32 v8, v3  }
0x108: {  	v56 =	vld [tilespmem:s16+$0xFFFFFC00];
	(v2sf) =	vpush v11, $0xF;
	(xrf2) =	vadd.scan.msk.f32 $0xffff, v48;
	v11 =	vsel vm14, $0x1, v4  }
0x109: {  	v57 =	vld [tilespmem:s16+$0xFFFFFD00];
	v7 =	vadd.f32 v50, v7  }
0x10a: {  	v58 =	vld [tilespmem:s16+$0xFFFFFE00]  }
0x10b: {  	v61 =	vld [tilespmem:s16+$0x100];
	(xrf0) =	vadd.scan.msk.s32 $0xffff, v11;
	v7 =	vadd.f32 v52, v7;
	v11, _, _ =	vpop (xrf2)  }
0x10c: {  	(v2sf) =	vpush v11, $0xF;
	v11 =	vld [tilespmem:s28+$0xFFFFFF00]  }
0x10d: {  	v19 =	vld [tilespmem:s28+$0x0];
	v7 =	vadd.f32 v27, v7  }
0x10e: {  	v8 =	vld [tilespmem:s16+$0xFFFFF900]  }
0x10f: {  	v15 =	vld [tilespmem:s16+$0xFFFFFA00];
	v7 =	vadd.f32 v54, v7  }
0x110: {  	v17 =	vld [tilespmem:s28+$0x100];
	(v2sf) =	vpush v49, $0xF  }
0x111: {  	v9 =	vld [tilespmem:s28+$0x500];
	v7 =	vadd.f32 v11, v7  }
0x112: {  	v10 =	vld [tilespmem:s28+$0x200];
	(v2sf) =	vpush v51, $0xF;
	v59, _, _ =	vpop (xrf2)  }
0x113: {  	v13 =	vld [tilespmem:s28+$0x300];
	v8 =	vadd.s32 v26, v8;
	v60, _, _ =	vpop (xrf0);
	(xrf0) =	vadd.scan.msk.s32 $0xffff, v14;
	v7 =	vadd.f32 v19, v7  }
0x114: {  	v8 =	vadd.s32 v15, v8;
	v15 =	vld [tilespmem:s16+$0xFFFFFF00];
	vm15 =	veq.s32 v60, $0x1;
	v11 =	vsub.f32 v59, v48  }
0x115: {  	(xrf2) =	vadd.scan.msk.f32 $0xffff, v12;
	v12 =	vld [tilespmem:s16+$0x0];
	v8 =	vadd.s32 v55, v8;
	vm1 =	vmand vm14, vm15;
	v7 =	vadd.f32 v17, v7  }
0x116: {  	v18 =	vld [tilespmem:s28+$0x400];
	v8 =	vadd.s32 v56, v8;
	v11 =	vnsel vm1, $0x0, v11  }
0x117: {  	v14 =	vld [tilespmem:s16+$0x200];
	v8 =	vadd.s32 v57, v8;
	(xrf2) =	vadd.scan.msk.f32 $0xffff, v11;
	v7 =	vadd.f32 v10, v7  }
0x118: {  	v8 =	vadd.s32 v58, v8;
	v19 =	vld [tilespmem:s16+$0x300]  }
0x119: {  	v8 =	vadd.s32 v15, v8;
	v11 =	vld [tilespmem:s16+$0x400];
	v17 =	vsel vm14, $0x3F800000, v5;
	v7 =	vadd.f32 v13, v7;
	v13, _, _ =	vpop (xrf0)  }
0x11a: {  	s10 =	spop (v2sf);
	v15 =	vld [tilespmem:s16+$0x500];
	v8 =	vadd.s32 v12, v8;
	(xrf0) =	vmax.scan.msk.f32 $0xffff, v17;
	(v2sf) =	vpush v13, $0xF  }
0x11b: {  	v16 =	vsub.s32 v53, v16;
	v62 =	vnsel vm1, $0x0, v1;
	v8 =	vadd.s32 v61, v8;
	v17 =	vld [tilespmem:s16+$0x600]  }
0x11c: {  	p1 =	por $0x0, $0x0;
	s14 =	simm.s32 $0xEF;
	v8 =	vadd.s32 v14, v8;
	(xrf0) =	vadd.scan.msk.s32 $0xffff, v62;
	v10 =	vnsel vm1, $0x0, v16;
	v16 =	vld [tilespmem:s16+$0x700]  }
0x11d: {  	s11 =	simm.s32 $0xDF;
	s17 =	simm.s32 $0x69C0;
	p2 =	sgt.f32 s10, $0.0e+00;
	v12 =	vld [tilespmem:s28+$0x700];
	(xrf0) =	vadd.scan.msk.s32 $0xffff, v10;
	v8 =	vadd.s32 v19, v8  }
0x11e: {  	s12 =	simm.s32 $0x0;
	p3 =	por !p1, !p1;
	v19 =	vld [tilespmem:s28+$0x600];
	v8 =	vadd.s32 v11, v8;
	s30 =	spop (v2sf);
	v11 =	vadd.f32 v18, v7  }
0x11f: {  	s8 =	simm.f32 $0.0e+00;
	p3 =	por !p2, !p3;
	v10 =	vld [tilespmem:s17+$0x500];
	v14, _, _ =	vpop (xrf2);
	v8 =	vadd.s32 v15, v8;
	s31 =	spop (v2sf)  }
0x120: {  	p3 =	por !p3, !p3;
	v7 =	vld [tilespmem:s17+$0x400];
	v13 =	vadd.s32 v17, v8;
	(v2sf) =	vpush v14, $0xF;
	s13 =	sadd.f32 s30, s8;
	v15, _, _ =	vpop (xrf0);
	s9 =	ssub.s32 $0xFF, s31  }
0x121: {  	v8 =	vld [tilespmem:s17+$0x300];
	v13 =	vadd.s32 v16, v13;
	s18 =	spop (v2sf);
	v18 =	vadd.f32 v9, v11;
	(v2sf) =	vpush v15, $0xF;
	s12 =	smov.u32 @p3 s9;
	s9 =	simm.f32 $0.0e+00;
	v63, _, _ =	vpop (xrf2)  }
0x122: {  	s10 =	simm.s32 $0xCF;
	v17 =	vld [tilespmem:s17+$0xFFFFF800];
	v14 =	vperm.xlane v13, v2;
	s18 =	sadd.s32 $0x0, s18;
	v11, _, _ =	vpop (xrf0);
	s9 =	smov.u32 @p3 s13  }
0x123: {  	v9 =	vld [tilespmem:s17+$0x200];
	s5 =	smov.u32 @p3 s18;
	s18 =	simm.s32 $0xBF;
	v16 =	vadd.f32 v19, v18;
	(v2sf) =	vpush v63, $0xF;
	s13 =	smov.u32 s15;
	v15, _, _ =	vpop (xrf0)  }
.LBB2_7:
0x124: {  	p3 =	sne.s32 s18, $0xF;
	v18 =	vld [tilespmem:s17+$0xFFFFF900];
	(xrf0) =	vadd.scan.msk.s32 $0xffff, v14;
	(v2sf) =	vpush v11, $0xF;
	v11 =	vmov v10  }
0x125: {  	v10 =	vld [tilespmem:s17+$0x100];
	v12 =	vadd.f32 v12, v16;
	(v2sf) =	vpush v15, $0xF  }
0x126: {  	v15 =	vld [tilespmem:s17+$0xFFFFFA00]  }
0x127: {  	v16 =	vadd.f32 $0.0e+00, v17;
	v17 =	vld [tilespmem:s17+$0x0];
	v19 =	vperm.xlane v12, v2  }
0x128: {  	s16 =	sadd.s32 $0xFFFFFFF0, s16;
	v20 =	vld [tilespmem:s17+$0xFFFFFB00]  }
0x129: {  	v16 =	vadd.f32 v18, v16;
	v18 =	vld [tilespmem:s16+$0xFFFFFA00];
	(xrf2) =	vadd.scan.msk.f32 $0xffff, v19;
	s19 =	spop (v2sf)  }
0x12a: {  	v21 =	vld [tilespmem:s17+$0xFFFFFC00];
	v22, _, _ =	vpop (xrf0);
	s15 =	sadd.s32 s15, s19  }
0x12b: {  	v23 =	vld [tilespmem:s16+$0xFFFFF800];
	v15 =	vadd.f32 v15, v16;
	v16 =	vadd.s32 s15, v22;
	v14 =	vsub.s32 v22, v14  }
0x12c: {  	v22 =	vld [tilespmem:s17+$0xFFFFFD00];
	vm0 =	vge.s32 v16, v3  }
0x12d: {  	v16 =	vld [tilespmem:s16+$0xFFFFF900];
	v15 =	vadd.f32 v20, v15;
	v20 =	vsel vm0, $0x1, v4  }
0x12e: {  	v24 =	vld [tilespmem:s17+$0xFFFFFE00];
	(xrf0) =	vadd.scan.msk.s32 $0xffff, v20  }
0x12f: {  	v20 =	vld [tilespmem:s16+$0xFFFFFB00];
	v15 =	vadd.f32 v21, v15;
	s19 =	spop (v2sf)  }
0x130: {  	v21 =	vld [tilespmem:s17+$0xFFFFFF00];
	s20 =	spop (v2sf)  }
0x131: {  	p1 =	por p1, p2;
	s8 =	sadd.f32 s19, s8;
	v25 =	vld [tilespmem:s16+$0xFFFFFC00];
	v15 =	vadd.f32 v22, v15;
	p2 =	sgt.f32 s20, $0.0e+00  }
0x132: {  	p4 =	por !p1, !p1;
	v16 =	vadd.s32 v23, v16;
	v22 =	vld [tilespmem:s16+$0xFFFFFD00];
	s19 =	spop (v2sf)  }
0x133: {  	v16 =	vadd.s32 v18, v16;
	v18 =	vld [tilespmem:s16+$0xFFFFFE00];
	v15 =	vadd.f32 v24, v15;
	v23, _, _ =	vpop (xrf2);
	(xrf0) =	vadd.scan.msk.s32 $0xffff, v13;
	p4 =	por !p2, !p4;
	s19 =	sadd.f32 s19, s8;
	s20 =	spop (v2sf)  }
0x134: {  	v13 =	vadd.s32 v20, v16;
	v16 =	vld [tilespmem:s16+$0xFFFFFF00];
	v20, _, _ =	vpop (xrf0);
	p4 =	por !p4, !p4;
	s14 =	ssub.s32 s14, s20;
	s20 =	spop (v2sf)  }
0x135: {  	v19 =	vsub.f32 v23, v19;
	v15 =	vadd.f32 v21, v15;
	v21 =	vld [tilespmem:s16+$0x0];
	vm1 =	veq.s32 v20, $0x1;
	s12 =	smov.u32 @p4 s14;
	s13 =	sadd.s32 s13, s20;
	s9 =	smov.u32 @p4 s19;
	(xrf2) =	vadd.scan.msk.f32 $0xffff, v6;
	v6 =	vmovc v12  }
0x136: {  	s14 =	smov.u32 s11;
	v12 =	vadd.s32 v25, v13;
	v13 =	vld [tilespmem:s16+$0x100];
	vm1 =	vmand vm0, vm1;
	s5 =	smov.u32 @p4 s13;
	s13 =	smov.u32 s15  }
0x137: {  	s11 =	smov.u32 s10;
	s10 =	smov.u32 s18;
	v12 =	vadd.s32 v22, v12;
	v15 =	vadd.f32 v17, v15;
	v17 =	vld [tilespmem:s16+$0x200];
	v22 =	vnsel vm1, $0x0, v19  }
0x138: {  	v20 =	vnsel vm1, $0x0, v1;
	v14 =	vnsel vm1, $0x0, v14;
	v12 =	vadd.s32 v18, v12;
	v18 =	vld [tilespmem:s16+$0x300];
	(xrf2) =	vadd.scan.msk.f32 $0xffff, v22  }
0x139: {  	v12 =	vadd.s32 v16, v12;
	v10 =	vadd.f32 v10, v15;
	v15 =	vld [tilespmem:s16+$0x400];
	v16 =	vsel vm0, $0x3F800000, v5;
	v19, _, _ =	vpop (xrf0)  }
0x13a: {  	v12 =	vadd.s32 v21, v12;
	v21 =	vld [tilespmem:s16+$0x500];
	(xrf0) =	vmax.scan.msk.f32 $0xffff, v16;
	(v2sf) =	vpush v19, $0xF  }
0x13b: {  	v12 =	vadd.s32 v13, v12;
	v9 =	vadd.f32 v9, v10;
	v13 =	vld [tilespmem:s16+$0x600];
	(xrf0) =	vadd.scan.msk.s32 $0xffff, v20  }
0x13c: {  	v10 =	vadd.s32 v17, v12;
	v16 =	vld [tilespmem:s16+$0x700]  }
0x13d: {  	v10 =	vadd.s32 v18, v10;
	v8 =	vadd.f32 v8, v9;
	v12 =	vld [tilespmem:s17+$0x700];
	(xrf0) =	vadd.scan.msk.s32 $0xffff, v14  }
0x13e: {  	v18 =	vadd.s32 v15, v10;
	v15 =	vld [tilespmem:s17+$0x600];
	s17 =	sadd.s32 $0xFFFFFFF0, s17  }
.Ltmp3:
0x13f: {  	v10 =	vld [tilespmem:s17+$0x500];
	v14 =	vadd.f32 v7, v8;
	v8 =	vadd.s32 v21, v18;
	v9, _, _ =	vpop (xrf2);
	(pc) =	sbr.rel @p3 .LBB2_7-.Ltmp3, $4  }
0x140: {  	v7 =	vld [tilespmem:s17+$0x400];
	v13 =	vadd.s32 v13, v8;
	v17, _, _ =	vpop (xrf0);
	(v2sf) =	vpush v9, $0xF  }
0x141: {  	v8 =	vld [tilespmem:s17+$0x300];
	v18 =	vadd.f32 v11, v14;
	v13 =	vadd.s32 v16, v13;
	v11, _, _ =	vpop (xrf0);
	(v2sf) =	vpush v17, $0xF  }
0x142: {  	v17 =	vld [tilespmem:s17+$0xFFFFF800];
	v14 =	vperm.xlane v13, v2;
	v19, _, _ =	vpop (xrf2)  }
0x143: {  	s18 =	sadd.s32 $0xFFFFFFF0, s18;
	v9 =	vld [tilespmem:s17+$0x200];
	v16 =	vadd.f32 v15, v18;
	v15, _, _ =	vpop (xrf0);
	(v2sf) =	vpush v19, $0xF  }
0x144: {  	v18 =	vld [tilespmem:s17+$0xFFFFF900]  }
0x145: {  	v19 =	vld [tilespmem:s17+$0x100]  }
0x146: {  	v20 =	vld [tilespmem:s17+$0xFFFFFA00]  }
0x147: {  	v21 =	vld [tilespmem:s17+$0x0];
	v17 =	vadd.f32 $0.0e+00, v17  }
0x148: {  	(xrf0) =	vadd.scan.msk.s32 $0xffff, v14;
	v22 =	vld [tilespmem:s17+$0xFFFFFB00]  }
0x149: {  	v23 =	vld [tilespmem:s17+$0xFFFFFC00];
	v17 =	vadd.f32 v18, v17  }
0x14a: {  	v62 =	vld [tilespmem:s17+$0xFFFFFD00]  }
0x14b: {  	v26 =	vld [tilespmem:s17+$0xFFFFFE00];
	v17 =	vadd.f32 v20, v17  }
0x14c: {  	s16 =	sadd.s32 $0xFFFFFFF0, s16;
	v31 =	vld [tilespmem:s17+$0xFFFFFF00]  }
0x14d: {  	v24 =	vld [tilespmem:s16+$0xFFFFF800];
	s18 =	spop (v2sf);
	v17 =	vadd.f32 v22, v17  }
0x14e: {  	v25 =	vld [tilespmem:s16+$0xFFFFF900];
	v63, _, _ =	vpop (xrf0);
	s15 =	sadd.s32 s15, s18  }
0x14f: {  	v61 =	vld [tilespmem:s16+$0xFFFFFA00];
	v27 =	vadd.s32 s15, v63;
	v17 =	vadd.f32 v23, v17  }
0x150: {  	v28 =	vld [tilespmem:s16+$0xFFFFFB00];
	vm0 =	vge.s32 v27, v3  }
0x151: {  	v32 =	vld [tilespmem:s16+$0xFFFFFC00];
	v27 =	vsel vm0, $0x1, v4;
	v17 =	vadd.f32 v62, v17  }
0x152: {  	v33 =	vld [tilespmem:s16+$0xFFFFFD00];
	(xrf0) =	vadd.scan.msk.s32 $0xffff, v27  }
0x153: {  	v34 =	vld [tilespmem:s16+$0xFFFFFE00];
	v24 =	vadd.s32 v24, v25;
	(xrf0) =	vadd.scan.msk.s32 $0xffff, v13;
	v17 =	vadd.f32 v26, v17  }
0x154: {  	v35 =	vld [tilespmem:s16+$0xFFFFFF00];
	v12 =	vadd.f32 v12, v16;
	v18 =	vadd.s32 v61, v24  }
0x155: {  	v36 =	vld [tilespmem:s16+$0x0];
	v18 =	vadd.s32 v28, v18;
	v17 =	vadd.f32 v31, v17  }
0x156: {  	v38 =	vld [tilespmem:s16+$0x100];
	v40 =	vperm.xlane v12, v2;
	v37 =	vadd.s32 v32, v18  }
0x157: {  	v39 =	vld [tilespmem:s16+$0x200];
	v16 =	vadd.s32 v33, v37;
	v17 =	vadd.f32 v21, v17  }
0x158: {  	(v2sf) =	vpush v11, $0xF;
	v42 =	vld [tilespmem:s16+$0x300];
	(xrf2) =	vadd.scan.msk.f32 $0xffff, v40;
	v13 =	vadd.s32 v34, v16;
	v41, _, _ =	vpop (xrf0)  }
0x159: {  	(v2sf) =	vpush v15, $0xF;
	v44 =	vld [tilespmem:s16+$0x400];
	v13 =	vadd.s32 v35, v13;
	v45, _, _ =	vpop (xrf0);
	v43 =	vadd.f32 v19, v17  }
0x15a: {  	v46 =	vld [tilespmem:s16+$0x500];
	v13 =	vadd.s32 v36, v13;
	(v2sf) =	vpush v45, $0xF  }
0x15b: {  	v47 =	vld [tilespmem:s16+$0x600];
	v13 =	vadd.s32 v38, v13;
	v9 =	vadd.f32 v9, v43  }
0x15c: {  	v48 =	vld [tilespmem:s16+$0x700];
	v13 =	vadd.s32 v39, v13  }
0x15d: {  	v13 =	vadd.s32 v42, v13;
	v8 =	vadd.f32 v8, v9  }
0x15e: {  	v50 =	vld [tilespmem:s17+$0x600];
	v49 =	vsub.s32 v63, v14;
	v13 =	vadd.s32 v44, v13  }
0x15f: {  	vm1 =	veq.s32 v41, $0x1;
	v51 =	vadd.s32 v46, v13;
	v7 =	vadd.f32 v7, v8  }
0x160: {  	v53 =	vld [tilespmem:s17+$0x700];
	v52 =	vsel vm0, $0x3F800000, v5;
	vm1 =	vmand vm0, vm1;
	v8 =	vadd.s32 v47, v51  }
0x161: {  	(xrf0) =	vmax.scan.msk.f32 $0xffff, v52;
	v54 =	vnsel vm1, $0x0, v1;
	v8 =	vadd.s32 v48, v8;
	v7 =	vadd.f32 v10, v7  }
0x162: {  	v56, _, _ =	vpop (xrf2);
	(xrf0) =	vadd.scan.msk.s32 $0xffff, v54;
	v9 =	vnsel vm1, $0x0, v49;
	v55 =	vperm.xlane v8, v2  }
0x163: {  	(xrf0) =	vadd.scan.msk.s32 $0xffff, v9;
	v9 =	vsub.f32 v56, v40;
	v7 =	vadd.f32 v50, v7  }
0x164: {  	s17 =	spop (v2sf);
	(xrf0) =	vadd.scan.msk.s32 $0xffff, v55  }
0x165: {  	s20 =	spop (v2sf);
	(xrf2) =	vadd.scan.msk.f32 $0xffff, v6;
	v6 =	vnsel vm1, $0x0, v9;
	v7 =	vadd.f32 v53, v7  }
0x166: {  	s19 =	spop (v2sf)  }
0x167: {  	s21 =	spop (v2sf);
	v57, _, _ =	vpop (xrf0);
	v2 =	vperm.xlane v7, v2  }
0x168: {  	s18 =	spop (v2sf);
	(xrf2) =	vadd.scan.msk.f32 $0xffff, v6;
	v6, _, _ =	vpop (xrf0)  }
0x169: {  	v58, _, _ =	vpop (xrf0);
	s3 =	spop (v2sf);
	(xrf2) =	vadd.scan.msk.f32 $0xffff, v2  }
0x16a: {  	s16 =	sadd.s32 s15, s3;
	v59, _, _ =	vpop (xrf0)  }
0x16b: {  	v60 =	vadd.s32 s16, v59  }
0x16c: {  	vm13 =	vge.s32 v60, v3  }
0x16d: {  	v3 =	vsel vm13, $0x1, v4  }
0x16e: {  	(xrf0) =	vadd.scan.msk.s32 $0xffff, v3;
	_ =	sdelay $0x2  }
0x16f: {  	v3, _, _ =	vpop (xrf2)  }
0x170: {  	v4, _, _ =	vpop (xrf2)  }
0x171: {  	v61, _, _ =	vpop (xrf2)  }
0x172: {  	v62, _, _ =	vpop (xrf0)  }
0x173: {  	vm14 =	veq.s32 v62, $0x1;
	v2 =	vsub.f32 v61, v2  }
0x174: {  	(xrf2) =	vadd.scan.msk.f32 $0xffff, v12;
	vm1 =	vmand vm13, vm14  }
0x175: {  	v2 =	vnsel vm1, $0x0, v2  }
0x176: {  	(xrf2) =	vadd.scan.msk.f32 $0xffff, v2  }
0x177: {  	(xrf0) =	vadd.scan.msk.s32 $0xffff, v8;
	v2 =	vsel vm13, $0x3F800000, v5  }
0x178: {  	(xrf0) =	vmax.scan.msk.f32 $0xffff, v2  }
0x179: {  	(v2sf) =	vpush v3, $0xF;
	(xrf2) =	vadd.scan.msk.f32 $0xffff, v7  }
0x17a: {  	(v2sf) =	vpush v57, $0xF;
	v1 =	vnsel vm1, $0x0, v1;
	v2 =	vsub.s32 v59, v55  }
0x17b: {  	(v2sf) =	vpush v4, $0xF;
	v2 =	vnsel vm1, $0x0, v2;
	(xrf0) =	vadd.scan.msk.s32 $0xffff, v1  }
0x17c: {  	(v2sf) =	vpush v6, $0xF;
	(xrf0) =	vadd.scan.msk.s32 $0xffff, v2  }
0x17d: {  	(v2sf) =	vpush v58, $0xF;
	v1, _, _ =	vpop (xrf0)  }
0x17e: {  	(v2sf) =	vpush v1, $0xF;
	v2, _, _ =	vpop (xrf2)  }
0x17f: {  	(v2sf) =	vpush v2, $0xF;
	v1, _, _ =	vpop (xrf0)  }
0x180: {  	(v2sf) =	vpush v1, $0xF;
	v1, _, _ =	vpop (xrf2)  }
0x181: {  	v2, _, _ =	vpop (xrf0);
	(v2sf) =	vpush v1, $0xF  }
0x182: {  	v1, _, _ =	vpop (xrf0);
	(v2sf) =	vpush v2, $0xF  }
0x183: {  	(v2sf) =	vpush v1, $0xF;
	v1, _, _ =	vpop (xrf2)  }
0x184: {  	(v2sf) =	vpush v1, $0xF;
	_ =	sdelay $0x1  }
0x185: {  	s1 =	simm.s32 @!p0 $0x3100  }
0x186: {  	[spmem:s7] =	stream.linear.scatter @!p0 [tilespmem:s1], [sflag:$0x1], $0x1000, $0x38;
	[tilespmem:$0x7330] =	vst v63  }
0x187: {  	s28 =	spop (v2sf)  }
0x188: {  	s29 =	spop (v2sf)  }
0x189: {  	s22 =	spop (v2sf)  }
0x18a: {  	s30 =	spop (v2sf)  }
0x18b: {  	s24 =	spop (v2sf)  }
0x18c: {  	s23 =	spop (v2sf)  }
0x18d: {  	s25 =	spop (v2sf)  }
0x18e: {  	s31 =	spop (v2sf)  }
0x18f: {  	s23 =	spop (v2sf)  }
0x190: {  	s0 =	spop (v2sf)  }
0x191: {  	s26 =	spop (v2sf)  }
0x192: {  	s1 =	simm.s32 @!p0 $0x1;
	s4 =	spop (v2sf)  }
0x193: {  	p1 =	por p1, p2;
	p4 =	sgt.f32 s20, $0.0e+00;
	_ =	swait.ge @!p0 [sflag:s1], $0x1000  }
0x194: {  	p5 =	por !p1, !p1;
	[sflag:s1] =	ssyncset.done @!p0 $0x0  }
0x195: {  	s20 =	simm.s32 @!p0 $0x4100;
	p5 =	por !p4, !p5;
	[sflag:s1] =	ssyncadd.s32 @!p0 $0xFFFFF000  }
0x196: {  	[spmem:s6] =	stream.linear.scatter @!p0 [tilespmem:s20], [sflag:$0x1], $0x1000, $0x38;
	[tilespmem:$0x7330] =	vst v63  }
0x197: {  	p4 =	por p1, p4;
	s14 =	ssub.s32 s14, s21;
	_ =	swait.ge @!p0 [sflag:s1], $0x1000  }
0x198: {  	p1 =	por !p5, !p5;
	p3 =	sgt.f32 s29, $0.0e+00;
	[sflag:s1] =	ssyncset.done @!p0 $0x0  }
0x199: {  	p6 =	por !p4, !p4;
	s29 =	simm.s32 $0x0;
	[sflag:s1] =	ssyncadd.s32 @!p0 $0xFFFFF000  }
0x19a: {  	p4 =	por p4, p3;
	p2 =	sgt.f32 s31, $0.0e+00;
	[bflag:$0x0] =	sbarrier.arrive $0xFFFF  }
0x19b: {  	s12 =	smov.u32 @p1 s14;
	p3 =	por !p3, !p6;
	p4 =	por !p4, !p4;
	v5 =	vld [tilespmem:s29+$0x0]  }
0x19c: {  	p3 =	por !p3, !p3;
	p2 =	por !p2, !p4;
	s1 =	ssub.s32 s11, s30  }
0x19d: {  	p2 =	por !p2, !p2;
	s0 =	ssub.s32 s10, s0;
	s12 =	smov.u32 @p3 s1  }
0x19e: {  	s12 =	smov.u32 @p2 s0  }
0x19f: {  	s10 =	sshll.u32 s12, $0x18  }
0x1a0: {  	v1 =	vmov s10;
	v2 =	vand.u32 $0xFF000000, v5  }
0x1a1: {  	v3 =	vimm.s32 $0x0;
	vm15 =	veq.s32 v2, v1  }
0x1a2: {  	v2 =	vsel vm15, $0x1, v3  }
0x1a3: {  	(xrf0) =	vadd.scan.msk.s32 $0xffff, v2;
	_ =	sdelay $0x1  }
0x1a4: {  	s12 =	simm.s32 $0x0  }
0x1a5: {  	v2 =	vmov s12  }
0x1a6: {  	v2 =	vadd.s32 $0xFFFFFFFF, v2  }
0x1a7: {  	v4 =	vlaneseq.u32;
	s30 =	sadd.f32 s17, s8;
	v6 =	vbroadcast v2, $0x0  }
0x1a8: {  	v2 =	vmul.u32 $0x100, v4;
	v4 =	vshrl.u32 v5, $0x10;
	v7, _, _ =	vpop (xrf0)  }
0x1a9: {  	s0 =	sadd.f32 s28, s30;
	v4 =	vand.u32 $0xFF, v4;
	v6 =	vadd.s32 v7, v6;
	(v2sf) =	vpush v7, $0xF  }
0x1aa: {  	s8 =	sadd.s32 s13, s18;
	s1 =	sadd.f32 s19, s30;
	v63 =	vor.u32 v2, v4  }
0x1ab: {  	s14 =	simm.s32 $0x3100;
	s5 =	smov.u32 @p1 s8;
	s31 =	sadd.f32 s25, s0  }
0x1ac: {  	s9 =	smov.u32 @p1 s1;
	s1 =	sadd.s32 s15, s24;
	s0 =	sadd.f32 s22, s0  }
0x1ad: {  	s8 =	simm.s32 $0x1880;
	s5 =	smov.u32 @p3 s1;
	s1 =	sadd.f32 s23, s31  }
0x1ae: {  	s11 =	sadd.s32 s16, s26;
	s16 =	simm.s32 $0x10;
	s9 =	smov.u32 @p3 s0;
	v4 =	vimm.s32 $0x1;
	[tilespmem:v6+s8+$0x0] =	vst.idx.msk vm15, v5  }
0x1af: {  	s15 =	simm.s32 $0x4100;
	s5 =	smov.u32 @p2 s11;
	s9 =	smov.u32 @p2 s1;
	[tilespmem:v63+s14+$0x0] =	vst.idx.add.s32.msk vm15, v4  }
0x1b0: {  	s13 =	ssub.s32 s2, s5;
	s11 =	sadd.f32 $0.0e+00, s9;
	s9 =	simm.s32 $0x80;
	[tilespmem:v63+s15+$0x0] =	vst.idx.add.f32.msk vm15, v5  }
.LBB2_9:
0x1b1: {  	p1 =	sne.s32 s9, $0x61C0;
	v5 =	vld [tilespmem:s16+$0x0];
	_ =	sdelay $0x4  }
0x1b2: {  	v6 =	vand.u32 $0xFF000000, v5;
	v7 =	vshrl.u32 v5, $0x10  }
0x1b3: {  	vm0 =	veq.s32 v6, v1  }
0x1b4: {  	v6 =	vsel vm0, $0x1, v3;
	s0 =	spop (v2sf)  }
0x1b5: {  	(xrf0) =	vadd.scan.msk.s32 $0xffff, v6;
	s12 =	sadd.s32 s12, s0  }
0x1b6: {  	v6 =	vmov s12  }
0x1b7: {  	v6 =	vadd.s32 $0xFFFFFFFF, v6  }
0x1b8: {  	v6 =	vbroadcast v6, $0x0;
	_ =	sdelay $0x2  }
0x1b9: {  	v8, _, _ =	vpop (xrf0)  }
0x1ba: {  	v7 =	vand.u32 $0xFF, v7;
	v6 =	vadd.s32 v8, v6;
	(v2sf) =	vpush v8, $0xF  }
0x1bb: {  	v7 =	vor.u32 v2, v7;
	_ =	sdelay $0x1  }
.Ltmp4:
0x1bc: {  	(pc) =	sbr.rel @p1 .LBB2_9-.Ltmp4, $4  }
0x1bd: {  	_ = 	snop  }
0x1be: {  	[tilespmem:v6+s8+$0x0] =	vst.idx.msk vm0, v5  }
0x1bf: {  	[tilespmem:v7+s14+$0x0] =	vst.idx.add.s32.msk vm0, v4  }
0x1c0: {  	s16 =	sshra.s32 s9, $0x2;
	s9 =	sadd.s32 $0x40, s9;
	[tilespmem:v7+s15+$0x0] =	vst.idx.add.f32.msk vm0, v5  }
0x1c1: {  	v5 =	vld [tilespmem:s16+$0x0];
	_ =	sdelay $0x4  }
0x1c2: {  	v6 =	vand.u32 $0xFF000000, v5  }
0x1c3: {  	vm0 =	veq.s32 v6, v1  }
0x1c4: {  	v1 =	vsel vm0, $0x1, v3  }
0x1c5: {  	(xrf0) =	vadd.scan.msk.s32 $0xffff, v1;
	_ =	sdelay $0x5  }
0x1c6: {  	v1, _, _ =	vpop (xrf0)  }
0x1c7: {  	s0 =	spop (v2sf);
	(v2sf) =	vpush v1, $0xF  }
0x1c8: {  	s0 =	sadd.s32 s12, s0  }
0x1c9: {  	v3 =	vmov s0  }
0x1ca: {  	v3 =	vadd.s32 $0xFFFFFFFF, v3  }
0x1cb: {  	v3 =	vbroadcast v3, $0x0  }
0x1cc: {  	v63 =	vshrl.u32 v5, $0x10  }
0x1cd: {  	v1 =	vadd.s32 v1, v3;
	v3 =	vand.u32 $0xFF, v63  }
0x1ce: {  	v2 =	vor.u32 v2, v3;
	_ =	sdelay $0x3  }
0x1cf: {  	[tilespmem:v1+s8+$0x0] =	vst.idx.msk vm0, v5  }
0x1d0: {  	[tilespmem:v2+s14+$0x0] =	vst.idx.add.s32.msk vm0, v4  }
0x1d1: {  	s1 =	simm.s32 $0x10;
	s9 =	simm.s32 $0x7100;
	s12 =	simm.s32 $0x3100;
	[tilespmem:v2+s15+$0x0] =	vst.idx.add.f32.msk vm0, v5  }
0x1d2: {  	[spmem:s7] =	stream.indirect.scatter.add.s32 [tilespmem:s12], [sflag:$0x1], $0x100, s9, s1, $0xb8;
	[tilespmem:$0x7330] =	vst v63  }
0x1d3: {  	s29 =	spop (v2sf)  }
0x1d4: {  	s8 =	simm.s32 $0x1;
	s15 =	sadd.s32 s0, s29  }
0x1d5: {  	_ =	swait.ge [sflag:s8], $0x1000;
	s0 =	sadd.s32 $0xF, s15  }
0x1d6: {  	s14 =	simm.s32 $0x4100;
	[sflag:s8] =	ssyncset.done $0x0;
	p1 =	slt.s32 s0, $0x10  }
.Ltmp5:
0x1d7: {  	s30 =	sshra.s32 s0, $0x1F;
	[sflag:s8] =	ssyncadd.s32 $0xFFFFF000;
	(pc) =	sbr.rel @p1 .LBB2_14-.Ltmp5, $4  }
0x1d8: {  	[spmem:s6] =	stream.indirect.scatter.add.f32 [tilespmem:s14], [sflag:$0x1], $0x100, s9, s1, $0xb8;
	[tilespmem:$0x7330] =	vst v63  }
0x1d9: {  	s31 =	sshrl.u32 s30, $0x1C;
	_ =	swait.ge [sflag:s8], $0x1000  }
0x1da: {  	s1 =	sadd.s32 s31, s0;
	[sflag:s8] =	ssyncset.done $0x0  }
0x1db: {  	s9 =	sshra.s32 s1, $0x4;
	[sflag:s8] =	ssyncadd.s32 $0xFFFFF000  }
0x1dc: {  	p2 =	sne.s32 s9, $0x1  }
.Ltmp6:
0x1dd: {  	_ = 	snop;
	(pc) =	sbr.rel @!p2 .LBB2_13-.Ltmp6, $4  }
0x1de: {  	_ = 	snop  }
0x1df: {  	s16 =	simm.s32 $0x1880  }
0x1e0: {  	v1 =	vlaneseq.u32;
	v4 =	vld [tilespmem:s16+$0x0]  }
0x1e1: {  	v2 =	vimm.s32 $0x0;
	v3 =	vimm.f32 $0.0e+00;
	s17 =	sadd.s32 $0xFFFFFFFF, s9;
	v1 =	vmul.u32 $0x100, v1  }
.LBB2_12:
0x1e2: {  	p2 =	sne.s32 s17, $0x1;
	_ =	sdelay $0x2  }
0x1e3: {  	v4 =	vshrl.u32 v4, $0x10  }
0x1e4: {  	v4 =	vand.u32 $0xFF, v4  }
0x1e5: {  	v4 =	vor.u32 v1, v4;
	_ =	sdelay $0x3  }
.Ltmp7:
0x1e6: {  	(pc) =	sbr.rel @p2 .LBB2_12-.Ltmp7, $4  }
0x1e7: {  	[tilespmem:v4+s12+$0x0] =	vst.idx.msk $0xffff, v2  }
0x1e8: {  	s16 =	sadd.s32 $0x10, s16;
	[tilespmem:v4+s14+$0x0] =	vst.idx.msk $0xffff, v3  }
0x1e9: {  	v4 =	vld [tilespmem:s16+$0x0]  }
0x1ea: {  	s17 =	sadd.s32 $0xFFFFFFFF, s17  }
.LBB2_13:
0x1eb: {  	_ =	sdelay $0x2  }
0x1ec: {  	v4 =	vshrl.u32 v4, $0x10  }
0x1ed: {  	v4 =	vand.u32 $0xFF, v4  }
0x1ee: {  	v1 =	vor.u32 v1, v4;
	_ =	sdelay $0x4  }
0x1ef: {  	[tilespmem:v1+s12+$0x0] =	vst.idx.msk $0xffff, v2  }
0x1f0: {  	[tilespmem:v1+s14+$0x0] =	vst.idx.msk $0xffff, v3  }
.LBB2_14:
0x1f1: {  	[bflag:$0x0] =	sbarrier.arrive $0xFFFF;
	s0 =	simm.s32 $0x5100  }
0x1f2: {  	[tilespmem:s0], [sflag:$0x1] =	stream.linear.gather [spmem:s7], $0x1000, $0x38;
	[tilespmem:$0x7330] =	vst v63  }
0x1f3: {  	_ =	swait.ge [sflag:s8], $0x1000  }
0x1f4: {  	[sflag:s8] =	ssyncset.done $0x0  }
0x1f5: {  	s23 =	simm.s32 $0x6100;
	[sflag:s8] =	ssyncadd.s32 $0xFFFFF000  }
0x1f6: {  	[tilespmem:s23], [sflag:$0x1] =	stream.linear.gather [spmem:s6], $0x1000, $0x38;
	[tilespmem:$0x7330] =	vst v63  }
0x1f7: {  	_ =	swait.ge [sflag:s8], $0x1000  }
0x1f8: {  	[sflag:s8] =	ssyncset.done $0x0  }
0x1f9: {  	[sflag:s8] =	ssyncadd.s32 $0xFFFFF000  }
0x1fa: {  	s24 =	simm.s32 $0x69F0;
	[bflag:$0x0] =	sbarrier.arrive $0xFFFF  }
0x1fb: {  	v4 =	vld [tilespmem:s24+$0x500]  }
0x1fc: {  	v3 =	vld [tilespmem:s24+$0x400]  }
0x1fd: {  	v5 =	vld [tilespmem:s24+$0x300]  }
0x1fe: {  	v1 =	vld [tilespmem:s24+$0xFFFFF800]  }
0x1ff: {  	v6 =	vld [tilespmem:s24+$0x200]  }
0x200: {  	v2 =	vld [tilespmem:s24+$0xFFFFF900]  }
0x201: {  	v7 =	vld [tilespmem:s24+$0x100]  }
0x202: {  	v8 =	vld [tilespmem:s24+$0xFFFFFA00]  }
0x203: {  	v9 =	vld [tilespmem:s24+$0x0]  }
0x204: {  	s1 =	simm.s32 $0x59F0;
	v10 =	vld [tilespmem:s24+$0xFFFFFB00]  }
0x205: {  	v11 =	vld [tilespmem:s1+$0xFFFFFA00]  }
0x206: {  	v12 =	vld [tilespmem:s24+$0xFFFFFC00]  }
0x207: {  	v13 =	vld [tilespmem:s1+$0xFFFFF800]  }
0x208: {  	v14 =	vld [tilespmem:s24+$0xFFFFFD00]  }
0x209: {  	v15 =	vld [tilespmem:s1+$0xFFFFF900]  }
0x20a: {  	v16 =	vld [tilespmem:s24+$0xFFFFFE00]  }
0x20b: {  	v17 =	vld [tilespmem:s1+$0xFFFFFB00]  }
0x20c: {  	v18 =	vld [tilespmem:s24+$0xFFFFFF00]  }
0x20d: {  	v19 =	vld [tilespmem:s1+$0xFFFFFC00]  }
0x20e: {  	v20 =	vld [tilespmem:s1+$0xFFFFFD00]  }
0x20f: {  	v21 =	vld [tilespmem:s1+$0xFFFFFE00]  }
0x210: {  	v22 =	vld [tilespmem:s1+$0xFFFFFF00]  }
0x211: {  	v23 =	vld [tilespmem:s1+$0x0];
	v1 =	vadd.f32 $0.0e+00, v1  }
0x212: {  	s12 =	simm.s32 $0x69E0;
	v24 =	vld [tilespmem:s1+$0x100]  }
0x213: {  	v39 =	vld [tilespmem:s12+$0xFFFFFA00];
	v1 =	vadd.f32 v2, v1;
	v2 =	vadd.s32 v13, v15  }
0x214: {  	v40 =	vld [tilespmem:s12+$0xFFFFFB00];
	v2 =	vadd.s32 v11, v2  }
0x215: {  	s25 =	simm.s32 $0x59E0;
	v41 =	vld [tilespmem:s12+$0xFFFFFD00];
	v1 =	vadd.f32 v8, v1;
	v2 =	vadd.s32 v17, v2  }
0x216: {  	v42 =	vld [tilespmem:s25+$0xFFFFF900];
	v2 =	vadd.s32 v19, v2  }
0x217: {  	v13 =	vld [tilespmem:s1+$0x200];
	v1 =	vadd.f32 v10, v1;
	v2 =	vadd.s32 v20, v2  }
0x218: {  	v11 =	vld [tilespmem:s1+$0x300];
	v2 =	vadd.s32 v21, v2  }
0x219: {  	v8 =	vld [tilespmem:s1+$0x400];
	v1 =	vadd.f32 v12, v1;
	v2 =	vadd.s32 v22, v2  }
0x21a: {  	v15 =	vld [tilespmem:s1+$0x500];
	v2 =	vadd.s32 v23, v2  }
0x21b: {  	v10 =	vld [tilespmem:s1+$0x600];
	v1 =	vadd.f32 v14, v1;
	v2 =	vadd.s32 v24, v2  }
0x21c: {  	v17 =	vld [tilespmem:s1+$0x700];
	v2 =	vadd.s32 v13, v2  }
0x21d: {  	v44 =	vld [tilespmem:s12+$0xFFFFFE00];
	v16 =	vadd.f32 v16, v1;
	v2 =	vadd.s32 v11, v2  }
0x21e: {  	v1 =	vlaneseq.u32;
	v2 =	vadd.s32 v8, v2;
	v8 =	vld [tilespmem:s12+$0xFFFFF800]  }
0x21f: {  	v25 =	vld [tilespmem:s25+$0xFFFFFB00];
	v38 =	vmul.u32 $0xFFFFFFFF, v1;
	v16 =	vadd.f32 v18, v16;
	v2 =	vadd.s32 v15, v2  }
0x220: {  	v18 =	vld [tilespmem:s12+$0xFFFFF900];
	v10 =	vadd.s32 v10, v2  }
0x221: {  	v46 =	vld [tilespmem:s25+$0xFFFFFC00];
	v2 =	vadd.s32 $0xF, v38;
	v9 =	vadd.f32 v9, v16;
	v10 =	vadd.s32 v17, v10  }
0x222: {  	v47 =	vld [tilespmem:s25+$0x100];
	v17 =	vperm.xlane v10, v2  }
0x223: {  	v19 =	vld [tilespmem:s24+$0x600];
	v7 =	vadd.f32 v7, v9;
	v8 =	vadd.f32 $0.0e+00, v8  }
0x224: {  	v12 =	vld [tilespmem:s24+$0x700];
	(xrf0) =	vadd.scan.msk.s32 $0xffff, v17  }
0x225: {  	v14 =	vld [tilespmem:s12+$0x500];
	v6 =	vadd.f32 v6, v7;
	v7 =	vadd.f32 v18, v8  }
0x226: {  	v18 =	vld [tilespmem:s12+$0xFFFFFC00]  }
0x227: {  	v13 =	vld [tilespmem:s12+$0x400];
	v5 =	vadd.f32 v5, v6;
	v7 =	vadd.f32 v39, v7  }
0x228: {  	v11 =	vld [tilespmem:s12+$0x300]  }
0x229: {  	v16 =	vld [tilespmem:s12+$0x100];
	v5 =	vadd.f32 v3, v5;
	v7 =	vadd.f32 v40, v7  }
0x22a: {  	s8 =	simm.s32 $0x0;
	v6 =	vld [tilespmem:s25+$0xFFFFF800];
	v3 =	vmov s13;
	v43, _, _ =	vpop (xrf0)  }
0x22b: {  	v8 =	vld [tilespmem:s25+$0xFFFFFA00];
	v5 =	vadd.f32 v4, v5;
	v45 =	vadd.s32 s8, v43;
	v7 =	vadd.f32 v18, v7  }
0x22c: {  	v4 =	vimm.s32 $0x0;
	v18 =	vld [tilespmem:s12+$0xFFFFFF00];
	vm0 =	vge.s32 v45, v3  }
0x22d: {  	v9 =	vld [tilespmem:s12+$0x0];
	v5 =	vadd.f32 v19, v5;
	v19 =	vsel vm0, $0x1, v4;
	v7 =	vadd.f32 v41, v7  }
0x22e: {  	(xrf0) =	vadd.scan.msk.s32 $0xffff, v19;
	v19 =	vld [tilespmem:s25+$0xFFFFFD00]  }
0x22f: {  	v12 =	vadd.f32 v12, v5;
	v5 =	vadd.s32 v6, v42;
	v6 =	vld [tilespmem:s25+$0xFFFFFE00];
	v7 =	vadd.f32 v44, v7;
	(xrf0) =	vadd.scan.msk.s32 $0xffff, v10  }
0x230: {  	v5 =	vadd.s32 v8, v5;
	v8 =	vld [tilespmem:s25+$0xFFFFFF00]  }
0x231: {  	v10 =	vperm.xlane v12, v2;
	v5 =	vadd.s32 v25, v5;
	v7 =	vadd.f32 v18, v7;
	v18 =	vld [tilespmem:s25+$0x0]  }
0x232: {  	v15 =	vld [tilespmem:s12+$0x200];
	v5 =	vadd.s32 v46, v5  }
0x233: {  	(xrf2) =	vadd.scan.msk.f32 $0xffff, v10;
	v5 =	vadd.s32 v19, v5;
	v7 =	vadd.f32 v9, v7;
	v9 =	vld [tilespmem:s25+$0x200]  }
0x234: {  	v19, _, _ =	vpop (xrf0);
	v5 =	vadd.s32 v6, v5;
	v6 =	vld [tilespmem:s25+$0x300]  }
0x235: {  	v5 =	vadd.s32 v8, v5;
	v7 =	vadd.f32 v16, v7;
	v8 =	vld [tilespmem:s25+$0x400];
	v16, _, _ =	vpop (xrf0)  }
0x236: {  	v5 =	vadd.s32 v18, v5;
	v18 =	vld [tilespmem:s25+$0x500];
	(v2sf) =	vpush v16, $0xF  }
0x237: {  	v5 =	vadd.s32 v47, v5;
	v7 =	vadd.f32 v15, v7;
	v15 =	vld [tilespmem:s25+$0x600]  }
0x238: {  	v16 =	vld [tilespmem:s25+$0x700];
	v5 =	vadd.s32 v9, v5  }
0x239: {  	v6 =	vadd.s32 v6, v5;
	v7 =	vadd.f32 v11, v7  }
0x23a: {  	v17 =	vsub.s32 v43, v17;
	vm1 =	veq.s32 v19, $0x1;
	v6 =	vadd.s32 v8, v6  }
0x23b: {  	v5 =	vimm.f32 $0.0e+00;
	v8 =	vld [tilespmem:s12+$0x600];
	v7 =	vadd.f32 v13, v7;
	v6 =	vadd.s32 v18, v6  }
0x23c: {  	vm1 =	vmand vm0, vm1;
	v13 =	vsel vm0, $0x3F800000, v5;
	v6 =	vadd.s32 v15, v6  }
0x23d: {  	s26 =	simm.s32 $0x69D0;
	v19 =	vnsel vm1, $0x0, v1;
	v11 =	vld [tilespmem:s12+$0x700];
	(xrf0) =	vmax.scan.msk.f32 $0xffff, v13;
	v15, _, _ =	vpop (xrf2);
	v7 =	vadd.f32 v14, v7;
	v14 =	vadd.s32 v16, v6  }
0x23e: {  	(xrf0) =	vadd.scan.msk.s32 $0xffff, v19;
	v6 =	vsub.f32 v15, v10;
	v10 =	vnsel vm1, $0x0, v17;
	v15 =	vld [tilespmem:s26+$0xFFFFF800];
	v16 =	vperm.xlane v14, v2  }
0x23f: {  	(xrf0) =	vadd.scan.msk.s32 $0xffff, v10  }
0x240: {  	v7 =	vadd.f32 v8, v7;
	v8 =	vld [tilespmem:s26+$0xFFFFF900];
	(xrf0) =	vadd.scan.msk.s32 $0xffff, v16  }
0x241: {  	v6 =	vnsel vm1, $0x0, v6  }
0x242: {  	(xrf2) =	vadd.scan.msk.f32 $0xffff, v6;
	v6 =	vadd.f32 v11, v7;
	v7 =	vld [tilespmem:s26+$0xFFFFFA00]  }
0x243: {  	v50 =	vld [tilespmem:s26+$0xFFFFFB00];
	v11, _, _ =	vpop (xrf0);
	v15 =	vadd.f32 $0.0e+00, v15  }
0x244: {  	s22 =	simm.s32 $0x59D0;
	v52 =	vld [tilespmem:s26+$0xFFFFFC00];
	v49, _, _ =	vpop (xrf0)  }
0x245: {  	v26 =	vld [tilespmem:s22+$0xFFFFF800];
	v51, _, _ =	vpop (xrf0);
	v8 =	vadd.f32 v8, v15;
	s28 =	spop (v2sf)  }
0x246: {  	v27 =	vld [tilespmem:s26+$0xFFFFFD00];
	v53, _, _ =	vpop (xrf0);
	s21 =	sadd.s32 $0x0, s28  }
0x247: {  	v54 =	vld [tilespmem:s26+$0xFFFFFE00];
	v48 =	vperm.xlane v6, v2;
	v7 =	vadd.f32 v7, v8;
	v8 =	vadd.s32 s21, v53  }
0x248: {  	v55 =	vld [tilespmem:s22+$0xFFFFFB00];
	vm14 =	vge.s32 v8, v3  }
0x249: {  	v56 =	vld [tilespmem:s22+$0xFFFFFC00];
	(v2sf) =	vpush v11, $0xF;
	(xrf2) =	vadd.scan.msk.f32 $0xffff, v48;
	v11 =	vsel vm14, $0x1, v4  }
0x24a: {  	v57 =	vld [tilespmem:s22+$0xFFFFFD00];
	v7 =	vadd.f32 v50, v7  }
0x24b: {  	v58 =	vld [tilespmem:s22+$0xFFFFFE00]  }
0x24c: {  	v61 =	vld [tilespmem:s22+$0x100];
	(xrf0) =	vadd.scan.msk.s32 $0xffff, v11;
	v7 =	vadd.f32 v52, v7;
	v11, _, _ =	vpop (xrf2)  }
0x24d: {  	(v2sf) =	vpush v11, $0xF;
	v11 =	vld [tilespmem:s26+$0xFFFFFF00]  }
0x24e: {  	v19 =	vld [tilespmem:s26+$0x0];
	v7 =	vadd.f32 v27, v7  }
0x24f: {  	v8 =	vld [tilespmem:s22+$0xFFFFF900]  }
0x250: {  	v15 =	vld [tilespmem:s22+$0xFFFFFA00];
	v7 =	vadd.f32 v54, v7  }
0x251: {  	v17 =	vld [tilespmem:s26+$0x100]  }
0x252: {  	v9 =	vld [tilespmem:s26+$0x500];
	(v2sf) =	vpush v49, $0xF;
	v7 =	vadd.f32 v11, v7  }
0x253: {  	v10 =	vld [tilespmem:s26+$0x200];
	(v2sf) =	vpush v51, $0xF;
	v59, _, _ =	vpop (xrf2)  }
0x254: {  	v13 =	vld [tilespmem:s26+$0x300];
	v8 =	vadd.s32 v26, v8;
	v60, _, _ =	vpop (xrf0);
	(xrf0) =	vadd.scan.msk.s32 $0xffff, v14;
	v7 =	vadd.f32 v19, v7  }
0x255: {  	v8 =	vadd.s32 v15, v8;
	v15 =	vld [tilespmem:s22+$0xFFFFFF00];
	vm15 =	veq.s32 v60, $0x1;
	v11 =	vsub.f32 v59, v48  }
0x256: {  	(xrf2) =	vadd.scan.msk.f32 $0xffff, v12;
	v12 =	vld [tilespmem:s22+$0x0];
	v8 =	vadd.s32 v55, v8;
	vm1 =	vmand vm14, vm15;
	v7 =	vadd.f32 v17, v7  }
0x257: {  	v18 =	vld [tilespmem:s26+$0x400];
	v8 =	vadd.s32 v56, v8;
	v11 =	vnsel vm1, $0x0, v11  }
0x258: {  	v14 =	vld [tilespmem:s22+$0x200];
	v8 =	vadd.s32 v57, v8;
	(xrf2) =	vadd.scan.msk.f32 $0xffff, v11;
	v7 =	vadd.f32 v10, v7  }
0x259: {  	v8 =	vadd.s32 v58, v8;
	v19 =	vld [tilespmem:s22+$0x300]  }
0x25a: {  	v8 =	vadd.s32 v15, v8;
	v11 =	vld [tilespmem:s22+$0x400];
	v17 =	vsel vm14, $0x3F800000, v5;
	v7 =	vadd.f32 v13, v7;
	v13, _, _ =	vpop (xrf0)  }
0x25b: {  	s29 =	spop (v2sf);
	v15 =	vld [tilespmem:s22+$0x500];
	v8 =	vadd.s32 v12, v8;
	(xrf0) =	vmax.scan.msk.f32 $0xffff, v17;
	(v2sf) =	vpush v13, $0xF  }
0x25c: {  	v16 =	vsub.s32 v53, v16;
	v62 =	vnsel vm1, $0x0, v1;
	v8 =	vadd.s32 v61, v8;
	v17 =	vld [tilespmem:s22+$0x600]  }
0x25d: {  	p2 =	por $0x0, $0x0;
	s18 =	simm.f32 $0.0e+00;
	v8 =	vadd.s32 v14, v8;
	(xrf0) =	vadd.scan.msk.s32 $0xffff, v62;
	v10 =	vnsel vm1, $0x0, v16;
	v16 =	vld [tilespmem:s22+$0x700]  }
0x25e: {  	s19 =	simm.s32 $0xEF;
	s17 =	simm.s32 $0xDF;
	p3 =	sgt.f32 s29, $0.0e+00;
	v12 =	vld [tilespmem:s26+$0x700];
	(xrf0) =	vadd.scan.msk.s32 $0xffff, v10;
	v8 =	vadd.s32 v19, v8  }
0x25f: {  	s16 =	simm.s32 $0x0;
	p4 =	por !p2, !p2;
	s23 =	simm.s32 $0x69C0;
	v19 =	vld [tilespmem:s26+$0x600];
	v8 =	vadd.s32 v11, v8;
	v11 =	vadd.f32 v18, v7  }
0x260: {  	s24 =	simm.s32 $0xBF;
	p4 =	por !p3, !p4;
	v10 =	vld [tilespmem:s23+$0x500];
	v14, _, _ =	vpop (xrf2);
	v8 =	vadd.s32 v15, v8;
	s30 =	spop (v2sf)  }
0x261: {  	s12 =	simm.s32 $0xCF;
	p4 =	por !p4, !p4;
	v7 =	vld [tilespmem:s23+$0x400];
	v13 =	vadd.s32 v17, v8;
	(v2sf) =	vpush v14, $0xF;
	s31 =	spop (v2sf);
	v15, _, _ =	vpop (xrf0)  }
0x262: {  	v8 =	vld [tilespmem:s23+$0x300];
	s0 =	sadd.f32 s30, s18;
	v13 =	vadd.s32 v16, v13;
	s1 =	ssub.s32 $0xFF, s31;
	s14 =	spop (v2sf);
	v18 =	vadd.f32 v9, v11;
	(v2sf) =	vpush v15, $0xF;
	v63, _, _ =	vpop (xrf2)  }
0x263: {  	v17 =	vld [tilespmem:s23+$0xFFFFF800];
	v14 =	vperm.xlane v13, v2;
	s16 =	smov.u32 @p4 s1;
	s1 =	sadd.s32 $0x0, s14;
	s14 =	simm.f32 $0.0e+00;
	v11, _, _ =	vpop (xrf0)  }
0x264: {  	s20 =	smov.u32 s21;
	v9 =	vld [tilespmem:s23+$0x200];
	s14 =	smov.u32 @p4 s0;
	s8 =	smov.u32 @p4 s1;
	v16 =	vadd.f32 v19, v18;
	(v2sf) =	vpush v63, $0xF;
	v15, _, _ =	vpop (xrf0)  }
.LBB2_15:
0x265: {  	p4 =	sne.s32 s24, $0xF;
	v18 =	vld [tilespmem:s23+$0xFFFFF900];
	(xrf0) =	vadd.scan.msk.s32 $0xffff, v14;
	(v2sf) =	vpush v11, $0xF;
	v11 =	vmov v10  }
0x266: {  	v10 =	vld [tilespmem:s23+$0x100];
	v12 =	vadd.f32 v12, v16;
	(v2sf) =	vpush v15, $0xF  }
0x267: {  	v15 =	vld [tilespmem:s23+$0xFFFFFA00]  }
0x268: {  	v16 =	vadd.f32 $0.0e+00, v17;
	v17 =	vld [tilespmem:s23+$0x0];
	v19 =	vperm.xlane v12, v2  }
0x269: {  	s22 =	sadd.s32 $0xFFFFFFF0, s22;
	v20 =	vld [tilespmem:s23+$0xFFFFFB00]  }
0x26a: {  	v16 =	vadd.f32 v18, v16;
	v18 =	vld [tilespmem:s22+$0xFFFFFA00];
	(xrf2) =	vadd.scan.msk.f32 $0xffff, v19;
	s0 =	spop (v2sf)  }
0x26b: {  	v21 =	vld [tilespmem:s23+$0xFFFFFC00];
	v22, _, _ =	vpop (xrf0);
	s21 =	sadd.s32 s21, s0  }
0x26c: {  	v23 =	vld [tilespmem:s22+$0xFFFFF800];
	v15 =	vadd.f32 v15, v16;
	v16 =	vadd.s32 s21, v22;
	v14 =	vsub.s32 v22, v14  }
0x26d: {  	v22 =	vld [tilespmem:s23+$0xFFFFFD00];
	vm0 =	vge.s32 v16, v3  }
0x26e: {  	v16 =	vld [tilespmem:s22+$0xFFFFF900];
	v15 =	vadd.f32 v20, v15;
	v20 =	vsel vm0, $0x1, v4  }
0x26f: {  	v24 =	vld [tilespmem:s23+$0xFFFFFE00];
	(xrf0) =	vadd.scan.msk.s32 $0xffff, v20  }
0x270: {  	v20 =	vld [tilespmem:s22+$0xFFFFFB00];
	v15 =	vadd.f32 v21, v15;
	s0 =	spop (v2sf)  }
0x271: {  	v21 =	vld [tilespmem:s23+$0xFFFFFF00];
	s1 =	spop (v2sf)  }
0x272: {  	p2 =	por p2, p3;
	s18 =	sadd.f32 s0, s18;
	v25 =	vld [tilespmem:s22+$0xFFFFFC00];
	v15 =	vadd.f32 v22, v15;
	p3 =	sgt.f32 s1, $0.0e+00  }
0x273: {  	p5 =	por !p2, !p2;
	v16 =	vadd.s32 v23, v16;
	v22 =	vld [tilespmem:s22+$0xFFFFFD00];
	s0 =	spop (v2sf)  }
0x274: {  	v16 =	vadd.s32 v18, v16;
	v18 =	vld [tilespmem:s22+$0xFFFFFE00];
	v15 =	vadd.f32 v24, v15;
	v23, _, _ =	vpop (xrf2);
	(xrf0) =	vadd.scan.msk.s32 $0xffff, v13;
	p5 =	por !p3, !p5;
	s0 =	sadd.f32 s0, s18;
	s1 =	spop (v2sf)  }
0x275: {  	v13 =	vadd.s32 v20, v16;
	v16 =	vld [tilespmem:s22+$0xFFFFFF00];
	v20, _, _ =	vpop (xrf0);
	p5 =	por !p5, !p5;
	s1 =	ssub.s32 s19, s1;
	s19 =	spop (v2sf)  }
0x276: {  	v19 =	vsub.f32 v23, v19;
	v15 =	vadd.f32 v21, v15;
	v21 =	vld [tilespmem:s22+$0x0];
	vm1 =	veq.s32 v20, $0x1;
	s16 =	smov.u32 @p5 s1;
	s1 =	sadd.s32 s20, s19;
	s14 =	smov.u32 @p5 s0;
	(xrf2) =	vadd.scan.msk.f32 $0xffff, v6;
	v6 =	vmovc v12  }
0x277: {  	s20 =	smov.u32 s21;
	s19 =	smov.u32 s17;
	v12 =	vadd.s32 v25, v13;
	v13 =	vld [tilespmem:s22+$0x100];
	vm1 =	vmand vm0, vm1;
	s8 =	smov.u32 @p5 s1  }
0x278: {  	s17 =	smov.u32 s12;
	s12 =	smov.u32 s24;
	v12 =	vadd.s32 v22, v12;
	v15 =	vadd.f32 v17, v15;
	v17 =	vld [tilespmem:s22+$0x200];
	v22 =	vnsel vm1, $0x0, v19  }
0x279: {  	v20 =	vnsel vm1, $0x0, v1;
	v14 =	vnsel vm1, $0x0, v14;
	v12 =	vadd.s32 v18, v12;
	v18 =	vld [tilespmem:s22+$0x300];
	(xrf2) =	vadd.scan.msk.f32 $0xffff, v22  }
0x27a: {  	v12 =	vadd.s32 v16, v12;
	v10 =	vadd.f32 v10, v15;
	v15 =	vld [tilespmem:s22+$0x400];
	v16 =	vsel vm0, $0x3F800000, v5;
	v19, _, _ =	vpop (xrf0)  }
0x27b: {  	v12 =	vadd.s32 v21, v12;
	v21 =	vld [tilespmem:s22+$0x500];
	(xrf0) =	vmax.scan.msk.f32 $0xffff, v16;
	(v2sf) =	vpush v19, $0xF  }
0x27c: {  	v12 =	vadd.s32 v13, v12;
	v9 =	vadd.f32 v9, v10;
	v13 =	vld [tilespmem:s22+$0x600];
	(xrf0) =	vadd.scan.msk.s32 $0xffff, v20  }
0x27d: {  	v10 =	vadd.s32 v17, v12;
	v16 =	vld [tilespmem:s22+$0x700]  }
0x27e: {  	v10 =	vadd.s32 v18, v10;
	v8 =	vadd.f32 v8, v9;
	v12 =	vld [tilespmem:s23+$0x700];
	(xrf0) =	vadd.scan.msk.s32 $0xffff, v14  }
0x27f: {  	v18 =	vadd.s32 v15, v10;
	v15 =	vld [tilespmem:s23+$0x600];
	s23 =	sadd.s32 $0xFFFFFFF0, s23  }
.Ltmp8:
0x280: {  	v10 =	vld [tilespmem:s23+$0x500];
	v14 =	vadd.f32 v7, v8;
	v8 =	vadd.s32 v21, v18;
	v9, _, _ =	vpop (xrf2);
	(pc) =	sbr.rel @p4 .LBB2_15-.Ltmp8, $4  }
0x281: {  	v7 =	vld [tilespmem:s23+$0x400];
	v13 =	vadd.s32 v13, v8;
	v17, _, _ =	vpop (xrf0);
	(v2sf) =	vpush v9, $0xF  }
0x282: {  	v8 =	vld [tilespmem:s23+$0x300];
	v18 =	vadd.f32 v11, v14;
	v13 =	vadd.s32 v16, v13;
	v11, _, _ =	vpop (xrf0);
	(v2sf) =	vpush v17, $0xF  }
0x283: {  	v17 =	vld [tilespmem:s23+$0xFFFFF800];
	v14 =	vperm.xlane v13, v2;
	v19, _, _ =	vpop (xrf2)  }
0x284: {  	s24 =	sadd.s32 $0xFFFFFFF0, s24;
	v9 =	vld [tilespmem:s23+$0x200];
	v16 =	vadd.f32 v15, v18;
	v15, _, _ =	vpop (xrf0);
	(v2sf) =	vpush v19, $0xF  }
0x285: {  	v18 =	vld [tilespmem:s23+$0xFFFFF900]  }
0x286: {  	v19 =	vld [tilespmem:s23+$0x100]  }
0x287: {  	v20 =	vld [tilespmem:s23+$0xFFFFFA00]  }
0x288: {  	v21 =	vld [tilespmem:s23+$0x0];
	v17 =	vadd.f32 $0.0e+00, v17  }
0x289: {  	(xrf0) =	vadd.scan.msk.s32 $0xffff, v14;
	v22 =	vld [tilespmem:s23+$0xFFFFFB00]  }
0x28a: {  	v23 =	vld [tilespmem:s23+$0xFFFFFC00];
	v17 =	vadd.f32 v18, v17  }
0x28b: {  	v61 =	vld [tilespmem:s23+$0xFFFFFD00]  }
0x28c: {  	v26 =	vld [tilespmem:s23+$0xFFFFFE00];
	v17 =	vadd.f32 v20, v17  }
0x28d: {  	s0 =	sadd.s32 $0xFFFFFFF0, s22;
	v63 =	vld [tilespmem:s23+$0xFFFFFF00]  }
0x28e: {  	v24 =	vld [tilespmem:s0+$0xFFFFF800];
	s1 =	spop (v2sf);
	v17 =	vadd.f32 v22, v17  }
0x28f: {  	v25 =	vld [tilespmem:s0+$0xFFFFF900];
	v62, _, _ =	vpop (xrf0);
	s21 =	sadd.s32 s21, s1  }
0x290: {  	v60 =	vld [tilespmem:s0+$0xFFFFFA00];
	v27 =	vadd.s32 s21, v62;
	v17 =	vadd.f32 v23, v17  }
0x291: {  	v28 =	vld [tilespmem:s0+$0xFFFFFB00];
	vm0 =	vge.s32 v27, v3  }
0x292: {  	v30 =	vld [tilespmem:s0+$0xFFFFFC00];
	v27 =	vsel vm0, $0x1, v4;
	v17 =	vadd.f32 v61, v17  }
0x293: {  	v31 =	vld [tilespmem:s0+$0xFFFFFD00];
	(xrf0) =	vadd.scan.msk.s32 $0xffff, v27  }
0x294: {  	v32 =	vld [tilespmem:s0+$0xFFFFFE00];
	v24 =	vadd.s32 v24, v25;
	(xrf0) =	vadd.scan.msk.s32 $0xffff, v13;
	v17 =	vadd.f32 v26, v17  }
0x295: {  	v33 =	vld [tilespmem:s0+$0xFFFFFF00];
	v18 =	vadd.s32 v60, v24  }
0x296: {  	v34 =	vld [tilespmem:s0+$0x0];
	v18 =	vadd.s32 v28, v18;
	v17 =	vadd.f32 v63, v17  }
0x297: {  	v12 =	vadd.f32 v12, v16;
	v36 =	vld [tilespmem:s0+$0x100];
	v35 =	vadd.s32 v30, v18  }
0x298: {  	v37 =	vld [tilespmem:s0+$0x200];
	v16 =	vadd.s32 v31, v35;
	v17 =	vadd.f32 v21, v17  }
0x299: {  	(v2sf) =	vpush v11, $0xF;
	v40 =	vld [tilespmem:s0+$0x300];
	v38 =	vperm.xlane v12, v2;
	v13 =	vadd.s32 v32, v16;
	v39, _, _ =	vpop (xrf0)  }
0x29a: {  	(v2sf) =	vpush v15, $0xF;
	v42 =	vld [tilespmem:s0+$0x400];
	v13 =	vadd.s32 v33, v13;
	v43, _, _ =	vpop (xrf0);
	v41 =	vadd.f32 v19, v17  }
0x29b: {  	v44 =	vld [tilespmem:s0+$0x500];
	(xrf2) =	vadd.scan.msk.f32 $0xffff, v38;
	v13 =	vadd.s32 v34, v13;
	(v2sf) =	vpush v43, $0xF  }
0x29c: {  	v45 =	vld [tilespmem:s0+$0x600];
	v13 =	vadd.s32 v36, v13;
	v9 =	vadd.f32 v9, v41  }
0x29d: {  	v46 =	vld [tilespmem:s0+$0x700];
	v13 =	vadd.s32 v37, v13  }
0x29e: {  	v13 =	vadd.s32 v40, v13;
	v8 =	vadd.f32 v8, v9  }
0x29f: {  	v48 =	vld [tilespmem:s23+$0x600];
	v47 =	vsub.s32 v62, v14;
	v13 =	vadd.s32 v42, v13  }
0x2a0: {  	vm1 =	veq.s32 v39, $0x1;
	v49 =	vadd.s32 v44, v13;
	v7 =	vadd.f32 v7, v8  }
0x2a1: {  	v51 =	vld [tilespmem:s23+$0x700];
	v50 =	vsel vm0, $0x3F800000, v5;
	vm1 =	vmand vm0, vm1;
	v8 =	vadd.s32 v45, v49  }
0x2a2: {  	(xrf0) =	vmax.scan.msk.f32 $0xffff, v50;
	v52 =	vnsel vm1, $0x0, v1;
	v8 =	vadd.s32 v46, v8;
	v7 =	vadd.f32 v10, v7  }
0x2a3: {  	(xrf0) =	vadd.scan.msk.s32 $0xffff, v52;
	v9 =	vnsel vm1, $0x0, v47;
	v53 =	vperm.xlane v8, v2  }
0x2a4: {  	(xrf0) =	vadd.scan.msk.s32 $0xffff, v9;
	v7 =	vadd.f32 v48, v7  }
0x2a5: {  	s24 =	spop (v2sf);
	v54, _, _ =	vpop (xrf2);
	(xrf0) =	vadd.scan.msk.s32 $0xffff, v53  }
0x2a6: {  	s1 =	spop (v2sf);
	v9 =	vsub.f32 v54, v38;
	v7 =	vadd.f32 v51, v7  }
0x2a7: {  	s23 =	spop (v2sf)  }
0x2a8: {  	s3 =	spop (v2sf);
	(xrf2) =	vadd.scan.msk.f32 $0xffff, v6;
	v55, _, _ =	vpop (xrf0);
	v56 =	vnsel vm1, $0x0, v9;
	v2 =	vperm.xlane v7, v2  }
0x2a9: {  	s25 =	spop (v2sf);
	v57, _, _ =	vpop (xrf0);
	(xrf2) =	vadd.scan.msk.f32 $0xffff, v56  }
0x2aa: {  	v58, _, _ =	vpop (xrf0);
	s4 =	spop (v2sf);
	(xrf2) =	vadd.scan.msk.f32 $0xffff, v2  }
0x2ab: {  	s22 =	sadd.s32 s21, s4;
	v59, _, _ =	vpop (xrf0)  }
0x2ac: {  	v60 =	vadd.s32 s22, v59  }
0x2ad: {  	vm14 =	vge.s32 v60, v3  }
0x2ae: {  	v3 =	vsel vm14, $0x1, v4  }
0x2af: {  	(xrf0) =	vadd.scan.msk.s32 $0xffff, v3;
	_ =	sdelay $0x2  }
0x2b0: {  	v3, _, _ =	vpop (xrf2)  }
0x2b1: {  	v61, _, _ =	vpop (xrf2)  }
0x2b2: {  	v62, _, _ =	vpop (xrf2)  }
0x2b3: {  	v63, _, _ =	vpop (xrf0)  }
0x2b4: {  	vm15 =	veq.s32 v63, $0x1;
	v2 =	vsub.f32 v62, v2  }
0x2b5: {  	(xrf2) =	vadd.scan.msk.f32 $0xffff, v12;
	vm1 =	vmand vm14, vm15  }
0x2b6: {  	(xrf0) =	vadd.scan.msk.s32 $0xffff, v8;
	v2 =	vnsel vm1, $0x0, v2  }
0x2b7: {  	(v2sf) =	vpush v3, $0xF;
	(xrf2) =	vadd.scan.msk.f32 $0xffff, v2  }
0x2b8: {  	(v2sf) =	vpush v55, $0xF;
	v2 =	vsel vm14, $0x3F800000, v5  }
0x2b9: {  	(xrf0) =	vmax.scan.msk.f32 $0xffff, v2  }
0x2ba: {  	(v2sf) =	vpush v61, $0xF;
	v1 =	vnsel vm1, $0x0, v1;
	(xrf2) =	vadd.scan.msk.f32 $0xffff, v7  }
0x2bb: {  	(v2sf) =	vpush v57, $0xF;
	v2 =	vsub.s32 v59, v53  }
0x2bc: {  	(v2sf) =	vpush v58, $0xF;
	v2 =	vnsel vm1, $0x0, v2;
	(xrf0) =	vadd.scan.msk.s32 $0xffff, v1  }
0x2bd: {  	v1, _, _ =	vpop (xrf0);
	(xrf0) =	vadd.scan.msk.s32 $0xffff, v2;
	_ =	sdelay $0x1  }
0x2be: {  	(v2sf) =	vpush v1, $0xF;
	v1, _, _ =	vpop (xrf2)  }
0x2bf: {  	(v2sf) =	vpush v1, $0xF;
	v2, _, _ =	vpop (xrf0)  }
0x2c0: {  	(v2sf) =	vpush v2, $0xF;
	v1, _, _ =	vpop (xrf2)  }
0x2c1: {  	v2, _, _ =	vpop (xrf0);
	(v2sf) =	vpush v1, $0xF  }
0x2c2: {  	v1, _, _ =	vpop (xrf0);
	(v2sf) =	vpush v2, $0xF  }
0x2c3: {  	(v2sf) =	vpush v1, $0xF;
	v1, _, _ =	vpop (xrf2)  }
0x2c4: {  	p2 =	por p2, p3;
	p4 =	sgt.f32 s1, $0.0e+00;
	(v2sf) =	vpush v1, $0xF  }
0x2c5: {  	p3 =	por !p2, !p2;
	s28 =	spop (v2sf)  }
0x2c6: {  	p3 =	por !p4, !p3;
	s29 =	spop (v2sf)  }
0x2c7: {  	p4 =	por p2, p4;
	s1 =	ssub.s32 s19, s3;
	p6 =	sgt.f32 s29, $0.0e+00  }
0x2c8: {  	p5 =	por !p3, !p3;
	p2 =	por !p4, !p4;
	s30 =	spop (v2sf)  }
0x2c9: {  	s16 =	smov.u32 @p5 s1;
	s31 =	spop (v2sf);
	p2 =	por !p6, !p2  }
0x2ca: {  	s3 =	spop (v2sf);
	s17 =	ssub.s32 s17, s31;
	p2 =	por !p2, !p2  }
0x2cb: {  	s16 =	smov.u32 @p2 s17;
	s17 =	sadd.s32 s21, s3;
	s21 =	simm.s32 @!p0 $0x3100  }
0x2cc: {  	[spmem:s7] =	stream.linear.scatter @!p0 [tilespmem:s21], [sflag:$0x1], $0x1000, $0x38;
	[tilespmem:$0x7330] =	vst v63  }
0x2cd: {  	s26 =	sadd.f32 s24, s18;
	s4 =	spop (v2sf)  }
0x2ce: {  	s18 =	spop (v2sf)  }
0x2cf: {  	s23 =	sadd.f32 s23, s26;
	s20 =	sadd.s32 s20, s25;
	s25 =	spop (v2sf)  }
0x2d0: {  	s0 =	sadd.f32 s28, s26;
	s26 =	spop (v2sf)  }
0x2d1: {  	s14 =	smov.u32 @p5 s23;
	s8 =	smov.u32 @p5 s20;
	s28 =	spop (v2sf)  }
0x2d2: {  	s1 =	sadd.f32 s30, s0;
	p3 =	por p4, p6;
	s29 =	spop (v2sf)  }
0x2d3: {  	p3 =	por !p3, !p3;
	s21 =	simm.s32 @!p0 $0x1;
	s30 =	spop (v2sf)  }
0x2d4: {  	s14 =	smov.u32 @p2 s1;
	s8 =	smov.u32 @p2 s17;
	_ =	swait.ge @!p0 [sflag:s21], $0x1000  }
0x2d5: {  	s0 =	sadd.f32 s18, s0;
	p6 =	sgt.f32 s25, $0.0e+00;
	[sflag:s21] =	ssyncset.done @!p0 $0x0  }
0x2d6: {  	s1 =	ssub.s32 s12, s28;
	s12 =	simm.s32 @!p0 $0x4100;
	[sflag:s21] =	ssyncadd.s32 @!p0 $0xFFFFF000  }
0x2d7: {  	[spmem:s6] =	stream.linear.scatter @!p0 [tilespmem:s12], [sflag:$0x1], $0x1000, $0x38;
	[tilespmem:$0x7330] =	vst v63  }
.Ltmp9:
0x2d8: {  	p3 =	por !p6, !p3;
	_ =	swait.ge @!p0 [sflag:s21], $0x1000;
	(pc) =	sbr.rel @p1 .LBB2_25-.Ltmp9, $4  }
0x2d9: {  	s0 =	sadd.f32 s26, s0;
	p3 =	por !p3, !p3;
	[sflag:s21] =	ssyncset.done @!p0 $0x0  }
0x2da: {  	s16 =	smov.u32 @p3 s1;
	s1 =	sadd.s32 s22, s29;
	[sflag:s21] =	ssyncadd.s32 @!p0 $0xFFFFF000  }
0x2db: {  	s8 =	smov.u32 @p3 s1;
	s31 =	sshll.u32 s16, $0x10;
	[bflag:$0x0] =	sbarrier.arrive $0xFFFF  }
0x2dc: {  	v1 =	vmov s15;
	s14 =	smov.u32 @p3 s0;
	s13 =	ssub.s32 s13, s8;
	s12 =	sor.u32 s10, s31  }
0x2dd: {  	p3 =	sne.s32 s9, $0x1  }
.Ltmp10:
0x2de: {  	_ = 	snop;
	(pc) =	sbr.rel @!p3 .LBB2_18-.Ltmp10, $3  }
0x2df: {  	_ =	sdelay $0x1  }
0x2e0: {  	s15 =	simm.s32 $0x1880;
	s18 =	simm.s32 $0x0;
	v4 =	vlaneseq.u32;
	s10 =	simm.s32 $0x3100  }
0x2e1: {  	v5 =	vmov s12;
	v3 =	vimm.s32 $0x1;
	s16 =	simm.s32 $0x4100;
	s17 =	sadd.s32 $0xFFFFFFFF, s9;
	p2 =	por $0x0, $0x0;
	v2 =	vmul.u32 $0x100, v4;
	v6 =	vld [tilespmem:s15+$0x0]  }
0x2e2: {  	_ =	sdelay $0x3  }
0x2e3: {  	v7 =	vor.u32 s18, v4;
	v8 =	vand.u32 $0xFFFF0000, v6  }
0x2e4: {  	vm1 =	vlt.s32 v7, v1;
	v7 =	vshrl.u32 v6, $0x8;
	vm0 =	veq.s32 v8, v5  }
0x2e5: {  	v7 =	vand.u32 $0xFF, v7;
	vm0 =	vmand vm1, vm0  }
0x2e6: {  	v7 =	vor.u32 v2, v7;
	_ =	sdelay $0x2  }
0x2e7: {  	p3 =	sne.s32 s17, $0x1  }
.Ltmp11:
0x2e8: {  	_ = 	snop;
	(pc) =	sbr.rel @!p3 .LBB2_20-.Ltmp11, $4  }
0x2e9: {  	[tilespmem:v7+s10+$0x0] =	vst.idx.add.s32.msk vm0, v3  }
0x2ea: {  	s20 =	simm.s32 $0x1890;
	[tilespmem:v7+s16+$0x0] =	vst.idx.add.f32.msk vm0, v6  }
0x2eb: {  	v6 =	vld [tilespmem:s20+$0x0]  }
0x2ec: {  	s21 =	sadd.s32 $0xFFFFFFFF, s17;
	p2 =	por $0x1, $0x1;
	s19 =	simm.s32 $0x0  }
.LBB2_21:
0x2ed: {  	p3 =	sne.s32 s21, $0x1;
	_ =	sdelay $0x1  }
0x2ee: {  	s19 =	sadd.s32 $0x10, s19  }
0x2ef: {  	v7 =	vor.u32 s19, v4;
	v8 =	vand.u32 $0xFFFF0000, v6  }
0x2f0: {  	vm1 =	vlt.s32 v7, v1;
	v7 =	vshrl.u32 v6, $0x8;
	vm0 =	veq.s32 v8, v5  }
0x2f1: {  	v7 =	vand.u32 $0xFF, v7;
	vm0 =	vmand vm1, vm0  }
0x2f2: {  	v7 =	vor.u32 v2, v7;
	_ =	sdelay $0x3  }
.Ltmp12:
0x2f3: {  	(pc) =	sbr.rel @p3 .LBB2_21-.Ltmp12, $4  }
0x2f4: {  	[tilespmem:v7+s10+$0x0] =	vst.idx.add.s32.msk vm0, v3  }
0x2f5: {  	s20 =	sadd.s32 $0x10, s20;
	[tilespmem:v7+s16+$0x0] =	vst.idx.add.f32.msk vm0, v6  }
0x2f6: {  	v6 =	vld [tilespmem:s20+$0x0]  }
0x2f7: {  	s21 =	sadd.s32 $0xFFFFFFFF, s21  }
.LBB2_22:
0x2f8: {  	_ = 	snop  }
0x2f9: {  	s0 =	sadd.s32 @p2 $0x10, s19  }
0x2fa: {  	s18 =	smov.u32 @p2 s0  }
0x2fb: {  	v4 =	vor.u32 s18, v4;
	v7 =	vand.u32 $0xFFFF0000, v6  }
0x2fc: {  	vm1 =	vlt.s32 v4, v1;
	v4 =	vshrl.u32 v6, $0x8;
	vm0 =	veq.s32 v7, v5  }
0x2fd: {  	v4 =	vand.u32 $0xFF, v4;
	vm0 =	vmand vm1, vm0  }
0x2fe: {  	v4 =	vor.u32 v2, v4;
	_ =	sdelay $0x4  }
0x2ff: {  	[tilespmem:v4+s10+$0x0] =	vst.idx.add.s32.msk vm0, v3  }
0x300: {  	s30 =	simm.s32 $0x10;
	s1 =	simm.s32 $0x7100;
	s31 =	simm.s32 $0x1;
	[tilespmem:v4+s16+$0x0] =	vst.idx.add.f32.msk vm0, v6  }
0x301: {  	[spmem:s7] =	stream.indirect.scatter.add.s32 [tilespmem:s10], [sflag:$0x1], $0x100, s1, s30, $0xb8;
	[tilespmem:$0x7330] =	vst v63  }
0x302: {  	_ =	swait.ge [sflag:s31], $0x1000  }
0x303: {  	[sflag:s31] =	ssyncset.done $0x0  }
0x304: {  	p2 =	seq.s32 s9, $0x1;
	[sflag:s31] =	ssyncadd.s32 $0xFFFFF000  }
0x305: {  	[spmem:s6] =	stream.indirect.scatter.add.f32 [tilespmem:s16], [sflag:$0x1], $0x100, s1, s30, $0xb8;
	[tilespmem:$0x7330] =	vst v63  }
.Ltmp13:
0x306: {  	_ =	swait.ge [sflag:s31], $0x1000;
	(pc) =	sbr.rel @p2 .LBB2_24-.Ltmp13, $4  }
0x307: {  	[sflag:s31] =	ssyncset.done $0x0  }
0x308: {  	[sflag:s31] =	ssyncadd.s32 $0xFFFFF000  }
0x309: {  	v5 =	vld [tilespmem:s15+$0x0]  }
0x30a: {  	v3 =	vimm.s32 $0x0;
	v4 =	vimm.f32 $0.0e+00  }
.LBB2_23:
0x30b: {  	p2 =	seq.s32 s17, $0x1;
	_ =	sdelay $0x2  }
0x30c: {  	v5 =	vshrl.u32 v5, $0x8  }
0x30d: {  	v5 =	vand.u32 $0xFF, v5  }
0x30e: {  	v5 =	vor.u32 v2, v5;
	_ =	sdelay $0x3  }
.Ltmp14:
0x30f: {  	(pc) =	sbr.rel @!p2 .LBB2_23-.Ltmp14, $4  }
0x310: {  	[tilespmem:v5+s10+$0x0] =	vst.idx.msk $0xffff, v3  }
0x311: {  	s15 =	sadd.s32 $0x10, s15;
	[tilespmem:v5+s16+$0x0] =	vst.idx.msk $0xffff, v4  }
0x312: {  	v5 =	vld [tilespmem:s15+$0x0]  }
0x313: {  	s17 =	sadd.s32 $0xFFFFFFFF, s17  }
.LBB2_24:
0x314: {  	_ =	sdelay $0x2  }
0x315: {  	v5 =	vshrl.u32 v5, $0x8  }
0x316: {  	v5 =	vand.u32 $0xFF, v5  }
0x317: {  	v2 =	vor.u32 v2, v5;
	_ =	sdelay $0x1  }
.Ltmp15:
0x318: {  	_ = 	snop;
	(pc) =	sbr.rel .LBB2_26-.Ltmp15, $3  }
0x319: {  	_ =	sdelay $0x1  }
0x31a: {  	[tilespmem:v2+s10+$0x0] =	vst.idx.msk $0xffff, v3  }
0x31b: {  	[tilespmem:v2+s16+$0x0] =	vst.idx.msk $0xffff, v4  }
.LBB2_25:
0x31c: {  	s0 =	simm.s32 $0x10  }
0x31d: {  	s1 =	simm.s32 $0x7100;
	s10 =	simm.s32 $0x3100;
	s31 =	simm.s32 $0x1  }
0x31e: {  	[spmem:s7] =	stream.indirect.scatter.add.s32 [tilespmem:s10], [sflag:$0x1], $0x100, s1, s0, $0xb8;
	[tilespmem:$0x7330] =	vst v63  }
0x31f: {  	_ =	swait.ge [sflag:s31], $0x1000  }
0x320: {  	[sflag:s31] =	ssyncset.done $0x0  }
0x321: {  	s15 =	simm.s32 $0x4100;
	[sflag:s31] =	ssyncadd.s32 $0xFFFFF000  }
0x322: {  	[spmem:s6] =	stream.indirect.scatter.add.f32 [tilespmem:s15], [sflag:$0x1], $0x100, s1, s0, $0xb8;
	[tilespmem:$0x7330] =	vst v63  }
0x323: {  	_ =	swait.ge [sflag:s31], $0x1000  }
0x324: {  	[sflag:s31] =	ssyncset.done $0x0  }
0x325: {  	[sflag:s31] =	ssyncadd.s32 $0xFFFFF000  }
.LBB2_26:
0x326: {  	[bflag:$0x0] =	sbarrier.arrive $0xFFFF;
	s0 =	simm.s32 $0x5100;
	s21 =	simm.s32 $0x1  }
0x327: {  	[tilespmem:s0], [sflag:$0x1] =	stream.linear.gather [spmem:s7], $0x1000, $0x38;
	[tilespmem:$0x7330] =	vst v63  }
0x328: {  	_ =	swait.ge [sflag:s21], $0x1000  }
0x329: {  	[sflag:s21] =	ssyncset.done $0x0  }
0x32a: {  	s1 =	simm.s32 $0x6100;
	[sflag:s21] =	ssyncadd.s32 $0xFFFFF000  }
0x32b: {  	[tilespmem:s1], [sflag:$0x1] =	stream.linear.gather [spmem:s6], $0x1000, $0x38;
	[tilespmem:$0x7330] =	vst v63  }
0x32c: {  	_ =	swait.ge [sflag:s21], $0x1000  }
0x32d: {  	[sflag:s21] =	ssyncset.done $0x0  }
0x32e: {  	[sflag:s21] =	ssyncadd.s32 $0xFFFFF000  }
0x32f: {  	s22 =	simm.s32 $0x69F0;
	[bflag:$0x0] =	sbarrier.arrive $0xFFFF  }
0x330: {  	v5 =	vld [tilespmem:s22+$0x500]  }
0x331: {  	v4 =	vld [tilespmem:s22+$0x400]  }
0x332: {  	v6 =	vld [tilespmem:s22+$0x300]  }
0x333: {  	v2 =	vld [tilespmem:s22+$0xFFFFF800]  }
0x334: {  	v7 =	vld [tilespmem:s22+$0x200]  }
0x335: {  	v3 =	vld [tilespmem:s22+$0xFFFFF900]  }
0x336: {  	v8 =	vld [tilespmem:s22+$0x100]  }
0x337: {  	v9 =	vld [tilespmem:s22+$0xFFFFFA00]  }
0x338: {  	v10 =	vld [tilespmem:s22+$0x0]  }
0x339: {  	s23 =	simm.s32 $0x59F0;
	v11 =	vld [tilespmem:s22+$0xFFFFFB00]  }
0x33a: {  	v12 =	vld [tilespmem:s23+$0xFFFFFA00]  }
0x33b: {  	v13 =	vld [tilespmem:s22+$0xFFFFFC00]  }
0x33c: {  	v14 =	vld [tilespmem:s23+$0xFFFFF800]  }
0x33d: {  	v15 =	vld [tilespmem:s22+$0xFFFFFD00]  }
0x33e: {  	v16 =	vld [tilespmem:s23+$0xFFFFF900]  }
0x33f: {  	v17 =	vld [tilespmem:s22+$0xFFFFFE00]  }
0x340: {  	v18 =	vld [tilespmem:s23+$0xFFFFFB00]  }
0x341: {  	v19 =	vld [tilespmem:s22+$0xFFFFFF00]  }
0x342: {  	v20 =	vld [tilespmem:s23+$0xFFFFFC00]  }
0x343: {  	v21 =	vld [tilespmem:s23+$0xFFFFFD00]  }
0x344: {  	v22 =	vld [tilespmem:s23+$0xFFFFFE00]  }
0x345: {  	v23 =	vld [tilespmem:s23+$0xFFFFFF00]  }
0x346: {  	v24 =	vld [tilespmem:s23+$0x0];
	v2 =	vadd.f32 $0.0e+00, v2  }
0x347: {  	s15 =	simm.s32 $0x69E0;
	v25 =	vld [tilespmem:s23+$0x100]  }
0x348: {  	v39 =	vld [tilespmem:s15+$0xFFFFFA00];
	v2 =	vadd.f32 v3, v2;
	v3 =	vadd.s32 v14, v16  }
0x349: {  	v40 =	vld [tilespmem:s15+$0xFFFFFB00];
	v3 =	vadd.s32 v12, v3  }
0x34a: {  	s24 =	simm.s32 $0x59E0;
	v41 =	vld [tilespmem:s15+$0xFFFFFD00];
	v2 =	vadd.f32 v9, v2;
	v3 =	vadd.s32 v18, v3  }
0x34b: {  	v42 =	vld [tilespmem:s24+$0xFFFFF900];
	v3 =	vadd.s32 v20, v3  }
0x34c: {  	v14 =	vld [tilespmem:s23+$0x200];
	v2 =	vadd.f32 v11, v2;
	v3 =	vadd.s32 v21, v3  }
0x34d: {  	v12 =	vld [tilespmem:s23+$0x300];
	v3 =	vadd.s32 v22, v3  }
0x34e: {  	v9 =	vld [tilespmem:s23+$0x400];
	v2 =	vadd.f32 v13, v2;
	v3 =	vadd.s32 v23, v3  }
0x34f: {  	v16 =	vld [tilespmem:s23+$0x500];
	v3 =	vadd.s32 v24, v3  }
0x350: {  	v11 =	vld [tilespmem:s23+$0x600];
	v2 =	vadd.f32 v15, v2;
	v3 =	vadd.s32 v25, v3  }
0x351: {  	v18 =	vld [tilespmem:s23+$0x700];
	v3 =	vadd.s32 v14, v3  }
0x352: {  	v44 =	vld [tilespmem:s15+$0xFFFFFE00];
	v17 =	vadd.f32 v17, v2;
	v3 =	vadd.s32 v12, v3  }
0x353: {  	v2 =	vlaneseq.u32;
	v3 =	vadd.s32 v9, v3;
	v9 =	vld [tilespmem:s15+$0xFFFFF800]  }
0x354: {  	v26 =	vld [tilespmem:s24+$0xFFFFFB00];
	v38 =	vmul.u32 $0xFFFFFFFF, v2;
	v17 =	vadd.f32 v19, v17;
	v3 =	vadd.s32 v16, v3  }
0x355: {  	v19 =	vld [tilespmem:s15+$0xFFFFF900];
	v11 =	vadd.s32 v11, v3  }
0x356: {  	v46 =	vld [tilespmem:s24+$0xFFFFFC00];
	v3 =	vadd.s32 $0xF, v38;
	v10 =	vadd.f32 v10, v17;
	v11 =	vadd.s32 v18, v11  }
0x357: {  	v47 =	vld [tilespmem:s24+$0x100];
	v18 =	vperm.xlane v11, v3  }
0x358: {  	v20 =	vld [tilespmem:s22+$0x600];
	v8 =	vadd.f32 v8, v10;
	v9 =	vadd.f32 $0.0e+00, v9  }
0x359: {  	v13 =	vld [tilespmem:s22+$0x700];
	(xrf0) =	vadd.scan.msk.s32 $0xffff, v18  }
0x35a: {  	v15 =	vld [tilespmem:s15+$0x500];
	v7 =	vadd.f32 v7, v8;
	v8 =	vadd.f32 v19, v9  }
0x35b: {  	v19 =	vld [tilespmem:s15+$0xFFFFFC00]  }
0x35c: {  	v14 =	vld [tilespmem:s15+$0x400];
	v6 =	vadd.f32 v6, v7;
	v8 =	vadd.f32 v39, v8  }
0x35d: {  	v12 =	vld [tilespmem:s15+$0x300]  }
0x35e: {  	v17 =	vld [tilespmem:s15+$0x100];
	v6 =	vadd.f32 v4, v6;
	v8 =	vadd.f32 v40, v8  }
0x35f: {  	s10 =	simm.s32 $0x0;
	v7 =	vld [tilespmem:s24+$0xFFFFF800];
	v4 =	vmov s13;
	v43, _, _ =	vpop (xrf0)  }
0x360: {  	v9 =	vld [tilespmem:s24+$0xFFFFFA00];
	v6 =	vadd.f32 v5, v6;
	v45 =	vadd.s32 s10, v43;
	v8 =	vadd.f32 v19, v8  }
0x361: {  	v5 =	vimm.s32 $0x0;
	v19 =	vld [tilespmem:s15+$0xFFFFFF00];
	vm0 =	vge.s32 v45, v4  }
0x362: {  	v10 =	vld [tilespmem:s15+$0x0];
	v6 =	vadd.f32 v20, v6;
	v20 =	vsel vm0, $0x1, v5;
	v8 =	vadd.f32 v41, v8  }
0x363: {  	(xrf0) =	vadd.scan.msk.s32 $0xffff, v20;
	v20 =	vld [tilespmem:s24+$0xFFFFFD00]  }
0x364: {  	v13 =	vadd.f32 v13, v6;
	v6 =	vadd.s32 v7, v42;
	v7 =	vld [tilespmem:s24+$0xFFFFFE00];
	v8 =	vadd.f32 v44, v8;
	(xrf0) =	vadd.scan.msk.s32 $0xffff, v11  }
0x365: {  	v6 =	vadd.s32 v9, v6;
	v9 =	vld [tilespmem:s24+$0xFFFFFF00]  }
0x366: {  	v11 =	vperm.xlane v13, v3;
	v6 =	vadd.s32 v26, v6;
	v8 =	vadd.f32 v19, v8;
	v19 =	vld [tilespmem:s24+$0x0]  }
0x367: {  	v16 =	vld [tilespmem:s15+$0x200];
	v6 =	vadd.s32 v46, v6  }
0x368: {  	(xrf2) =	vadd.scan.msk.f32 $0xffff, v11;
	v6 =	vadd.s32 v20, v6;
	v8 =	vadd.f32 v10, v8;
	v10 =	vld [tilespmem:s24+$0x200]  }
0x369: {  	v20, _, _ =	vpop (xrf0);
	v6 =	vadd.s32 v7, v6;
	v7 =	vld [tilespmem:s24+$0x300]  }
0x36a: {  	v6 =	vadd.s32 v9, v6;
	v8 =	vadd.f32 v17, v8;
	v9 =	vld [tilespmem:s24+$0x400];
	v17, _, _ =	vpop (xrf0)  }
0x36b: {  	v6 =	vadd.s32 v19, v6;
	v19 =	vld [tilespmem:s24+$0x500];
	(v2sf) =	vpush v17, $0xF  }
0x36c: {  	v6 =	vadd.s32 v47, v6;
	v8 =	vadd.f32 v16, v8;
	v16 =	vld [tilespmem:s24+$0x600]  }
0x36d: {  	v17 =	vld [tilespmem:s24+$0x700];
	v6 =	vadd.s32 v10, v6  }
0x36e: {  	v7 =	vadd.s32 v7, v6;
	v8 =	vadd.f32 v12, v8  }
0x36f: {  	v18 =	vsub.s32 v43, v18;
	vm1 =	veq.s32 v20, $0x1;
	v7 =	vadd.s32 v9, v7  }
0x370: {  	v6 =	vimm.f32 $0.0e+00;
	v9 =	vld [tilespmem:s15+$0x600];
	v8 =	vadd.f32 v14, v8;
	v7 =	vadd.s32 v19, v7  }
0x371: {  	vm1 =	vmand vm0, vm1;
	v14 =	vsel vm0, $0x3F800000, v6;
	v7 =	vadd.s32 v16, v7  }
0x372: {  	s25 =	simm.s32 $0x69D0;
	v20 =	vnsel vm1, $0x0, v2;
	v12 =	vld [tilespmem:s15+$0x700];
	(xrf0) =	vmax.scan.msk.f32 $0xffff, v14;
	v16, _, _ =	vpop (xrf2);
	v8 =	vadd.f32 v15, v8;
	v15 =	vadd.s32 v17, v7  }
0x373: {  	(xrf0) =	vadd.scan.msk.s32 $0xffff, v20;
	v7 =	vsub.f32 v16, v11;
	v11 =	vnsel vm1, $0x0, v18;
	v16 =	vld [tilespmem:s25+$0xFFFFF800];
	v17 =	vperm.xlane v15, v3  }
0x374: {  	(xrf0) =	vadd.scan.msk.s32 $0xffff, v11  }
0x375: {  	v8 =	vadd.f32 v9, v8;
	v9 =	vld [tilespmem:s25+$0xFFFFF900];
	(xrf0) =	vadd.scan.msk.s32 $0xffff, v17  }
0x376: {  	v7 =	vnsel vm1, $0x0, v7  }
0x377: {  	(xrf2) =	vadd.scan.msk.f32 $0xffff, v7;
	v7 =	vadd.f32 v12, v8;
	v8 =	vld [tilespmem:s25+$0xFFFFFA00]  }
0x378: {  	v50 =	vld [tilespmem:s25+$0xFFFFFB00];
	v12, _, _ =	vpop (xrf0);
	v16 =	vadd.f32 $0.0e+00, v16  }
0x379: {  	v52 =	vld [tilespmem:s25+$0xFFFFFC00];
	v49, _, _ =	vpop (xrf0)  }
0x37a: {  	v28 =	vld [tilespmem:s25+$0xFFFFFD00];
	v51, _, _ =	vpop (xrf0);
	v9 =	vadd.f32 v9, v16;
	s26 =	spop (v2sf)  }
0x37b: {  	v54 =	vld [tilespmem:s25+$0xFFFFFE00];
	s22 =	simm.s32 $0x59D0;
	v53, _, _ =	vpop (xrf0);
	s21 =	sadd.s32 $0x0, s26  }
0x37c: {  	v27 =	vld [tilespmem:s22+$0xFFFFF800];
	v48 =	vperm.xlane v7, v3;
	v8 =	vadd.f32 v8, v9;
	v9 =	vadd.s32 s21, v53  }
0x37d: {  	v55 =	vld [tilespmem:s22+$0xFFFFFB00];
	vm14 =	vge.s32 v9, v4  }
0x37e: {  	v56 =	vld [tilespmem:s22+$0xFFFFFC00];
	(v2sf) =	vpush v12, $0xF;
	(xrf2) =	vadd.scan.msk.f32 $0xffff, v48;
	v12 =	vsel vm14, $0x1, v5  }
0x37f: {  	v57 =	vld [tilespmem:s22+$0xFFFFFD00];
	v8 =	vadd.f32 v50, v8  }
0x380: {  	v58 =	vld [tilespmem:s22+$0xFFFFFE00]  }
0x381: {  	v61 =	vld [tilespmem:s22+$0x100];
	(xrf0) =	vadd.scan.msk.s32 $0xffff, v12;
	v8 =	vadd.f32 v52, v8;
	v12, _, _ =	vpop (xrf2)  }
0x382: {  	(v2sf) =	vpush v12, $0xF;
	v12 =	vld [tilespmem:s25+$0xFFFFFF00]  }
0x383: {  	v20 =	vld [tilespmem:s25+$0x0];
	v8 =	vadd.f32 v28, v8  }
0x384: {  	v9 =	vld [tilespmem:s22+$0xFFFFF900]  }
0x385: {  	v16 =	vld [tilespmem:s22+$0xFFFFFA00];
	v8 =	vadd.f32 v54, v8  }
0x386: {  	v18 =	vld [tilespmem:s25+$0x100]  }
0x387: {  	v10 =	vld [tilespmem:s25+$0x500];
	(v2sf) =	vpush v49, $0xF;
	v8 =	vadd.f32 v12, v8  }
0x388: {  	v11 =	vld [tilespmem:s25+$0x200];
	(v2sf) =	vpush v51, $0xF;
	v59, _, _ =	vpop (xrf2)  }
0x389: {  	v14 =	vld [tilespmem:s25+$0x300];
	v9 =	vadd.s32 v27, v9;
	v60, _, _ =	vpop (xrf0);
	(xrf0) =	vadd.scan.msk.s32 $0xffff, v15;
	v8 =	vadd.f32 v20, v8  }
0x38a: {  	v9 =	vadd.s32 v16, v9;
	v16 =	vld [tilespmem:s22+$0xFFFFFF00];
	vm15 =	veq.s32 v60, $0x1;
	v12 =	vsub.f32 v59, v48  }
0x38b: {  	(xrf2) =	vadd.scan.msk.f32 $0xffff, v13;
	v13 =	vld [tilespmem:s22+$0x0];
	v9 =	vadd.s32 v55, v9;
	vm1 =	vmand vm14, vm15;
	v8 =	vadd.f32 v18, v8  }
0x38c: {  	v19 =	vld [tilespmem:s25+$0x400];
	v9 =	vadd.s32 v56, v9;
	v12 =	vnsel vm1, $0x0, v12  }
0x38d: {  	v15 =	vld [tilespmem:s22+$0x200];
	v9 =	vadd.s32 v57, v9;
	(xrf2) =	vadd.scan.msk.f32 $0xffff, v12;
	v8 =	vadd.f32 v11, v8  }
0x38e: {  	v9 =	vadd.s32 v58, v9;
	v20 =	vld [tilespmem:s22+$0x300]  }
0x38f: {  	v9 =	vadd.s32 v16, v9;
	v12 =	vld [tilespmem:s22+$0x400];
	v18 =	vsel vm14, $0x3F800000, v6;
	v8 =	vadd.f32 v14, v8;
	v14, _, _ =	vpop (xrf0)  }
0x390: {  	s28 =	spop (v2sf);
	v16 =	vld [tilespmem:s22+$0x500];
	v9 =	vadd.s32 v13, v9;
	(xrf0) =	vmax.scan.msk.f32 $0xffff, v18;
	(v2sf) =	vpush v14, $0xF  }
0x391: {  	v17 =	vsub.s32 v53, v17;
	v62 =	vnsel vm1, $0x0, v2;
	v9 =	vadd.s32 v61, v9;
	v18 =	vld [tilespmem:s22+$0x600]  }
0x392: {  	s14 =	sadd.f32 s14, s11;
	p2 =	por $0x0, $0x0;
	s18 =	simm.f32 $0.0e+00;
	v9 =	vadd.s32 v15, v9;
	(xrf0) =	vadd.scan.msk.s32 $0xffff, v62;
	v11 =	vnsel vm1, $0x0, v17;
	v17 =	vld [tilespmem:s22+$0x700]  }
0x393: {  	s19 =	simm.s32 $0xEF;
	s17 =	simm.s32 $0xDF;
	p3 =	sgt.f32 s28, $0.0e+00;
	v13 =	vld [tilespmem:s25+$0x700];
	(xrf0) =	vadd.scan.msk.s32 $0xffff, v11;
	v9 =	vadd.s32 v20, v9  }
0x394: {  	s11 =	simm.s32 $0xCF;
	p4 =	por !p2, !p2;
	s23 =	simm.s32 $0x69C0;
	v20 =	vld [tilespmem:s25+$0x600];
	v9 =	vadd.s32 v12, v9;
	v12 =	vadd.f32 v19, v8  }
0x395: {  	s16 =	simm.s32 $0x0;
	p4 =	por !p3, !p4;
	v11 =	vld [tilespmem:s23+$0x500];
	v15, _, _ =	vpop (xrf2);
	v9 =	vadd.s32 v16, v9;
	s29 =	spop (v2sf)  }
0x396: {  	s24 =	simm.s32 $0xBF;
	p4 =	por !p4, !p4;
	v8 =	vld [tilespmem:s23+$0x400];
	v14 =	vadd.s32 v18, v9;
	(v2sf) =	vpush v15, $0xF;
	s30 =	spop (v2sf);
	v16, _, _ =	vpop (xrf0)  }
0x397: {  	v9 =	vld [tilespmem:s23+$0x300];
	s0 =	sadd.f32 s29, s18;
	v14 =	vadd.s32 v17, v14;
	s1 =	ssub.s32 $0xFF, s30;
	s31 =	spop (v2sf);
	v19 =	vadd.f32 v10, v12;
	(v2sf) =	vpush v16, $0xF;
	v63, _, _ =	vpop (xrf2)  }
0x398: {  	s15 =	simm.f32 $0.0e+00;
	v18 =	vld [tilespmem:s23+$0xFFFFF800];
	v15 =	vperm.xlane v14, v3;
	s16 =	smov.u32 @p4 s1;
	s1 =	sadd.s32 $0x0, s31;
	v12, _, _ =	vpop (xrf0)  }
0x399: {  	s20 =	smov.u32 s21;
	v10 =	vld [tilespmem:s23+$0x200];
	s15 =	smov.u32 @p4 s0;
	s10 =	smov.u32 @p4 s1;
	v17 =	vadd.f32 v20, v19;
	(v2sf) =	vpush v63, $0xF;
	v16, _, _ =	vpop (xrf0)  }
.LBB2_27:
0x39a: {  	p4 =	sne.s32 s24, $0xF;
	v19 =	vld [tilespmem:s23+$0xFFFFF900];
	(xrf0) =	vadd.scan.msk.s32 $0xffff, v15;
	(v2sf) =	vpush v12, $0xF;
	v12 =	vmov v11  }
0x39b: {  	v11 =	vld [tilespmem:s23+$0x100];
	v13 =	vadd.f32 v13, v17;
	(v2sf) =	vpush v16, $0xF  }
0x39c: {  	v16 =	vld [tilespmem:s23+$0xFFFFFA00]  }
0x39d: {  	v17 =	vadd.f32 $0.0e+00, v18;
	v18 =	vld [tilespmem:s23+$0x0];
	v20 =	vperm.xlane v13, v3  }
0x39e: {  	s22 =	sadd.s32 $0xFFFFFFF0, s22;
	v21 =	vld [tilespmem:s23+$0xFFFFFB00]  }
0x39f: {  	v17 =	vadd.f32 v19, v17;
	v19 =	vld [tilespmem:s22+$0xFFFFFA00];
	(xrf2) =	vadd.scan.msk.f32 $0xffff, v20;
	s0 =	spop (v2sf)  }
0x3a0: {  	v22 =	vld [tilespmem:s23+$0xFFFFFC00];
	v23, _, _ =	vpop (xrf0);
	s21 =	sadd.s32 s21, s0  }
0x3a1: {  	v24 =	vld [tilespmem:s22+$0xFFFFF800];
	v16 =	vadd.f32 v16, v17;
	v17 =	vadd.s32 s21, v23;
	v15 =	vsub.s32 v23, v15  }
0x3a2: {  	v23 =	vld [tilespmem:s23+$0xFFFFFD00];
	vm0 =	vge.s32 v17, v4  }
0x3a3: {  	v17 =	vld [tilespmem:s22+$0xFFFFF900];
	v16 =	vadd.f32 v21, v16;
	v21 =	vsel vm0, $0x1, v5  }
0x3a4: {  	v25 =	vld [tilespmem:s23+$0xFFFFFE00];
	(xrf0) =	vadd.scan.msk.s32 $0xffff, v21  }
0x3a5: {  	v21 =	vld [tilespmem:s22+$0xFFFFFB00];
	v16 =	vadd.f32 v22, v16;
	s0 =	spop (v2sf)  }
0x3a6: {  	v22 =	vld [tilespmem:s23+$0xFFFFFF00];
	s1 =	spop (v2sf)  }
0x3a7: {  	p2 =	por p2, p3;
	s18 =	sadd.f32 s0, s18;
	v26 =	vld [tilespmem:s22+$0xFFFFFC00];
	v16 =	vadd.f32 v23, v16;
	p3 =	sgt.f32 s1, $0.0e+00  }
0x3a8: {  	p5 =	por !p2, !p2;
	v17 =	vadd.s32 v24, v17;
	v23 =	vld [tilespmem:s22+$0xFFFFFD00];
	s0 =	spop (v2sf)  }
0x3a9: {  	v17 =	vadd.s32 v19, v17;
	v19 =	vld [tilespmem:s22+$0xFFFFFE00];
	v16 =	vadd.f32 v25, v16;
	v24, _, _ =	vpop (xrf2);
	(xrf0) =	vadd.scan.msk.s32 $0xffff, v14;
	p5 =	por !p3, !p5;
	s0 =	sadd.f32 s0, s18;
	s1 =	spop (v2sf)  }
0x3aa: {  	v14 =	vadd.s32 v21, v17;
	v17 =	vld [tilespmem:s22+$0xFFFFFF00];
	v21, _, _ =	vpop (xrf0);
	p5 =	por !p5, !p5;
	s1 =	ssub.s32 s19, s1;
	s19 =	spop (v2sf)  }
0x3ab: {  	v20 =	vsub.f32 v24, v20;
	v16 =	vadd.f32 v22, v16;
	v22 =	vld [tilespmem:s22+$0x0];
	vm1 =	veq.s32 v21, $0x1;
	s16 =	smov.u32 @p5 s1;
	s1 =	sadd.s32 s20, s19;
	s15 =	smov.u32 @p5 s0;
	(xrf2) =	vadd.scan.msk.f32 $0xffff, v7;
	v7 =	vmovc v13  }
0x3ac: {  	s20 =	smov.u32 s21;
	s19 =	smov.u32 s17;
	v13 =	vadd.s32 v26, v14;
	v14 =	vld [tilespmem:s22+$0x100];
	vm1 =	vmand vm0, vm1;
	s10 =	smov.u32 @p5 s1  }
0x3ad: {  	s17 =	smov.u32 s11;
	s11 =	smov.u32 s24;
	v13 =	vadd.s32 v23, v13;
	v16 =	vadd.f32 v18, v16;
	v18 =	vld [tilespmem:s22+$0x200];
	v23 =	vnsel vm1, $0x0, v20  }
0x3ae: {  	v21 =	vnsel vm1, $0x0, v2;
	v15 =	vnsel vm1, $0x0, v15;
	v13 =	vadd.s32 v19, v13;
	v19 =	vld [tilespmem:s22+$0x300];
	(xrf2) =	vadd.scan.msk.f32 $0xffff, v23  }
0x3af: {  	v13 =	vadd.s32 v17, v13;
	v11 =	vadd.f32 v11, v16;
	v16 =	vld [tilespmem:s22+$0x400];
	v17 =	vsel vm0, $0x3F800000, v6;
	v20, _, _ =	vpop (xrf0)  }
0x3b0: {  	v13 =	vadd.s32 v22, v13;
	v22 =	vld [tilespmem:s22+$0x500];
	(xrf0) =	vmax.scan.msk.f32 $0xffff, v17;
	(v2sf) =	vpush v20, $0xF  }
0x3b1: {  	v13 =	vadd.s32 v14, v13;
	v10 =	vadd.f32 v10, v11;
	v14 =	vld [tilespmem:s22+$0x600];
	(xrf0) =	vadd.scan.msk.s32 $0xffff, v21  }
0x3b2: {  	v11 =	vadd.s32 v18, v13;
	v17 =	vld [tilespmem:s22+$0x700]  }
0x3b3: {  	v11 =	vadd.s32 v19, v11;
	v9 =	vadd.f32 v9, v10;
	v13 =	vld [tilespmem:s23+$0x700];
	(xrf0) =	vadd.scan.msk.s32 $0xffff, v15  }
0x3b4: {  	v19 =	vadd.s32 v16, v11;
	v16 =	vld [tilespmem:s23+$0x600];
	s23 =	sadd.s32 $0xFFFFFFF0, s23  }
.Ltmp16:
0x3b5: {  	v11 =	vld [tilespmem:s23+$0x500];
	v15 =	vadd.f32 v8, v9;
	v9 =	vadd.s32 v22, v19;
	v10, _, _ =	vpop (xrf2);
	(pc) =	sbr.rel @p4 .LBB2_27-.Ltmp16, $4  }
0x3b6: {  	v8 =	vld [tilespmem:s23+$0x400];
	v14 =	vadd.s32 v14, v9;
	v18, _, _ =	vpop (xrf0);
	(v2sf) =	vpush v10, $0xF  }
0x3b7: {  	v9 =	vld [tilespmem:s23+$0x300];
	v19 =	vadd.f32 v12, v15;
	v14 =	vadd.s32 v17, v14;
	v12, _, _ =	vpop (xrf0);
	(v2sf) =	vpush v18, $0xF  }
0x3b8: {  	v18 =	vld [tilespmem:s23+$0xFFFFF800];
	v15 =	vperm.xlane v14, v3;
	v20, _, _ =	vpop (xrf2)  }
0x3b9: {  	s24 =	sadd.s32 $0xFFFFFFF0, s24;
	v10 =	vld [tilespmem:s23+$0x200];
	v17 =	vadd.f32 v16, v19;
	v16, _, _ =	vpop (xrf0);
	(v2sf) =	vpush v20, $0xF  }
0x3ba: {  	v19 =	vld [tilespmem:s23+$0xFFFFF900]  }
0x3bb: {  	v20 =	vld [tilespmem:s23+$0x100]  }
0x3bc: {  	v21 =	vld [tilespmem:s23+$0xFFFFFA00]  }
0x3bd: {  	v22 =	vld [tilespmem:s23+$0x0];
	v18 =	vadd.f32 $0.0e+00, v18  }
0x3be: {  	(xrf0) =	vadd.scan.msk.s32 $0xffff, v15;
	v23 =	vld [tilespmem:s23+$0xFFFFFB00]  }
0x3bf: {  	v24 =	vld [tilespmem:s23+$0xFFFFFC00];
	v18 =	vadd.f32 v19, v18  }
0x3c0: {  	v59 =	vld [tilespmem:s23+$0xFFFFFD00]  }
0x3c1: {  	v27 =	vld [tilespmem:s23+$0xFFFFFE00];
	v18 =	vadd.f32 v21, v18  }
0x3c2: {  	s0 =	sadd.s32 $0xFFFFFFF0, s22;
	v61 =	vld [tilespmem:s23+$0xFFFFFF00]  }
0x3c3: {  	v25 =	vld [tilespmem:s0+$0xFFFFF800];
	s1 =	spop (v2sf);
	v18 =	vadd.f32 v23, v18  }
0x3c4: {  	v26 =	vld [tilespmem:s0+$0xFFFFF900];
	v60, _, _ =	vpop (xrf0);
	s21 =	sadd.s32 s21, s1  }
0x3c5: {  	v58 =	vld [tilespmem:s0+$0xFFFFFA00];
	v28 =	vadd.s32 s21, v60;
	v18 =	vadd.f32 v24, v18  }
0x3c6: {  	v29 =	vld [tilespmem:s0+$0xFFFFFB00];
	vm0 =	vge.s32 v28, v4  }
0x3c7: {  	v62 =	vld [tilespmem:s0+$0xFFFFFC00];
	v28 =	vsel vm0, $0x1, v5;
	v18 =	vadd.f32 v59, v18  }
0x3c8: {  	v63 =	vld [tilespmem:s0+$0xFFFFFD00];
	(xrf0) =	vadd.scan.msk.s32 $0xffff, v28  }
0x3c9: {  	v31 =	vld [tilespmem:s0+$0xFFFFFE00];
	v25 =	vadd.s32 v25, v26;
	(xrf0) =	vadd.scan.msk.s32 $0xffff, v14;
	v18 =	vadd.f32 v27, v18  }
0x3ca: {  	v32 =	vld [tilespmem:s0+$0xFFFFFF00];
	v19 =	vadd.s32 v58, v25  }
0x3cb: {  	v33 =	vld [tilespmem:s0+$0x0];
	v19 =	vadd.s32 v29, v19;
	v18 =	vadd.f32 v61, v18  }
0x3cc: {  	v13 =	vadd.f32 v13, v17;
	v35 =	vld [tilespmem:s0+$0x100];
	v34 =	vadd.s32 v62, v19  }
0x3cd: {  	v36 =	vld [tilespmem:s0+$0x200];
	v17 =	vadd.s32 v63, v34;
	v18 =	vadd.f32 v22, v18  }
0x3ce: {  	(v2sf) =	vpush v12, $0xF;
	v39 =	vld [tilespmem:s0+$0x300];
	v37 =	vperm.xlane v13, v3;
	v14 =	vadd.s32 v31, v17;
	v38, _, _ =	vpop (xrf0)  }
0x3cf: {  	(v2sf) =	vpush v16, $0xF;
	v41 =	vld [tilespmem:s0+$0x400];
	v14 =	vadd.s32 v32, v14;
	v42, _, _ =	vpop (xrf0);
	v40 =	vadd.f32 v20, v18  }
0x3d0: {  	v43 =	vld [tilespmem:s0+$0x500];
	(xrf2) =	vadd.scan.msk.f32 $0xffff, v37;
	v14 =	vadd.s32 v33, v14;
	(v2sf) =	vpush v42, $0xF  }
0x3d1: {  	v44 =	vld [tilespmem:s0+$0x600];
	v14 =	vadd.s32 v35, v14;
	v10 =	vadd.f32 v10, v40  }
0x3d2: {  	v45 =	vld [tilespmem:s0+$0x700];
	v14 =	vadd.s32 v36, v14  }
0x3d3: {  	v14 =	vadd.s32 v39, v14;
	v9 =	vadd.f32 v9, v10  }
0x3d4: {  	v47 =	vld [tilespmem:s23+$0x600];
	v46 =	vsub.s32 v60, v15;
	v14 =	vadd.s32 v41, v14  }
0x3d5: {  	vm1 =	veq.s32 v38, $0x1;
	v48 =	vadd.s32 v43, v14;
	v8 =	vadd.f32 v8, v9  }
0x3d6: {  	v50 =	vld [tilespmem:s23+$0x700];
	v49 =	vsel vm0, $0x3F800000, v6;
	vm1 =	vmand vm0, vm1;
	v9 =	vadd.s32 v44, v48  }
0x3d7: {  	(xrf0) =	vmax.scan.msk.f32 $0xffff, v49;
	v51 =	vnsel vm1, $0x0, v2;
	v9 =	vadd.s32 v45, v9;
	v8 =	vadd.f32 v11, v8  }
0x3d8: {  	(xrf0) =	vadd.scan.msk.s32 $0xffff, v51;
	v10 =	vnsel vm1, $0x0, v46;
	v52 =	vperm.xlane v9, v3  }
0x3d9: {  	(xrf0) =	vadd.scan.msk.s32 $0xffff, v10;
	v8 =	vadd.f32 v47, v8  }
0x3da: {  	s24 =	spop (v2sf);
	v53, _, _ =	vpop (xrf2);
	(xrf0) =	vadd.scan.msk.s32 $0xffff, v52  }
0x3db: {  	s1 =	spop (v2sf);
	v10 =	vsub.f32 v53, v37;
	v8 =	vadd.f32 v50, v8  }
0x3dc: {  	s23 =	spop (v2sf)  }
0x3dd: {  	s3 =	spop (v2sf);
	(xrf2) =	vadd.scan.msk.f32 $0xffff, v7;
	v54, _, _ =	vpop (xrf0);
	v55 =	vnsel vm1, $0x0, v10;
	v3 =	vperm.xlane v8, v3  }
0x3de: {  	s25 =	spop (v2sf);
	v56, _, _ =	vpop (xrf0);
	(xrf2) =	vadd.scan.msk.f32 $0xffff, v55  }
0x3df: {  	v57, _, _ =	vpop (xrf0);
	s4 =	spop (v2sf);
	(xrf2) =	vadd.scan.msk.f32 $0xffff, v3  }
0x3e0: {  	s22 =	sadd.s32 s21, s4;
	v58, _, _ =	vpop (xrf0)  }
0x3e1: {  	v59 =	vadd.s32 s22, v58  }
0x3e2: {  	vm14 =	vge.s32 v59, v4  }
0x3e3: {  	v4 =	vsel vm14, $0x1, v5  }
0x3e4: {  	(xrf0) =	vadd.scan.msk.s32 $0xffff, v4;
	_ =	sdelay $0x2  }
0x3e5: {  	v60, _, _ =	vpop (xrf2)  }
0x3e6: {  	v61, _, _ =	vpop (xrf2)  }
0x3e7: {  	v62, _, _ =	vpop (xrf2)  }
0x3e8: {  	v63, _, _ =	vpop (xrf0)  }
0x3e9: {  	vm15 =	veq.s32 v63, $0x1;
	v3 =	vsub.f32 v62, v3  }
0x3ea: {  	(xrf2) =	vadd.scan.msk.f32 $0xffff, v13;
	vm1 =	vmand vm14, vm15  }
0x3eb: {  	(xrf0) =	vadd.scan.msk.s32 $0xffff, v9;
	v3 =	vnsel vm1, $0x0, v3  }
0x3ec: {  	(v2sf) =	vpush v60, $0xF;
	(xrf2) =	vadd.scan.msk.f32 $0xffff, v3  }
0x3ed: {  	(v2sf) =	vpush v54, $0xF;
	v3 =	vsel vm14, $0x3F800000, v6  }
0x3ee: {  	(xrf0) =	vmax.scan.msk.f32 $0xffff, v3  }
0x3ef: {  	(v2sf) =	vpush v61, $0xF;
	v2 =	vnsel vm1, $0x0, v2;
	(xrf2) =	vadd.scan.msk.f32 $0xffff, v8  }
0x3f0: {  	(v2sf) =	vpush v56, $0xF;
	v3 =	vsub.s32 v58, v52  }
0x3f1: {  	(v2sf) =	vpush v57, $0xF;
	v3 =	vnsel vm1, $0x0, v3;
	(xrf0) =	vadd.scan.msk.s32 $0xffff, v2  }
0x3f2: {  	v2, _, _ =	vpop (xrf0);
	(xrf0) =	vadd.scan.msk.s32 $0xffff, v3;
	_ =	sdelay $0x1  }
0x3f3: {  	(v2sf) =	vpush v2, $0xF;
	v2, _, _ =	vpop (xrf2)  }
0x3f4: {  	(v2sf) =	vpush v2, $0xF;
	v3, _, _ =	vpop (xrf0)  }
0x3f5: {  	(v2sf) =	vpush v3, $0xF;
	v2, _, _ =	vpop (xrf2)  }
0x3f6: {  	v3, _, _ =	vpop (xrf0);
	(v2sf) =	vpush v2, $0xF  }
0x3f7: {  	v2, _, _ =	vpop (xrf0);
	(v2sf) =	vpush v3, $0xF  }
0x3f8: {  	(v2sf) =	vpush v2, $0xF;
	v2, _, _ =	vpop (xrf2)  }
0x3f9: {  	p2 =	por p2, p3;
	p4 =	sgt.f32 s1, $0.0e+00;
	(v2sf) =	vpush v2, $0xF  }
0x3fa: {  	p3 =	por !p2, !p2;
	s28 =	spop (v2sf)  }
0x3fb: {  	p3 =	por !p4, !p3;
	s29 =	spop (v2sf)  }
0x3fc: {  	p4 =	por p2, p4;
	s1 =	ssub.s32 s19, s3;
	p6 =	sgt.f32 s29, $0.0e+00  }
0x3fd: {  	p5 =	por !p3, !p3;
	p2 =	por !p4, !p4;
	s30 =	spop (v2sf)  }
0x3fe: {  	s16 =	smov.u32 @p5 s1;
	p2 =	por !p6, !p2;
	s31 =	spop (v2sf)  }
0x3ff: {  	p2 =	por !p2, !p2;
	s3 =	spop (v2sf);
	s17 =	ssub.s32 s17, s31  }
0x400: {  	s16 =	smov.u32 @p2 s17;
	s17 =	sadd.s32 s21, s3;
	s21 =	simm.s32 @!p0 $0x3100  }
0x401: {  	[spmem:s7] =	stream.linear.scatter @!p0 [tilespmem:s21], [sflag:$0x1], $0x1000, $0x38;
	[tilespmem:$0x7330] =	vst v63  }
0x402: {  	s26 =	sadd.f32 s24, s18;
	s4 =	spop (v2sf)  }
0x403: {  	s18 =	spop (v2sf)  }
0x404: {  	s23 =	sadd.f32 s23, s26;
	s20 =	sadd.s32 s20, s25;
	s25 =	spop (v2sf)  }
0x405: {  	s0 =	sadd.f32 s28, s26;
	s26 =	spop (v2sf)  }
0x406: {  	s15 =	smov.u32 @p5 s23;
	s10 =	smov.u32 @p5 s20;
	s28 =	spop (v2sf)  }
0x407: {  	p3 =	por p4, p6;
	s1 =	sadd.f32 s30, s0;
	s29 =	spop (v2sf)  }
0x408: {  	p3 =	por !p3, !p3;
	s21 =	simm.s32 @!p0 $0x1;
	s30 =	spop (v2sf)  }
0x409: {  	s15 =	smov.u32 @p2 s1;
	s10 =	smov.u32 @p2 s17;
	_ =	swait.ge @!p0 [sflag:s21], $0x1000  }
0x40a: {  	s0 =	sadd.f32 s18, s0;
	p6 =	sgt.f32 s25, $0.0e+00;
	[sflag:s21] =	ssyncset.done @!p0 $0x0  }
0x40b: {  	s1 =	ssub.s32 s11, s28;
	s11 =	simm.s32 @!p0 $0x4100;
	[sflag:s21] =	ssyncadd.s32 @!p0 $0xFFFFF000  }
0x40c: {  	[spmem:s6] =	stream.linear.scatter @!p0 [tilespmem:s11], [sflag:$0x1], $0x1000, $0x38;
	[tilespmem:$0x7330] =	vst v63  }
.Ltmp17:
0x40d: {  	p3 =	por !p6, !p3;
	_ =	swait.ge @!p0 [sflag:s21], $0x1000;
	(pc) =	sbr.rel @p1 .LBB2_35-.Ltmp17, $4  }
0x40e: {  	s0 =	sadd.f32 s26, s0;
	p3 =	por !p3, !p3;
	[sflag:s21] =	ssyncset.done @!p0 $0x0  }
0x40f: {  	s16 =	smov.u32 @p3 s1;
	s1 =	sadd.s32 s22, s29;
	[sflag:s21] =	ssyncadd.s32 @!p0 $0xFFFFF000  }
0x410: {  	s10 =	smov.u32 @p3 s1;
	s31 =	sshll.u32 s16, $0x8;
	[bflag:$0x0] =	sbarrier.arrive $0xFFFF  }
0x411: {  	s15 =	smov.u32 @p3 s0;
	s11 =	sor.u32 s12, s31;
	s12 =	ssub.s32 s13, s10  }
0x412: {  	p2 =	sne.s32 s9, $0x1  }
.Ltmp18:
0x413: {  	_ = 	snop;
	(pc) =	sbr.rel @!p2 .LBB2_30-.Ltmp18, $3  }
0x414: {  	_ =	sdelay $0x1  }
0x415: {  	s0 =	simm.s32 $0x1880;
	s17 =	simm.s32 $0x0;
	v4 =	vlaneseq.u32;
	s13 =	simm.s32 $0x3100  }
0x416: {  	v5 =	vmov s11;
	v3 =	vimm.s32 $0x1;
	s16 =	simm.s32 $0x4100;
	s9 =	sadd.s32 $0xFFFFFFFF, s9;
	p1 =	por $0x0, $0x0;
	v2 =	vmul.u32 $0x100, v4;
	v6 =	vld [tilespmem:s0+$0x0]  }
0x417: {  	_ =	sdelay $0x3  }
0x418: {  	v7 =	vor.u32 s17, v4;
	v8 =	vand.u32 $0xFFFFFF00, v6  }
0x419: {  	vm1 =	vlt.s32 v7, v1;
	vm0 =	veq.s32 v8, v5  }
0x41a: {  	v7 =	vand.u32 $0xFF, v6;
	vm0 =	vmand vm1, vm0  }
0x41b: {  	v7 =	vor.u32 v2, v7;
	_ =	sdelay $0x2  }
0x41c: {  	p2 =	sne.s32 s9, $0x1  }
.Ltmp19:
0x41d: {  	_ = 	snop;
	(pc) =	sbr.rel @!p2 .LBB2_32-.Ltmp19, $4  }
0x41e: {  	[tilespmem:v7+s13+$0x0] =	vst.idx.add.s32.msk vm0, v3  }
0x41f: {  	s18 =	simm.s32 $0x1890;
	[tilespmem:v7+s16+$0x0] =	vst.idx.add.f32.msk vm0, v6  }
0x420: {  	v6 =	vld [tilespmem:s18+$0x0]  }
0x421: {  	s19 =	sadd.s32 $0xFFFFFFFF, s9;
	p1 =	por $0x1, $0x1;
	s9 =	simm.s32 $0x0  }
.LBB2_33:
0x422: {  	p2 =	sne.s32 s19, $0x1;
	_ =	sdelay $0x1  }
0x423: {  	s9 =	sadd.s32 $0x10, s9  }
0x424: {  	v7 =	vor.u32 s9, v4;
	v8 =	vand.u32 $0xFFFFFF00, v6  }
0x425: {  	vm1 =	vlt.s32 v7, v1;
	vm0 =	veq.s32 v8, v5  }
0x426: {  	v7 =	vand.u32 $0xFF, v6;
	vm0 =	vmand vm1, vm0  }
0x427: {  	v7 =	vor.u32 v2, v7;
	_ =	sdelay $0x3  }
.Ltmp20:
0x428: {  	(pc) =	sbr.rel @p2 .LBB2_33-.Ltmp20, $4  }
0x429: {  	[tilespmem:v7+s13+$0x0] =	vst.idx.add.s32.msk vm0, v3  }
0x42a: {  	s18 =	sadd.s32 $0x10, s18;
	[tilespmem:v7+s16+$0x0] =	vst.idx.add.f32.msk vm0, v6  }
0x42b: {  	v6 =	vld [tilespmem:s18+$0x0]  }
0x42c: {  	s19 =	sadd.s32 $0xFFFFFFFF, s19  }
.LBB2_34:
0x42d: {  	_ = 	snop  }
0x42e: {  	s0 =	sadd.s32 @p1 $0x10, s9  }
0x42f: {  	s17 =	smov.u32 @p1 s0  }
0x430: {  	v4 =	vor.u32 s17, v4;
	v7 =	vand.u32 $0xFFFFFF00, v6  }
0x431: {  	vm1 =	vlt.s32 v4, v1;
	vm0 =	veq.s32 v7, v5  }
0x432: {  	v1 =	vand.u32 $0xFF, v6;
	vm0 =	vmand vm1, vm0  }
0x433: {  	v1 =	vor.u32 v2, v1;
	_ =	sdelay $0x4  }
0x434: {  	[tilespmem:v1+s13+$0x0] =	vst.idx.add.s32.msk vm0, v3  }
0x435: {  	[tilespmem:v1+s16+$0x0] =	vst.idx.add.f32.msk vm0, v6  }
.LBB2_35:
0x436: {  	[dreg:$0x6] =	wrdreg s2;
	s0 =	simm.s32 $0x10  }
0x437: {  	s1 =	simm.s32 $0x7100;
	s9 =	simm.s32 $0x3100;
	s18 =	simm.s32 $0x1  }
0x438: {  	[spmem:s7] =	stream.indirect.scatter.add.s32 [tilespmem:s9], [sflag:$0x1], $0x100, s1, s0, $0xb8;
	[tilespmem:$0x7330] =	vst v63  }
0x439: {  	_ =	swait.ge [sflag:s18], $0x1000  }
0x43a: {  	[sflag:s18] =	ssyncset.done $0x0  }
0x43b: {  	s13 =	simm.s32 $0x4100;
	[sflag:s18] =	ssyncadd.s32 $0xFFFFF000  }
0x43c: {  	[spmem:s6] =	stream.indirect.scatter.add.f32 [tilespmem:s13], [sflag:$0x1], $0x100, s1, s0, $0xb8;
	[tilespmem:$0x7330] =	vst v63  }
0x43d: {  	_ =	swait.ge [sflag:s18], $0x1000  }
0x43e: {  	[sflag:s18] =	ssyncset.done $0x0  }
0x43f: {  	[sflag:s18] =	ssyncadd.s32 $0xFFFFF000  }
0x440: {  	s19 =	simm.s32 $0x5100;
	[bflag:$0x0] =	sbarrier.arrive $0xFFFF  }
0x441: {  	[tilespmem:s19], [sflag:$0x1] =	stream.linear.gather [spmem:s7], $0x1000, $0x38;
	[tilespmem:$0x7330] =	vst v63  }
0x442: {  	_ =	swait.ge [sflag:s18], $0x1000  }
0x443: {  	[sflag:s18] =	ssyncset.done $0x0  }
0x444: {  	s20 =	simm.s32 $0x6100;
	[sflag:s18] =	ssyncadd.s32 $0xFFFFF000  }
0x445: {  	[tilespmem:s20], [sflag:$0x1] =	stream.linear.gather [spmem:s6], $0x1000, $0x38;
	[tilespmem:$0x7330] =	vst v63  }
0x446: {  	_ =	swait.ge [sflag:s18], $0x1000  }
0x447: {  	[sflag:s18] =	ssyncset.done $0x0  }
0x448: {  	[sflag:s18] =	ssyncadd.s32 $0xFFFFF000  }
0x449: {  	s21 =	simm.s32 $0x69F0;
	[bflag:$0x0] =	sbarrier.arrive $0xFFFF  }
0x44a: {  	v4 =	vld [tilespmem:s21+$0x500]  }
0x44b: {  	v3 =	vld [tilespmem:s21+$0x400]  }
0x44c: {  	v5 =	vld [tilespmem:s21+$0x300]  }
0x44d: {  	v1 =	vld [tilespmem:s21+$0xFFFFF800]  }
0x44e: {  	v6 =	vld [tilespmem:s21+$0x200]  }
0x44f: {  	v2 =	vld [tilespmem:s21+$0xFFFFF900]  }
0x450: {  	v7 =	vld [tilespmem:s21+$0x100]  }
0x451: {  	v8 =	vld [tilespmem:s21+$0xFFFFFA00]  }
0x452: {  	v9 =	vld [tilespmem:s21+$0x0]  }
0x453: {  	s22 =	simm.s32 $0x59F0;
	v10 =	vld [tilespmem:s21+$0xFFFFFB00]  }
0x454: {  	v11 =	vld [tilespmem:s22+$0xFFFFFA00]  }
0x455: {  	v12 =	vld [tilespmem:s21+$0xFFFFFC00]  }
0x456: {  	v13 =	vld [tilespmem:s22+$0xFFFFF800]  }
0x457: {  	v14 =	vld [tilespmem:s21+$0xFFFFFD00]  }
0x458: {  	v15 =	vld [tilespmem:s22+$0xFFFFF900]  }
0x459: {  	v16 =	vld [tilespmem:s21+$0xFFFFFE00]  }
0x45a: {  	v17 =	vld [tilespmem:s22+$0xFFFFFB00]  }
0x45b: {  	v18 =	vld [tilespmem:s21+$0xFFFFFF00]  }
0x45c: {  	v19 =	vld [tilespmem:s22+$0xFFFFFC00]  }
0x45d: {  	v20 =	vld [tilespmem:s22+$0xFFFFFD00]  }
0x45e: {  	v21 =	vld [tilespmem:s22+$0xFFFFFE00]  }
0x45f: {  	v22 =	vld [tilespmem:s22+$0xFFFFFF00]  }
0x460: {  	v23 =	vld [tilespmem:s22+$0x0];
	v1 =	vadd.f32 $0.0e+00, v1  }
0x461: {  	s23 =	simm.s32 $0x69E0;
	v24 =	vld [tilespmem:s22+$0x100]  }
0x462: {  	v39 =	vld [tilespmem:s23+$0xFFFFFA00];
	v1 =	vadd.f32 v2, v1;
	v2 =	vadd.s32 v13, v15  }
0x463: {  	v40 =	vld [tilespmem:s23+$0xFFFFFB00];
	v2 =	vadd.s32 v11, v2  }
0x464: {  	s24 =	simm.s32 $0x59E0;
	v41 =	vld [tilespmem:s23+$0xFFFFFD00];
	v1 =	vadd.f32 v8, v1;
	v2 =	vadd.s32 v17, v2  }
0x465: {  	v42 =	vld [tilespmem:s24+$0xFFFFF900];
	v2 =	vadd.s32 v19, v2  }
0x466: {  	v13 =	vld [tilespmem:s22+$0x200];
	v1 =	vadd.f32 v10, v1;
	v2 =	vadd.s32 v20, v2  }
0x467: {  	v11 =	vld [tilespmem:s22+$0x300];
	v2 =	vadd.s32 v21, v2  }
0x468: {  	v8 =	vld [tilespmem:s22+$0x400];
	v1 =	vadd.f32 v12, v1;
	v2 =	vadd.s32 v22, v2  }
0x469: {  	v15 =	vld [tilespmem:s22+$0x500];
	v2 =	vadd.s32 v23, v2  }
0x46a: {  	v10 =	vld [tilespmem:s22+$0x600];
	v1 =	vadd.f32 v14, v1;
	v2 =	vadd.s32 v24, v2  }
0x46b: {  	v17 =	vld [tilespmem:s22+$0x700];
	v2 =	vadd.s32 v13, v2  }
0x46c: {  	v44 =	vld [tilespmem:s23+$0xFFFFFE00];
	v16 =	vadd.f32 v16, v1;
	v2 =	vadd.s32 v11, v2  }
0x46d: {  	v1 =	vlaneseq.u32;
	v2 =	vadd.s32 v8, v2;
	v8 =	vld [tilespmem:s23+$0xFFFFF800]  }
0x46e: {  	v25 =	vld [tilespmem:s24+$0xFFFFFB00];
	v38 =	vmul.u32 $0xFFFFFFFF, v1;
	v16 =	vadd.f32 v18, v16;
	v2 =	vadd.s32 v15, v2  }
0x46f: {  	v18 =	vld [tilespmem:s23+$0xFFFFF900];
	v10 =	vadd.s32 v10, v2  }
0x470: {  	v46 =	vld [tilespmem:s24+$0xFFFFFC00];
	v2 =	vadd.s32 $0xF, v38;
	v9 =	vadd.f32 v9, v16;
	v10 =	vadd.s32 v17, v10  }
0x471: {  	v47 =	vld [tilespmem:s24+$0x100];
	v17 =	vperm.xlane v10, v2  }
0x472: {  	v19 =	vld [tilespmem:s21+$0x600];
	v7 =	vadd.f32 v7, v9;
	v8 =	vadd.f32 $0.0e+00, v8  }
0x473: {  	v12 =	vld [tilespmem:s21+$0x700];
	(xrf0) =	vadd.scan.msk.s32 $0xffff, v17  }
0x474: {  	v14 =	vld [tilespmem:s23+$0x500];
	v6 =	vadd.f32 v6, v7;
	v7 =	vadd.f32 v18, v8  }
0x475: {  	v18 =	vld [tilespmem:s23+$0xFFFFFC00]  }
0x476: {  	v13 =	vld [tilespmem:s23+$0x400];
	v5 =	vadd.f32 v5, v6;
	v7 =	vadd.f32 v39, v7  }
0x477: {  	v11 =	vld [tilespmem:s23+$0x300]  }
0x478: {  	v16 =	vld [tilespmem:s23+$0x100];
	v5 =	vadd.f32 v3, v5;
	v7 =	vadd.f32 v40, v7  }
0x479: {  	s6 =	simm.s32 $0x0;
	v6 =	vld [tilespmem:s24+$0xFFFFF800];
	v3 =	vmov s12;
	v43, _, _ =	vpop (xrf0)  }
0x47a: {  	v8 =	vld [tilespmem:s24+$0xFFFFFA00];
	v5 =	vadd.f32 v4, v5;
	v45 =	vadd.s32 s6, v43;
	v7 =	vadd.f32 v18, v7  }
0x47b: {  	v4 =	vimm.s32 $0x0;
	v18 =	vld [tilespmem:s23+$0xFFFFFF00];
	vm0 =	vge.s32 v45, v3  }
0x47c: {  	v9 =	vld [tilespmem:s23+$0x0];
	v5 =	vadd.f32 v19, v5;
	v19 =	vsel vm0, $0x1, v4;
	v7 =	vadd.f32 v41, v7  }
0x47d: {  	(xrf0) =	vadd.scan.msk.s32 $0xffff, v19;
	v19 =	vld [tilespmem:s24+$0xFFFFFD00]  }
0x47e: {  	v12 =	vadd.f32 v12, v5;
	v5 =	vadd.s32 v6, v42;
	v6 =	vld [tilespmem:s24+$0xFFFFFE00];
	v7 =	vadd.f32 v44, v7;
	(xrf0) =	vadd.scan.msk.s32 $0xffff, v10  }
0x47f: {  	v5 =	vadd.s32 v8, v5;
	v8 =	vld [tilespmem:s24+$0xFFFFFF00]  }
0x480: {  	v10 =	vperm.xlane v12, v2;
	v5 =	vadd.s32 v25, v5;
	v7 =	vadd.f32 v18, v7;
	v18 =	vld [tilespmem:s24+$0x0]  }
0x481: {  	v15 =	vld [tilespmem:s23+$0x200];
	v5 =	vadd.s32 v46, v5  }
0x482: {  	(xrf2) =	vadd.scan.msk.f32 $0xffff, v10;
	v5 =	vadd.s32 v19, v5;
	v7 =	vadd.f32 v9, v7;
	v9 =	vld [tilespmem:s24+$0x200]  }
0x483: {  	v19, _, _ =	vpop (xrf0);
	v5 =	vadd.s32 v6, v5;
	v6 =	vld [tilespmem:s24+$0x300]  }
0x484: {  	v5 =	vadd.s32 v8, v5;
	v7 =	vadd.f32 v16, v7;
	v8 =	vld [tilespmem:s24+$0x400];
	v16, _, _ =	vpop (xrf0)  }
0x485: {  	v5 =	vadd.s32 v18, v5;
	v18 =	vld [tilespmem:s24+$0x500];
	(v2sf) =	vpush v16, $0xF  }
0x486: {  	v5 =	vadd.s32 v47, v5;
	v7 =	vadd.f32 v15, v7;
	v15 =	vld [tilespmem:s24+$0x600]  }
0x487: {  	v16 =	vld [tilespmem:s24+$0x700];
	v5 =	vadd.s32 v9, v5  }
0x488: {  	v6 =	vadd.s32 v6, v5;
	v7 =	vadd.f32 v11, v7  }
0x489: {  	v17 =	vsub.s32 v43, v17;
	vm1 =	veq.s32 v19, $0x1;
	v6 =	vadd.s32 v8, v6  }
0x48a: {  	v5 =	vimm.f32 $0.0e+00;
	v8 =	vld [tilespmem:s23+$0x600];
	v7 =	vadd.f32 v13, v7;
	v6 =	vadd.s32 v18, v6  }
0x48b: {  	vm1 =	vmand vm0, vm1;
	v13 =	vsel vm0, $0x3F800000, v5;
	v6 =	vadd.s32 v15, v6  }
0x48c: {  	s25 =	simm.s32 $0x69D0;
	v19 =	vnsel vm1, $0x0, v1;
	v11 =	vld [tilespmem:s23+$0x700];
	(xrf0) =	vmax.scan.msk.f32 $0xffff, v13;
	v15, _, _ =	vpop (xrf2);
	v7 =	vadd.f32 v14, v7;
	v14 =	vadd.s32 v16, v6  }
0x48d: {  	(xrf0) =	vadd.scan.msk.s32 $0xffff, v19;
	v6 =	vsub.f32 v15, v10;
	v10 =	vnsel vm1, $0x0, v17;
	v15 =	vld [tilespmem:s25+$0xFFFFF800];
	v16 =	vperm.xlane v14, v2  }
0x48e: {  	(xrf0) =	vadd.scan.msk.s32 $0xffff, v10  }
0x48f: {  	v7 =	vadd.f32 v8, v7;
	v8 =	vld [tilespmem:s25+$0xFFFFF900];
	(xrf0) =	vadd.scan.msk.s32 $0xffff, v16  }
0x490: {  	v6 =	vnsel vm1, $0x0, v6  }
0x491: {  	(xrf2) =	vadd.scan.msk.f32 $0xffff, v6;
	v6 =	vadd.f32 v11, v7;
	v7 =	vld [tilespmem:s25+$0xFFFFFA00]  }
0x492: {  	v50 =	vld [tilespmem:s25+$0xFFFFFB00];
	v11, _, _ =	vpop (xrf0);
	v15 =	vadd.f32 $0.0e+00, v15  }
0x493: {  	s19 =	simm.s32 $0x59D0;
	v52 =	vld [tilespmem:s25+$0xFFFFFC00];
	v49, _, _ =	vpop (xrf0)  }
0x494: {  	v26 =	vld [tilespmem:s19+$0xFFFFF800];
	v51, _, _ =	vpop (xrf0);
	v8 =	vadd.f32 v8, v15;
	s26 =	spop (v2sf)  }
0x495: {  	v27 =	vld [tilespmem:s25+$0xFFFFFD00];
	v53, _, _ =	vpop (xrf0);
	s18 =	sadd.s32 $0x0, s26  }
0x496: {  	v54 =	vld [tilespmem:s25+$0xFFFFFE00];
	v48 =	vperm.xlane v6, v2;
	v7 =	vadd.f32 v7, v8;
	v8 =	vadd.s32 s18, v53  }
0x497: {  	v55 =	vld [tilespmem:s19+$0xFFFFFB00];
	vm14 =	vge.s32 v8, v3  }
0x498: {  	v56 =	vld [tilespmem:s19+$0xFFFFFC00];
	(v2sf) =	vpush v11, $0xF;
	(xrf2) =	vadd.scan.msk.f32 $0xffff, v48;
	v11 =	vsel vm14, $0x1, v4  }
0x499: {  	v57 =	vld [tilespmem:s19+$0xFFFFFD00];
	v7 =	vadd.f32 v50, v7  }
0x49a: {  	v58 =	vld [tilespmem:s19+$0xFFFFFE00]  }
0x49b: {  	v61 =	vld [tilespmem:s19+$0x100];
	(xrf0) =	vadd.scan.msk.s32 $0xffff, v11;
	v7 =	vadd.f32 v52, v7;
	v11, _, _ =	vpop (xrf2)  }
0x49c: {  	(v2sf) =	vpush v11, $0xF;
	v11 =	vld [tilespmem:s25+$0xFFFFFF00]  }
0x49d: {  	v19 =	vld [tilespmem:s25+$0x0];
	v7 =	vadd.f32 v27, v7  }
0x49e: {  	v8 =	vld [tilespmem:s19+$0xFFFFF900]  }
0x49f: {  	v15 =	vld [tilespmem:s19+$0xFFFFFA00];
	v7 =	vadd.f32 v54, v7  }
0x4a0: {  	v17 =	vld [tilespmem:s25+$0x100]  }
0x4a1: {  	v9 =	vld [tilespmem:s25+$0x500];
	(v2sf) =	vpush v49, $0xF;
	v7 =	vadd.f32 v11, v7  }
0x4a2: {  	v10 =	vld [tilespmem:s25+$0x200];
	(v2sf) =	vpush v51, $0xF;
	v59, _, _ =	vpop (xrf2)  }
0x4a3: {  	v13 =	vld [tilespmem:s25+$0x300];
	v8 =	vadd.s32 v26, v8;
	v60, _, _ =	vpop (xrf0);
	(xrf0) =	vadd.scan.msk.s32 $0xffff, v14;
	v7 =	vadd.f32 v19, v7  }
0x4a4: {  	v8 =	vadd.s32 v15, v8;
	v15 =	vld [tilespmem:s19+$0xFFFFFF00];
	vm15 =	veq.s32 v60, $0x1;
	v11 =	vsub.f32 v59, v48  }
0x4a5: {  	(xrf2) =	vadd.scan.msk.f32 $0xffff, v12;
	v12 =	vld [tilespmem:s19+$0x0];
	v8 =	vadd.s32 v55, v8;
	vm1 =	vmand vm14, vm15;
	v7 =	vadd.f32 v17, v7  }
0x4a6: {  	v18 =	vld [tilespmem:s25+$0x400];
	v8 =	vadd.s32 v56, v8;
	v11 =	vnsel vm1, $0x0, v11  }
0x4a7: {  	v14 =	vld [tilespmem:s19+$0x200];
	v8 =	vadd.s32 v57, v8;
	(xrf2) =	vadd.scan.msk.f32 $0xffff, v11;
	v7 =	vadd.f32 v10, v7  }
0x4a8: {  	v8 =	vadd.s32 v58, v8;
	v19 =	vld [tilespmem:s19+$0x300]  }
0x4a9: {  	v8 =	vadd.s32 v15, v8;
	v11 =	vld [tilespmem:s19+$0x400];
	v17 =	vsel vm14, $0x3F800000, v5;
	v7 =	vadd.f32 v13, v7;
	v13, _, _ =	vpop (xrf0)  }
0x4aa: {  	s28 =	spop (v2sf);
	v15 =	vld [tilespmem:s19+$0x500];
	v8 =	vadd.s32 v12, v8;
	(xrf0) =	vmax.scan.msk.f32 $0xffff, v17;
	(v2sf) =	vpush v13, $0xF  }
0x4ab: {  	p1 =	por $0x0, $0x0;
	v16 =	vsub.s32 v53, v16;
	v62 =	vnsel vm1, $0x0, v1;
	v8 =	vadd.s32 v61, v8;
	v17 =	vld [tilespmem:s19+$0x600]  }
0x4ac: {  	s16 =	simm.s32 $0xEF;
	p3 =	por !p1, !p1;
	v8 =	vadd.s32 v14, v8;
	(xrf0) =	vadd.scan.msk.s32 $0xffff, v62;
	v10 =	vnsel vm1, $0x0, v16;
	v16 =	vld [tilespmem:s19+$0x700]  }
0x4ad: {  	s9 =	simm.s32 $0xCF;
	s13 =	simm.f32 $0.0e+00;
	p2 =	sgt.f32 s28, $0.0e+00;
	v12 =	vld [tilespmem:s25+$0x700];
	(xrf0) =	vadd.scan.msk.s32 $0xffff, v10;
	v8 =	vadd.s32 v19, v8  }
0x4ae: {  	s7 =	sadd.f32 s15, s14;
	s15 =	simm.f32 $0.0e+00;
	s20 =	simm.s32 $0x69C0;
	v19 =	vld [tilespmem:s25+$0x600];
	v8 =	vadd.s32 v11, v8;
	v11 =	vadd.f32 v18, v7  }
0x4af: {  	s14 =	simm.s32 $0xDF;
	p3 =	por !p2, !p3;
	v10 =	vld [tilespmem:s20+$0x500];
	v14, _, _ =	vpop (xrf2);
	v8 =	vadd.s32 v15, v8;
	s29 =	spop (v2sf)  }
0x4b0: {  	s12 =	simm.s32 $0x0;
	p3 =	por !p3, !p3;
	v7 =	vld [tilespmem:s20+$0x400];
	v13 =	vadd.s32 v17, v8;
	(v2sf) =	vpush v14, $0xF;
	s30 =	spop (v2sf);
	v15, _, _ =	vpop (xrf0)  }
0x4b1: {  	v8 =	vld [tilespmem:s20+$0x300];
	s0 =	sadd.f32 s29, s15;
	v13 =	vadd.s32 v16, v13;
	s1 =	ssub.s32 $0xFF, s30;
	s31 =	spop (v2sf);
	v18 =	vadd.f32 v9, v11;
	(v2sf) =	vpush v15, $0xF;
	v63, _, _ =	vpop (xrf2)  }
0x4b2: {  	s21 =	simm.s32 $0xBF;
	v17 =	vld [tilespmem:s20+$0xFFFFF800];
	v14 =	vperm.xlane v13, v2;
	s12 =	smov.u32 @p3 s1;
	s1 =	sadd.s32 $0x0, s31;
	v11, _, _ =	vpop (xrf0)  }
0x4b3: {  	s17 =	smov.u32 s18;
	v9 =	vld [tilespmem:s20+$0x200];
	s13 =	smov.u32 @p3 s0;
	s6 =	smov.u32 @p3 s1;
	v16 =	vadd.f32 v19, v18;
	(v2sf) =	vpush v63, $0xF;
	v15, _, _ =	vpop (xrf0)  }
.LBB2_36:
0x4b4: {  	p3 =	sne.s32 s21, $0xF;
	v18 =	vld [tilespmem:s20+$0xFFFFF900];
	(xrf0) =	vadd.scan.msk.s32 $0xffff, v14;
	(v2sf) =	vpush v11, $0xF;
	v11 =	vmov v10  }
0x4b5: {  	v10 =	vld [tilespmem:s20+$0x100];
	v12 =	vadd.f32 v12, v16;
	(v2sf) =	vpush v15, $0xF  }
0x4b6: {  	v15 =	vld [tilespmem:s20+$0xFFFFFA00]  }
0x4b7: {  	v16 =	vadd.f32 $0.0e+00, v17;
	v17 =	vld [tilespmem:s20+$0x0];
	v19 =	vperm.xlane v12, v2  }
0x4b8: {  	s19 =	sadd.s32 $0xFFFFFFF0, s19;
	v20 =	vld [tilespmem:s20+$0xFFFFFB00]  }
0x4b9: {  	v16 =	vadd.f32 v18, v16;
	v18 =	vld [tilespmem:s19+$0xFFFFFA00];
	(xrf2) =	vadd.scan.msk.f32 $0xffff, v19;
	s0 =	spop (v2sf)  }
0x4ba: {  	v21 =	vld [tilespmem:s20+$0xFFFFFC00];
	v22, _, _ =	vpop (xrf0);
	s18 =	sadd.s32 s18, s0  }
0x4bb: {  	v23 =	vld [tilespmem:s19+$0xFFFFF800];
	v15 =	vadd.f32 v15, v16;
	v16 =	vadd.s32 s18, v22;
	v14 =	vsub.s32 v22, v14  }
0x4bc: {  	v22 =	vld [tilespmem:s20+$0xFFFFFD00];
	vm0 =	vge.s32 v16, v3  }
0x4bd: {  	v16 =	vld [tilespmem:s19+$0xFFFFF900];
	v15 =	vadd.f32 v20, v15;
	v20 =	vsel vm0, $0x1, v4  }
0x4be: {  	v24 =	vld [tilespmem:s20+$0xFFFFFE00];
	(xrf0) =	vadd.scan.msk.s32 $0xffff, v20  }
0x4bf: {  	v20 =	vld [tilespmem:s19+$0xFFFFFB00];
	v15 =	vadd.f32 v21, v15;
	s0 =	spop (v2sf)  }
0x4c0: {  	v21 =	vld [tilespmem:s20+$0xFFFFFF00];
	s1 =	spop (v2sf)  }
0x4c1: {  	p1 =	por p1, p2;
	s15 =	sadd.f32 s0, s15;
	v25 =	vld [tilespmem:s19+$0xFFFFFC00];
	v15 =	vadd.f32 v22, v15;
	p2 =	sgt.f32 s1, $0.0e+00  }
0x4c2: {  	p4 =	por !p1, !p1;
	v16 =	vadd.s32 v23, v16;
	v22 =	vld [tilespmem:s19+$0xFFFFFD00];
	s0 =	spop (v2sf)  }
0x4c3: {  	v16 =	vadd.s32 v18, v16;
	v18 =	vld [tilespmem:s19+$0xFFFFFE00];
	v15 =	vadd.f32 v24, v15;
	v23, _, _ =	vpop (xrf2);
	(xrf0) =	vadd.scan.msk.s32 $0xffff, v13;
	p4 =	por !p2, !p4;
	s0 =	sadd.f32 s0, s15;
	s1 =	spop (v2sf)  }
0x4c4: {  	v13 =	vadd.s32 v20, v16;
	v16 =	vld [tilespmem:s19+$0xFFFFFF00];
	v20, _, _ =	vpop (xrf0);
	p4 =	por !p4, !p4;
	s1 =	ssub.s32 s16, s1;
	s16 =	spop (v2sf)  }
0x4c5: {  	v19 =	vsub.f32 v23, v19;
	v15 =	vadd.f32 v21, v15;
	v21 =	vld [tilespmem:s19+$0x0];
	vm1 =	veq.s32 v20, $0x1;
	s12 =	smov.u32 @p4 s1;
	s1 =	sadd.s32 s17, s16;
	s13 =	smov.u32 @p4 s0;
	(xrf2) =	vadd.scan.msk.f32 $0xffff, v6;
	v6 =	vmovc v12  }
0x4c6: {  	s17 =	smov.u32 s18;
	s16 =	smov.u32 s14;
	v12 =	vadd.s32 v25, v13;
	v13 =	vld [tilespmem:s19+$0x100];
	vm1 =	vmand vm0, vm1;
	s6 =	smov.u32 @p4 s1  }
0x4c7: {  	s14 =	smov.u32 s9;
	s9 =	smov.u32 s21;
	v12 =	vadd.s32 v22, v12;
	v15 =	vadd.f32 v17, v15;
	v17 =	vld [tilespmem:s19+$0x200];
	v22 =	vnsel vm1, $0x0, v19  }
0x4c8: {  	v20 =	vnsel vm1, $0x0, v1;
	v14 =	vnsel vm1, $0x0, v14;
	v12 =	vadd.s32 v18, v12;
	v18 =	vld [tilespmem:s19+$0x300];
	(xrf2) =	vadd.scan.msk.f32 $0xffff, v22  }
0x4c9: {  	v12 =	vadd.s32 v16, v12;
	v10 =	vadd.f32 v10, v15;
	v15 =	vld [tilespmem:s19+$0x400];
	v16 =	vsel vm0, $0x3F800000, v5;
	v19, _, _ =	vpop (xrf0)  }
0x4ca: {  	v12 =	vadd.s32 v21, v12;
	v21 =	vld [tilespmem:s19+$0x500];
	(xrf0) =	vmax.scan.msk.f32 $0xffff, v16;
	(v2sf) =	vpush v19, $0xF  }
0x4cb: {  	v12 =	vadd.s32 v13, v12;
	v9 =	vadd.f32 v9, v10;
	v13 =	vld [tilespmem:s19+$0x600];
	(xrf0) =	vadd.scan.msk.s32 $0xffff, v20  }
0x4cc: {  	v10 =	vadd.s32 v17, v12;
	v16 =	vld [tilespmem:s19+$0x700]  }
0x4cd: {  	v10 =	vadd.s32 v18, v10;
	v8 =	vadd.f32 v8, v9;
	v12 =	vld [tilespmem:s20+$0x700];
	(xrf0) =	vadd.scan.msk.s32 $0xffff, v14  }
0x4ce: {  	v18 =	vadd.s32 v15, v10;
	v15 =	vld [tilespmem:s20+$0x600];
	s20 =	sadd.s32 $0xFFFFFFF0, s20  }
.Ltmp21:
0x4cf: {  	v10 =	vld [tilespmem:s20+$0x500];
	v14 =	vadd.f32 v7, v8;
	v8 =	vadd.s32 v21, v18;
	v9, _, _ =	vpop (xrf2);
	(pc) =	sbr.rel @p3 .LBB2_36-.Ltmp21, $4  }
0x4d0: {  	v7 =	vld [tilespmem:s20+$0x400];
	v13 =	vadd.s32 v13, v8;
	v17, _, _ =	vpop (xrf0);
	(v2sf) =	vpush v9, $0xF  }
0x4d1: {  	v8 =	vld [tilespmem:s20+$0x300];
	v18 =	vadd.f32 v11, v14;
	v13 =	vadd.s32 v16, v13;
	v11, _, _ =	vpop (xrf0);
	(v2sf) =	vpush v17, $0xF  }
0x4d2: {  	v17 =	vld [tilespmem:s20+$0xFFFFF800];
	v14 =	vperm.xlane v13, v2;
	v19, _, _ =	vpop (xrf2)  }
0x4d3: {  	s21 =	sadd.s32 $0xFFFFFFF0, s21;
	v9 =	vld [tilespmem:s20+$0x200];
	v16 =	vadd.f32 v15, v18;
	v15, _, _ =	vpop (xrf0);
	(v2sf) =	vpush v19, $0xF  }
0x4d4: {  	v18 =	vld [tilespmem:s20+$0xFFFFF900]  }
0x4d5: {  	v19 =	vld [tilespmem:s20+$0x100]  }
0x4d6: {  	v20 =	vld [tilespmem:s20+$0xFFFFFA00]  }
0x4d7: {  	v21 =	vld [tilespmem:s20+$0x0];
	v17 =	vadd.f32 $0.0e+00, v17  }
0x4d8: {  	(xrf0) =	vadd.scan.msk.s32 $0xffff, v14;
	v22 =	vld [tilespmem:s20+$0xFFFFFB00]  }
0x4d9: {  	v23 =	vld [tilespmem:s20+$0xFFFFFC00];
	v17 =	vadd.f32 v18, v17  }
0x4da: {  	v54 =	vld [tilespmem:s20+$0xFFFFFD00]  }
0x4db: {  	v26 =	vld [tilespmem:s20+$0xFFFFFE00];
	v17 =	vadd.f32 v20, v17  }
0x4dc: {  	s0 =	sadd.s32 $0xFFFFFFF0, s19;
	v56 =	vld [tilespmem:s20+$0xFFFFFF00]  }
0x4dd: {  	v24 =	vld [tilespmem:s0+$0xFFFFF800];
	s1 =	spop (v2sf);
	v17 =	vadd.f32 v22, v17  }
0x4de: {  	v25 =	vld [tilespmem:s0+$0xFFFFF900];
	v55, _, _ =	vpop (xrf0);
	s18 =	sadd.s32 s18, s1  }
0x4df: {  	v53 =	vld [tilespmem:s0+$0xFFFFFA00];
	v27 =	vadd.s32 s18, v55;
	v17 =	vadd.f32 v23, v17  }
0x4e0: {  	v28 =	vld [tilespmem:s0+$0xFFFFFB00];
	vm0 =	vge.s32 v27, v3  }
0x4e1: {  	v57 =	vld [tilespmem:s0+$0xFFFFFC00];
	v27 =	vsel vm0, $0x1, v4;
	v17 =	vadd.f32 v54, v17  }
0x4e2: {  	v58 =	vld [tilespmem:s0+$0xFFFFFD00];
	(xrf0) =	vadd.scan.msk.s32 $0xffff, v27  }
0x4e3: {  	v59 =	vld [tilespmem:s0+$0xFFFFFE00];
	v24 =	vadd.s32 v24, v25;
	(xrf0) =	vadd.scan.msk.s32 $0xffff, v13;
	v17 =	vadd.f32 v26, v17  }
0x4e4: {  	v60 =	vld [tilespmem:s0+$0xFFFFFF00];
	v18 =	vadd.s32 v53, v24  }
0x4e5: {  	v61 =	vld [tilespmem:s0+$0x0];
	v18 =	vadd.s32 v28, v18;
	v17 =	vadd.f32 v56, v17  }
0x4e6: {  	v12 =	vadd.f32 v12, v16;
	v63 =	vld [tilespmem:s0+$0x100];
	v62 =	vadd.s32 v57, v18  }
0x4e7: {  	v25 =	vld [tilespmem:s0+$0x200];
	v16 =	vadd.s32 v58, v62;
	v17 =	vadd.f32 v21, v17  }
0x4e8: {  	(v2sf) =	vpush v11, $0xF;
	v28 =	vld [tilespmem:s0+$0x300];
	v13 =	vadd.s32 v59, v16;
	v26 =	vperm.xlane v12, v2;
	v27, _, _ =	vpop (xrf0)  }
0x4e9: {  	(v2sf) =	vpush v15, $0xF;
	v30 =	vld [tilespmem:s0+$0x400];
	v13 =	vadd.s32 v60, v13;
	v31, _, _ =	vpop (xrf0);
	v29 =	vadd.f32 v19, v17  }
0x4ea: {  	v32 =	vld [tilespmem:s0+$0x500];
	v13 =	vadd.s32 v61, v13;
	(xrf2) =	vadd.scan.msk.f32 $0xffff, v26;
	(v2sf) =	vpush v31, $0xF  }
0x4eb: {  	v33 =	vld [tilespmem:s0+$0x600];
	v13 =	vadd.s32 v63, v13;
	v9 =	vadd.f32 v9, v29  }
0x4ec: {  	v34 =	vld [tilespmem:s0+$0x700];
	v13 =	vadd.s32 v25, v13  }
0x4ed: {  	v13 =	vadd.s32 v28, v13;
	v8 =	vadd.f32 v8, v9  }
0x4ee: {  	v36 =	vld [tilespmem:s20+$0x600];
	v35 =	vsub.s32 v55, v14;
	v13 =	vadd.s32 v30, v13  }
0x4ef: {  	vm1 =	veq.s32 v27, $0x1;
	v37 =	vadd.s32 v32, v13;
	v7 =	vadd.f32 v7, v8  }
0x4f0: {  	v39 =	vld [tilespmem:s20+$0x700];
	v38 =	vsel vm0, $0x3F800000, v5;
	vm1 =	vmand vm0, vm1;
	v8 =	vadd.s32 v33, v37  }
0x4f1: {  	(xrf0) =	vmax.scan.msk.f32 $0xffff, v38;
	v40 =	vnsel vm1, $0x0, v1;
	v8 =	vadd.s32 v34, v8;
	v7 =	vadd.f32 v10, v7  }
0x4f2: {  	(xrf0) =	vadd.scan.msk.s32 $0xffff, v40;
	v9 =	vnsel vm1, $0x0, v35;
	v41 =	vperm.xlane v8, v2  }
0x4f3: {  	(xrf0) =	vadd.scan.msk.s32 $0xffff, v9;
	v7 =	vadd.f32 v36, v7  }
0x4f4: {  	s20 =	spop (v2sf);
	v42, _, _ =	vpop (xrf2);
	(xrf0) =	vadd.scan.msk.s32 $0xffff, v41  }
0x4f5: {  	s24 =	spop (v2sf);
	v9 =	vsub.f32 v42, v26;
	v7 =	vadd.f32 v39, v7  }
0x4f6: {  	s21 =	spop (v2sf)  }
0x4f7: {  	s22 =	spop (v2sf);
	v44, _, _ =	vpop (xrf0);
	(xrf2) =	vadd.scan.msk.f32 $0xffff, v6;
	v43 =	vnsel vm1, $0x0, v9;
	v45 =	vperm.xlane v7, v2  }
0x4f8: {  	s23 =	spop (v2sf);
	v46, _, _ =	vpop (xrf0);
	(xrf2) =	vadd.scan.msk.f32 $0xffff, v43  }
0x4f9: {  	v47, _, _ =	vpop (xrf0);
	s31 =	spop (v2sf);
	(xrf2) =	vadd.scan.msk.f32 $0xffff, v45  }
0x4fa: {  	s19 =	sadd.s32 s18, s31;
	v48, _, _ =	vpop (xrf0)  }
0x4fb: {  	v49 =	vadd.s32 s19, v48  }
0x4fc: {  	vm14 =	vge.s32 v49, v3  }
0x4fd: {  	v3 =	vsel vm14, $0x1, v4  }
0x4fe: {  	(xrf0) =	vadd.scan.msk.s32 $0xffff, v3;
	_ =	sdelay $0x2  }
0x4ff: {  	v50, _, _ =	vpop (xrf2)  }
0x500: {  	v51, _, _ =	vpop (xrf2)  }
0x501: {  	v52, _, _ =	vpop (xrf2)  }
0x502: {  	v53, _, _ =	vpop (xrf0)  }
0x503: {  	vm15 =	veq.s32 v53, $0x1;
	v2 =	vsub.f32 v52, v45  }
0x504: {  	(xrf2) =	vadd.scan.msk.f32 $0xffff, v12;
	vm1 =	vmand vm14, vm15  }
0x505: {  	v2 =	vnsel vm1, $0x0, v2  }
0x506: {  	(xrf2) =	vadd.scan.msk.f32 $0xffff, v2  }
0x507: {  	v54 =	vsel vm14, $0x3F800000, v5;
	(xrf0) =	vadd.scan.msk.s32 $0xffff, v8  }
0x508: {  	(xrf0) =	vmax.scan.msk.f32 $0xffff, v54  }
0x509: {  	(v2sf) =	vpush v50, $0xF;
	(xrf2) =	vadd.scan.msk.f32 $0xffff, v7  }
0x50a: {  	v55 =	vsub.s32 v48, v41;
	(v2sf) =	vpush v44, $0xF;
	v56 =	vnsel vm1, $0x0, v1  }
0x50b: {  	(v2sf) =	vpush v51, $0xF;
	v2 =	vnsel vm1, $0x0, v55;
	(xrf0) =	vadd.scan.msk.s32 $0xffff, v56  }
0x50c: {  	(v2sf) =	vpush v46, $0xF;
	(xrf0) =	vadd.scan.msk.s32 $0xffff, v2  }
0x50d: {  	(v2sf) =	vpush v47, $0xF;
	v57, _, _ =	vpop (xrf0)  }
0x50e: {  	v58, _, _ =	vpop (xrf2);
	(v2sf) =	vpush v57, $0xF  }
0x50f: {  	v59, _, _ =	vpop (xrf0);
	(v2sf) =	vpush v58, $0xF  }
0x510: {  	(v2sf) =	vpush v59, $0xF;
	v60, _, _ =	vpop (xrf2)  }
0x511: {  	v61, _, _ =	vpop (xrf0);
	(v2sf) =	vpush v60, $0xF  }
0x512: {  	v62, _, _ =	vpop (xrf0);
	(v2sf) =	vpush v61, $0xF  }
0x513: {  	v63, _, _ =	vpop (xrf2);
	(v2sf) =	vpush v62, $0xF  }
0x514: {  	(v2sf) =	vpush v63, $0xF;
	_ =	sdelay $0x3  }
0x515: {  	s0 =	spop (v2sf)  }
0x516: {  	s1 =	spop (v2sf)  }
0x517: {  	s25 =	spop (v2sf)  }
0x518: {  	s26 =	spop (v2sf)  }
0x519: {  	s28 =	spop (v2sf)  }
0x51a: {  	s29 =	spop (v2sf)  }
0x51b: {  	s29 =	spop (v2sf)  }
0x51c: {  	s30 =	spop (v2sf)  }
0x51d: {  	s31 =	spop (v2sf)  }
0x51e: {  	s2 =	spop (v2sf)  }
0x51f: {  	s3 =	spop (v2sf)  }
0x520: {  	s4 =	spop (v2sf)  }
0x521: {  	_ =	sfence.sel @p0 $0x180000  }
0x522: {  	[bflag:$0x0] =	sbarrier.arrive @p0 $0xFFFF  }
0x523: {  	_ =	strace @p0 $0x90000047  }
0x524: {  	p1 =	por p1, p2;
	p3 =	sgt.f32 s24, $0.0e+00;
	[bflag:$0x2] =	sbarrier.arrive @p0 $0xFFFF  }
0x525: {  	p2 =	por !p1, !p1;
	(v2sf) =	vpush @!p0 v0, $0x3  }
0x526: {  	p2 =	por !p3, !p2;
	p1 =	por p1, p3;
	(v2sf) =	vpush @!p0 v0, $0x0  }
0x527: {  	s16 =	ssub.s32 s16, s22;
	p2 =	por !p2, !p2;
	p6 =	sgt.f32 s1, $0.0e+00  }
0x528: {  	p3 =	por !p1, !p1;
	s12 =	smov.u32 @p2 s16;
	s4 =	sadd.f32 s20, s15;
	(v2sf) =	vpush @!p0 v0, $0x1  }
0x529: {  	s16 =	sadd.s32 s17, s23;
	p1 =	por p1, p6;
	p4 =	sgt.f32 s30, $0.0e+00  }
0x52a: {  	s6 =	smov.u32 @p2 s16;
	p1 =	por !p1, !p1;
	s15 =	sadd.f32 s21, s4  }
0x52b: {  	p3 =	por !p6, !p3;
	p1 =	por !p4, !p1;
	s0 =	sadd.f32 s0, s4  }
0x52c: {  	s1 =	ssub.s32 s14, s26;
	p1 =	por !p1, !p1;
	s3 =	sadd.s32 s19, s3  }
0x52d: {  	s13 =	smov.u32 @p2 s15;
	s14 =	sadd.f32 s25, s0;
	p2 =	por !p3, !p3  }
0x52e: {  	s4 =	sadd.s32 s18, s28;
	s12 =	smov.u32 @p2 s1;
	s1 =	rddreg [dreg:$0x7]  }
0x52f: {  	s0 =	sadd.f32 s29, s0;
	s6 =	smov.u32 @p2 s4;
	s1 =	scvt.s32.f32 @!p0 s1  }
0x530: {  	s4 =	sadd.s32 @!p0 s8, s5;
	s6 =	smov.u32 @p1 s3;
	s3 =	rddreg [dreg:$0x5]  }
0x531: {  	s2 =	ssub.s32 s9, s2;
	s1 =	sadd.f32 @!p0 s1, s3;
	s3 =	sadd.s32 @!p0 s10, s4  }
0x532: {  	s12 =	smov.u32 @p1 s2;
	s2 =	rddreg [dreg:$0x6];
	s3 =	sadd.s32 @!p0 s6, s3  }
0x533: {  	s13 =	smov.u32 @p2 s14;
	s0 =	sadd.f32 s31, s0;
	s2 =	ssub.s32 @!p0 s2, s3;
	v0 =	vmov @!p0 s1  }
0x534: {  	s1 =	scvt.s32.f32 @!p0 s2;
	s2 =	sor.u32 @!p0 s11, s12;
	(erf) = vrcp.f32 @!p0 v0;
	s3 =	spop @!p0 (v2sf)  }
0x535: {  	s13 =	smov.u32 @p1 s0;
	v0 =	vmov @!p0 s2;
	s0 =	spop @!p0 (v2sf)  }
0x536: {  	s2 =	sadd.f32 @!p0 s13, s7;
	v0 =	vmul.f32 @!p0 s1, v0;
	s0 =	smul.f32 @!p0 s0, s3  }
0x537: {  	s1 =	spop @!p0 (v2sf)  }
0x538: {  	v0 =	vadd.f32 @!p0 s2, v0;
	s0 =	sadd.f32 @!p0 s0, s1;
	_ =	sdelay $0x1  }
0x539: {  	v0 =	vadd.f32 @!p0 s0, v0;
	_ =	sdelay $0x1  }
0x53a: {  	v0 =	vbroadcast @!p0 v0, $0x0  }
0x53b: {  	v1 =	vpop @!p0 (erf)  }
0x53c: {  	v0 =	vmul.f32 @!p0 v0, v1;
	_ =	sdelay $0x1  }
0x53d: {  	s2 =	rddreg [dreg:$0x1];
	s1 =	simm.s32 @!p0 $0x7120;
	s0 =	simm.s32 @!p0 $0x0;
	[tilespmem:$0x7120] =	vst @!p0 v0  }
0x53e: {  	[hbm4b:s2+s0] =	stream.linear.scatter @!p0 [tilespmem:s1], [sflag:$0x1], $0x10, $0x38;
	[tilespmem:$0x7330] =	vst v63  }
0x53f: {  	s0 =	simm.s32 @!p0 $0x1  }
0x540: {  	_ =	swait.ge @!p0 [sflag:s0], $0x10  }
0x541: {  	[sflag:s0] =	ssyncset.done @!p0 $0x0  }
0x542: {  	[sflag:s0] =	ssyncadd.s32 @!p0 $0xFFFFFFF0  }
0x543: {  	_ =	sfence.sel @!p0 $0x180000  }
0x544: {  	[bflag:$0x0] =	sbarrier.arrive @!p0 $0xFFFF  }
0x545: {  	_ =	strace @!p0 $0x90000047  }
0x546: {  	[bflag:$0x2] =	sbarrier.arrive @!p0 $0xFFFF  }
0x547: {  	s0 =	rddreg [dreg:$0x4]  }
0x548: {  	s0 =	sadd.s32 @!p0 $0x100000, s0  }
0x549: {  	[sflag:s0] =	ssyncadd.tile.s32 @!p0 $0x1;
	_ =	shalt  }
.LBB2_18:
.Ltmp22:
0x54a: {  	(pc) =	sbr.rel .LBB2_22-.Ltmp22, $2  }
0x54b: {  	_ =	sdelay $0x2  }
0x54c: {  	s19 =	simm.s32 $0x0  }
.LBB2_30:
.Ltmp23:
0x54d: {  	(pc) =	sbr.rel .LBB2_34-.Ltmp23, $2  }
0x54e: {  	_ =	sdelay $0x2  }
0x54f: {  	s9 =	simm.s32 $0x0  }
.LBB2_20:
.Ltmp24:
0x550: {  	(pc) =	sbr.rel .LBB2_22-.Ltmp24, $2  }
0x551: {  	_ =	sdelay $0x2  }
0x552: {  	s19 =	simm.s32 $0x0  }
.LBB2_32:
.Ltmp25:
0x553: {  	(pc) =	sbr.rel .LBB2_34-.Ltmp25, $2  }
0x554: {  	_ =	sdelay $0x2  }
0x555: {  	s9 =	simm.s32 $0x0  }
.Lfunc_end2:
_tile_overlayer_lowered:
.L_overlay_start_2:
0x556: {  	(tag) =	ssettag $0x2  }
0x557: {  	s0 =	rddreg [dreg:$0x0];
	s2 =	stileid.u32  }
0x558: {  	s1 =	rddreg [dreg:$0x1];
	p0 =	sne.s32 s2, $0x0  }
0x559: {  	s3 =	rddreg [dreg:$0x2];
	[bflag:$0x3] =	sbarrier.arrive $0xFFFF;
	s2 =	simm.s32 @!p0 $0x1C01  }
0x55a: {  	[timem:s3], [sflag:s2] =	dma.local @!p0 [hbm:s0], s1  }
0x55b: {  	s0 =	simm.s32 @!p0 $0x1  }
0x55c: {  	_ =	swait.ge @!p0 [sflag:s0], s1  }
0x55d: {  	s1 =	ssub.s32 @!p0 $0x0, s1;
	[sflag:s0] =	ssyncset.done @!p0 $0x0  }
0x55e: {  	[sflag:s0] =	ssyncadd.s32 @!p0 s1  }
0x55f: {  	[bflag:$0x3] =	sbarrier.arrive $0xFFFF  }
0x560: {  	_ =	shalt  }

</sc_bundles>
